<compile_context>
chip_gen: v7x
topology: tpu7x:2x2x1
jax: 0.10.2.dev20260603
libtpu: 0.0.44.dev20260713+nightly
codegen_flags: <defaults>
</compile_context>

<pallas_src>
import functools

import jax
import jax.numpy as jnp
from jax import lax
from jax.experimental import pallas as pl
from jax.experimental.pallas import tpu as pltpu
from jax.experimental.pallas import tpu_sc as plsc

DIM = 16
BATCH = 16384
PACK = 8
LINE = PACK * DIM
NUM_CORES = 2
NUM_SUBCORES = 16
NW = NUM_CORES * NUM_SUBCORES
CHUNK = 128
ROWS_PER_W = BATCH // (NW * CHUNK)
IDX_ROWS = BATCH // CHUNK
NJOBS = 2 * ROWS_PER_W
NGRP = CHUNK // 16


def _sc_gather_body(ubase_hbm, ibase_hbm, uoff_hbm, ioff_hbm,
                    uemb_hbm, iemb_hbm, u_out, i_out,
                    uidx_v, iidx_v, uoff_v, ioff_v, buf_v, ustage, istage,
                    sem0, sem1):
    wid = lax.axis_index("s") * NUM_CORES + lax.axis_index("c")
    base = wid * ROWS_PER_W
    pltpu.sync_copy(ubase_hbm.at[pl.ds(base, ROWS_PER_W)], uidx_v)
    pltpu.sync_copy(ibase_hbm.at[pl.ds(base, ROWS_PER_W)], iidx_v)
    pltpu.sync_copy(uoff_hbm.at[pl.ds(base, ROWS_PER_W)], uoff_v)
    pltpu.sync_copy(ioff_hbm.at[pl.ds(base, ROWS_PER_W)], ioff_v)

    jobs = [(uemb_hbm, uidx_v, uoff_v, ustage, j) for j in range(ROWS_PER_W)] \
         + [(iemb_hbm, iidx_v, ioff_v, istage, j) for j in range(ROWS_PER_W)]
    sems = (sem0, sem1)

    def start(k):
        emb, idx, _, _, j = jobs[k]
        return pltpu.async_copy(emb.at[idx.at[j]], buf_v.at[k % 2], sems[k % 2])

    pend = [start(0), start(1)]
    for k in range(NJOBS):
        _, _, off, stage, j = jobs[k]
        pend[k % 2].wait()
        buf2 = buf_v.at[k % 2]
        out2 = stage.at[pl.ds(j * (CHUNK * DIM // 128), CHUNK * DIM // 128)]

        def grp(g, _, off=off, buf2=buf2, out2=out2, j=j):
            s = g * 16 + lax.iota(jnp.int32, 16)
            offv = off[j, pl.ds(g * 16, 16)]
            for c in range(DIM):
                val = plsc.load_gather(buf2, [s, offv + c])
                flat = s * DIM + c
                plsc.store_scatter(out2, [flat >> 7, flat & 127], val)
            return 0

        lax.fori_loop(0, NGRP, grp, 0)
        if k + 2 < NJOBS:
            pend[k % 2] = start(k + 2)

    nlw = ROWS_PER_W * CHUNK * DIM // 128
    pltpu.sync_copy(ustage, u_out.at[pl.ds(wid * nlw, nlw)])
    pltpu.sync_copy(istage, i_out.at[pl.ds(wid * nlw, nlw)])


_sc_gather = functools.partial(
    pl.kernel,
    out_type=(
        jax.ShapeDtypeStruct((BATCH * DIM // 128, 128), jnp.float32),
        jax.ShapeDtypeStruct((BATCH * DIM // 128, 128), jnp.float32),
    ),
    mesh=plsc.VectorSubcoreMesh(core_axis_name="c", subcore_axis_name="s"),
    compiler_params=pltpu.CompilerParams(use_tc_tiling_on_sc=True,
                                         needs_layout_passes=False),
    scratch_types=[
        pltpu.VMEM((ROWS_PER_W, CHUNK), jnp.int32),
        pltpu.VMEM((ROWS_PER_W, CHUNK), jnp.int32),
        pltpu.VMEM((ROWS_PER_W, CHUNK), jnp.int32),
        pltpu.VMEM((ROWS_PER_W, CHUNK), jnp.int32),
        pltpu.VMEM((2, CHUNK, LINE), jnp.float32),
        pltpu.VMEM((ROWS_PER_W * CHUNK * DIM // 128, 128), jnp.float32),
        pltpu.VMEM((ROWS_PER_W * CHUNK * DIM // 128, 128), jnp.float32),
        pltpu.SemaphoreType.DMA,
        pltpu.SemaphoreType.DMA,
    ],
)(_sc_gather_body)


RB = 8192
NLINES = RB // PACK
RGRID = (1000000 + RB - 1) // RB


def _repack_body(ut_ref, it_ref, uo_ref, io_ref):
    for src, dst in ((ut_ref, uo_ref), (it_ref, io_ref)):
        x = src[...]
        xt = x.T
        x3 = xt.reshape(NLINES, PACK, DIM)
        for s in range(PACK):
            dst[:, s * DIM:(s + 1) * DIM] = x3[:, s, :]


def _repack(uembT, iembT):
    return pl.pallas_call(
        _repack_body,
        grid=(RGRID,),
        in_specs=[
            pl.BlockSpec((DIM, RB), lambda n: (0, n)),
            pl.BlockSpec((DIM, RB), lambda n: (0, n)),
        ],
        out_specs=[
            pl.BlockSpec((NLINES, LINE), lambda n: (n, 0)),
            pl.BlockSpec((NLINES, LINE), lambda n: (n, 0)),
        ],
        out_shape=[
            jax.ShapeDtypeStruct((1000000 // PACK, LINE), jnp.float32),
            jax.ShapeDtypeStruct((1000000 // PACK, LINE), jnp.float32),
        ],
    )(uembT, iembT)


def _mlp_body(u_ref, i_ref, wu_ref, wi_ref, b1_ref, w2_ref, b2_ref, out_ref):
    h = jnp.dot(u_ref[...], wu_ref[...], preferred_element_type=jnp.float32)
    h = h + jnp.dot(i_ref[...], wi_ref[...], preferred_element_type=jnp.float32)
    h = jnp.maximum(h + b1_ref[...], 0.0)
    out_ref[...] = jnp.dot(h, w2_ref[...], preferred_element_type=jnp.float32) + b2_ref[0, 0]


def _mlp(u, i, wu, wi, b1big, w2big, b2):
    return pl.pallas_call(
        _mlp_body,
        out_shape=jax.ShapeDtypeStruct((BATCH * DIM // 128, PACK), jnp.float32),
    )(u, i, wu, wi, b1big, w2big, b2)


def kernel(user, item, user_emb, item_emb, W1, b1, W2, b2):
    user = user.astype(jnp.int32)
    item = item.astype(jnp.int32)
    ubase = (user >> 3).reshape(IDX_ROWS, CHUNK)
    ibase = (item >> 3).reshape(IDX_ROWS, CHUNK)
    uoff = ((user & 7) * DIM).reshape(IDX_ROWS, CHUNK)
    ioff = ((item & 7) * DIM).reshape(IDX_ROWS, CHUNK)
    uemb, iemb = _repack(user_emb.T, item_emb.T)
    u, i = _sc_gather(ubase, ibase, uoff, ioff, uemb, iemb)
    eye8 = jnp.eye(PACK, dtype=jnp.float32)
    wu = jnp.kron(eye8, W1[:, :DIM].T)
    wi = jnp.kron(eye8, W1[:, DIM:].T)
    w2big = jnp.kron(eye8, W2.T)
    b1big = jnp.tile(b1, PACK).reshape(1, PACK * 32)
    out = _mlp(u, i, wu, wi, b1big, w2big, b2.reshape(1, 1))
    return out.reshape(BATCH)

# --- scband reference (transcript-rebuilt; emitter-appended) ---
"""Pipeline reference for scband-ncf-65309272703358 (READ-ONLY COPY).

The authoritative reference and input builder live on the scoring server;
editing this copy changes nothing except your own understanding.
"""

import jax, jax.numpy as jnp
import numpy as np

NUM_USERS = 1000000
NUM_ITEMS = 1000000
DIM = 16
BATCH = 16384

def setup_inputs(seed: int = 0) -> dict:
    key = jax.random.key(seed)
    ks = jax.random.split(key, 8)
    user = jax.random.randint(ks[0], (BATCH,), 0, NUM_USERS, dtype=jnp.int64 if jax.config.jax_enable_x64 else jnp.int32)
    item = jax.random.randint(ks[1], (BATCH,), 0, NUM_ITEMS, dtype=jnp.int64 if jax.config.jax_enable_x64 else jnp.int32)
    user_emb = jax.random.normal(ks[2], (NUM_USERS, DIM), dtype=jnp.float32) * 0.01
    item_emb = jax.random.normal(ks[3], (NUM_ITEMS, DIM), dtype=jnp.float32) * 0.01
    # fc: Linear(dim*2, 32) -> ReLU -> Linear(32, 1); torch Linear init: U(-1/sqrt(fan_in), 1/sqrt(fan_in))
    b1_bound = 1.0 / np.sqrt(DIM * 2)
    W1 = jax.random.uniform(ks[4], (32, DIM * 2), dtype=jnp.float32, minval=-b1_bound, maxval=b1_bound)
    b1 = jax.random.uniform(ks[5], (32,), dtype=jnp.float32, minval=-b1_bound, maxval=b1_bound)
    b2_bound = 1.0 / np.sqrt(32)
    W2 = jax.random.uniform(ks[6], (1, 32), dtype=jnp.float32, minval=-b2_bound, maxval=b2_bound)
    b2 = jax.random.uniform(ks[7], (1,), dtype=jnp.float32, minval=-b2_bound, maxval=b2_bound)
    return {"user": user, "item": item, "user_emb": user_emb, "item_emb": item_emb, "W1": W1, "b1": b1, "W2": W2, "b2": b2}

def reference(user, item, user_emb, item_emb, W1, b1, W2, b2):
    u = jnp.take(user_emb, user, axis=0)          # [B, DIM] embedding gather
    i = jnp.take(item_emb, item, axis=0)          # [B, DIM] embedding gather
    h = jnp.concatenate([u, i], axis=-1)          # [B, 2*DIM]
    h = h @ W1.T + b1                             # Linear(2*DIM, 32)
    h = jax.nn.relu(h)
    out = h @ W2.T + b2                           # Linear(32, 1)
    return jnp.squeeze(out)                       # [B]

if __name__ == "__main__":
    import jax
    _d = setup_inputs()
    print(jax.jit(kernel)(*tuple(_d.values())))

</pallas_src>

<mosaic_0001>
#map = affine_map<(d0, d1) -> (0, 0)>
module attributes {stable_mosaic.version = 14 : i64} {
  func.func @_sc_gather_body(%arg0: i32, %arg1: i32, %arg2: memref<128x128xi32, #tpu.memory_space<hbm>>, %arg3: memref<128x128xi32, #tpu.memory_space<hbm>>, %arg4: memref<128x128xi32, #tpu.memory_space<hbm>>, %arg5: memref<128x128xi32, #tpu.memory_space<hbm>>, %arg6: memref<125000x128xf32, #tpu.memory_space<hbm>>, %arg7: memref<125000x128xf32, #tpu.memory_space<hbm>>, %arg8: memref<2048x128xf32, #tpu.memory_space<hbm>>, %arg9: memref<2048x128xf32, #tpu.memory_space<hbm>>, %arg10: memref<4x128xi32, #tpu.memory_space<vmem>>, %arg11: memref<4x128xi32, #tpu.memory_space<vmem>>, %arg12: memref<4x128xi32, #tpu.memory_space<vmem>>, %arg13: memref<4x128xi32, #tpu.memory_space<vmem>>, %arg14: memref<2x128x128xf32, #tpu.memory_space<vmem>>, %arg15: memref<64x128xf32, #tpu.memory_space<vmem>>, %arg16: memref<64x128xf32, #tpu.memory_space<vmem>>, %arg17: memref<!tpu.dma_semaphore, #tpu.memory_space<semaphore_mem>>, %arg18: memref<!tpu.dma_semaphore, #tpu.memory_space<semaphore_mem>>) attributes {dimension_semantics = [#tpu.dimension_semantics<core_parallel>, #tpu.dimension_semantics<subcore_parallel>], iteration_bounds = array<i64: 2, 16>, scalar_prefetch = 0 : i64, scratch_operands = 9 : i64, tpu.core_type = #tpu.core_type<sc_vector_subcore>, window_params = [{transform_indices = #map}, {transform_indices = #map}, {transform_indices = #map}, {transform_indices = #map}, {transform_indices = #map}, {transform_indices = #map}, {transform_indices = #map}, {transform_indices = #map}]} {
    %mul3A = arith.constant 2 : i32
    %mul3A_0 = arith.muli %arg1, %mul3A : i32
    %add3A = arith.addi %mul3A_0, %arg0 : i32
    %mul3A_1 = arith.constant 4 : i32
    %mul3A_2 = arith.muli %add3A, %mul3A_1 : i32
    "tpu.region"() ({
      %run_scoped3A = tpu.sem_alloc : memref<!tpu.dma_semaphore, #tpu.memory_space<semaphore_mem>>
      %dma_start3A_260 = arith.constant 0 : i32
      %dma_start3A_261 = tpu.memref_slice %arg2[%mul3A_2, %dma_start3A_260] : memref<128x128xi32, #tpu.memory_space<hbm>> -> memref<4x128xi32, #tpu.memory_space<hbm>>
      %dma_start3A_262 = arith.constant 0 : i32
      %dma_start3A_263 = tpu.memref_slice %arg2[%mul3A_2, %dma_start3A_262] : memref<128x128xi32, #tpu.memory_space<hbm>> -> memref<4x128xi32, #tpu.memory_space<hbm>>
      tpu.enqueue_dma source(%dma_start3A_263 : memref<4x128xi32, #tpu.memory_space<hbm>>) target(%arg10 : memref<4x128xi32, #tpu.memory_space<vmem>>) target_semaphore(%run_scoped3A : memref<!tpu.dma_semaphore, #tpu.memory_space<semaphore_mem>>)
      %dma_wait3A_264 = arith.constant 0 : i32
      %dma_wait3A_265 = tpu.memref_slice %arg2[%mul3A_2, %dma_wait3A_264] : memref<128x128xi32, #tpu.memory_space<hbm>> -> memref<4x128xi32, #tpu.memory_space<hbm>>
      %dma_wait3A_266 = arith.constant 0 : i32
      %dma_wait3A_267 = tpu.memref_slice %arg2[%mul3A_2, %dma_wait3A_266] : memref<128x128xi32, #tpu.memory_space<hbm>> -> memref<4x128xi32, #tpu.memory_space<hbm>>
      tpu.wait_dma2 semaphore(%run_scoped3A : memref<!tpu.dma_semaphore, #tpu.memory_space<semaphore_mem>>) src(%dma_wait3A_267 : memref<4x128xi32, #tpu.memory_space<hbm>>) dst(%arg10 : memref<4x128xi32, #tpu.memory_space<vmem>>)
      tpu.yield
    }) : () -> ()
    "tpu.region"() ({
      %run_scoped3A = tpu.sem_alloc : memref<!tpu.dma_semaphore, #tpu.memory_space<semaphore_mem>>
      %dma_start3A_260 = arith.constant 0 : i32
      %dma_start3A_261 = tpu.memref_slice %arg3[%mul3A_2, %dma_start3A_260] : memref<128x128xi32, #tpu.memory_space<hbm>> -> memref<4x128xi32, #tpu.memory_space<hbm>>
      %dma_start3A_262 = arith.constant 0 : i32
      %dma_start3A_263 = tpu.memref_slice %arg3[%mul3A_2, %dma_start3A_262] : memref<128x128xi32, #tpu.memory_space<hbm>> -> memref<4x128xi32, #tpu.memory_space<hbm>>
      tpu.enqueue_dma source(%dma_start3A_263 : memref<4x128xi32, #tpu.memory_space<hbm>>) target(%arg11 : memref<4x128xi32, #tpu.memory_space<vmem>>) target_semaphore(%run_scoped3A : memref<!tpu.dma_semaphore, #tpu.memory_space<semaphore_mem>>)
      %dma_wait3A_264 = arith.constant 0 : i32
      %dma_wait3A_265 = tpu.memref_slice %arg3[%mul3A_2, %dma_wait3A_264] : memref<128x128xi32, #tpu.memory_space<hbm>> -> memref<4x128xi32, #tpu.memory_space<hbm>>
      %dma_wait3A_266 = arith.constant 0 : i32
      %dma_wait3A_267 = tpu.memref_slice %arg3[%mul3A_2, %dma_wait3A_266] : memref<128x128xi32, #tpu.memory_space<hbm>> -> memref<4x128xi32, #tpu.memory_space<hbm>>
      tpu.wait_dma2 semaphore(%run_scoped3A : memref<!tpu.dma_semaphore, #tpu.memory_space<semaphore_mem>>) src(%dma_wait3A_267 : memref<4x128xi32, #tpu.memory_space<hbm>>) dst(%arg11 : memref<4x128xi32, #tpu.memory_space<vmem>>)
      tpu.yield
    }) : () -> ()
    "tpu.region"() ({
      %run_scoped3A = tpu.sem_alloc : memref<!tpu.dma_semaphore, #tpu.memory_space<semaphore_mem>>
      %dma_start3A_260 = arith.constant 0 : i32
      %dma_start3A_261 = tpu.memref_slice %arg4[%mul3A_2, %dma_start3A_260] : memref<128x128xi32, #tpu.memory_space<hbm>> -> memref<4x128xi32, #tpu.memory_space<hbm>>
      %dma_start3A_262 = arith.constant 0 : i32
      %dma_start3A_263 = tpu.memref_slice %arg4[%mul3A_2, %dma_start3A_262] : memref<128x128xi32, #tpu.memory_space<hbm>> -> memref<4x128xi32, #tpu.memory_space<hbm>>
      tpu.enqueue_dma source(%dma_start3A_263 : memref<4x128xi32, #tpu.memory_space<hbm>>) target(%arg12 : memref<4x128xi32, #tpu.memory_space<vmem>>) target_semaphore(%run_scoped3A : memref<!tpu.dma_semaphore, #tpu.memory_space<semaphore_mem>>)
      %dma_wait3A_264 = arith.constant 0 : i32
      %dma_wait3A_265 = tpu.memref_slice %arg4[%mul3A_2, %dma_wait3A_264] : memref<128x128xi32, #tpu.memory_space<hbm>> -> memref<4x128xi32, #tpu.memory_space<hbm>>
      %dma_wait3A_266 = arith.constant 0 : i32
      %dma_wait3A_267 = tpu.memref_slice %arg4[%mul3A_2, %dma_wait3A_266] : memref<128x128xi32, #tpu.memory_space<hbm>> -> memref<4x128xi32, #tpu.memory_space<hbm>>
      tpu.wait_dma2 semaphore(%run_scoped3A : memref<!tpu.dma_semaphore, #tpu.memory_space<semaphore_mem>>) src(%dma_wait3A_267 : memref<4x128xi32, #tpu.memory_space<hbm>>) dst(%arg12 : memref<4x128xi32, #tpu.memory_space<vmem>>)
      tpu.yield
    }) : () -> ()
    "tpu.region"() ({
      %run_scoped3A = tpu.sem_alloc : memref<!tpu.dma_semaphore, #tpu.memory_space<semaphore_mem>>
      %dma_start3A_260 = arith.constant 0 : i32
      %dma_start3A_261 = tpu.memref_slice %arg5[%mul3A_2, %dma_start3A_260] : memref<128x128xi32, #tpu.memory_space<hbm>> -> memref<4x128xi32, #tpu.memory_space<hbm>>
      %dma_start3A_262 = arith.constant 0 : i32
      %dma_start3A_263 = tpu.memref_slice %arg5[%mul3A_2, %dma_start3A_262] : memref<128x128xi32, #tpu.memory_space<hbm>> -> memref<4x128xi32, #tpu.memory_space<hbm>>
      tpu.enqueue_dma source(%dma_start3A_263 : memref<4x128xi32, #tpu.memory_space<hbm>>) target(%arg13 : memref<4x128xi32, #tpu.memory_space<vmem>>) target_semaphore(%run_scoped3A : memref<!tpu.dma_semaphore, #tpu.memory_space<semaphore_mem>>)
      %dma_wait3A_264 = arith.constant 0 : i32
      %dma_wait3A_265 = tpu.memref_slice %arg5[%mul3A_2, %dma_wait3A_264] : memref<128x128xi32, #tpu.memory_space<hbm>> -> memref<4x128xi32, #tpu.memory_space<hbm>>
      %dma_wait3A_266 = arith.constant 0 : i32
      %dma_wait3A_267 = tpu.memref_slice %arg5[%mul3A_2, %dma_wait3A_266] : memref<128x128xi32, #tpu.memory_space<hbm>> -> memref<4x128xi32, #tpu.memory_space<hbm>>
      tpu.wait_dma2 semaphore(%run_scoped3A : memref<!tpu.dma_semaphore, #tpu.memory_space<semaphore_mem>>) src(%dma_wait3A_267 : memref<4x128xi32, #tpu.memory_space<hbm>>) dst(%arg13 : memref<4x128xi32, #tpu.memory_space<vmem>>)
      tpu.yield
    }) : () -> ()
    %dma_start3A = arith.constant 0 : i32
    %dma_start3A_3 = arith.constant 0 : i32
    %dma_start3A_4 = arith.constant 0 : i32
    %dma_start3A_5 = arith.constant 0 : i32
    %dma_start3A_6 = tpu.memref_slice %arg14[%dma_start3A_3, %dma_start3A_4, %dma_start3A_5] : memref<2x128x128xf32, #tpu.memory_space<vmem>> -> memref<1x128x128xf32, #tpu.memory_space<vmem>>
    %dma_start3A_7 = tpu.memref_squeeze %dma_start3A_6 : memref<1x128x128xf32, #tpu.memory_space<vmem>> -> memref<128x128xf32, #tpu.memory_space<vmem>>
    %dma_start3A_8 = arith.constant 0 : i32
    %dma_start3A_9 = tpu.memref_slice %arg10[%dma_start3A, %dma_start3A_8] : memref<4x128xi32, #tpu.memory_space<vmem>> -> memref<1x128xi32, #tpu.memory_space<vmem>>
    %dma_start3A_10 = tpu.memref_squeeze %dma_start3A_9 : memref<1x128xi32, #tpu.memory_space<vmem>> -> memref<128xi32, #tpu.memory_space<vmem>>
    %dma_start3A_11 = arith.constant 0 : i32
    %dma_start3A_12 = arith.constant 0 : i32
    %dma_start3A_13 = tpu.memref_slice %arg6[%dma_start3A_11, %dma_start3A_12] : memref<125000x128xf32, #tpu.memory_space<hbm>> -> memref<125000x128xf32, #tpu.memory_space<hbm>>
    tpu.enqueue_indirect_dma source(%dma_start3A_13 : memref<125000x128xf32, #tpu.memory_space<hbm>>) target(%dma_start3A_7 : memref<128x128xf32, #tpu.memory_space<vmem>>) offsets(%dma_start3A_10 : memref<128xi32, #tpu.memory_space<vmem>>) semaphore(%arg17 : memref<!tpu.dma_semaphore, #tpu.memory_space<semaphore_mem>>)
    %dma_start3A_14 = arith.constant 1 : i32
    %dma_start3A_15 = arith.constant 1 : i32
    %dma_start3A_16 = arith.constant 0 : i32
    %dma_start3A_17 = arith.constant 0 : i32
    %dma_start3A_18 = tpu.memref_slice %arg14[%dma_start3A_15, %dma_start3A_16, %dma_start3A_17] : memref<2x128x128xf32, #tpu.memory_space<vmem>> -> memref<1x128x128xf32, #tpu.memory_space<vmem>>
    %dma_start3A_19 = tpu.memref_squeeze %dma_start3A_18 : memref<1x128x128xf32, #tpu.memory_space<vmem>> -> memref<128x128xf32, #tpu.memory_space<vmem>>
    %dma_start3A_20 = arith.constant 0 : i32
    %dma_start3A_21 = tpu.memref_slice %arg10[%dma_start3A_14, %dma_start3A_20] : memref<4x128xi32, #tpu.memory_space<vmem>> -> memref<1x128xi32, #tpu.memory_space<vmem>>
    %dma_start3A_22 = tpu.memref_squeeze %dma_start3A_21 : memref<1x128xi32, #tpu.memory_space<vmem>> -> memref<128xi32, #tpu.memory_space<vmem>>
    %dma_start3A_23 = arith.constant 0 : i32
    %dma_start3A_24 = arith.constant 0 : i32
    %dma_start3A_25 = tpu.memref_slice %arg6[%dma_start3A_23, %dma_start3A_24] : memref<125000x128xf32, #tpu.memory_space<hbm>> -> memref<125000x128xf32, #tpu.memory_space<hbm>>
    tpu.enqueue_indirect_dma source(%dma_start3A_25 : memref<125000x128xf32, #tpu.memory_space<hbm>>) target(%dma_start3A_19 : memref<128x128xf32, #tpu.memory_space<vmem>>) offsets(%dma_start3A_22 : memref<128xi32, #tpu.memory_space<vmem>>) semaphore(%arg18 : memref<!tpu.dma_semaphore, #tpu.memory_space<semaphore_mem>>)
    %dma_wait3A = arith.constant 0 : i32
    %dma_wait3A_26 = arith.constant 0 : i32
    %dma_wait3A_27 = arith.constant 0 : i32
    %dma_wait3A_28 = arith.constant 0 : i32
    %dma_wait3A_29 = tpu.memref_slice %arg14[%dma_wait3A_26, %dma_wait3A_27, %dma_wait3A_28] : memref<2x128x128xf32, #tpu.memory_space<vmem>> -> memref<1x128x128xf32, #tpu.memory_space<vmem>>
    %dma_wait3A_30 = tpu.memref_squeeze %dma_wait3A_29 : memref<1x128x128xf32, #tpu.memory_space<vmem>> -> memref<128x128xf32, #tpu.memory_space<vmem>>
    %dma_wait3A_31 = arith.constant 0 : i32
    %dma_wait3A_32 = tpu.memref_slice %arg10[%dma_wait3A, %dma_wait3A_31] : memref<4x128xi32, #tpu.memory_space<vmem>> -> memref<1x128xi32, #tpu.memory_space<vmem>>
    %dma_wait3A_33 = tpu.memref_squeeze %dma_wait3A_32 : memref<1x128xi32, #tpu.memory_space<vmem>> -> memref<128xi32, #tpu.memory_space<vmem>>
    %dma_wait3A_34 = arith.constant 0 : i32
    %dma_wait3A_35 = arith.constant 0 : i32
    %dma_wait3A_36 = tpu.memref_slice %arg6[%dma_wait3A_34, %dma_wait3A_35] : memref<125000x128xf32, #tpu.memory_space<hbm>> -> memref<125000x128xf32, #tpu.memory_space<hbm>>
    tpu.wait_indirect_dma semaphore(%arg17 : memref<!tpu.dma_semaphore, #tpu.memory_space<semaphore_mem>>) src(%dma_wait3A_36 : memref<125000x128xf32, #tpu.memory_space<hbm>>) dst(%dma_wait3A_30 : memref<128x128xf32, #tpu.memory_space<vmem>>)
    %scan3A = arith.constant 0 : i32
    %scan3A_37 = arith.constant 0 : i32
    %scan3A_38 = arith.constant 0 : i32
    %scan3A_39 = arith.constant 8 : i32
    %scan3A_40 = arith.addi %scan3A_38, %scan3A_39 : i32
    %scan3A_41 = arith.constant 1 : i32
    %scan3A_42 = scf.for %scan3A_260 = %scan3A_38 to %scan3A_40 step %scan3A_41 iter_args(%scan3A_261 = %scan3A_37) -> (i32)  : i32 {
      %mul3A_262 = arith.constant 16 : i32
      %mul3A_263 = arith.muli %scan3A_260, %mul3A_262 : i32
      %iota3A = tpu.iota {dimensions = array<i32: 0>} : vector<16xi32>
      %add3A_264 = vector.broadcast %mul3A_263 : i32 to vector<16xi32>
      %add3A_265 = arith.addi %add3A_264, %iota3A : vector<16xi32>
      %mul3A_266 = arith.constant 16 : i32
      %mul3A_267 = arith.muli %scan3A_260, %mul3A_266 : i32
      %get3A = arith.constant 0 : i32
      %get3A_268 = arith.index_cast %get3A : i32 to index
      %get3A_269 = arith.index_cast %mul3A_267 : i32 to index
      %get3A_270 = tpu.vector_load %arg12[%get3A_268, %get3A_269] {strides = array<i32>} : memref<4x128xi32, #tpu.memory_space<vmem>>, vector<16xi32>,
      %add3A_271 = arith.constant 0 : i32
      %add3A_272 = vector.broadcast %add3A_271 : i32 to vector<16xi32>
      %add3A_273 = arith.addi %get3A_270, %add3A_272 : vector<16xi32>
      %gather3A = arith.constant 0 : i32
      %gather3A_274 = arith.constant 0 : i32
      %gather3A_275 = tpu.memref_slice %arg14[%scan3A, %gather3A, %gather3A_274] : memref<2x128x128xf32, #tpu.memory_space<vmem>> -> memref<1x128x128xf32, #tpu.memory_space<vmem>>
      %gather3A_276 = tpu.memref_squeeze %gather3A_275 : memref<1x128x128xf32, #tpu.memory_space<vmem>> -> memref<128x128xf32, #tpu.memory_space<vmem>>
      %gather3A_277 = tpu.vector_load_idx %gather3A_276[%add3A_265, %add3A_273] : memref<128x128xf32, #tpu.memory_space<vmem>>[vector<16xi32>, vector<16xi32>], vector<16xf32>,
      %mul3A_278 = arith.constant 16 : i32
      %mul3A_279 = vector.broadcast %mul3A_278 : i32 to vector<16xi32>
      %mul3A_280 = arith.muli %add3A_265, %mul3A_279 : vector<16xi32>
      %add3A_281 = arith.constant 0 : i32
      %add3A_282 = vector.broadcast %add3A_281 : i32 to vector<16xi32>
      %add3A_283 = arith.addi %mul3A_280, %add3A_282 : vector<16xi32>
      %shift_right_arithmetic3A = arith.constant 7 : i32
      %shift_right_arithmetic3A_284 = vector.broadcast %shift_right_arithmetic3A : i32 to vector<16xi32>
      %shift_right_arithmetic3A_285 = arith.shrsi %add3A_283, %shift_right_arithmetic3A_284 : vector<16xi32>
      %and3A = arith.constant 127 : i32
      %and3A_286 = vector.broadcast %and3A : i32 to vector<16xi32>
      %and3A_287 = arith.andi %add3A_283, %and3A_286 : vector<16xi32>
      %scatter3A = arith.constant 0 : i32
      %scatter3A_288 = arith.constant 0 : i32
      %scatter3A_289 = tpu.memref_slice %arg15[%scatter3A, %scatter3A_288] : memref<64x128xf32, #tpu.memory_space<vmem>> -> memref<16x128xf32, #tpu.memory_space<vmem>>
      tpu.vector_store_idx %scatter3A_289[%shift_right_arithmetic3A_285, %and3A_287], %gather3A_277 : memref<16x128xf32, #tpu.memory_space<vmem>>[vector<16xi32>, vector<16xi32>], vector<16xf32>,
      %add3A_290 = arith.constant 1 : i32
      %add3A_291 = vector.broadcast %add3A_290 : i32 to vector<16xi32>
      %add3A_292 = arith.addi %get3A_270, %add3A_291 : vector<16xi32>
      %gather3A_293 = arith.constant 0 : i32
      %gather3A_294 = arith.constant 0 : i32
      %gather3A_295 = tpu.memref_slice %arg14[%scan3A, %gather3A_293, %gather3A_294] : memref<2x128x128xf32, #tpu.memory_space<vmem>> -> memref<1x128x128xf32, #tpu.memory_space<vmem>>
      %gather3A_296 = tpu.memref_squeeze %gather3A_295 : memref<1x128x128xf32, #tpu.memory_space<vmem>> -> memref<128x128xf32, #tpu.memory_space<vmem>>
      %gather3A_297 = tpu.vector_load_idx %gather3A_296[%add3A_265, %add3A_292] : memref<128x128xf32, #tpu.memory_space<vmem>>[vector<16xi32>, vector<16xi32>], vector<16xf32>,
      %mul3A_298 = arith.constant 16 : i32
      %mul3A_299 = vector.broadcast %mul3A_298 : i32 to vector<16xi32>
      %mul3A_300 = arith.muli %add3A_265, %mul3A_299 : vector<16xi32>
      %add3A_301 = arith.constant 1 : i32
      %add3A_302 = vector.broadcast %add3A_301 : i32 to vector<16xi32>
      %add3A_303 = arith.addi %mul3A_300, %add3A_302 : vector<16xi32>
      %shift_right_arithmetic3A_304 = arith.constant 7 : i32
      %shift_right_arithmetic3A_305 = vector.broadcast %shift_right_arithmetic3A_304 : i32 to vector<16xi32>
      %shift_right_arithmetic3A_306 = arith.shrsi %add3A_303, %shift_right_arithmetic3A_305 : vector<16xi32>
      %and3A_307 = arith.constant 127 : i32
      %and3A_308 = vector.broadcast %and3A_307 : i32 to vector<16xi32>
      %and3A_309 = arith.andi %add3A_303, %and3A_308 : vector<16xi32>
      %scatter3A_310 = arith.constant 0 : i32
      %scatter3A_311 = arith.constant 0 : i32
      %scatter3A_312 = tpu.memref_slice %arg15[%scatter3A_310, %scatter3A_311] : memref<64x128xf32, #tpu.memory_space<vmem>> -> memref<16x128xf32, #tpu.memory_space<vmem>>
      tpu.vector_store_idx %scatter3A_312[%shift_right_arithmetic3A_306, %and3A_309], %gather3A_297 : memref<16x128xf32, #tpu.memory_space<vmem>>[vector<16xi32>, vector<16xi32>], vector<16xf32>,
      %add3A_313 = arith.constant 2 : i32
      %add3A_314 = vector.broadcast %add3A_313 : i32 to vector<16xi32>
      %add3A_315 = arith.addi %get3A_270, %add3A_314 : vector<16xi32>
      %gather3A_316 = arith.constant 0 : i32
      %gather3A_317 = arith.constant 0 : i32
      %gather3A_318 = tpu.memref_slice %arg14[%scan3A, %gather3A_316, %gather3A_317] : memref<2x128x128xf32, #tpu.memory_space<vmem>> -> memref<1x128x128xf32, #tpu.memory_space<vmem>>
      %gather3A_319 = tpu.memref_squeeze %gather3A_318 : memref<1x128x128xf32, #tpu.memory_space<vmem>> -> memref<128x128xf32, #tpu.memory_space<vmem>>
      %gather3A_320 = tpu.vector_load_idx %gather3A_319[%add3A_265, %add3A_315] : memref<128x128xf32, #tpu.memory_space<vmem>>[vector<16xi32>, vector<16xi32>], vector<16xf32>,
      %mul3A_321 = arith.constant 16 : i32
      %mul3A_322 = vector.broadcast %mul3A_321 : i32 to vector<16xi32>
      %mul3A_323 = arith.muli %add3A_265, %mul3A_322 : vector<16xi32>
      %add3A_324 = arith.constant 2 : i32
      %add3A_325 = vector.broadcast %add3A_324 : i32 to vector<16xi32>
      %add3A_326 = arith.addi %mul3A_323, %add3A_325 : vector<16xi32>
      %shift_right_arithmetic3A_327 = arith.constant 7 : i32
      %shift_right_arithmetic3A_328 = vector.broadcast %shift_right_arithmetic3A_327 : i32 to vector<16xi32>
      %shift_right_arithmetic3A_329 = arith.shrsi %add3A_326, %shift_right_arithmetic3A_328 : vector<16xi32>
      %and3A_330 = arith.constant 127 : i32
      %and3A_331 = vector.broadcast %and3A_330 : i32 to vector<16xi32>
      %and3A_332 = arith.andi %add3A_326, %and3A_331 : vector<16xi32>
      %scatter3A_333 = arith.constant 0 : i32
      %scatter3A_334 = arith.constant 0 : i32
      %scatter3A_335 = tpu.memref_slice %arg15[%scatter3A_333, %scatter3A_334] : memref<64x128xf32, #tpu.memory_space<vmem>> -> memref<16x128xf32, #tpu.memory_space<vmem>>
      tpu.vector_store_idx %scatter3A_335[%shift_right_arithmetic3A_329, %and3A_332], %gather3A_320 : memref<16x128xf32, #tpu.memory_space<vmem>>[vector<16xi32>, vector<16xi32>], vector<16xf32>,
      %add3A_336 = arith.constant 3 : i32
      %add3A_337 = vector.broadcast %add3A_336 : i32 to vector<16xi32>
      %add3A_338 = arith.addi %get3A_270, %add3A_337 : vector<16xi32>
      %gather3A_339 = arith.constant 0 : i32
      %gather3A_340 = arith.constant 0 : i32
      %gather3A_341 = tpu.memref_slice %arg14[%scan3A, %gather3A_339, %gather3A_340] : memref<2x128x128xf32, #tpu.memory_space<vmem>> -> memref<1x128x128xf32, #tpu.memory_space<vmem>>
      %gather3A_342 = tpu.memref_squeeze %gather3A_341 : memref<1x128x128xf32, #tpu.memory_space<vmem>> -> memref<128x128xf32, #tpu.memory_space<vmem>>
      %gather3A_343 = tpu.vector_load_idx %gather3A_342[%add3A_265, %add3A_338] : memref<128x128xf32, #tpu.memory_space<vmem>>[vector<16xi32>, vector<16xi32>], vector<16xf32>,
      %mul3A_344 = arith.constant 16 : i32
      %mul3A_345 = vector.broadcast %mul3A_344 : i32 to vector<16xi32>
      %mul3A_346 = arith.muli %add3A_265, %mul3A_345 : vector<16xi32>
      %add3A_347 = arith.constant 3 : i32
      %add3A_348 = vector.broadcast %add3A_347 : i32 to vector<16xi32>
      %add3A_349 = arith.addi %mul3A_346, %add3A_348 : vector<16xi32>
      %shift_right_arithmetic3A_350 = arith.constant 7 : i32
      %shift_right_arithmetic3A_351 = vector.broadcast %shift_right_arithmetic3A_350 : i32 to vector<16xi32>
      %shift_right_arithmetic3A_352 = arith.shrsi %add3A_349, %shift_right_arithmetic3A_351 : vector<16xi32>
      %and3A_353 = arith.constant 127 : i32
      %and3A_354 = vector.broadcast %and3A_353 : i32 to vector<16xi32>
      %and3A_355 = arith.andi %add3A_349, %and3A_354 : vector<16xi32>
      %scatter3A_356 = arith.constant 0 : i32
      %scatter3A_357 = arith.constant 0 : i32
      %scatter3A_358 = tpu.memref_slice %arg15[%scatter3A_356, %scatter3A_357] : memref<64x128xf32, #tpu.memory_space<vmem>> -> memref<16x128xf32, #tpu.memory_space<vmem>>
      tpu.vector_store_idx %scatter3A_358[%shift_right_arithmetic3A_352, %and3A_355], %gather3A_343 : memref<16x128xf32, #tpu.memory_space<vmem>>[vector<16xi32>, vector<16xi32>], vector<16xf32>,
      %add3A_359 = arith.constant 4 : i32
      %add3A_360 = vector.broadcast %add3A_359 : i32 to vector<16xi32>
      %add3A_361 = arith.addi %get3A_270, %add3A_360 : vector<16xi32>
      %gather3A_362 = arith.constant 0 : i32
      %gather3A_363 = arith.constant 0 : i32
      %gather3A_364 = tpu.memref_slice %arg14[%scan3A, %gather3A_362, %gather3A_363] : memref<2x128x128xf32, #tpu.memory_space<vmem>> -> memref<1x128x128xf32, #tpu.memory_space<vmem>>
      %gather3A_365 = tpu.memref_squeeze %gather3A_364 : memref<1x128x128xf32, #tpu.memory_space<vmem>> -> memref<128x128xf32, #tpu.memory_space<vmem>>
      %gather3A_366 = tpu.vector_load_idx %gather3A_365[%add3A_265, %add3A_361] : memref<128x128xf32, #tpu.memory_space<vmem>>[vector<16xi32>, vector<16xi32>], vector<16xf32>,
      %mul3A_367 = arith.constant 16 : i32
      %mul3A_368 = vector.broadcast %mul3A_367 : i32 to vector<16xi32>
      %mul3A_369 = arith.muli %add3A_265, %mul3A_368 : vector<16xi32>
      %add3A_370 = arith.constant 4 : i32
      %add3A_371 = vector.broadcast %add3A_370 : i32 to vector<16xi32>
      %add3A_372 = arith.addi %mul3A_369, %add3A_371 : vector<16xi32>
      %shift_right_arithmetic3A_373 = arith.constant 7 : i32
      %shift_right_arithmetic3A_374 = vector.broadcast %shift_right_arithmetic3A_373 : i32 to vector<16xi32>
      %shift_right_arithmetic3A_375 = arith.shrsi %add3A_372, %shift_right_arithmetic3A_374 : vector<16xi32>
      %and3A_376 = arith.constant 127 : i32
      %and3A_377 = vector.broadcast %and3A_376 : i32 to vector<16xi32>
      %and3A_378 = arith.andi %add3A_372, %and3A_377 : vector<16xi32>
      %scatter3A_379 = arith.constant 0 : i32
      %scatter3A_380 = arith.constant 0 : i32
      %scatter3A_381 = tpu.memref_slice %arg15[%scatter3A_379, %scatter3A_380] : memref<64x128xf32, #tpu.memory_space<vmem>> -> memref<16x128xf32, #tpu.memory_space<vmem>>
      tpu.vector_store_idx %scatter3A_381[%shift_right_arithmetic3A_375, %and3A_378], %gather3A_366 : memref<16x128xf32, #tpu.memory_space<vmem>>[vector<16xi32>, vector<16xi32>], vector<16xf32>,
      %add3A_382 = arith.constant 5 : i32
      %add3A_383 = vector.broadcast %add3A_382 : i32 to vector<16xi32>
      %add3A_384 = arith.addi %get3A_270, %add3A_383 : vector<16xi32>
      %gather3A_385 = arith.constant 0 : i32
      %gather3A_386 = arith.constant 0 : i32
      %gather3A_387 = tpu.memref_slice %arg14[%scan3A, %gather3A_385, %gather3A_386] : memref<2x128x128xf32, #tpu.memory_space<vmem>> -> memref<1x128x128xf32, #tpu.memory_space<vmem>>
      %gather3A_388 = tpu.memref_squeeze %gather3A_387 : memref<1x128x128xf32, #tpu.memory_space<vmem>> -> memref<128x128xf32, #tpu.memory_space<vmem>>
      %gather3A_389 = tpu.vector_load_idx %gather3A_388[%add3A_265, %add3A_384] : memref<128x128xf32, #tpu.memory_space<vmem>>[vector<16xi32>, vector<16xi32>], vector<16xf32>,
      %mul3A_390 = arith.constant 16 : i32
      %mul3A_391 = vector.broadcast %mul3A_390 : i32 to vector<16xi32>
      %mul3A_392 = arith.muli %add3A_265, %mul3A_391 : vector<16xi32>
      %add3A_393 = arith.constant 5 : i32
      %add3A_394 = vector.broadcast %add3A_393 : i32 to vector<16xi32>
      %add3A_395 = arith.addi %mul3A_392, %add3A_394 : vector<16xi32>
      %shift_right_arithmetic3A_396 = arith.constant 7 : i32
      %shift_right_arithmetic3A_397 = vector.broadcast %shift_right_arithmetic3A_396 : i32 to vector<16xi32>
      %shift_right_arithmetic3A_398 = arith.shrsi %add3A_395, %shift_right_arithmetic3A_397 : vector<16xi32>
      %and3A_399 = arith.constant 127 : i32
      %and3A_400 = vector.broadcast %and3A_399 : i32 to vector<16xi32>
      %and3A_401 = arith.andi %add3A_395, %and3A_400 : vector<16xi32>
      %scatter3A_402 = arith.constant 0 : i32
      %scatter3A_403 = arith.constant 0 : i32
      %scatter3A_404 = tpu.memref_slice %arg15[%scatter3A_402, %scatter3A_403] : memref<64x128xf32, #tpu.memory_space<vmem>> -> memref<16x128xf32, #tpu.memory_space<vmem>>
      tpu.vector_store_idx %scatter3A_404[%shift_right_arithmetic3A_398, %and3A_401], %gather3A_389 : memref<16x128xf32, #tpu.memory_space<vmem>>[vector<16xi32>, vector<16xi32>], vector<16xf32>,
      %add3A_405 = arith.constant 6 : i32
      %add3A_406 = vector.broadcast %add3A_405 : i32 to vector<16xi32>
      %add3A_407 = arith.addi %get3A_270, %add3A_406 : vector<16xi32>
      %gather3A_408 = arith.constant 0 : i32
      %gather3A_409 = arith.constant 0 : i32
      %gather3A_410 = tpu.memref_slice %arg14[%scan3A, %gather3A_408, %gather3A_409] : memref<2x128x128xf32, #tpu.memory_space<vmem>> -> memref<1x128x128xf32, #tpu.memory_space<vmem>>
      %gather3A_411 = tpu.memref_squeeze %gather3A_410 : memref<1x128x128xf32, #tpu.memory_space<vmem>> -> memref<128x128xf32, #tpu.memory_space<vmem>>
      %gather3A_412 = tpu.vector_load_idx %gather3A_411[%add3A_265, %add3A_407] : memref<128x128xf32, #tpu.memory_space<vmem>>[vector<16xi32>, vector<16xi32>], vector<16xf32>,
      %mul3A_413 = arith.constant 16 : i32
      %mul3A_414 = vector.broadcast %mul3A_413 : i32 to vector<16xi32>
      %mul3A_415 = arith.muli %add3A_265, %mul3A_414 : vector<16xi32>
      %add3A_416 = arith.constant 6 : i32
      %add3A_417 = vector.broadcast %add3A_416 : i32 to vector<16xi32>
      %add3A_418 = arith.addi %mul3A_415, %add3A_417 : vector<16xi32>
      %shift_right_arithmetic3A_419 = arith.constant 7 : i32
      %shift_right_arithmetic3A_420 = vector.broadcast %shift_right_arithmetic3A_419 : i32 to vector<16xi32>
      %shift_right_arithmetic3A_421 = arith.shrsi %add3A_418, %shift_right_arithmetic3A_420 : vector<16xi32>
      %and3A_422 = arith.constant 127 : i32
      %and3A_423 = vector.broadcast %and3A_422 : i32 to vector<16xi32>
      %and3A_424 = arith.andi %add3A_418, %and3A_423 : vector<16xi32>
      %scatter3A_425 = arith.constant 0 : i32
      %scatter3A_426 = arith.constant 0 : i32
      %scatter3A_427 = tpu.memref_slice %arg15[%scatter3A_425, %scatter3A_426] : memref<64x128xf32, #tpu.memory_space<vmem>> -> memref<16x128xf32, #tpu.memory_space<vmem>>
      tpu.vector_store_idx %scatter3A_427[%shift_right_arithmetic3A_421, %and3A_424], %gather3A_412 : memref<16x128xf32, #tpu.memory_space<vmem>>[vector<16xi32>, vector<16xi32>], vector<16xf32>,
      %add3A_428 = arith.constant 7 : i32
      %add3A_429 = vector.broadcast %add3A_428 : i32 to vector<16xi32>
      %add3A_430 = arith.addi %get3A_270, %add3A_429 : vector<16xi32>
      %gather3A_431 = arith.constant 0 : i32
      %gather3A_432 = arith.constant 0 : i32
      %gather3A_433 = tpu.memref_slice %arg14[%scan3A, %gather3A_431, %gather3A_432] : memref<2x128x128xf32, #tpu.memory_space<vmem>> -> memref<1x128x128xf32, #tpu.memory_space<vmem>>
      %gather3A_434 = tpu.memref_squeeze %gather3A_433 : memref<1x128x128xf32, #tpu.memory_space<vmem>> -> memref<128x128xf32, #tpu.memory_space<vmem>>
      %gather3A_435 = tpu.vector_load_idx %gather3A_434[%add3A_265, %add3A_430] : memref<128x128xf32, #tpu.memory_space<vmem>>[vector<16xi32>, vector<16xi32>], vector<16xf32>,
      %mul3A_436 = arith.constant 16 : i32
      %mul3A_437 = vector.broadcast %mul3A_436 : i32 to vector<16xi32>
      %mul3A_438 = arith.muli %add3A_265, %mul3A_437 : vector<16xi32>
      %add3A_439 = arith.constant 7 : i32
      %add3A_440 = vector.broadcast %add3A_439 : i32 to vector<16xi32>
      %add3A_441 = arith.addi %mul3A_438, %add3A_440 : vector<16xi32>
      %shift_right_arithmetic3A_442 = arith.constant 7 : i32
      %shift_right_arithmetic3A_443 = vector.broadcast %shift_right_arithmetic3A_442 : i32 to vector<16xi32>
      %shift_right_arithmetic3A_444 = arith.shrsi %add3A_441, %shift_right_arithmetic3A_443 : vector<16xi32>
      %and3A_445 = arith.constant 127 : i32
      %and3A_446 = vector.broadcast %and3A_445 : i32 to vector<16xi32>
      %and3A_447 = arith.andi %add3A_441, %and3A_446 : vector<16xi32>
      %scatter3A_448 = arith.constant 0 : i32
      %scatter3A_449 = arith.constant 0 : i32
      %scatter3A_450 = tpu.memref_slice %arg15[%scatter3A_448, %scatter3A_449] : memref<64x128xf32, #tpu.memory_space<vmem>> -> memref<16x128xf32, #tpu.memory_space<vmem>>
      tpu.vector_store_idx %scatter3A_450[%shift_right_arithmetic3A_444, %and3A_447], %gather3A_435 : memref<16x128xf32, #tpu.memory_space<vmem>>[vector<16xi32>, vector<16xi32>], vector<16xf32>,
      %add3A_451 = arith.constant 8 : i32
      %add3A_452 = vector.broadcast %add3A_451 : i32 to vector<16xi32>
      %add3A_453 = arith.addi %get3A_270, %add3A_452 : vector<16xi32>
      %gather3A_454 = arith.constant 0 : i32
      %gather3A_455 = arith.constant 0 : i32
      %gather3A_456 = tpu.memref_slice %arg14[%scan3A, %gather3A_454, %gather3A_455] : memref<2x128x128xf32, #tpu.memory_space<vmem>> -> memref<1x128x128xf32, #tpu.memory_space<vmem>>
      %gather3A_457 = tpu.memref_squeeze %gather3A_456 : memref<1x128x128xf32, #tpu.memory_space<vmem>> -> memref<128x128xf32, #tpu.memory_space<vmem>>
      %gather3A_458 = tpu.vector_load_idx %gather3A_457[%add3A_265, %add3A_453] : memref<128x128xf32, #tpu.memory_space<vmem>>[vector<16xi32>, vector<16xi32>], vector<16xf32>,
      %mul3A_459 = arith.constant 16 : i32
      %mul3A_460 = vector.broadcast %mul3A_459 : i32 to vector<16xi32>
      %mul3A_461 = arith.muli %add3A_265, %mul3A_460 : vector<16xi32>
      %add3A_462 = arith.constant 8 : i32
      %add3A_463 = vector.broadcast %add3A_462 : i32 to vector<16xi32>
      %add3A_464 = arith.addi %mul3A_461, %add3A_463 : vector<16xi32>
      %shift_right_arithmetic3A_465 = arith.constant 7 : i32
      %shift_right_arithmetic3A_466 = vector.broadcast %shift_right_arithmetic3A_465 : i32 to vector<16xi32>
      %shift_right_arithmetic3A_467 = arith.shrsi %add3A_464, %shift_right_arithmetic3A_466 : vector<16xi32>
      %and3A_468 = arith.constant 127 : i32
      %and3A_469 = vector.broadcast %and3A_468 : i32 to vector<16xi32>
      %and3A_470 = arith.andi %add3A_464, %and3A_469 : vector<16xi32>
      %scatter3A_471 = arith.constant 0 : i32
      %scatter3A_472 = arith.constant 0 : i32
      %scatter3A_473 = tpu.memref_slice %arg15[%scatter3A_471, %scatter3A_472] : memref<64x128xf32, #tpu.memory_space<vmem>> -> memref<16x128xf32, #tpu.memory_space<vmem>>
      tpu.vector_store_idx %scatter3A_473[%shift_right_arithmetic3A_467, %and3A_470], %gather3A_458 : memref<16x128xf32, #tpu.memory_space<vmem>>[vector<16xi32>, vector<16xi32>], vector<16xf32>,
      %add3A_474 = arith.constant 9 : i32
      %add3A_475 = vector.broadcast %add3A_474 : i32 to vector<16xi32>
      %add3A_476 = arith.addi %get3A_270, %add3A_475 : vector<16xi32>
      %gather3A_477 = arith.constant 0 : i32
      %gather3A_478 = arith.constant 0 : i32
      %gather3A_479 = tpu.memref_slice %arg14[%scan3A, %gather3A_477, %gather3A_478] : memref<2x128x128xf32, #tpu.memory_space<vmem>> -> memref<1x128x128xf32, #tpu.memory_space<vmem>>
      %gather3A_480 = tpu.memref_squeeze %gather3A_479 : memref<1x128x128xf32, #tpu.memory_space<vmem>> -> memref<128x128xf32, #tpu.memory_space<vmem>>
      %gather3A_481 = tpu.vector_load_idx %gather3A_480[%add3A_265, %add3A_476] : memref<128x128xf32, #tpu.memory_space<vmem>>[vector<16xi32>, vector<16xi32>], vector<16xf32>,
      %mul3A_482 = arith.constant 16 : i32
      %mul3A_483 = vector.broadcast %mul3A_482 : i32 to vector<16xi32>
      %mul3A_484 = arith.muli %add3A_265, %mul3A_483 : vector<16xi32>
      %add3A_485 = arith.constant 9 : i32
      %add3A_486 = vector.broadcast %add3A_485 : i32 to vector<16xi32>
      %add3A_487 = arith.addi %mul3A_484, %add3A_486 : vector<16xi32>
      %shift_right_arithmetic3A_488 = arith.constant 7 : i32
      %shift_right_arithmetic3A_489 = vector.broadcast %shift_right_arithmetic3A_488 : i32 to vector<16xi32>
      %shift_right_arithmetic3A_490 = arith.shrsi %add3A_487, %shift_right_arithmetic3A_489 : vector<16xi32>
      %and3A_491 = arith.constant 127 : i32
      %and3A_492 = vector.broadcast %and3A_491 : i32 to vector<16xi32>
      %and3A_493 = arith.andi %add3A_487, %and3A_492 : vector<16xi32>
      %scatter3A_494 = arith.constant 0 : i32
      %scatter3A_495 = arith.constant 0 : i32
      %scatter3A_496 = tpu.memref_slice %arg15[%scatter3A_494, %scatter3A_495] : memref<64x128xf32, #tpu.memory_space<vmem>> -> memref<16x128xf32, #tpu.memory_space<vmem>>
      tpu.vector_store_idx %scatter3A_496[%shift_right_arithmetic3A_490, %and3A_493], %gather3A_481 : memref<16x128xf32, #tpu.memory_space<vmem>>[vector<16xi32>, vector<16xi32>], vector<16xf32>,
      %add3A_497 = arith.constant 10 : i32
      %add3A_498 = vector.broadcast %add3A_497 : i32 to vector<16xi32>
      %add3A_499 = arith.addi %get3A_270, %add3A_498 : vector<16xi32>
      %gather3A_500 = arith.constant 0 : i32
      %gather3A_501 = arith.constant 0 : i32
      %gather3A_502 = tpu.memref_slice %arg14[%scan3A, %gather3A_500, %gather3A_501] : memref<2x128x128xf32, #tpu.memory_space<vmem>> -> memref<1x128x128xf32, #tpu.memory_space<vmem>>
      %gather3A_503 = tpu.memref_squeeze %gather3A_502 : memref<1x128x128xf32, #tpu.memory_space<vmem>> -> memref<128x128xf32, #tpu.memory_space<vmem>>
      %gather3A_504 = tpu.vector_load_idx %gather3A_503[%add3A_265, %add3A_499] : memref<128x128xf32, #tpu.memory_space<vmem>>[vector<16xi32>, vector<16xi32>], vector<16xf32>,
      %mul3A_505 = arith.constant 16 : i32
      %mul3A_506 = vector.broadcast %mul3A_505 : i32 to vector<16xi32>
      %mul3A_507 = arith.muli %add3A_265, %mul3A_506 : vector<16xi32>
      %add3A_508 = arith.constant 10 : i32
      %add3A_509 = vector.broadcast %add3A_508 : i32 to vector<16xi32>
      %add3A_510 = arith.addi %mul3A_507, %add3A_509 : vector<16xi32>
      %shift_right_arithmetic3A_511 = arith.constant 7 : i32
      %shift_right_arithmetic3A_512 = vector.broadcast %shift_right_arithmetic3A_511 : i32 to vector<16xi32>
      %shift_right_arithmetic3A_513 = arith.shrsi %add3A_510, %shift_right_arithmetic3A_512 : vector<16xi32>
      %and3A_514 = arith.constant 127 : i32
      %and3A_515 = vector.broadcast %and3A_514 : i32 to vector<16xi32>
      %and3A_516 = arith.andi %add3A_510, %and3A_515 : vector<16xi32>
      %scatter3A_517 = arith.constant 0 : i32
      %scatter3A_518 = arith.constant 0 : i32
      %scatter3A_519 = tpu.memref_slice %arg15[%scatter3A_517, %scatter3A_518] : memref<64x128xf32, #tpu.memory_space<vmem>> -> memref<16x128xf32, #tpu.memory_space<vmem>>
      tpu.vector_store_idx %scatter3A_519[%shift_right_arithmetic3A_513, %and3A_516], %gather3A_504 : memref<16x128xf32, #tpu.memory_space<vmem>>[vector<16xi32>, vector<16xi32>], vector<16xf32>,
      %add3A_520 = arith.constant 11 : i32
      %add3A_521 = vector.broadcast %add3A_520 : i32 to vector<16xi32>
      %add3A_522 = arith.addi %get3A_270, %add3A_521 : vector<16xi32>
      %gather3A_523 = arith.constant 0 : i32
      %gather3A_524 = arith.constant 0 : i32
      %gather3A_525 = tpu.memref_slice %arg14[%scan3A, %gather3A_523, %gather3A_524] : memref<2x128x128xf32, #tpu.memory_space<vmem>> -> memref<1x128x128xf32, #tpu.memory_space<vmem>>
      %gather3A_526 = tpu.memref_squeeze %gather3A_525 : memref<1x128x128xf32, #tpu.memory_space<vmem>> -> memref<128x128xf32, #tpu.memory_space<vmem>>
      %gather3A_527 = tpu.vector_load_idx %gather3A_526[%add3A_265, %add3A_522] : memref<128x128xf32, #tpu.memory_space<vmem>>[vector<16xi32>, vector<16xi32>], vector<16xf32>,
      %mul3A_528 = arith.constant 16 : i32
      %mul3A_529 = vector.broadcast %mul3A_528 : i32 to vector<16xi32>
      %mul3A_530 = arith.muli %add3A_265, %mul3A_529 : vector<16xi32>
      %add3A_531 = arith.constant 11 : i32
      %add3A_532 = vector.broadcast %add3A_531 : i32 to vector<16xi32>
      %add3A_533 = arith.addi %mul3A_530, %add3A_532 : vector<16xi32>
      %shift_right_arithmetic3A_534 = arith.constant 7 : i32
      %shift_right_arithmetic3A_535 = vector.broadcast %shift_right_arithmetic3A_534 : i32 to vector<16xi32>
      %shift_right_arithmetic3A_536 = arith.shrsi %add3A_533, %shift_right_arithmetic3A_535 : vector<16xi32>
      %and3A_537 = arith.constant 127 : i32
      %and3A_538 = vector.broadcast %and3A_537 : i32 to vector<16xi32>
      %and3A_539 = arith.andi %add3A_533, %and3A_538 : vector<16xi32>
      %scatter3A_540 = arith.constant 0 : i32
      %scatter3A_541 = arith.constant 0 : i32
      %scatter3A_542 = tpu.memref_slice %arg15[%scatter3A_540, %scatter3A_541] : memref<64x128xf32, #tpu.memory_space<vmem>> -> memref<16x128xf32, #tpu.memory_space<vmem>>
      tpu.vector_store_idx %scatter3A_542[%shift_right_arithmetic3A_536, %and3A_539], %gather3A_527 : memref<16x128xf32, #tpu.memory_space<vmem>>[vector<16xi32>, vector<16xi32>], vector<16xf32>,
      %add3A_543 = arith.constant 12 : i32
      %add3A_544 = vector.broadcast %add3A_543 : i32 to vector<16xi32>
      %add3A_545 = arith.addi %get3A_270, %add3A_544 : vector<16xi32>
      %gather3A_546 = arith.constant 0 : i32
      %gather3A_547 = arith.constant 0 : i32
      %gather3A_548 = tpu.memref_slice %arg14[%scan3A, %gather3A_546, %gather3A_547] : memref<2x128x128xf32, #tpu.memory_space<vmem>> -> memref<1x128x128xf32, #tpu.memory_space<vmem>>
      %gather3A_549 = tpu.memref_squeeze %gather3A_548 : memref<1x128x128xf32, #tpu.memory_space<vmem>> -> memref<128x128xf32, #tpu.memory_space<vmem>>
      %gather3A_550 = tpu.vector_load_idx %gather3A_549[%add3A_265, %add3A_545] : memref<128x128xf32, #tpu.memory_space<vmem>>[vector<16xi32>, vector<16xi32>], vector<16xf32>,
      %mul3A_551 = arith.constant 16 : i32
      %mul3A_552 = vector.broadcast %mul3A_551 : i32 to vector<16xi32>
      %mul3A_553 = arith.muli %add3A_265, %mul3A_552 : vector<16xi32>
      %add3A_554 = arith.constant 12 : i32
      %add3A_555 = vector.broadcast %add3A_554 : i32 to vector<16xi32>
      %add3A_556 = arith.addi %mul3A_553, %add3A_555 : vector<16xi32>
      %shift_right_arithmetic3A_557 = arith.constant 7 : i32
      %shift_right_arithmetic3A_558 = vector.broadcast %shift_right_arithmetic3A_557 : i32 to vector<16xi32>
      %shift_right_arithmetic3A_559 = arith.shrsi %add3A_556, %shift_right_arithmetic3A_558 : vector<16xi32>
      %and3A_560 = arith.constant 127 : i32
      %and3A_561 = vector.broadcast %and3A_560 : i32 to vector<16xi32>
      %and3A_562 = arith.andi %add3A_556, %and3A_561 : vector<16xi32>
      %scatter3A_563 = arith.constant 0 : i32
      %scatter3A_564 = arith.constant 0 : i32
      %scatter3A_565 = tpu.memref_slice %arg15[%scatter3A_563, %scatter3A_564] : memref<64x128xf32, #tpu.memory_space<vmem>> -> memref<16x128xf32, #tpu.memory_space<vmem>>
      tpu.vector_store_idx %scatter3A_565[%shift_right_arithmetic3A_559, %and3A_562], %gather3A_550 : memref<16x128xf32, #tpu.memory_space<vmem>>[vector<16xi32>, vector<16xi32>], vector<16xf32>,
      %add3A_566 = arith.constant 13 : i32
      %add3A_567 = vector.broadcast %add3A_566 : i32 to vector<16xi32>
      %add3A_568 = arith.addi %get3A_270, %add3A_567 : vector<16xi32>
      %gather3A_569 = arith.constant 0 : i32
      %gather3A_570 = arith.constant 0 : i32
      %gather3A_571 = tpu.memref_slice %arg14[%scan3A, %gather3A_569, %gather3A_570] : memref<2x128x128xf32, #tpu.memory_space<vmem>> -> memref<1x128x128xf32, #tpu.memory_space<vmem>>
      %gather3A_572 = tpu.memref_squeeze %gather3A_571 : memref<1x128x128xf32, #tpu.memory_space<vmem>> -> memref<128x128xf32, #tpu.memory_space<vmem>>
      %gather3A_573 = tpu.vector_load_idx %gather3A_572[%add3A_265, %add3A_568] : memref<128x128xf32, #tpu.memory_space<vmem>>[vector<16xi32>, vector<16xi32>], vector<16xf32>,
      %mul3A_574 = arith.constant 16 : i32
      %mul3A_575 = vector.broadcast %mul3A_574 : i32 to vector<16xi32>
      %mul3A_576 = arith.muli %add3A_265, %mul3A_575 : vector<16xi32>
      %add3A_577 = arith.constant 13 : i32
      %add3A_578 = vector.broadcast %add3A_577 : i32 to vector<16xi32>
      %add3A_579 = arith.addi %mul3A_576, %add3A_578 : vector<16xi32>
      %shift_right_arithmetic3A_580 = arith.constant 7 : i32
      %shift_right_arithmetic3A_581 = vector.broadcast %shift_right_arithmetic3A_580 : i32 to vector<16xi32>
      %shift_right_arithmetic3A_582 = arith.shrsi %add3A_579, %shift_right_arithmetic3A_581 : vector<16xi32>
      %and3A_583 = arith.constant 127 : i32
      %and3A_584 = vector.broadcast %and3A_583 : i32 to vector<16xi32>
      %and3A_585 = arith.andi %add3A_579, %and3A_584 : vector<16xi32>
      %scatter3A_586 = arith.constant 0 : i32
      %scatter3A_587 = arith.constant 0 : i32
      %scatter3A_588 = tpu.memref_slice %arg15[%scatter3A_586, %scatter3A_587] : memref<64x128xf32, #tpu.memory_space<vmem>> -> memref<16x128xf32, #tpu.memory_space<vmem>>
      tpu.vector_store_idx %scatter3A_588[%shift_right_arithmetic3A_582, %and3A_585], %gather3A_573 : memref<16x128xf32, #tpu.memory_space<vmem>>[vector<16xi32>, vector<16xi32>], vector<16xf32>,
      %add3A_589 = arith.constant 14 : i32
      %add3A_590 = vector.broadcast %add3A_589 : i32 to vector<16xi32>
      %add3A_591 = arith.addi %get3A_270, %add3A_590 : vector<16xi32>
      %gather3A_592 = arith.constant 0 : i32
      %gather3A_593 = arith.constant 0 : i32
      %gather3A_594 = tpu.memref_slice %arg14[%scan3A, %gather3A_592, %gather3A_593] : memref<2x128x128xf32, #tpu.memory_space<vmem>> -> memref<1x128x128xf32, #tpu.memory_space<vmem>>
      %gather3A_595 = tpu.memref_squeeze %gather3A_594 : memref<1x128x128xf32, #tpu.memory_space<vmem>> -> memref<128x128xf32, #tpu.memory_space<vmem>>
      %gather3A_596 = tpu.vector_load_idx %gather3A_595[%add3A_265, %add3A_591] : memref<128x128xf32, #tpu.memory_space<vmem>>[vector<16xi32>, vector<16xi32>], vector<16xf32>,
      %mul3A_597 = arith.constant 16 : i32
      %mul3A_598 = vector.broadcast %mul3A_597 : i32 to vector<16xi32>
      %mul3A_599 = arith.muli %add3A_265, %mul3A_598 : vector<16xi32>
      %add3A_600 = arith.constant 14 : i32
      %add3A_601 = vector.broadcast %add3A_600 : i32 to vector<16xi32>
      %add3A_602 = arith.addi %mul3A_599, %add3A_601 : vector<16xi32>
      %shift_right_arithmetic3A_603 = arith.constant 7 : i32
      %shift_right_arithmetic3A_604 = vector.broadcast %shift_right_arithmetic3A_603 : i32 to vector<16xi32>
      %shift_right_arithmetic3A_605 = arith.shrsi %add3A_602, %shift_right_arithmetic3A_604 : vector<16xi32>
      %and3A_606 = arith.constant 127 : i32
      %and3A_607 = vector.broadcast %and3A_606 : i32 to vector<16xi32>
      %and3A_608 = arith.andi %add3A_602, %and3A_607 : vector<16xi32>
      %scatter3A_609 = arith.constant 0 : i32
      %scatter3A_610 = arith.constant 0 : i32
      %scatter3A_611 = tpu.memref_slice %arg15[%scatter3A_609, %scatter3A_610] : memref<64x128xf32, #tpu.memory_space<vmem>> -> memref<16x128xf32, #tpu.memory_space<vmem>>
      tpu.vector_store_idx %scatter3A_611[%shift_right_arithmetic3A_605, %and3A_608], %gather3A_596 : memref<16x128xf32, #tpu.memory_space<vmem>>[vector<16xi32>, vector<16xi32>], vector<16xf32>,
      %add3A_612 = arith.constant 15 : i32
      %add3A_613 = vector.broadcast %add3A_612 : i32 to vector<16xi32>
      %add3A_614 = arith.addi %get3A_270, %add3A_613 : vector<16xi32>
      %gather3A_615 = arith.constant 0 : i32
      %gather3A_616 = arith.constant 0 : i32
      %gather3A_617 = tpu.memref_slice %arg14[%scan3A, %gather3A_615, %gather3A_616] : memref<2x128x128xf32, #tpu.memory_space<vmem>> -> memref<1x128x128xf32, #tpu.memory_space<vmem>>
      %gather3A_618 = tpu.memref_squeeze %gather3A_617 : memref<1x128x128xf32, #tpu.memory_space<vmem>> -> memref<128x128xf32, #tpu.memory_space<vmem>>
      %gather3A_619 = tpu.vector_load_idx %gather3A_618[%add3A_265, %add3A_614] : memref<128x128xf32, #tpu.memory_space<vmem>>[vector<16xi32>, vector<16xi32>], vector<16xf32>,
      %mul3A_620 = arith.constant 16 : i32
      %mul3A_621 = vector.broadcast %mul3A_620 : i32 to vector<16xi32>
      %mul3A_622 = arith.muli %add3A_265, %mul3A_621 : vector<16xi32>
      %add3A_623 = arith.constant 15 : i32
      %add3A_624 = vector.broadcast %add3A_623 : i32 to vector<16xi32>
      %add3A_625 = arith.addi %mul3A_622, %add3A_624 : vector<16xi32>
      %shift_right_arithmetic3A_626 = arith.constant 7 : i32
      %shift_right_arithmetic3A_627 = vector.broadcast %shift_right_arithmetic3A_626 : i32 to vector<16xi32>
      %shift_right_arithmetic3A_628 = arith.shrsi %add3A_625, %shift_right_arithmetic3A_627 : vector<16xi32>
      %and3A_629 = arith.constant 127 : i32
      %and3A_630 = vector.broadcast %and3A_629 : i32 to vector<16xi32>
      %and3A_631 = arith.andi %add3A_625, %and3A_630 : vector<16xi32>
      %scatter3A_632 = arith.constant 0 : i32
      %scatter3A_633 = arith.constant 0 : i32
      %scatter3A_634 = tpu.memref_slice %arg15[%scatter3A_632, %scatter3A_633] : memref<64x128xf32, #tpu.memory_space<vmem>> -> memref<16x128xf32, #tpu.memory_space<vmem>>
      tpu.vector_store_idx %scatter3A_634[%shift_right_arithmetic3A_628, %and3A_631], %gather3A_619 : memref<16x128xf32, #tpu.memory_space<vmem>>[vector<16xi32>, vector<16xi32>], vector<16xf32>,
      %scan3A_635 = arith.constant 0 : i32
      scf.yield %scan3A_635 : i32
    }
    %scan3A_43 = arith.constant 8 : i32
    %dma_start3A_44 = arith.constant 2 : i32
    %dma_start3A_45 = arith.constant 0 : i32
    %dma_start3A_46 = arith.constant 0 : i32
    %dma_start3A_47 = arith.constant 0 : i32
    %dma_start3A_48 = tpu.memref_slice %arg14[%dma_start3A_45, %dma_start3A_46, %dma_start3A_47] : memref<2x128x128xf32, #tpu.memory_space<vmem>> -> memref<1x128x128xf32, #tpu.memory_space<vmem>>
    %dma_start3A_49 = tpu.memref_squeeze %dma_start3A_48 : memref<1x128x128xf32, #tpu.memory_space<vmem>> -> memref<128x128xf32, #tpu.memory_space<vmem>>
    %dma_start3A_50 = arith.constant 0 : i32
    %dma_start3A_51 = tpu.memref_slice %arg10[%dma_start3A_44, %dma_start3A_50] : memref<4x128xi32, #tpu.memory_space<vmem>> -> memref<1x128xi32, #tpu.memory_space<vmem>>
    %dma_start3A_52 = tpu.memref_squeeze %dma_start3A_51 : memref<1x128xi32, #tpu.memory_space<vmem>> -> memref<128xi32, #tpu.memory_space<vmem>>
    %dma_start3A_53 = arith.constant 0 : i32
    %dma_start3A_54 = arith.constant 0 : i32
    %dma_start3A_55 = tpu.memref_slice %arg6[%dma_start3A_53, %dma_start3A_54] : memref<125000x128xf32, #tpu.memory_space<hbm>> -> memref<125000x128xf32, #tpu.memory_space<hbm>>
    tpu.enqueue_indirect_dma source(%dma_start3A_55 : memref<125000x128xf32, #tpu.memory_space<hbm>>) target(%dma_start3A_49 : memref<128x128xf32, #tpu.memory_space<vmem>>) offsets(%dma_start3A_52 : memref<128xi32, #tpu.memory_space<vmem>>) semaphore(%arg17 : memref<!tpu.dma_semaphore, #tpu.memory_space<semaphore_mem>>)
    %dma_wait3A_56 = arith.constant 1 : i32
    %dma_wait3A_57 = arith.constant 1 : i32
    %dma_wait3A_58 = arith.constant 0 : i32
    %dma_wait3A_59 = arith.constant 0 : i32
    %dma_wait3A_60 = tpu.memref_slice %arg14[%dma_wait3A_57, %dma_wait3A_58, %dma_wait3A_59] : memref<2x128x128xf32, #tpu.memory_space<vmem>> -> memref<1x128x128xf32, #tpu.memory_space<vmem>>
    %dma_wait3A_61 = tpu.memref_squeeze %dma_wait3A_60 : memref<1x128x128xf32, #tpu.memory_space<vmem>> -> memref<128x128xf32, #tpu.memory_space<vmem>>
    %dma_wait3A_62 = arith.constant 0 : i32
    %dma_wait3A_63 = tpu.memref_slice %arg10[%dma_wait3A_56, %dma_wait3A_62] : memref<4x128xi32, #tpu.memory_space<vmem>> -> memref<1x128xi32, #tpu.memory_space<vmem>>
    %dma_wait3A_64 = tpu.memref_squeeze %dma_wait3A_63 : memref<1x128xi32, #tpu.memory_space<vmem>> -> memref<128xi32, #tpu.memory_space<vmem>>
    %dma_wait3A_65 = arith.constant 0 : i32
    %dma_wait3A_66 = arith.constant 0 : i32
    %dma_wait3A_67 = tpu.memref_slice %arg6[%dma_wait3A_65, %dma_wait3A_66] : memref<125000x128xf32, #tpu.memory_space<hbm>> -> memref<125000x128xf32, #tpu.memory_space<hbm>>
    tpu.wait_indirect_dma semaphore(%arg18 : memref<!tpu.dma_semaphore, #tpu.memory_space<semaphore_mem>>) src(%dma_wait3A_67 : memref<125000x128xf32, #tpu.memory_space<hbm>>) dst(%dma_wait3A_61 : memref<128x128xf32, #tpu.memory_space<vmem>>)
    %scan3A_68 = arith.constant 1 : i32
    %scan3A_69 = arith.constant 0 : i32
    %scan3A_70 = arith.constant 0 : i32
    %scan3A_71 = arith.constant 8 : i32
    %scan3A_72 = arith.addi %scan3A_70, %scan3A_71 : i32
    %scan3A_73 = arith.constant 1 : i32
    %scan3A_74 = scf.for %scan3A_260 = %scan3A_70 to %scan3A_72 step %scan3A_73 iter_args(%scan3A_261 = %scan3A_69) -> (i32)  : i32 {
      %mul3A_262 = arith.constant 16 : i32
      %mul3A_263 = arith.muli %scan3A_260, %mul3A_262 : i32
      %iota3A = tpu.iota {dimensions = array<i32: 0>} : vector<16xi32>
      %add3A_264 = vector.broadcast %mul3A_263 : i32 to vector<16xi32>
      %add3A_265 = arith.addi %add3A_264, %iota3A : vector<16xi32>
      %mul3A_266 = arith.constant 16 : i32
      %mul3A_267 = arith.muli %scan3A_260, %mul3A_266 : i32
      %get3A = arith.constant 1 : i32
      %get3A_268 = arith.index_cast %get3A : i32 to index
      %get3A_269 = arith.index_cast %mul3A_267 : i32 to index
      %get3A_270 = tpu.vector_load %arg12[%get3A_268, %get3A_269] {strides = array<i32>} : memref<4x128xi32, #tpu.memory_space<vmem>>, vector<16xi32>,
      %add3A_271 = arith.constant 0 : i32
      %add3A_272 = vector.broadcast %add3A_271 : i32 to vector<16xi32>
      %add3A_273 = arith.addi %get3A_270, %add3A_272 : vector<16xi32>
      %gather3A = arith.constant 0 : i32
      %gather3A_274 = arith.constant 0 : i32
      %gather3A_275 = tpu.memref_slice %arg14[%scan3A_68, %gather3A, %gather3A_274] : memref<2x128x128xf32, #tpu.memory_space<vmem>> -> memref<1x128x128xf32, #tpu.memory_space<vmem>>
      %gather3A_276 = tpu.memref_squeeze %gather3A_275 : memref<1x128x128xf32, #tpu.memory_space<vmem>> -> memref<128x128xf32, #tpu.memory_space<vmem>>
      %gather3A_277 = tpu.vector_load_idx %gather3A_276[%add3A_265, %add3A_273] : memref<128x128xf32, #tpu.memory_space<vmem>>[vector<16xi32>, vector<16xi32>], vector<16xf32>,
      %mul3A_278 = arith.constant 16 : i32
      %mul3A_279 = vector.broadcast %mul3A_278 : i32 to vector<16xi32>
      %mul3A_280 = arith.muli %add3A_265, %mul3A_279 : vector<16xi32>
      %add3A_281 = arith.constant 0 : i32
      %add3A_282 = vector.broadcast %add3A_281 : i32 to vector<16xi32>
      %add3A_283 = arith.addi %mul3A_280, %add3A_282 : vector<16xi32>
      %shift_right_arithmetic3A = arith.constant 7 : i32
      %shift_right_arithmetic3A_284 = vector.broadcast %shift_right_arithmetic3A : i32 to vector<16xi32>
      %shift_right_arithmetic3A_285 = arith.shrsi %add3A_283, %shift_right_arithmetic3A_284 : vector<16xi32>
      %and3A = arith.constant 127 : i32
      %and3A_286 = vector.broadcast %and3A : i32 to vector<16xi32>
      %and3A_287 = arith.andi %add3A_283, %and3A_286 : vector<16xi32>
      %scatter3A = arith.constant 16 : i32
      %scatter3A_288 = arith.constant 0 : i32
      %scatter3A_289 = tpu.memref_slice %arg15[%scatter3A, %scatter3A_288] : memref<64x128xf32, #tpu.memory_space<vmem>> -> memref<16x128xf32, #tpu.memory_space<vmem>>
      tpu.vector_store_idx %scatter3A_289[%shift_right_arithmetic3A_285, %and3A_287], %gather3A_277 : memref<16x128xf32, #tpu.memory_space<vmem>>[vector<16xi32>, vector<16xi32>], vector<16xf32>,
      %add3A_290 = arith.constant 1 : i32
      %add3A_291 = vector.broadcast %add3A_290 : i32 to vector<16xi32>
      %add3A_292 = arith.addi %get3A_270, %add3A_291 : vector<16xi32>
      %gather3A_293 = arith.constant 0 : i32
      %gather3A_294 = arith.constant 0 : i32
      %gather3A_295 = tpu.memref_slice %arg14[%scan3A_68, %gather3A_293, %gather3A_294] : memref<2x128x128xf32, #tpu.memory_space<vmem>> -> memref<1x128x128xf32, #tpu.memory_space<vmem>>
      %gather3A_296 = tpu.memref_squeeze %gather3A_295 : memref<1x128x128xf32, #tpu.memory_space<vmem>> -> memref<128x128xf32, #tpu.memory_space<vmem>>
      %gather3A_297 = tpu.vector_load_idx %gather3A_296[%add3A_265, %add3A_292] : memref<128x128xf32, #tpu.memory_space<vmem>>[vector<16xi32>, vector<16xi32>], vector<16xf32>,
      %mul3A_298 = arith.constant 16 : i32
      %mul3A_299 = vector.broadcast %mul3A_298 : i32 to vector<16xi32>
      %mul3A_300 = arith.muli %add3A_265, %mul3A_299 : vector<16xi32>
      %add3A_301 = arith.constant 1 : i32
      %add3A_302 = vector.broadcast %add3A_301 : i32 to vector<16xi32>
      %add3A_303 = arith.addi %mul3A_300, %add3A_302 : vector<16xi32>
      %shift_right_arithmetic3A_304 = arith.constant 7 : i32
      %shift_right_arithmetic3A_305 = vector.broadcast %shift_right_arithmetic3A_304 : i32 to vector<16xi32>
      %shift_right_arithmetic3A_306 = arith.shrsi %add3A_303, %shift_right_arithmetic3A_305 : vector<16xi32>
      %and3A_307 = arith.constant 127 : i32
      %and3A_308 = vector.broadcast %and3A_307 : i32 to vector<16xi32>
      %and3A_309 = arith.andi %add3A_303, %and3A_308 : vector<16xi32>
      %scatter3A_310 = arith.constant 16 : i32
      %scatter3A_311 = arith.constant 0 : i32
      %scatter3A_312 = tpu.memref_slice %arg15[%scatter3A_310, %scatter3A_311] : memref<64x128xf32, #tpu.memory_space<vmem>> -> memref<16x128xf32, #tpu.memory_space<vmem>>
      tpu.vector_store_idx %scatter3A_312[%shift_right_arithmetic3A_306, %and3A_309], %gather3A_297 : memref<16x128xf32, #tpu.memory_space<vmem>>[vector<16xi32>, vector<16xi32>], vector<16xf32>,
      %add3A_313 = arith.constant 2 : i32
      %add3A_314 = vector.broadcast %add3A_313 : i32 to vector<16xi32>
      %add3A_315 = arith.addi %get3A_270, %add3A_314 : vector<16xi32>
      %gather3A_316 = arith.constant 0 : i32
      %gather3A_317 = arith.constant 0 : i32
      %gather3A_318 = tpu.memref_slice %arg14[%scan3A_68, %gather3A_316, %gather3A_317] : memref<2x128x128xf32, #tpu.memory_space<vmem>> -> memref<1x128x128xf32, #tpu.memory_space<vmem>>
      %gather3A_319 = tpu.memref_squeeze %gather3A_318 : memref<1x128x128xf32, #tpu.memory_space<vmem>> -> memref<128x128xf32, #tpu.memory_space<vmem>>
      %gather3A_320 = tpu.vector_load_idx %gather3A_319[%add3A_265, %add3A_315] : memref<128x128xf32, #tpu.memory_space<vmem>>[vector<16xi32>, vector<16xi32>], vector<16xf32>,
      %mul3A_321 = arith.constant 16 : i32
      %mul3A_322 = vector.broadcast %mul3A_321 : i32 to vector<16xi32>
      %mul3A_323 = arith.muli %add3A_265, %mul3A_322 : vector<16xi32>
      %add3A_324 = arith.constant 2 : i32
      %add3A_325 = vector.broadcast %add3A_324 : i32 to vector<16xi32>
      %add3A_326 = arith.addi %mul3A_323, %add3A_325 : vector<16xi32>
      %shift_right_arithmetic3A_327 = arith.constant 7 : i32
      %shift_right_arithmetic3A_328 = vector.broadcast %shift_right_arithmetic3A_327 : i32 to vector<16xi32>
      %shift_right_arithmetic3A_329 = arith.shrsi %add3A_326, %shift_right_arithmetic3A_328 : vector<16xi32>
      %and3A_330 = arith.constant 127 : i32
      %and3A_331 = vector.broadcast %and3A_330 : i32 to vector<16xi32>
      %and3A_332 = arith.andi %add3A_326, %and3A_331 : vector<16xi32>
      %scatter3A_333 = arith.constant 16 : i32
      %scatter3A_334 = arith.constant 0 : i32
      %scatter3A_335 = tpu.memref_slice %arg15[%scatter3A_333, %scatter3A_334] : memref<64x128xf32, #tpu.memory_space<vmem>> -> memref<16x128xf32, #tpu.memory_space<vmem>>
      tpu.vector_store_idx %scatter3A_335[%shift_right_arithmetic3A_329, %and3A_332], %gather3A_320 : memref<16x128xf32, #tpu.memory_space<vmem>>[vector<16xi32>, vector<16xi32>], vector<16xf32>,
      %add3A_336 = arith.constant 3 : i32
      %add3A_337 = vector.broadcast %add3A_336 : i32 to vector<16xi32>
      %add3A_338 = arith.addi %get3A_270, %add3A_337 : vector<16xi32>
      %gather3A_339 = arith.constant 0 : i32
      %gather3A_340 = arith.constant 0 : i32
      %gather3A_341 = tpu.memref_slice %arg14[%scan3A_68, %gather3A_339, %gather3A_340] : memref<2x128x128xf32, #tpu.memory_space<vmem>> -> memref<1x128x128xf32, #tpu.memory_space<vmem>>
      %gather3A_342 = tpu.memref_squeeze %gather3A_341 : memref<1x128x128xf32, #tpu.memory_space<vmem>> -> memref<128x128xf32, #tpu.memory_space<vmem>>
      %gather3A_343 = tpu.vector_load_idx %gather3A_342[%add3A_265, %add3A_338] : memref<128x128xf32, #tpu.memory_space<vmem>>[vector<16xi32>, vector<16xi32>], vector<16xf32>,
      %mul3A_344 = arith.constant 16 : i32
      %mul3A_345 = vector.broadcast %mul3A_344 : i32 to vector<16xi32>
      %mul3A_346 = arith.muli %add3A_265, %mul3A_345 : vector<16xi32>
      %add3A_347 = arith.constant 3 : i32
      %add3A_348 = vector.broadcast %add3A_347 : i32 to vector<16xi32>
      %add3A_349 = arith.addi %mul3A_346, %add3A_348 : vector<16xi32>
      %shift_right_arithmetic3A_350 = arith.constant 7 : i32
      %shift_right_arithmetic3A_351 = vector.broadcast %shift_right_arithmetic3A_350 : i32 to vector<16xi32>
      %shift_right_arithmetic3A_352 = arith.shrsi %add3A_349, %shift_right_arithmetic3A_351 : vector<16xi32>
      %and3A_353 = arith.constant 127 : i32
      %and3A_354 = vector.broadcast %and3A_353 : i32 to vector<16xi32>
      %and3A_355 = arith.andi %add3A_349, %and3A_354 : vector<16xi32>
      %scatter3A_356 = arith.constant 16 : i32
      %scatter3A_357 = arith.constant 0 : i32
      %scatter3A_358 = tpu.memref_slice %arg15[%scatter3A_356, %scatter3A_357] : memref<64x128xf32, #tpu.memory_space<vmem>> -> memref<16x128xf32, #tpu.memory_space<vmem>>
      tpu.vector_store_idx %scatter3A_358[%shift_right_arithmetic3A_352, %and3A_355], %gather3A_343 : memref<16x128xf32, #tpu.memory_space<vmem>>[vector<16xi32>, vector<16xi32>], vector<16xf32>,
      %add3A_359 = arith.constant 4 : i32
      %add3A_360 = vector.broadcast %add3A_359 : i32 to vector<16xi32>
      %add3A_361 = arith.addi %get3A_270, %add3A_360 : vector<16xi32>
      %gather3A_362 = arith.constant 0 : i32
      %gather3A_363 = arith.constant 0 : i32
      %gather3A_364 = tpu.memref_slice %arg14[%scan3A_68, %gather3A_362, %gather3A_363] : memref<2x128x128xf32, #tpu.memory_space<vmem>> -> memref<1x128x128xf32, #tpu.memory_space<vmem>>
      %gather3A_365 = tpu.memref_squeeze %gather3A_364 : memref<1x128x128xf32, #tpu.memory_space<vmem>> -> memref<128x128xf32, #tpu.memory_space<vmem>>
      %gather3A_366 = tpu.vector_load_idx %gather3A_365[%add3A_265, %add3A_361] : memref<128x128xf32, #tpu.memory_space<vmem>>[vector<16xi32>, vector<16xi32>], vector<16xf32>,
      %mul3A_367 = arith.constant 16 : i32
      %mul3A_368 = vector.broadcast %mul3A_367 : i32 to vector<16xi32>
      %mul3A_369 = arith.muli %add3A_265, %mul3A_368 : vector<16xi32>
      %add3A_370 = arith.constant 4 : i32
      %add3A_371 = vector.broadcast %add3A_370 : i32 to vector<16xi32>
      %add3A_372 = arith.addi %mul3A_369, %add3A_371 : vector<16xi32>
      %shift_right_arithmetic3A_373 = arith.constant 7 : i32
      %shift_right_arithmetic3A_374 = vector.broadcast %shift_right_arithmetic3A_373 : i32 to vector<16xi32>
      %shift_right_arithmetic3A_375 = arith.shrsi %add3A_372, %shift_right_arithmetic3A_374 : vector<16xi32>
      %and3A_376 = arith.constant 127 : i32
      %and3A_377 = vector.broadcast %and3A_376 : i32 to vector<16xi32>
      %and3A_378 = arith.andi %add3A_372, %and3A_377 : vector<16xi32>
      %scatter3A_379 = arith.constant 16 : i32
      %scatter3A_380 = arith.constant 0 : i32
      %scatter3A_381 = tpu.memref_slice %arg15[%scatter3A_379, %scatter3A_380] : memref<64x128xf32, #tpu.memory_space<vmem>> -> memref<16x128xf32, #tpu.memory_space<vmem>>
      tpu.vector_store_idx %scatter3A_381[%shift_right_arithmetic3A_375, %and3A_378], %gather3A_366 : memref<16x128xf32, #tpu.memory_space<vmem>>[vector<16xi32>, vector<16xi32>], vector<16xf32>,
      %add3A_382 = arith.constant 5 : i32
      %add3A_383 = vector.broadcast %add3A_382 : i32 to vector<16xi32>
      %add3A_384 = arith.addi %get3A_270, %add3A_383 : vector<16xi32>
      %gather3A_385 = arith.constant 0 : i32
      %gather3A_386 = arith.constant 0 : i32
      %gather3A_387 = tpu.memref_slice %arg14[%scan3A_68, %gather3A_385, %gather3A_386] : memref<2x128x128xf32, #tpu.memory_space<vmem>> -> memref<1x128x128xf32, #tpu.memory_space<vmem>>
      %gather3A_388 = tpu.memref_squeeze %gather3A_387 : memref<1x128x128xf32, #tpu.memory_space<vmem>> -> memref<128x128xf32, #tpu.memory_space<vmem>>
      %gather3A_389 = tpu.vector_load_idx %gather3A_388[%add3A_265, %add3A_384] : memref<128x128xf32, #tpu.memory_space<vmem>>[vector<16xi32>, vector<16xi32>], vector<16xf32>,
      %mul3A_390 = arith.constant 16 : i32
      %mul3A_391 = vector.broadcast %mul3A_390 : i32 to vector<16xi32>
      %mul3A_392 = arith.muli %add3A_265, %mul3A_391 : vector<16xi32>
      %add3A_393 = arith.constant 5 : i32
      %add3A_394 = vector.broadcast %add3A_393 : i32 to vector<16xi32>
      %add3A_395 = arith.addi %mul3A_392, %add3A_394 : vector<16xi32>
      %shift_right_arithmetic3A_396 = arith.constant 7 : i32
      %shift_right_arithmetic3A_397 = vector.broadcast %shift_right_arithmetic3A_396 : i32 to vector<16xi32>
      %shift_right_arithmetic3A_398 = arith.shrsi %add3A_395, %shift_right_arithmetic3A_397 : vector<16xi32>
      %and3A_399 = arith.constant 127 : i32
      %and3A_400 = vector.broadcast %and3A_399 : i32 to vector<16xi32>
      %and3A_401 = arith.andi %add3A_395, %and3A_400 : vector<16xi32>
      %scatter3A_402 = arith.constant 16 : i32
      %scatter3A_403 = arith.constant 0 : i32
      %scatter3A_404 = tpu.memref_slice %arg15[%scatter3A_402, %scatter3A_403] : memref<64x128xf32, #tpu.memory_space<vmem>> -> memref<16x128xf32, #tpu.memory_space<vmem>>
      tpu.vector_store_idx %scatter3A_404[%shift_right_arithmetic3A_398, %and3A_401], %gather3A_389 : memref<16x128xf32, #tpu.memory_space<vmem>>[vector<16xi32>, vector<16xi32>], vector<16xf32>,
      %add3A_405 = arith.constant 6 : i32
      %add3A_406 = vector.broadcast %add3A_405 : i32 to vector<16xi32>
      %add3A_407 = arith.addi %get3A_270, %add3A_406 : vector<16xi32>
      %gather3A_408 = arith.constant 0 : i32
      %gather3A_409 = arith.constant 0 : i32
      %gather3A_410 = tpu.memref_slice %arg14[%scan3A_68, %gather3A_408, %gather3A_409] : memref<2x128x128xf32, #tpu.memory_space<vmem>> -> memref<1x128x128xf32, #tpu.memory_space<vmem>>
      %gather3A_411 = tpu.memref_squeeze %gather3A_410 : memref<1x128x128xf32, #tpu.memory_space<vmem>> -> memref<128x128xf32, #tpu.memory_space<vmem>>
      %gather3A_412 = tpu.vector_load_idx %gather3A_411[%add3A_265, %add3A_407] : memref<128x128xf32, #tpu.memory_space<vmem>>[vector<16xi32>, vector<16xi32>], vector<16xf32>,
      %mul3A_413 = arith.constant 16 : i32
      %mul3A_414 = vector.broadcast %mul3A_413 : i32 to vector<16xi32>
      %mul3A_415 = arith.muli %add3A_265, %mul3A_414 : vector<16xi32>
      %add3A_416 = arith.constant 6 : i32
      %add3A_417 = vector.broadcast %add3A_416 : i32 to vector<16xi32>
      %add3A_418 = arith.addi %mul3A_415, %add3A_417 : vector<16xi32>
      %shift_right_arithmetic3A_419 = arith.constant 7 : i32
      %shift_right_arithmetic3A_420 = vector.broadcast %shift_right_arithmetic3A_419 : i32 to vector<16xi32>
      %shift_right_arithmetic3A_421 = arith.shrsi %add3A_418, %shift_right_arithmetic3A_420 : vector<16xi32>
      %and3A_422 = arith.constant 127 : i32
      %and3A_423 = vector.broadcast %and3A_422 : i32 to vector<16xi32>
      %and3A_424 = arith.andi %add3A_418, %and3A_423 : vector<16xi32>
      %scatter3A_425 = arith.constant 16 : i32
      %scatter3A_426 = arith.constant 0 : i32
      %scatter3A_427 = tpu.memref_slice %arg15[%scatter3A_425, %scatter3A_426] : memref<64x128xf32, #tpu.memory_space<vmem>> -> memref<16x128xf32, #tpu.memory_space<vmem>>
      tpu.vector_store_idx %scatter3A_427[%shift_right_arithmetic3A_421, %and3A_424], %gather3A_412 : memref<16x128xf32, #tpu.memory_space<vmem>>[vector<16xi32>, vector<16xi32>], vector<16xf32>,
      %add3A_428 = arith.constant 7 : i32
      %add3A_429 = vector.broadcast %add3A_428 : i32 to vector<16xi32>
      %add3A_430 = arith.addi %get3A_270, %add3A_429 : vector<16xi32>
      %gather3A_431 = arith.constant 0 : i32
      %gather3A_432 = arith.constant 0 : i32
      %gather3A_433 = tpu.memref_slice %arg14[%scan3A_68, %gather3A_431, %gather3A_432] : memref<2x128x128xf32, #tpu.memory_space<vmem>> -> memref<1x128x128xf32, #tpu.memory_space<vmem>>
      %gather3A_434 = tpu.memref_squeeze %gather3A_433 : memref<1x128x128xf32, #tpu.memory_space<vmem>> -> memref<128x128xf32, #tpu.memory_space<vmem>>
      %gather3A_435 = tpu.vector_load_idx %gather3A_434[%add3A_265, %add3A_430] : memref<128x128xf32, #tpu.memory_space<vmem>>[vector<16xi32>, vector<16xi32>], vector<16xf32>,
      %mul3A_436 = arith.constant 16 : i32
      %mul3A_437 = vector.broadcast %mul3A_436 : i32 to vector<16xi32>
      %mul3A_438 = arith.muli %add3A_265, %mul3A_437 : vector<16xi32>
      %add3A_439 = arith.constant 7 : i32
      %add3A_440 = vector.broadcast %add3A_439 : i32 to vector<16xi32>
      %add3A_441 = arith.addi %mul3A_438, %add3A_440 : vector<16xi32>
      %shift_right_arithmetic3A_442 = arith.constant 7 : i32
      %shift_right_arithmetic3A_443 = vector.broadcast %shift_right_arithmetic3A_442 : i32 to vector<16xi32>
      %shift_right_arithmetic3A_444 = arith.shrsi %add3A_441, %shift_right_arithmetic3A_443 : vector<16xi32>
      %and3A_445 = arith.constant 127 : i32
      %and3A_446 = vector.broadcast %and3A_445 : i32 to vector<16xi32>
      %and3A_447 = arith.andi %add3A_441, %and3A_446 : vector<16xi32>
      %scatter3A_448 = arith.constant 16 : i32
      %scatter3A_449 = arith.constant 0 : i32
      %scatter3A_450 = tpu.memref_slice %arg15[%scatter3A_448, %scatter3A_449] : memref<64x128xf32, #tpu.memory_space<vmem>> -> memref<16x128xf32, #tpu.memory_space<vmem>>
      tpu.vector_store_idx %scatter3A_450[%shift_right_arithmetic3A_444, %and3A_447], %gather3A_435 : memref<16x128xf32, #tpu.memory_space<vmem>>[vector<16xi32>, vector<16xi32>], vector<16xf32>,
      %add3A_451 = arith.constant 8 : i32
      %add3A_452 = vector.broadcast %add3A_451 : i32 to vector<16xi32>
      %add3A_453 = arith.addi %get3A_270, %add3A_452 : vector<16xi32>
      %gather3A_454 = arith.constant 0 : i32
      %gather3A_455 = arith.constant 0 : i32
      %gather3A_456 = tpu.memref_slice %arg14[%scan3A_68, %gather3A_454, %gather3A_455] : memref<2x128x128xf32, #tpu.memory_space<vmem>> -> memref<1x128x128xf32, #tpu.memory_space<vmem>>
      %gather3A_457 = tpu.memref_squeeze %gather3A_456 : memref<1x128x128xf32, #tpu.memory_space<vmem>> -> memref<128x128xf32, #tpu.memory_space<vmem>>
      %gather3A_458 = tpu.vector_load_idx %gather3A_457[%add3A_265, %add3A_453] : memref<128x128xf32, #tpu.memory_space<vmem>>[vector<16xi32>, vector<16xi32>], vector<16xf32>,
      %mul3A_459 = arith.constant 16 : i32
      %mul3A_460 = vector.broadcast %mul3A_459 : i32 to vector<16xi32>
      %mul3A_461 = arith.muli %add3A_265, %mul3A_460 : vector<16xi32>
      %add3A_462 = arith.constant 8 : i32
      %add3A_463 = vector.broadcast %add3A_462 : i32 to vector<16xi32>
      %add3A_464 = arith.addi %mul3A_461, %add3A_463 : vector<16xi32>
      %shift_right_arithmetic3A_465 = arith.constant 7 : i32
      %shift_right_arithmetic3A_466 = vector.broadcast %shift_right_arithmetic3A_465 : i32 to vector<16xi32>
      %shift_right_arithmetic3A_467 = arith.shrsi %add3A_464, %shift_right_arithmetic3A_466 : vector<16xi32>
      %and3A_468 = arith.constant 127 : i32
      %and3A_469 = vector.broadcast %and3A_468 : i32 to vector<16xi32>
      %and3A_470 = arith.andi %add3A_464, %and3A_469 : vector<16xi32>
      %scatter3A_471 = arith.constant 16 : i32
      %scatter3A_472 = arith.constant 0 : i32
      %scatter3A_473 = tpu.memref_slice %arg15[%scatter3A_471, %scatter3A_472] : memref<64x128xf32, #tpu.memory_space<vmem>> -> memref<16x128xf32, #tpu.memory_space<vmem>>
      tpu.vector_store_idx %scatter3A_473[%shift_right_arithmetic3A_467, %and3A_470], %gather3A_458 : memref<16x128xf32, #tpu.memory_space<vmem>>[vector<16xi32>, vector<16xi32>], vector<16xf32>,
      %add3A_474 = arith.constant 9 : i32
      %add3A_475 = vector.broadcast %add3A_474 : i32 to vector<16xi32>
      %add3A_476 = arith.addi %get3A_270, %add3A_475 : vector<16xi32>
      %gather3A_477 = arith.constant 0 : i32
      %gather3A_478 = arith.constant 0 : i32
      %gather3A_479 = tpu.memref_slice %arg14[%scan3A_68, %gather3A_477, %gather3A_478] : memref<2x128x128xf32, #tpu.memory_space<vmem>> -> memref<1x128x128xf32, #tpu.memory_space<vmem>>
      %gather3A_480 = tpu.memref_squeeze %gather3A_479 : memref<1x128x128xf32, #tpu.memory_space<vmem>> -> memref<128x128xf32, #tpu.memory_space<vmem>>
      %gather3A_481 = tpu.vector_load_idx %gather3A_480[%add3A_265, %add3A_476] : memref<128x128xf32, #tpu.memory_space<vmem>>[vector<16xi32>, vector<16xi32>], vector<16xf32>,
      %mul3A_482 = arith.constant 16 : i32
      %mul3A_483 = vector.broadcast %mul3A_482 : i32 to vector<16xi32>
      %mul3A_484 = arith.muli %add3A_265, %mul3A_483 : vector<16xi32>
      %add3A_485 = arith.constant 9 : i32
      %add3A_486 = vector.broadcast %add3A_485 : i32 to vector<16xi32>
      %add3A_487 = arith.addi %mul3A_484, %add3A_486 : vector<16xi32>
      %shift_right_arithmetic3A_488 = arith.constant 7 : i32
      %shift_right_arithmetic3A_489 = vector.broadcast %shift_right_arithmetic3A_488 : i32 to vector<16xi32>
      %shift_right_arithmetic3A_490 = arith.shrsi %add3A_487, %shift_right_arithmetic3A_489 : vector<16xi32>
      %and3A_491 = arith.constant 127 : i32
      %and3A_492 = vector.broadcast %and3A_491 : i32 to vector<16xi32>
      %and3A_493 = arith.andi %add3A_487, %and3A_492 : vector<16xi32>
      %scatter3A_494 = arith.constant 16 : i32
      %scatter3A_495 = arith.constant 0 : i32
      %scatter3A_496 = tpu.memref_slice %arg15[%scatter3A_494, %scatter3A_495] : memref<64x128xf32, #tpu.memory_space<vmem>> -> memref<16x128xf32, #tpu.memory_space<vmem>>
      tpu.vector_store_idx %scatter3A_496[%shift_right_arithmetic3A_490, %and3A_493], %gather3A_481 : memref<16x128xf32, #tpu.memory_space<vmem>>[vector<16xi32>, vector<16xi32>], vector<16xf32>,
      %add3A_497 = arith.constant 10 : i32
      %add3A_498 = vector.broadcast %add3A_497 : i32 to vector<16xi32>
      %add3A_499 = arith.addi %get3A_270, %add3A_498 : vector<16xi32>
      %gather3A_500 = arith.constant 0 : i32
      %gather3A_501 = arith.constant 0 : i32
      %gather3A_502 = tpu.memref_slice %arg14[%scan3A_68, %gather3A_500, %gather3A_501] : memref<2x128x128xf32, #tpu.memory_space<vmem>> -> memref<1x128x128xf32, #tpu.memory_space<vmem>>
      %gather3A_503 = tpu.memref_squeeze %gather3A_502 : memref<1x128x128xf32, #tpu.memory_space<vmem>> -> memref<128x128xf32, #tpu.memory_space<vmem>>
      %gather3A_504 = tpu.vector_load_idx %gather3A_503[%add3A_265, %add3A_499] : memref<128x128xf32, #tpu.memory_space<vmem>>[vector<16xi32>, vector<16xi32>], vector<16xf32>,
      %mul3A_505 = arith.constant 16 : i32
      %mul3A_506 = vector.broadcast %mul3A_505 : i32 to vector<16xi32>
      %mul3A_507 = arith.muli %add3A_265, %mul3A_506 : vector<16xi32>
      %add3A_508 = arith.constant 10 : i32
      %add3A_509 = vector.broadcast %add3A_508 : i32 to vector<16xi32>
      %add3A_510 = arith.addi %mul3A_507, %add3A_509 : vector<16xi32>
      %shift_right_arithmetic3A_511 = arith.constant 7 : i32
      %shift_right_arithmetic3A_512 = vector.broadcast %shift_right_arithmetic3A_511 : i32 to vector<16xi32>
      %shift_right_arithmetic3A_513 = arith.shrsi %add3A_510, %shift_right_arithmetic3A_512 : vector<16xi32>
      %and3A_514 = arith.constant 127 : i32
      %and3A_515 = vector.broadcast %and3A_514 : i32 to vector<16xi32>
      %and3A_516 = arith.andi %add3A_510, %and3A_515 : vector<16xi32>
      %scatter3A_517 = arith.constant 16 : i32
      %scatter3A_518 = arith.constant 0 : i32
      %scatter3A_519 = tpu.memref_slice %arg15[%scatter3A_517, %scatter3A_518] : memref<64x128xf32, #tpu.memory_space<vmem>> -> memref<16x128xf32, #tpu.memory_space<vmem>>
      tpu.vector_store_idx %scatter3A_519[%shift_right_arithmetic3A_513, %and3A_516], %gather3A_504 : memref<16x128xf32, #tpu.memory_space<vmem>>[vector<16xi32>, vector<16xi32>], vector<16xf32>,
      %add3A_520 = arith.constant 11 : i32
      %add3A_521 = vector.broadcast %add3A_520 : i32 to vector<16xi32>
      %add3A_522 = arith.addi %get3A_270, %add3A_521 : vector<16xi32>
      %gather3A_523 = arith.constant 0 : i32
      %gather3A_524 = arith.constant 0 : i32
      %gather3A_525 = tpu.memref_slice %arg14[%scan3A_68, %gather3A_523, %gather3A_524] : memref<2x128x128xf32, #tpu.memory_space<vmem>> -> memref<1x128x128xf32, #tpu.memory_space<vmem>>
      %gather3A_526 = tpu.memref_squeeze %gather3A_525 : memref<1x128x128xf32, #tpu.memory_space<vmem>> -> memref<128x128xf32, #tpu.memory_space<vmem>>
      %gather3A_527 = tpu.vector_load_idx %gather3A_526[%add3A_265, %add3A_522] : memref<128x128xf32, #tpu.memory_space<vmem>>[vector<16xi32>, vector<16xi32>], vector<16xf32>,
      %mul3A_528 = arith.constant 16 : i32
      %mul3A_529 = vector.broadcast %mul3A_528 : i32 to vector<16xi32>
      %mul3A_530 = arith.muli %add3A_265, %mul3A_529 : vector<16xi32>
      %add3A_531 = arith.constant 11 : i32
      %add3A_532 = vector.broadcast %add3A_531 : i32 to vector<16xi32>
      %add3A_533 = arith.addi %mul3A_530, %add3A_532 : vector<16xi32>
      %shift_right_arithmetic3A_534 = arith.constant 7 : i32
      %shift_right_arithmetic3A_535 = vector.broadcast %shift_right_arithmetic3A_534 : i32 to vector<16xi32>
      %shift_right_arithmetic3A_536 = arith.shrsi %add3A_533, %shift_right_arithmetic3A_535 : vector<16xi32>
      %and3A_537 = arith.constant 127 : i32
      %and3A_538 = vector.broadcast %and3A_537 : i32 to vector<16xi32>
      %and3A_539 = arith.andi %add3A_533, %and3A_538 : vector<16xi32>
      %scatter3A_540 = arith.constant 16 : i32
      %scatter3A_541 = arith.constant 0 : i32
      %scatter3A_542 = tpu.memref_slice %arg15[%scatter3A_540, %scatter3A_541] : memref<64x128xf32, #tpu.memory_space<vmem>> -> memref<16x128xf32, #tpu.memory_space<vmem>>
      tpu.vector_store_idx %scatter3A_542[%shift_right_arithmetic3A_536, %and3A_539], %gather3A_527 : memref<16x128xf32, #tpu.memory_space<vmem>>[vector<16xi32>, vector<16xi32>], vector<16xf32>,
      %add3A_543 = arith.constant 12 : i32
      %add3A_544 = vector.broadcast %add3A_543 : i32 to vector<16xi32>
      %add3A_545 = arith.addi %get3A_270, %add3A_544 : vector<16xi32>
      %gather3A_546 = arith.constant 0 : i32
      %gather3A_547 = arith.constant 0 : i32
      %gather3A_548 = tpu.memref_slice %arg14[%scan3A_68, %gather3A_546, %gather3A_547] : memref<2x128x128xf32, #tpu.memory_space<vmem>> -> memref<1x128x128xf32, #tpu.memory_space<vmem>>
      %gather3A_549 = tpu.memref_squeeze %gather3A_548 : memref<1x128x128xf32, #tpu.memory_space<vmem>> -> memref<128x128xf32, #tpu.memory_space<vmem>>
      %gather3A_550 = tpu.vector_load_idx %gather3A_549[%add3A_265, %add3A_545] : memref<128x128xf32, #tpu.memory_space<vmem>>[vector<16xi32>, vector<16xi32>], vector<16xf32>,
      %mul3A_551 = arith.constant 16 : i32
      %mul3A_552 = vector.broadcast %mul3A_551 : i32 to vector<16xi32>
      %mul3A_553 = arith.muli %add3A_265, %mul3A_552 : vector<16xi32>
      %add3A_554 = arith.constant 12 : i32
      %add3A_555 = vector.broadcast %add3A_554 : i32 to vector<16xi32>
      %add3A_556 = arith.addi %mul3A_553, %add3A_555 : vector<16xi32>
      %shift_right_arithmetic3A_557 = arith.constant 7 : i32
      %shift_right_arithmetic3A_558 = vector.broadcast %shift_right_arithmetic3A_557 : i32 to vector<16xi32>
      %shift_right_arithmetic3A_559 = arith.shrsi %add3A_556, %shift_right_arithmetic3A_558 : vector<16xi32>
      %and3A_560 = arith.constant 127 : i32
      %and3A_561 = vector.broadcast %and3A_560 : i32 to vector<16xi32>
      %and3A_562 = arith.andi %add3A_556, %and3A_561 : vector<16xi32>
      %scatter3A_563 = arith.constant 16 : i32
      %scatter3A_564 = arith.constant 0 : i32
      %scatter3A_565 = tpu.memref_slice %arg15[%scatter3A_563, %scatter3A_564] : memref<64x128xf32, #tpu.memory_space<vmem>> -> memref<16x128xf32, #tpu.memory_space<vmem>>
      tpu.vector_store_idx %scatter3A_565[%shift_right_arithmetic3A_559, %and3A_562], %gather3A_550 : memref<16x128xf32, #tpu.memory_space<vmem>>[vector<16xi32>, vector<16xi32>], vector<16xf32>,
      %add3A_566 = arith.constant 13 : i32
      %add3A_567 = vector.broadcast %add3A_566 : i32 to vector<16xi32>
      %add3A_568 = arith.addi %get3A_270, %add3A_567 : vector<16xi32>
      %gather3A_569 = arith.constant 0 : i32
      %gather3A_570 = arith.constant 0 : i32
      %gather3A_571 = tpu.memref_slice %arg14[%scan3A_68, %gather3A_569, %gather3A_570] : memref<2x128x128xf32, #tpu.memory_space<vmem>> -> memref<1x128x128xf32, #tpu.memory_space<vmem>>
      %gather3A_572 = tpu.memref_squeeze %gather3A_571 : memref<1x128x128xf32, #tpu.memory_space<vmem>> -> memref<128x128xf32, #tpu.memory_space<vmem>>
      %gather3A_573 = tpu.vector_load_idx %gather3A_572[%add3A_265, %add3A_568] : memref<128x128xf32, #tpu.memory_space<vmem>>[vector<16xi32>, vector<16xi32>], vector<16xf32>,
      %mul3A_574 = arith.constant 16 : i32
      %mul3A_575 = vector.broadcast %mul3A_574 : i32 to vector<16xi32>
      %mul3A_576 = arith.muli %add3A_265, %mul3A_575 : vector<16xi32>
      %add3A_577 = arith.constant 13 : i32
      %add3A_578 = vector.broadcast %add3A_577 : i32 to vector<16xi32>
      %add3A_579 = arith.addi %mul3A_576, %add3A_578 : vector<16xi32>
      %shift_right_arithmetic3A_580 = arith.constant 7 : i32
      %shift_right_arithmetic3A_581 = vector.broadcast %shift_right_arithmetic3A_580 : i32 to vector<16xi32>
      %shift_right_arithmetic3A_582 = arith.shrsi %add3A_579, %shift_right_arithmetic3A_581 : vector<16xi32>
      %and3A_583 = arith.constant 127 : i32
      %and3A_584 = vector.broadcast %and3A_583 : i32 to vector<16xi32>
      %and3A_585 = arith.andi %add3A_579, %and3A_584 : vector<16xi32>
      %scatter3A_586 = arith.constant 16 : i32
      %scatter3A_587 = arith.constant 0 : i32
      %scatter3A_588 = tpu.memref_slice %arg15[%scatter3A_586, %scatter3A_587] : memref<64x128xf32, #tpu.memory_space<vmem>> -> memref<16x128xf32, #tpu.memory_space<vmem>>
      tpu.vector_store_idx %scatter3A_588[%shift_right_arithmetic3A_582, %and3A_585], %gather3A_573 : memref<16x128xf32, #tpu.memory_space<vmem>>[vector<16xi32>, vector<16xi32>], vector<16xf32>,
      %add3A_589 = arith.constant 14 : i32
      %add3A_590 = vector.broadcast %add3A_589 : i32 to vector<16xi32>
      %add3A_591 = arith.addi %get3A_270, %add3A_590 : vector<16xi32>
      %gather3A_592 = arith.constant 0 : i32
      %gather3A_593 = arith.constant 0 : i32
      %gather3A_594 = tpu.memref_slice %arg14[%scan3A_68, %gather3A_592, %gather3A_593] : memref<2x128x128xf32, #tpu.memory_space<vmem>> -> memref<1x128x128xf32, #tpu.memory_space<vmem>>
      %gather3A_595 = tpu.memref_squeeze %gather3A_594 : memref<1x128x128xf32, #tpu.memory_space<vmem>> -> memref<128x128xf32, #tpu.memory_space<vmem>>
      %gather3A_596 = tpu.vector_load_idx %gather3A_595[%add3A_265, %add3A_591] : memref<128x128xf32, #tpu.memory_space<vmem>>[vector<16xi32>, vector<16xi32>], vector<16xf32>,
      %mul3A_597 = arith.constant 16 : i32
      %mul3A_598 = vector.broadcast %mul3A_597 : i32 to vector<16xi32>
      %mul3A_599 = arith.muli %add3A_265, %mul3A_598 : vector<16xi32>
      %add3A_600 = arith.constant 14 : i32
      %add3A_601 = vector.broadcast %add3A_600 : i32 to vector<16xi32>
      %add3A_602 = arith.addi %mul3A_599, %add3A_601 : vector<16xi32>
      %shift_right_arithmetic3A_603 = arith.constant 7 : i32
      %shift_right_arithmetic3A_604 = vector.broadcast %shift_right_arithmetic3A_603 : i32 to vector<16xi32>
      %shift_right_arithmetic3A_605 = arith.shrsi %add3A_602, %shift_right_arithmetic3A_604 : vector<16xi32>
      %and3A_606 = arith.constant 127 : i32
      %and3A_607 = vector.broadcast %and3A_606 : i32 to vector<16xi32>
      %and3A_608 = arith.andi %add3A_602, %and3A_607 : vector<16xi32>
      %scatter3A_609 = arith.constant 16 : i32
      %scatter3A_610 = arith.constant 0 : i32
      %scatter3A_611 = tpu.memref_slice %arg15[%scatter3A_609, %scatter3A_610] : memref<64x128xf32, #tpu.memory_space<vmem>> -> memref<16x128xf32, #tpu.memory_space<vmem>>
      tpu.vector_store_idx %scatter3A_611[%shift_right_arithmetic3A_605, %and3A_608], %gather3A_596 : memref<16x128xf32, #tpu.memory_space<vmem>>[vector<16xi32>, vector<16xi32>], vector<16xf32>,
      %add3A_612 = arith.constant 15 : i32
      %add3A_613 = vector.broadcast %add3A_612 : i32 to vector<16xi32>
      %add3A_614 = arith.addi %get3A_270, %add3A_613 : vector<16xi32>
      %gather3A_615 = arith.constant 0 : i32
      %gather3A_616 = arith.constant 0 : i32
      %gather3A_617 = tpu.memref_slice %arg14[%scan3A_68, %gather3A_615, %gather3A_616] : memref<2x128x128xf32, #tpu.memory_space<vmem>> -> memref<1x128x128xf32, #tpu.memory_space<vmem>>
      %gather3A_618 = tpu.memref_squeeze %gather3A_617 : memref<1x128x128xf32, #tpu.memory_space<vmem>> -> memref<128x128xf32, #tpu.memory_space<vmem>>
      %gather3A_619 = tpu.vector_load_idx %gather3A_618[%add3A_265, %add3A_614] : memref<128x128xf32, #tpu.memory_space<vmem>>[vector<16xi32>, vector<16xi32>], vector<16xf32>,
      %mul3A_620 = arith.constant 16 : i32
      %mul3A_621 = vector.broadcast %mul3A_620 : i32 to vector<16xi32>
      %mul3A_622 = arith.muli %add3A_265, %mul3A_621 : vector<16xi32>
      %add3A_623 = arith.constant 15 : i32
      %add3A_624 = vector.broadcast %add3A_623 : i32 to vector<16xi32>
      %add3A_625 = arith.addi %mul3A_622, %add3A_624 : vector<16xi32>
      %shift_right_arithmetic3A_626 = arith.constant 7 : i32
      %shift_right_arithmetic3A_627 = vector.broadcast %shift_right_arithmetic3A_626 : i32 to vector<16xi32>
      %shift_right_arithmetic3A_628 = arith.shrsi %add3A_625, %shift_right_arithmetic3A_627 : vector<16xi32>
      %and3A_629 = arith.constant 127 : i32
      %and3A_630 = vector.broadcast %and3A_629 : i32 to vector<16xi32>
      %and3A_631 = arith.andi %add3A_625, %and3A_630 : vector<16xi32>
      %scatter3A_632 = arith.constant 16 : i32
      %scatter3A_633 = arith.constant 0 : i32
      %scatter3A_634 = tpu.memref_slice %arg15[%scatter3A_632, %scatter3A_633] : memref<64x128xf32, #tpu.memory_space<vmem>> -> memref<16x128xf32, #tpu.memory_space<vmem>>
      tpu.vector_store_idx %scatter3A_634[%shift_right_arithmetic3A_628, %and3A_631], %gather3A_619 : memref<16x128xf32, #tpu.memory_space<vmem>>[vector<16xi32>, vector<16xi32>], vector<16xf32>,
      %scan3A_635 = arith.constant 0 : i32
      scf.yield %scan3A_635 : i32
    }
    %scan3A_75 = arith.constant 8 : i32
    %dma_start3A_76 = arith.constant 3 : i32
    %dma_start3A_77 = arith.constant 1 : i32
    %dma_start3A_78 = arith.constant 0 : i32
    %dma_start3A_79 = arith.constant 0 : i32
    %dma_start3A_80 = tpu.memref_slice %arg14[%dma_start3A_77, %dma_start3A_78, %dma_start3A_79] : memref<2x128x128xf32, #tpu.memory_space<vmem>> -> memref<1x128x128xf32, #tpu.memory_space<vmem>>
    %dma_start3A_81 = tpu.memref_squeeze %dma_start3A_80 : memref<1x128x128xf32, #tpu.memory_space<vmem>> -> memref<128x128xf32, #tpu.memory_space<vmem>>
    %dma_start3A_82 = arith.constant 0 : i32
    %dma_start3A_83 = tpu.memref_slice %arg10[%dma_start3A_76, %dma_start3A_82] : memref<4x128xi32, #tpu.memory_space<vmem>> -> memref<1x128xi32, #tpu.memory_space<vmem>>
    %dma_start3A_84 = tpu.memref_squeeze %dma_start3A_83 : memref<1x128xi32, #tpu.memory_space<vmem>> -> memref<128xi32, #tpu.memory_space<vmem>>
    %dma_start3A_85 = arith.constant 0 : i32
    %dma_start3A_86 = arith.constant 0 : i32
    %dma_start3A_87 = tpu.memref_slice %arg6[%dma_start3A_85, %dma_start3A_86] : memref<125000x128xf32, #tpu.memory_space<hbm>> -> memref<125000x128xf32, #tpu.memory_space<hbm>>
    tpu.enqueue_indirect_dma source(%dma_start3A_87 : memref<125000x128xf32, #tpu.memory_space<hbm>>) target(%dma_start3A_81 : memref<128x128xf32, #tpu.memory_space<vmem>>) offsets(%dma_start3A_84 : memref<128xi32, #tpu.memory_space<vmem>>) semaphore(%arg18 : memref<!tpu.dma_semaphore, #tpu.memory_space<semaphore_mem>>)
    %dma_wait3A_88 = arith.constant 2 : i32
    %dma_wait3A_89 = arith.constant 0 : i32
    %dma_wait3A_90 = arith.constant 0 : i32
    %dma_wait3A_91 = arith.constant 0 : i32
    %dma_wait3A_92 = tpu.memref_slice %arg14[%dma_wait3A_89, %dma_wait3A_90, %dma_wait3A_91] : memref<2x128x128xf32, #tpu.memory_space<vmem>> -> memref<1x128x128xf32, #tpu.memory_space<vmem>>
    %dma_wait3A_93 = tpu.memref_squeeze %dma_wait3A_92 : memref<1x128x128xf32, #tpu.memory_space<vmem>> -> memref<128x128xf32, #tpu.memory_space<vmem>>
    %dma_wait3A_94 = arith.constant 0 : i32
    %dma_wait3A_95 = tpu.memref_slice %arg10[%dma_wait3A_88, %dma_wait3A_94] : memref<4x128xi32, #tpu.memory_space<vmem>> -> memref<1x128xi32, #tpu.memory_space<vmem>>
    %dma_wait3A_96 = tpu.memref_squeeze %dma_wait3A_95 : memref<1x128xi32, #tpu.memory_space<vmem>> -> memref<128xi32, #tpu.memory_space<vmem>>
    %dma_wait3A_97 = arith.constant 0 : i32
    %dma_wait3A_98 = arith.constant 0 : i32
    %dma_wait3A_99 = tpu.memref_slice %arg6[%dma_wait3A_97, %dma_wait3A_98] : memref<125000x128xf32, #tpu.memory_space<hbm>> -> memref<125000x128xf32, #tpu.memory_space<hbm>>
    tpu.wait_indirect_dma semaphore(%arg17 : memref<!tpu.dma_semaphore, #tpu.memory_space<semaphore_mem>>) src(%dma_wait3A_99 : memref<125000x128xf32, #tpu.memory_space<hbm>>) dst(%dma_wait3A_93 : memref<128x128xf32, #tpu.memory_space<vmem>>)
    %scan3A_100 = arith.constant 0 : i32
    %scan3A_101 = arith.constant 0 : i32
    %scan3A_102 = arith.constant 0 : i32
    %scan3A_103 = arith.constant 8 : i32
    %scan3A_104 = arith.addi %scan3A_102, %scan3A_103 : i32
    %scan3A_105 = arith.constant 1 : i32
    %scan3A_106 = scf.for %scan3A_260 = %scan3A_102 to %scan3A_104 step %scan3A_105 iter_args(%scan3A_261 = %scan3A_101) -> (i32)  : i32 {
      %mul3A_262 = arith.constant 16 : i32
      %mul3A_263 = arith.muli %scan3A_260, %mul3A_262 : i32
      %iota3A = tpu.iota {dimensions = array<i32: 0>} : vector<16xi32>
      %add3A_264 = vector.broadcast %mul3A_263 : i32 to vector<16xi32>
      %add3A_265 = arith.addi %add3A_264, %iota3A : vector<16xi32>
      %mul3A_266 = arith.constant 16 : i32
      %mul3A_267 = arith.muli %scan3A_260, %mul3A_266 : i32
      %get3A = arith.constant 2 : i32
      %get3A_268 = arith.index_cast %get3A : i32 to index
      %get3A_269 = arith.index_cast %mul3A_267 : i32 to index
      %get3A_270 = tpu.vector_load %arg12[%get3A_268, %get3A_269] {strides = array<i32>} : memref<4x128xi32, #tpu.memory_space<vmem>>, vector<16xi32>,
      %add3A_271 = arith.constant 0 : i32
      %add3A_272 = vector.broadcast %add3A_271 : i32 to vector<16xi32>
      %add3A_273 = arith.addi %get3A_270, %add3A_272 : vector<16xi32>
      %gather3A = arith.constant 0 : i32
      %gather3A_274 = arith.constant 0 : i32
      %gather3A_275 = tpu.memref_slice %arg14[%scan3A_100, %gather3A, %gather3A_274] : memref<2x128x128xf32, #tpu.memory_space<vmem>> -> memref<1x128x128xf32, #tpu.memory_space<vmem>>
      %gather3A_276 = tpu.memref_squeeze %gather3A_275 : memref<1x128x128xf32, #tpu.memory_space<vmem>> -> memref<128x128xf32, #tpu.memory_space<vmem>>
      %gather3A_277 = tpu.vector_load_idx %gather3A_276[%add3A_265, %add3A_273] : memref<128x128xf32, #tpu.memory_space<vmem>>[vector<16xi32>, vector<16xi32>], vector<16xf32>,
      %mul3A_278 = arith.constant 16 : i32
      %mul3A_279 = vector.broadcast %mul3A_278 : i32 to vector<16xi32>
      %mul3A_280 = arith.muli %add3A_265, %mul3A_279 : vector<16xi32>
      %add3A_281 = arith.constant 0 : i32
      %add3A_282 = vector.broadcast %add3A_281 : i32 to vector<16xi32>
      %add3A_283 = arith.addi %mul3A_280, %add3A_282 : vector<16xi32>
      %shift_right_arithmetic3A = arith.constant 7 : i32
      %shift_right_arithmetic3A_284 = vector.broadcast %shift_right_arithmetic3A : i32 to vector<16xi32>
      %shift_right_arithmetic3A_285 = arith.shrsi %add3A_283, %shift_right_arithmetic3A_284 : vector<16xi32>
      %and3A = arith.constant 127 : i32
      %and3A_286 = vector.broadcast %and3A : i32 to vector<16xi32>
      %and3A_287 = arith.andi %add3A_283, %and3A_286 : vector<16xi32>
      %scatter3A = arith.constant 32 : i32
      %scatter3A_288 = arith.constant 0 : i32
      %scatter3A_289 = tpu.memref_slice %arg15[%scatter3A, %scatter3A_288] : memref<64x128xf32, #tpu.memory_space<vmem>> -> memref<16x128xf32, #tpu.memory_space<vmem>>
      tpu.vector_store_idx %scatter3A_289[%shift_right_arithmetic3A_285, %and3A_287], %gather3A_277 : memref<16x128xf32, #tpu.memory_space<vmem>>[vector<16xi32>, vector<16xi32>], vector<16xf32>,
      %add3A_290 = arith.constant 1 : i32
      %add3A_291 = vector.broadcast %add3A_290 : i32 to vector<16xi32>
      %add3A_292 = arith.addi %get3A_270, %add3A_291 : vector<16xi32>
      %gather3A_293 = arith.constant 0 : i32
      %gather3A_294 = arith.constant 0 : i32
      %gather3A_295 = tpu.memref_slice %arg14[%scan3A_100, %gather3A_293, %gather3A_294] : memref<2x128x128xf32, #tpu.memory_space<vmem>> -> memref<1x128x128xf32, #tpu.memory_space<vmem>>
      %gather3A_296 = tpu.memref_squeeze %gather3A_295 : memref<1x128x128xf32, #tpu.memory_space<vmem>> -> memref<128x128xf32, #tpu.memory_space<vmem>>
      %gather3A_297 = tpu.vector_load_idx %gather3A_296[%add3A_265, %add3A_292] : memref<128x128xf32, #tpu.memory_space<vmem>>[vector<16xi32>, vector<16xi32>], vector<16xf32>,
      %mul3A_298 = arith.constant 16 : i32
      %mul3A_299 = vector.broadcast %mul3A_298 : i32 to vector<16xi32>
      %mul3A_300 = arith.muli %add3A_265, %mul3A_299 : vector<16xi32>
      %add3A_301 = arith.constant 1 : i32
      %add3A_302 = vector.broadcast %add3A_301 : i32 to vector<16xi32>
      %add3A_303 = arith.addi %mul3A_300, %add3A_302 : vector<16xi32>
      %shift_right_arithmetic3A_304 = arith.constant 7 : i32
      %shift_right_arithmetic3A_305 = vector.broadcast %shift_right_arithmetic3A_304 : i32 to vector<16xi32>
      %shift_right_arithmetic3A_306 = arith.shrsi %add3A_303, %shift_right_arithmetic3A_305 : vector<16xi32>
      %and3A_307 = arith.constant 127 : i32
      %and3A_308 = vector.broadcast %and3A_307 : i32 to vector<16xi32>
      %and3A_309 = arith.andi %add3A_303, %and3A_308 : vector<16xi32>
      %scatter3A_310 = arith.constant 32 : i32
      %scatter3A_311 = arith.constant 0 : i32
      %scatter3A_312 = tpu.memref_slice %arg15[%scatter3A_310, %scatter3A_311] : memref<64x128xf32, #tpu.memory_space<vmem>> -> memref<16x128xf32, #tpu.memory_space<vmem>>
      tpu.vector_store_idx %scatter3A_312[%shift_right_arithmetic3A_306, %and3A_309], %gather3A_297 : memref<16x128xf32, #tpu.memory_space<vmem>>[vector<16xi32>, vector<16xi32>], vector<16xf32>,
      %add3A_313 = arith.constant 2 : i32
      %add3A_314 = vector.broadcast %add3A_313 : i32 to vector<16xi32>
      %add3A_315 = arith.addi %get3A_270, %add3A_314 : vector<16xi32>
      %gather3A_316 = arith.constant 0 : i32
      %gather3A_317 = arith.constant 0 : i32
      %gather3A_318 = tpu.memref_slice %arg14[%scan3A_100, %gather3A_316, %gather3A_317] : memref<2x128x128xf32, #tpu.memory_space<vmem>> -> memref<1x128x128xf32, #tpu.memory_space<vmem>>
      %gather3A_319 = tpu.memref_squeeze %gather3A_318 : memref<1x128x128xf32, #tpu.memory_space<vmem>> -> memref<128x128xf32, #tpu.memory_space<vmem>>
      %gather3A_320 = tpu.vector_load_idx %gather3A_319[%add3A_265, %add3A_315] : memref<128x128xf32, #tpu.memory_space<vmem>>[vector<16xi32>, vector<16xi32>], vector<16xf32>,
      %mul3A_321 = arith.constant 16 : i32
      %mul3A_322 = vector.broadcast %mul3A_321 : i32 to vector<16xi32>
      %mul3A_323 = arith.muli %add3A_265, %mul3A_322 : vector<16xi32>
      %add3A_324 = arith.constant 2 : i32
      %add3A_325 = vector.broadcast %add3A_324 : i32 to vector<16xi32>
      %add3A_326 = arith.addi %mul3A_323, %add3A_325 : vector<16xi32>
      %shift_right_arithmetic3A_327 = arith.constant 7 : i32
      %shift_right_arithmetic3A_328 = vector.broadcast %shift_right_arithmetic3A_327 : i32 to vector<16xi32>
      %shift_right_arithmetic3A_329 = arith.shrsi %add3A_326, %shift_right_arithmetic3A_328 : vector<16xi32>
      %and3A_330 = arith.constant 127 : i32
      %and3A_331 = vector.broadcast %and3A_330 : i32 to vector<16xi32>
      %and3A_332 = arith.andi %add3A_326, %and3A_331 : vector<16xi32>
      %scatter3A_333 = arith.constant 32 : i32
      %scatter3A_334 = arith.constant 0 : i32
      %scatter3A_335 = tpu.memref_slice %arg15[%scatter3A_333, %scatter3A_334] : memref<64x128xf32, #tpu.memory_space<vmem>> -> memref<16x128xf32, #tpu.memory_space<vmem>>
      tpu.vector_store_idx %scatter3A_335[%shift_right_arithmetic3A_329, %and3A_332], %gather3A_320 : memref<16x128xf32, #tpu.memory_space<vmem>>[vector<16xi32>, vector<16xi32>], vector<16xf32>,
      %add3A_336 = arith.constant 3 : i32
      %add3A_337 = vector.broadcast %add3A_336 : i32 to vector<16xi32>
      %add3A_338 = arith.addi %get3A_270, %add3A_337 : vector<16xi32>
      %gather3A_339 = arith.constant 0 : i32
      %gather3A_340 = arith.constant 0 : i32
      %gather3A_341 = tpu.memref_slice %arg14[%scan3A_100, %gather3A_339, %gather3A_340] : memref<2x128x128xf32, #tpu.memory_space<vmem>> -> memref<1x128x128xf32, #tpu.memory_space<vmem>>
      %gather3A_342 = tpu.memref_squeeze %gather3A_341 : memref<1x128x128xf32, #tpu.memory_space<vmem>> -> memref<128x128xf32, #tpu.memory_space<vmem>>
      %gather3A_343 = tpu.vector_load_idx %gather3A_342[%add3A_265, %add3A_338] : memref<128x128xf32, #tpu.memory_space<vmem>>[vector<16xi32>, vector<16xi32>], vector<16xf32>,
      %mul3A_344 = arith.constant 16 : i32
      %mul3A_345 = vector.broadcast %mul3A_344 : i32 to vector<16xi32>
      %mul3A_346 = arith.muli %add3A_265, %mul3A_345 : vector<16xi32>
      %add3A_347 = arith.constant 3 : i32
      %add3A_348 = vector.broadcast %add3A_347 : i32 to vector<16xi32>
      %add3A_349 = arith.addi %mul3A_346, %add3A_348 : vector<16xi32>
      %shift_right_arithmetic3A_350 = arith.constant 7 : i32
      %shift_right_arithmetic3A_351 = vector.broadcast %shift_right_arithmetic3A_350 : i32 to vector<16xi32>
      %shift_right_arithmetic3A_352 = arith.shrsi %add3A_349, %shift_right_arithmetic3A_351 : vector<16xi32>
      %and3A_353 = arith.constant 127 : i32
      %and3A_354 = vector.broadcast %and3A_353 : i32 to vector<16xi32>
      %and3A_355 = arith.andi %add3A_349, %and3A_354 : vector<16xi32>
      %scatter3A_356 = arith.constant 32 : i32
      %scatter3A_357 = arith.constant 0 : i32
      %scatter3A_358 = tpu.memref_slice %arg15[%scatter3A_356, %scatter3A_357] : memref<64x128xf32, #tpu.memory_space<vmem>> -> memref<16x128xf32, #tpu.memory_space<vmem>>
      tpu.vector_store_idx %scatter3A_358[%shift_right_arithmetic3A_352, %and3A_355], %gather3A_343 : memref<16x128xf32, #tpu.memory_space<vmem>>[vector<16xi32>, vector<16xi32>], vector<16xf32>,
      %add3A_359 = arith.constant 4 : i32
      %add3A_360 = vector.broadcast %add3A_359 : i32 to vector<16xi32>
      %add3A_361 = arith.addi %get3A_270, %add3A_360 : vector<16xi32>
      %gather3A_362 = arith.constant 0 : i32
      %gather3A_363 = arith.constant 0 : i32
      %gather3A_364 = tpu.memref_slice %arg14[%scan3A_100, %gather3A_362, %gather3A_363] : memref<2x128x128xf32, #tpu.memory_space<vmem>> -> memref<1x128x128xf32, #tpu.memory_space<vmem>>
      %gather3A_365 = tpu.memref_squeeze %gather3A_364 : memref<1x128x128xf32, #tpu.memory_space<vmem>> -> memref<128x128xf32, #tpu.memory_space<vmem>>
      %gather3A_366 = tpu.vector_load_idx %gather3A_365[%add3A_265, %add3A_361] : memref<128x128xf32, #tpu.memory_space<vmem>>[vector<16xi32>, vector<16xi32>], vector<16xf32>,
      %mul3A_367 = arith.constant 16 : i32
      %mul3A_368 = vector.broadcast %mul3A_367 : i32 to vector<16xi32>
      %mul3A_369 = arith.muli %add3A_265, %mul3A_368 : vector<16xi32>
      %add3A_370 = arith.constant 4 : i32
      %add3A_371 = vector.broadcast %add3A_370 : i32 to vector<16xi32>
      %add3A_372 = arith.addi %mul3A_369, %add3A_371 : vector<16xi32>
      %shift_right_arithmetic3A_373 = arith.constant 7 : i32
      %shift_right_arithmetic3A_374 = vector.broadcast %shift_right_arithmetic3A_373 : i32 to vector<16xi32>
      %shift_right_arithmetic3A_375 = arith.shrsi %add3A_372, %shift_right_arithmetic3A_374 : vector<16xi32>
      %and3A_376 = arith.constant 127 : i32
      %and3A_377 = vector.broadcast %and3A_376 : i32 to vector<16xi32>
      %and3A_378 = arith.andi %add3A_372, %and3A_377 : vector<16xi32>
      %scatter3A_379 = arith.constant 32 : i32
      %scatter3A_380 = arith.constant 0 : i32
      %scatter3A_381 = tpu.memref_slice %arg15[%scatter3A_379, %scatter3A_380] : memref<64x128xf32, #tpu.memory_space<vmem>> -> memref<16x128xf32, #tpu.memory_space<vmem>>
      tpu.vector_store_idx %scatter3A_381[%shift_right_arithmetic3A_375, %and3A_378], %gather3A_366 : memref<16x128xf32, #tpu.memory_space<vmem>>[vector<16xi32>, vector<16xi32>], vector<16xf32>,
      %add3A_382 = arith.constant 5 : i32
      %add3A_383 = vector.broadcast %add3A_382 : i32 to vector<16xi32>
      %add3A_384 = arith.addi %get3A_270, %add3A_383 : vector<16xi32>
      %gather3A_385 = arith.constant 0 : i32
      %gather3A_386 = arith.constant 0 : i32
      %gather3A_387 = tpu.memref_slice %arg14[%scan3A_100, %gather3A_385, %gather3A_386] : memref<2x128x128xf32, #tpu.memory_space<vmem>> -> memref<1x128x128xf32, #tpu.memory_space<vmem>>
      %gather3A_388 = tpu.memref_squeeze %gather3A_387 : memref<1x128x128xf32, #tpu.memory_space<vmem>> -> memref<128x128xf32, #tpu.memory_space<vmem>>
      %gather3A_389 = tpu.vector_load_idx %gather3A_388[%add3A_265, %add3A_384] : memref<128x128xf32, #tpu.memory_space<vmem>>[vector<16xi32>, vector<16xi32>], vector<16xf32>,
      %mul3A_390 = arith.constant 16 : i32
      %mul3A_391 = vector.broadcast %mul3A_390 : i32 to vector<16xi32>
      %mul3A_392 = arith.muli %add3A_265, %mul3A_391 : vector<16xi32>
      %add3A_393 = arith.constant 5 : i32
      %add3A_394 = vector.broadcast %add3A_393 : i32 to vector<16xi32>
      %add3A_395 = arith.addi %mul3A_392, %add3A_394 : vector<16xi32>
      %shift_right_arithmetic3A_396 = arith.constant 7 : i32
      %shift_right_arithmetic3A_397 = vector.broadcast %shift_right_arithmetic3A_396 : i32 to vector<16xi32>
      %shift_right_arithmetic3A_398 = arith.shrsi %add3A_395, %shift_right_arithmetic3A_397 : vector<16xi32>
      %and3A_399 = arith.constant 127 : i32
      %and3A_400 = vector.broadcast %and3A_399 : i32 to vector<16xi32>
      %and3A_401 = arith.andi %add3A_395, %and3A_400 : vector<16xi32>
      %scatter3A_402 = arith.constant 32 : i32
      %scatter3A_403 = arith.constant 0 : i32
      %scatter3A_404 = tpu.memref_slice %arg15[%scatter3A_402, %scatter3A_403] : memref<64x128xf32, #tpu.memory_space<vmem>> -> memref<16x128xf32, #tpu.memory_space<vmem>>
      tpu.vector_store_idx %scatter3A_404[%shift_right_arithmetic3A_398, %and3A_401], %gather3A_389 : memref<16x128xf32, #tpu.memory_space<vmem>>[vector<16xi32>, vector<16xi32>], vector<16xf32>,
      %add3A_405 = arith.constant 6 : i32
      %add3A_406 = vector.broadcast %add3A_405 : i32 to vector<16xi32>
      %add3A_407 = arith.addi %get3A_270, %add3A_406 : vector<16xi32>
      %gather3A_408 = arith.constant 0 : i32
      %gather3A_409 = arith.constant 0 : i32
      %gather3A_410 = tpu.memref_slice %arg14[%scan3A_100, %gather3A_408, %gather3A_409] : memref<2x128x128xf32, #tpu.memory_space<vmem>> -> memref<1x128x128xf32, #tpu.memory_space<vmem>>
      %gather3A_411 = tpu.memref_squeeze %gather3A_410 : memref<1x128x128xf32, #tpu.memory_space<vmem>> -> memref<128x128xf32, #tpu.memory_space<vmem>>
      %gather3A_412 = tpu.vector_load_idx %gather3A_411[%add3A_265, %add3A_407] : memref<128x128xf32, #tpu.memory_space<vmem>>[vector<16xi32>, vector<16xi32>], vector<16xf32>,
      %mul3A_413 = arith.constant 16 : i32
      %mul3A_414 = vector.broadcast %mul3A_413 : i32 to vector<16xi32>
      %mul3A_415 = arith.muli %add3A_265, %mul3A_414 : vector<16xi32>
      %add3A_416 = arith.constant 6 : i32
      %add3A_417 = vector.broadcast %add3A_416 : i32 to vector<16xi32>
      %add3A_418 = arith.addi %mul3A_415, %add3A_417 : vector<16xi32>
      %shift_right_arithmetic3A_419 = arith.constant 7 : i32
      %shift_right_arithmetic3A_420 = vector.broadcast %shift_right_arithmetic3A_419 : i32 to vector<16xi32>
      %shift_right_arithmetic3A_421 = arith.shrsi %add3A_418, %shift_right_arithmetic3A_420 : vector<16xi32>
      %and3A_422 = arith.constant 127 : i32
      %and3A_423 = vector.broadcast %and3A_422 : i32 to vector<16xi32>
      %and3A_424 = arith.andi %add3A_418, %and3A_423 : vector<16xi32>
      %scatter3A_425 = arith.constant 32 : i32
      %scatter3A_426 = arith.constant 0 : i32
      %scatter3A_427 = tpu.memref_slice %arg15[%scatter3A_425, %scatter3A_426] : memref<64x128xf32, #tpu.memory_space<vmem>> -> memref<16x128xf32, #tpu.memory_space<vmem>>
      tpu.vector_store_idx %scatter3A_427[%shift_right_arithmetic3A_421, %and3A_424], %gather3A_412 : memref<16x128xf32, #tpu.memory_space<vmem>>[vector<16xi32>, vector<16xi32>], vector<16xf32>,
      %add3A_428 = arith.constant 7 : i32
      %add3A_429 = vector.broadcast %add3A_428 : i32 to vector<16xi32>
      %add3A_430 = arith.addi %get3A_270, %add3A_429 : vector<16xi32>
      %gather3A_431 = arith.constant 0 : i32
      %gather3A_432 = arith.constant 0 : i32
      %gather3A_433 = tpu.memref_slice %arg14[%scan3A_100, %gather3A_431, %gather3A_432] : memref<2x128x128xf32, #tpu.memory_space<vmem>> -> memref<1x128x128xf32, #tpu.memory_space<vmem>>
      %gather3A_434 = tpu.memref_squeeze %gather3A_433 : memref<1x128x128xf32, #tpu.memory_space<vmem>> -> memref<128x128xf32, #tpu.memory_space<vmem>>
      %gather3A_435 = tpu.vector_load_idx %gather3A_434[%add3A_265, %add3A_430] : memref<128x128xf32, #tpu.memory_space<vmem>>[vector<16xi32>, vector<16xi32>], vector<16xf32>,
      %mul3A_436 = arith.constant 16 : i32
      %mul3A_437 = vector.broadcast %mul3A_436 : i32 to vector<16xi32>
      %mul3A_438 = arith.muli %add3A_265, %mul3A_437 : vector<16xi32>
      %add3A_439 = arith.constant 7 : i32
      %add3A_440 = vector.broadcast %add3A_439 : i32 to vector<16xi32>
      %add3A_441 = arith.addi %mul3A_438, %add3A_440 : vector<16xi32>
      %shift_right_arithmetic3A_442 = arith.constant 7 : i32
      %shift_right_arithmetic3A_443 = vector.broadcast %shift_right_arithmetic3A_442 : i32 to vector<16xi32>
      %shift_right_arithmetic3A_444 = arith.shrsi %add3A_441, %shift_right_arithmetic3A_443 : vector<16xi32>
      %and3A_445 = arith.constant 127 : i32
      %and3A_446 = vector.broadcast %and3A_445 : i32 to vector<16xi32>
      %and3A_447 = arith.andi %add3A_441, %and3A_446 : vector<16xi32>
      %scatter3A_448 = arith.constant 32 : i32
      %scatter3A_449 = arith.constant 0 : i32
      %scatter3A_450 = tpu.memref_slice %arg15[%scatter3A_448, %scatter3A_449] : memref<64x128xf32, #tpu.memory_space<vmem>> -> memref<16x128xf32, #tpu.memory_space<vmem>>
      tpu.vector_store_idx %scatter3A_450[%shift_right_arithmetic3A_444, %and3A_447], %gather3A_435 : memref<16x128xf32, #tpu.memory_space<vmem>>[vector<16xi32>, vector<16xi32>], vector<16xf32>,
      %add3A_451 = arith.constant 8 : i32
      %add3A_452 = vector.broadcast %add3A_451 : i32 to vector<16xi32>
      %add3A_453 = arith.addi %get3A_270, %add3A_452 : vector<16xi32>
      %gather3A_454 = arith.constant 0 : i32
      %gather3A_455 = arith.constant 0 : i32
      %gather3A_456 = tpu.memref_slice %arg14[%scan3A_100, %gather3A_454, %gather3A_455] : memref<2x128x128xf32, #tpu.memory_space<vmem>> -> memref<1x128x128xf32, #tpu.memory_space<vmem>>
      %gather3A_457 = tpu.memref_squeeze %gather3A_456 : memref<1x128x128xf32, #tpu.memory_space<vmem>> -> memref<128x128xf32, #tpu.memory_space<vmem>>
      %gather3A_458 = tpu.vector_load_idx %gather3A_457[%add3A_265, %add3A_453] : memref<128x128xf32, #tpu.memory_space<vmem>>[vector<16xi32>, vector<16xi32>], vector<16xf32>,
      %mul3A_459 = arith.constant 16 : i32
      %mul3A_460 = vector.broadcast %mul3A_459 : i32 to vector<16xi32>
      %mul3A_461 = arith.muli %add3A_265, %mul3A_460 : vector<16xi32>
      %add3A_462 = arith.constant 8 : i32
      %add3A_463 = vector.broadcast %add3A_462 : i32 to vector<16xi32>
      %add3A_464 = arith.addi %mul3A_461, %add3A_463 : vector<16xi32>
      %shift_right_arithmetic3A_465 = arith.constant 7 : i32
      %shift_right_arithmetic3A_466 = vector.broadcast %shift_right_arithmetic3A_465 : i32 to vector<16xi32>
      %shift_right_arithmetic3A_467 = arith.shrsi %add3A_464, %shift_right_arithmetic3A_466 : vector<16xi32>
      %and3A_468 = arith.constant 127 : i32
      %and3A_469 = vector.broadcast %and3A_468 : i32 to vector<16xi32>
      %and3A_470 = arith.andi %add3A_464, %and3A_469 : vector<16xi32>
      %scatter3A_471 = arith.constant 32 : i32
      %scatter3A_472 = arith.constant 0 : i32
      %scatter3A_473 = tpu.memref_slice %arg15[%scatter3A_471, %scatter3A_472] : memref<64x128xf32, #tpu.memory_space<vmem>> -> memref<16x128xf32, #tpu.memory_space<vmem>>
      tpu.vector_store_idx %scatter3A_473[%shift_right_arithmetic3A_467, %and3A_470], %gather3A_458 : memref<16x128xf32, #tpu.memory_space<vmem>>[vector<16xi32>, vector<16xi32>], vector<16xf32>,
      %add3A_474 = arith.constant 9 : i32
      %add3A_475 = vector.broadcast %add3A_474 : i32 to vector<16xi32>
      %add3A_476 = arith.addi %get3A_270, %add3A_475 : vector<16xi32>
      %gather3A_477 = arith.constant 0 : i32
      %gather3A_478 = arith.constant 0 : i32
      %gather3A_479 = tpu.memref_slice %arg14[%scan3A_100, %gather3A_477, %gather3A_478] : memref<2x128x128xf32, #tpu.memory_space<vmem>> -> memref<1x128x128xf32, #tpu.memory_space<vmem>>
      %gather3A_480 = tpu.memref_squeeze %gather3A_479 : memref<1x128x128xf32, #tpu.memory_space<vmem>> -> memref<128x128xf32, #tpu.memory_space<vmem>>
      %gather3A_481 = tpu.vector_load_idx %gather3A_480[%add3A_265, %add3A_476] : memref<128x128xf32, #tpu.memory_space<vmem>>[vector<16xi32>, vector<16xi32>], vector<16xf32>,
      %mul3A_482 = arith.constant 16 : i32
      %mul3A_483 = vector.broadcast %mul3A_482 : i32 to vector<16xi32>
      %mul3A_484 = arith.muli %add3A_265, %mul3A_483 : vector<16xi32>
      %add3A_485 = arith.constant 9 : i32
      %add3A_486 = vector.broadcast %add3A_485 : i32 to vector<16xi32>
      %add3A_487 = arith.addi %mul3A_484, %add3A_486 : vector<16xi32>
      %shift_right_arithmetic3A_488 = arith.constant 7 : i32
      %shift_right_arithmetic3A_489 = vector.broadcast %shift_right_arithmetic3A_488 : i32 to vector<16xi32>
      %shift_right_arithmetic3A_490 = arith.shrsi %add3A_487, %shift_right_arithmetic3A_489 : vector<16xi32>
      %and3A_491 = arith.constant 127 : i32
      %and3A_492 = vector.broadcast %and3A_491 : i32 to vector<16xi32>
      %and3A_493 = arith.andi %add3A_487, %and3A_492 : vector<16xi32>
      %scatter3A_494 = arith.constant 32 : i32
      %scatter3A_495 = arith.constant 0 : i32
      %scatter3A_496 = tpu.memref_slice %arg15[%scatter3A_494, %scatter3A_495] : memref<64x128xf32, #tpu.memory_space<vmem>> -> memref<16x128xf32, #tpu.memory_space<vmem>>
      tpu.vector_store_idx %scatter3A_496[%shift_right_arithmetic3A_490, %and3A_493], %gather3A_481 : memref<16x128xf32, #tpu.memory_space<vmem>>[vector<16xi32>, vector<16xi32>], vector<16xf32>,
      %add3A_497 = arith.constant 10 : i32
      %add3A_498 = vector.broadcast %add3A_497 : i32 to vector<16xi32>
      %add3A_499 = arith.addi %get3A_270, %add3A_498 : vector<16xi32>
      %gather3A_500 = arith.constant 0 : i32
      %gather3A_501 = arith.constant 0 : i32
      %gather3A_502 = tpu.memref_slice %arg14[%scan3A_100, %gather3A_500, %gather3A_501] : memref<2x128x128xf32, #tpu.memory_space<vmem>> -> memref<1x128x128xf32, #tpu.memory_space<vmem>>
      %gather3A_503 = tpu.memref_squeeze %gather3A_502 : memref<1x128x128xf32, #tpu.memory_space<vmem>> -> memref<128x128xf32, #tpu.memory_space<vmem>>
      %gather3A_504 = tpu.vector_load_idx %gather3A_503[%add3A_265, %add3A_499] : memref<128x128xf32, #tpu.memory_space<vmem>>[vector<16xi32>, vector<16xi32>], vector<16xf32>,
      %mul3A_505 = arith.constant 16 : i32
      %mul3A_506 = vector.broadcast %mul3A_505 : i32 to vector<16xi32>
      %mul3A_507 = arith.muli %add3A_265, %mul3A_506 : vector<16xi32>
      %add3A_508 = arith.constant 10 : i32
      %add3A_509 = vector.broadcast %add3A_508 : i32 to vector<16xi32>
      %add3A_510 = arith.addi %mul3A_507, %add3A_509 : vector<16xi32>
      %shift_right_arithmetic3A_511 = arith.constant 7 : i32
      %shift_right_arithmetic3A_512 = vector.broadcast %shift_right_arithmetic3A_511 : i32 to vector<16xi32>
      %shift_right_arithmetic3A_513 = arith.shrsi %add3A_510, %shift_right_arithmetic3A_512 : vector<16xi32>
      %and3A_514 = arith.constant 127 : i32
      %and3A_515 = vector.broadcast %and3A_514 : i32 to vector<16xi32>
      %and3A_516 = arith.andi %add3A_510, %and3A_515 : vector<16xi32>
      %scatter3A_517 = arith.constant 32 : i32
      %scatter3A_518 = arith.constant 0 : i32
      %scatter3A_519 = tpu.memref_slice %arg15[%scatter3A_517, %scatter3A_518] : memref<64x128xf32, #tpu.memory_space<vmem>> -> memref<16x128xf32, #tpu.memory_space<vmem>>
      tpu.vector_store_idx %scatter3A_519[%shift_right_arithmetic3A_513, %and3A_516], %gather3A_504 : memref<16x128xf32, #tpu.memory_space<vmem>>[vector<16xi32>, vector<16xi32>], vector<16xf32>,
      %add3A_520 = arith.constant 11 : i32
      %add3A_521 = vector.broadcast %add3A_520 : i32 to vector<16xi32>
      %add3A_522 = arith.addi %get3A_270, %add3A_521 : vector<16xi32>
      %gather3A_523 = arith.constant 0 : i32
      %gather3A_524 = arith.constant 0 : i32
      %gather3A_525 = tpu.memref_slice %arg14[%scan3A_100, %gather3A_523, %gather3A_524] : memref<2x128x128xf32, #tpu.memory_space<vmem>> -> memref<1x128x128xf32, #tpu.memory_space<vmem>>
      %gather3A_526 = tpu.memref_squeeze %gather3A_525 : memref<1x128x128xf32, #tpu.memory_space<vmem>> -> memref<128x128xf32, #tpu.memory_space<vmem>>
      %gather3A_527 = tpu.vector_load_idx %gather3A_526[%add3A_265, %add3A_522] : memref<128x128xf32, #tpu.memory_space<vmem>>[vector<16xi32>, vector<16xi32>], vector<16xf32>,
      %mul3A_528 = arith.constant 16 : i32
      %mul3A_529 = vector.broadcast %mul3A_528 : i32 to vector<16xi32>
      %mul3A_530 = arith.muli %add3A_265, %mul3A_529 : vector<16xi32>
      %add3A_531 = arith.constant 11 : i32
      %add3A_532 = vector.broadcast %add3A_531 : i32 to vector<16xi32>
      %add3A_533 = arith.addi %mul3A_530, %add3A_532 : vector<16xi32>
      %shift_right_arithmetic3A_534 = arith.constant 7 : i32
      %shift_right_arithmetic3A_535 = vector.broadcast %shift_right_arithmetic3A_534 : i32 to vector<16xi32>
      %shift_right_arithmetic3A_536 = arith.shrsi %add3A_533, %shift_right_arithmetic3A_535 : vector<16xi32>
      %and3A_537 = arith.constant 127 : i32
      %and3A_538 = vector.broadcast %and3A_537 : i32 to vector<16xi32>
      %and3A_539 = arith.andi %add3A_533, %and3A_538 : vector<16xi32>
      %scatter3A_540 = arith.constant 32 : i32
      %scatter3A_541 = arith.constant 0 : i32
      %scatter3A_542 = tpu.memref_slice %arg15[%scatter3A_540, %scatter3A_541] : memref<64x128xf32, #tpu.memory_space<vmem>> -> memref<16x128xf32, #tpu.memory_space<vmem>>
      tpu.vector_store_idx %scatter3A_542[%shift_right_arithmetic3A_536, %and3A_539], %gather3A_527 : memref<16x128xf32, #tpu.memory_space<vmem>>[vector<16xi32>, vector<16xi32>], vector<16xf32>,
      %add3A_543 = arith.constant 12 : i32
      %add3A_544 = vector.broadcast %add3A_543 : i32 to vector<16xi32>
      %add3A_545 = arith.addi %get3A_270, %add3A_544 : vector<16xi32>
      %gather3A_546 = arith.constant 0 : i32
      %gather3A_547 = arith.constant 0 : i32
      %gather3A_548 = tpu.memref_slice %arg14[%scan3A_100, %gather3A_546, %gather3A_547] : memref<2x128x128xf32, #tpu.memory_space<vmem>> -> memref<1x128x128xf32, #tpu.memory_space<vmem>>
      %gather3A_549 = tpu.memref_squeeze %gather3A_548 : memref<1x128x128xf32, #tpu.memory_space<vmem>> -> memref<128x128xf32, #tpu.memory_space<vmem>>
      %gather3A_550 = tpu.vector_load_idx %gather3A_549[%add3A_265, %add3A_545] : memref<128x128xf32, #tpu.memory_space<vmem>>[vector<16xi32>, vector<16xi32>], vector<16xf32>,
      %mul3A_551 = arith.constant 16 : i32
      %mul3A_552 = vector.broadcast %mul3A_551 : i32 to vector<16xi32>
      %mul3A_553 = arith.muli %add3A_265, %mul3A_552 : vector<16xi32>
      %add3A_554 = arith.constant 12 : i32
      %add3A_555 = vector.broadcast %add3A_554 : i32 to vector<16xi32>
      %add3A_556 = arith.addi %mul3A_553, %add3A_555 : vector<16xi32>
      %shift_right_arithmetic3A_557 = arith.constant 7 : i32
      %shift_right_arithmetic3A_558 = vector.broadcast %shift_right_arithmetic3A_557 : i32 to vector<16xi32>
      %shift_right_arithmetic3A_559 = arith.shrsi %add3A_556, %shift_right_arithmetic3A_558 : vector<16xi32>
      %and3A_560 = arith.constant 127 : i32
      %and3A_561 = vector.broadcast %and3A_560 : i32 to vector<16xi32>
      %and3A_562 = arith.andi %add3A_556, %and3A_561 : vector<16xi32>
      %scatter3A_563 = arith.constant 32 : i32
      %scatter3A_564 = arith.constant 0 : i32
      %scatter3A_565 = tpu.memref_slice %arg15[%scatter3A_563, %scatter3A_564] : memref<64x128xf32, #tpu.memory_space<vmem>> -> memref<16x128xf32, #tpu.memory_space<vmem>>
      tpu.vector_store_idx %scatter3A_565[%shift_right_arithmetic3A_559, %and3A_562], %gather3A_550 : memref<16x128xf32, #tpu.memory_space<vmem>>[vector<16xi32>, vector<16xi32>], vector<16xf32>,
      %add3A_566 = arith.constant 13 : i32
      %add3A_567 = vector.broadcast %add3A_566 : i32 to vector<16xi32>
      %add3A_568 = arith.addi %get3A_270, %add3A_567 : vector<16xi32>
      %gather3A_569 = arith.constant 0 : i32
      %gather3A_570 = arith.constant 0 : i32
      %gather3A_571 = tpu.memref_slice %arg14[%scan3A_100, %gather3A_569, %gather3A_570] : memref<2x128x128xf32, #tpu.memory_space<vmem>> -> memref<1x128x128xf32, #tpu.memory_space<vmem>>
      %gather3A_572 = tpu.memref_squeeze %gather3A_571 : memref<1x128x128xf32, #tpu.memory_space<vmem>> -> memref<128x128xf32, #tpu.memory_space<vmem>>
      %gather3A_573 = tpu.vector_load_idx %gather3A_572[%add3A_265, %add3A_568] : memref<128x128xf32, #tpu.memory_space<vmem>>[vector<16xi32>, vector<16xi32>], vector<16xf32>,
      %mul3A_574 = arith.constant 16 : i32
      %mul3A_575 = vector.broadcast %mul3A_574 : i32 to vector<16xi32>
      %mul3A_576 = arith.muli %add3A_265, %mul3A_575 : vector<16xi32>
      %add3A_577 = arith.constant 13 : i32
      %add3A_578 = vector.broadcast %add3A_577 : i32 to vector<16xi32>
      %add3A_579 = arith.addi %mul3A_576, %add3A_578 : vector<16xi32>
      %shift_right_arithmetic3A_580 = arith.constant 7 : i32
      %shift_right_arithmetic3A_581 = vector.broadcast %shift_right_arithmetic3A_580 : i32 to vector<16xi32>
      %shift_right_arithmetic3A_582 = arith.shrsi %add3A_579, %shift_right_arithmetic3A_581 : vector<16xi32>
      %and3A_583 = arith.constant 127 : i32
      %and3A_584 = vector.broadcast %and3A_583 : i32 to vector<16xi32>
      %and3A_585 = arith.andi %add3A_579, %and3A_584 : vector<16xi32>
      %scatter3A_586 = arith.constant 32 : i32
      %scatter3A_587 = arith.constant 0 : i32
      %scatter3A_588 = tpu.memref_slice %arg15[%scatter3A_586, %scatter3A_587] : memref<64x128xf32, #tpu.memory_space<vmem>> -> memref<16x128xf32, #tpu.memory_space<vmem>>
      tpu.vector_store_idx %scatter3A_588[%shift_right_arithmetic3A_582, %and3A_585], %gather3A_573 : memref<16x128xf32, #tpu.memory_space<vmem>>[vector<16xi32>, vector<16xi32>], vector<16xf32>,
      %add3A_589 = arith.constant 14 : i32
      %add3A_590 = vector.broadcast %add3A_589 : i32 to vector<16xi32>
      %add3A_591 = arith.addi %get3A_270, %add3A_590 : vector<16xi32>
      %gather3A_592 = arith.constant 0 : i32
      %gather3A_593 = arith.constant 0 : i32
      %gather3A_594 = tpu.memref_slice %arg14[%scan3A_100, %gather3A_592, %gather3A_593] : memref<2x128x128xf32, #tpu.memory_space<vmem>> -> memref<1x128x128xf32, #tpu.memory_space<vmem>>
      %gather3A_595 = tpu.memref_squeeze %gather3A_594 : memref<1x128x128xf32, #tpu.memory_space<vmem>> -> memref<128x128xf32, #tpu.memory_space<vmem>>
      %gather3A_596 = tpu.vector_load_idx %gather3A_595[%add3A_265, %add3A_591] : memref<128x128xf32, #tpu.memory_space<vmem>>[vector<16xi32>, vector<16xi32>], vector<16xf32>,
      %mul3A_597 = arith.constant 16 : i32
      %mul3A_598 = vector.broadcast %mul3A_597 : i32 to vector<16xi32>
      %mul3A_599 = arith.muli %add3A_265, %mul3A_598 : vector<16xi32>
      %add3A_600 = arith.constant 14 : i32
      %add3A_601 = vector.broadcast %add3A_600 : i32 to vector<16xi32>
      %add3A_602 = arith.addi %mul3A_599, %add3A_601 : vector<16xi32>
      %shift_right_arithmetic3A_603 = arith.constant 7 : i32
      %shift_right_arithmetic3A_604 = vector.broadcast %shift_right_arithmetic3A_603 : i32 to vector<16xi32>
      %shift_right_arithmetic3A_605 = arith.shrsi %add3A_602, %shift_right_arithmetic3A_604 : vector<16xi32>
      %and3A_606 = arith.constant 127 : i32
      %and3A_607 = vector.broadcast %and3A_606 : i32 to vector<16xi32>
      %and3A_608 = arith.andi %add3A_602, %and3A_607 : vector<16xi32>
      %scatter3A_609 = arith.constant 32 : i32
      %scatter3A_610 = arith.constant 0 : i32
      %scatter3A_611 = tpu.memref_slice %arg15[%scatter3A_609, %scatter3A_610] : memref<64x128xf32, #tpu.memory_space<vmem>> -> memref<16x128xf32, #tpu.memory_space<vmem>>
      tpu.vector_store_idx %scatter3A_611[%shift_right_arithmetic3A_605, %and3A_608], %gather3A_596 : memref<16x128xf32, #tpu.memory_space<vmem>>[vector<16xi32>, vector<16xi32>], vector<16xf32>,
      %add3A_612 = arith.constant 15 : i32
      %add3A_613 = vector.broadcast %add3A_612 : i32 to vector<16xi32>
      %add3A_614 = arith.addi %get3A_270, %add3A_613 : vector<16xi32>
      %gather3A_615 = arith.constant 0 : i32
      %gather3A_616 = arith.constant 0 : i32
      %gather3A_617 = tpu.memref_slice %arg14[%scan3A_100, %gather3A_615, %gather3A_616] : memref<2x128x128xf32, #tpu.memory_space<vmem>> -> memref<1x128x128xf32, #tpu.memory_space<vmem>>
      %gather3A_618 = tpu.memref_squeeze %gather3A_617 : memref<1x128x128xf32, #tpu.memory_space<vmem>> -> memref<128x128xf32, #tpu.memory_space<vmem>>
      %gather3A_619 = tpu.vector_load_idx %gather3A_618[%add3A_265, %add3A_614] : memref<128x128xf32, #tpu.memory_space<vmem>>[vector<16xi32>, vector<16xi32>], vector<16xf32>,
      %mul3A_620 = arith.constant 16 : i32
      %mul3A_621 = vector.broadcast %mul3A_620 : i32 to vector<16xi32>
      %mul3A_622 = arith.muli %add3A_265, %mul3A_621 : vector<16xi32>
      %add3A_623 = arith.constant 15 : i32
      %add3A_624 = vector.broadcast %add3A_623 : i32 to vector<16xi32>
      %add3A_625 = arith.addi %mul3A_622, %add3A_624 : vector<16xi32>
      %shift_right_arithmetic3A_626 = arith.constant 7 : i32
      %shift_right_arithmetic3A_627 = vector.broadcast %shift_right_arithmetic3A_626 : i32 to vector<16xi32>
      %shift_right_arithmetic3A_628 = arith.shrsi %add3A_625, %shift_right_arithmetic3A_627 : vector<16xi32>
      %and3A_629 = arith.constant 127 : i32
      %and3A_630 = vector.broadcast %and3A_629 : i32 to vector<16xi32>
      %and3A_631 = arith.andi %add3A_625, %and3A_630 : vector<16xi32>
      %scatter3A_632 = arith.constant 32 : i32
      %scatter3A_633 = arith.constant 0 : i32
      %scatter3A_634 = tpu.memref_slice %arg15[%scatter3A_632, %scatter3A_633] : memref<64x128xf32, #tpu.memory_space<vmem>> -> memref<16x128xf32, #tpu.memory_space<vmem>>
      tpu.vector_store_idx %scatter3A_634[%shift_right_arithmetic3A_628, %and3A_631], %gather3A_619 : memref<16x128xf32, #tpu.memory_space<vmem>>[vector<16xi32>, vector<16xi32>], vector<16xf32>,
      %scan3A_635 = arith.constant 0 : i32
      scf.yield %scan3A_635 : i32
    }
    %scan3A_107 = arith.constant 8 : i32
    %dma_start3A_108 = arith.constant 0 : i32
    %dma_start3A_109 = arith.constant 0 : i32
    %dma_start3A_110 = arith.constant 0 : i32
    %dma_start3A_111 = arith.constant 0 : i32
    %dma_start3A_112 = tpu.memref_slice %arg14[%dma_start3A_109, %dma_start3A_110, %dma_start3A_111] : memref<2x128x128xf32, #tpu.memory_space<vmem>> -> memref<1x128x128xf32, #tpu.memory_space<vmem>>
    %dma_start3A_113 = tpu.memref_squeeze %dma_start3A_112 : memref<1x128x128xf32, #tpu.memory_space<vmem>> -> memref<128x128xf32, #tpu.memory_space<vmem>>
    %dma_start3A_114 = arith.constant 0 : i32
    %dma_start3A_115 = tpu.memref_slice %arg11[%dma_start3A_108, %dma_start3A_114] : memref<4x128xi32, #tpu.memory_space<vmem>> -> memref<1x128xi32, #tpu.memory_space<vmem>>
    %dma_start3A_116 = tpu.memref_squeeze %dma_start3A_115 : memref<1x128xi32, #tpu.memory_space<vmem>> -> memref<128xi32, #tpu.memory_space<vmem>>
    %dma_start3A_117 = arith.constant 0 : i32
    %dma_start3A_118 = arith.constant 0 : i32
    %dma_start3A_119 = tpu.memref_slice %arg7[%dma_start3A_117, %dma_start3A_118] : memref<125000x128xf32, #tpu.memory_space<hbm>> -> memref<125000x128xf32, #tpu.memory_space<hbm>>
    tpu.enqueue_indirect_dma source(%dma_start3A_119 : memref<125000x128xf32, #tpu.memory_space<hbm>>) target(%dma_start3A_113 : memref<128x128xf32, #tpu.memory_space<vmem>>) offsets(%dma_start3A_116 : memref<128xi32, #tpu.memory_space<vmem>>) semaphore(%arg17 : memref<!tpu.dma_semaphore, #tpu.memory_space<semaphore_mem>>)
    %dma_wait3A_120 = arith.constant 3 : i32
    %dma_wait3A_121 = arith.constant 1 : i32
    %dma_wait3A_122 = arith.constant 0 : i32
    %dma_wait3A_123 = arith.constant 0 : i32
    %dma_wait3A_124 = tpu.memref_slice %arg14[%dma_wait3A_121, %dma_wait3A_122, %dma_wait3A_123] : memref<2x128x128xf32, #tpu.memory_space<vmem>> -> memref<1x128x128xf32, #tpu.memory_space<vmem>>
    %dma_wait3A_125 = tpu.memref_squeeze %dma_wait3A_124 : memref<1x128x128xf32, #tpu.memory_space<vmem>> -> memref<128x128xf32, #tpu.memory_space<vmem>>
    %dma_wait3A_126 = arith.constant 0 : i32
    %dma_wait3A_127 = tpu.memref_slice %arg10[%dma_wait3A_120, %dma_wait3A_126] : memref<4x128xi32, #tpu.memory_space<vmem>> -> memref<1x128xi32, #tpu.memory_space<vmem>>
    %dma_wait3A_128 = tpu.memref_squeeze %dma_wait3A_127 : memref<1x128xi32, #tpu.memory_space<vmem>> -> memref<128xi32, #tpu.memory_space<vmem>>
    %dma_wait3A_129 = arith.constant 0 : i32
    %dma_wait3A_130 = arith.constant 0 : i32
    %dma_wait3A_131 = tpu.memref_slice %arg6[%dma_wait3A_129, %dma_wait3A_130] : memref<125000x128xf32, #tpu.memory_space<hbm>> -> memref<125000x128xf32, #tpu.memory_space<hbm>>
    tpu.wait_indirect_dma semaphore(%arg18 : memref<!tpu.dma_semaphore, #tpu.memory_space<semaphore_mem>>) src(%dma_wait3A_131 : memref<125000x128xf32, #tpu.memory_space<hbm>>) dst(%dma_wait3A_125 : memref<128x128xf32, #tpu.memory_space<vmem>>)
    %scan3A_132 = arith.constant 1 : i32
    %scan3A_133 = arith.constant 0 : i32
    %scan3A_134 = arith.constant 0 : i32
    %scan3A_135 = arith.constant 8 : i32
    %scan3A_136 = arith.addi %scan3A_134, %scan3A_135 : i32
    %scan3A_137 = arith.constant 1 : i32
    %scan3A_138 = scf.for %scan3A_260 = %scan3A_134 to %scan3A_136 step %scan3A_137 iter_args(%scan3A_261 = %scan3A_133) -> (i32)  : i32 {
      %mul3A_262 = arith.constant 16 : i32
      %mul3A_263 = arith.muli %scan3A_260, %mul3A_262 : i32
      %iota3A = tpu.iota {dimensions = array<i32: 0>} : vector<16xi32>
      %add3A_264 = vector.broadcast %mul3A_263 : i32 to vector<16xi32>
      %add3A_265 = arith.addi %add3A_264, %iota3A : vector<16xi32>
      %mul3A_266 = arith.constant 16 : i32
      %mul3A_267 = arith.muli %scan3A_260, %mul3A_266 : i32
      %get3A = arith.constant 3 : i32
      %get3A_268 = arith.index_cast %get3A : i32 to index
      %get3A_269 = arith.index_cast %mul3A_267 : i32 to index
      %get3A_270 = tpu.vector_load %arg12[%get3A_268, %get3A_269] {strides = array<i32>} : memref<4x128xi32, #tpu.memory_space<vmem>>, vector<16xi32>,
      %add3A_271 = arith.constant 0 : i32
      %add3A_272 = vector.broadcast %add3A_271 : i32 to vector<16xi32>
      %add3A_273 = arith.addi %get3A_270, %add3A_272 : vector<16xi32>
      %gather3A = arith.constant 0 : i32
      %gather3A_274 = arith.constant 0 : i32
      %gather3A_275 = tpu.memref_slice %arg14[%scan3A_132, %gather3A, %gather3A_274] : memref<2x128x128xf32, #tpu.memory_space<vmem>> -> memref<1x128x128xf32, #tpu.memory_space<vmem>>
      %gather3A_276 = tpu.memref_squeeze %gather3A_275 : memref<1x128x128xf32, #tpu.memory_space<vmem>> -> memref<128x128xf32, #tpu.memory_space<vmem>>
      %gather3A_277 = tpu.vector_load_idx %gather3A_276[%add3A_265, %add3A_273] : memref<128x128xf32, #tpu.memory_space<vmem>>[vector<16xi32>, vector<16xi32>], vector<16xf32>,
      %mul3A_278 = arith.constant 16 : i32
      %mul3A_279 = vector.broadcast %mul3A_278 : i32 to vector<16xi32>
      %mul3A_280 = arith.muli %add3A_265, %mul3A_279 : vector<16xi32>
      %add3A_281 = arith.constant 0 : i32
      %add3A_282 = vector.broadcast %add3A_281 : i32 to vector<16xi32>
      %add3A_283 = arith.addi %mul3A_280, %add3A_282 : vector<16xi32>
      %shift_right_arithmetic3A = arith.constant 7 : i32
      %shift_right_arithmetic3A_284 = vector.broadcast %shift_right_arithmetic3A : i32 to vector<16xi32>
      %shift_right_arithmetic3A_285 = arith.shrsi %add3A_283, %shift_right_arithmetic3A_284 : vector<16xi32>
      %and3A = arith.constant 127 : i32
      %and3A_286 = vector.broadcast %and3A : i32 to vector<16xi32>
      %and3A_287 = arith.andi %add3A_283, %and3A_286 : vector<16xi32>
      %scatter3A = arith.constant 48 : i32
      %scatter3A_288 = arith.constant 0 : i32
      %scatter3A_289 = tpu.memref_slice %arg15[%scatter3A, %scatter3A_288] : memref<64x128xf32, #tpu.memory_space<vmem>> -> memref<16x128xf32, #tpu.memory_space<vmem>>
      tpu.vector_store_idx %scatter3A_289[%shift_right_arithmetic3A_285, %and3A_287], %gather3A_277 : memref<16x128xf32, #tpu.memory_space<vmem>>[vector<16xi32>, vector<16xi32>], vector<16xf32>,
      %add3A_290 = arith.constant 1 : i32
      %add3A_291 = vector.broadcast %add3A_290 : i32 to vector<16xi32>
      %add3A_292 = arith.addi %get3A_270, %add3A_291 : vector<16xi32>
      %gather3A_293 = arith.constant 0 : i32
      %gather3A_294 = arith.constant 0 : i32
      %gather3A_295 = tpu.memref_slice %arg14[%scan3A_132, %gather3A_293, %gather3A_294] : memref<2x128x128xf32, #tpu.memory_space<vmem>> -> memref<1x128x128xf32, #tpu.memory_space<vmem>>
      %gather3A_296 = tpu.memref_squeeze %gather3A_295 : memref<1x128x128xf32, #tpu.memory_space<vmem>> -> memref<128x128xf32, #tpu.memory_space<vmem>>
      %gather3A_297 = tpu.vector_load_idx %gather3A_296[%add3A_265, %add3A_292] : memref<128x128xf32, #tpu.memory_space<vmem>>[vector<16xi32>, vector<16xi32>], vector<16xf32>,
      %mul3A_298 = arith.constant 16 : i32
      %mul3A_299 = vector.broadcast %mul3A_298 : i32 to vector<16xi32>
      %mul3A_300 = arith.muli %add3A_265, %mul3A_299 : vector<16xi32>
      %add3A_301 = arith.constant 1 : i32
      %add3A_302 = vector.broadcast %add3A_301 : i32 to vector<16xi32>
      %add3A_303 = arith.addi %mul3A_300, %add3A_302 : vector<16xi32>
      %shift_right_arithmetic3A_304 = arith.constant 7 : i32
      %shift_right_arithmetic3A_305 = vector.broadcast %shift_right_arithmetic3A_304 : i32 to vector<16xi32>
      %shift_right_arithmetic3A_306 = arith.shrsi %add3A_303, %shift_right_arithmetic3A_305 : vector<16xi32>
      %and3A_307 = arith.constant 127 : i32
      %and3A_308 = vector.broadcast %and3A_307 : i32 to vector<16xi32>
      %and3A_309 = arith.andi %add3A_303, %and3A_308 : vector<16xi32>
      %scatter3A_310 = arith.constant 48 : i32
      %scatter3A_311 = arith.constant 0 : i32
      %scatter3A_312 = tpu.memref_slice %arg15[%scatter3A_310, %scatter3A_311] : memref<64x128xf32, #tpu.memory_space<vmem>> -> memref<16x128xf32, #tpu.memory_space<vmem>>
      tpu.vector_store_idx %scatter3A_312[%shift_right_arithmetic3A_306, %and3A_309], %gather3A_297 : memref<16x128xf32, #tpu.memory_space<vmem>>[vector<16xi32>, vector<16xi32>], vector<16xf32>,
      %add3A_313 = arith.constant 2 : i32
      %add3A_314 = vector.broadcast %add3A_313 : i32 to vector<16xi32>
      %add3A_315 = arith.addi %get3A_270, %add3A_314 : vector<16xi32>
      %gather3A_316 = arith.constant 0 : i32
      %gather3A_317 = arith.constant 0 : i32
      %gather3A_318 = tpu.memref_slice %arg14[%scan3A_132, %gather3A_316, %gather3A_317] : memref<2x128x128xf32, #tpu.memory_space<vmem>> -> memref<1x128x128xf32, #tpu.memory_space<vmem>>
      %gather3A_319 = tpu.memref_squeeze %gather3A_318 : memref<1x128x128xf32, #tpu.memory_space<vmem>> -> memref<128x128xf32, #tpu.memory_space<vmem>>
      %gather3A_320 = tpu.vector_load_idx %gather3A_319[%add3A_265, %add3A_315] : memref<128x128xf32, #tpu.memory_space<vmem>>[vector<16xi32>, vector<16xi32>], vector<16xf32>,
      %mul3A_321 = arith.constant 16 : i32
      %mul3A_322 = vector.broadcast %mul3A_321 : i32 to vector<16xi32>
      %mul3A_323 = arith.muli %add3A_265, %mul3A_322 : vector<16xi32>
      %add3A_324 = arith.constant 2 : i32
      %add3A_325 = vector.broadcast %add3A_324 : i32 to vector<16xi32>
      %add3A_326 = arith.addi %mul3A_323, %add3A_325 : vector<16xi32>
      %shift_right_arithmetic3A_327 = arith.constant 7 : i32
      %shift_right_arithmetic3A_328 = vector.broadcast %shift_right_arithmetic3A_327 : i32 to vector<16xi32>
      %shift_right_arithmetic3A_329 = arith.shrsi %add3A_326, %shift_right_arithmetic3A_328 : vector<16xi32>
      %and3A_330 = arith.constant 127 : i32
      %and3A_331 = vector.broadcast %and3A_330 : i32 to vector<16xi32>
      %and3A_332 = arith.andi %add3A_326, %and3A_331 : vector<16xi32>
      %scatter3A_333 = arith.constant 48 : i32
      %scatter3A_334 = arith.constant 0 : i32
      %scatter3A_335 = tpu.memref_slice %arg15[%scatter3A_333, %scatter3A_334] : memref<64x128xf32, #tpu.memory_space<vmem>> -> memref<16x128xf32, #tpu.memory_space<vmem>>
      tpu.vector_store_idx %scatter3A_335[%shift_right_arithmetic3A_329, %and3A_332], %gather3A_320 : memref<16x128xf32, #tpu.memory_space<vmem>>[vector<16xi32>, vector<16xi32>], vector<16xf32>,
      %add3A_336 = arith.constant 3 : i32
      %add3A_337 = vector.broadcast %add3A_336 : i32 to vector<16xi32>
      %add3A_338 = arith.addi %get3A_270, %add3A_337 : vector<16xi32>
      %gather3A_339 = arith.constant 0 : i32
      %gather3A_340 = arith.constant 0 : i32
      %gather3A_341 = tpu.memref_slice %arg14[%scan3A_132, %gather3A_339, %gather3A_340] : memref<2x128x128xf32, #tpu.memory_space<vmem>> -> memref<1x128x128xf32, #tpu.memory_space<vmem>>
      %gather3A_342 = tpu.memref_squeeze %gather3A_341 : memref<1x128x128xf32, #tpu.memory_space<vmem>> -> memref<128x128xf32, #tpu.memory_space<vmem>>
      %gather3A_343 = tpu.vector_load_idx %gather3A_342[%add3A_265, %add3A_338] : memref<128x128xf32, #tpu.memory_space<vmem>>[vector<16xi32>, vector<16xi32>], vector<16xf32>,
      %mul3A_344 = arith.constant 16 : i32
      %mul3A_345 = vector.broadcast %mul3A_344 : i32 to vector<16xi32>
      %mul3A_346 = arith.muli %add3A_265, %mul3A_345 : vector<16xi32>
      %add3A_347 = arith.constant 3 : i32
      %add3A_348 = vector.broadcast %add3A_347 : i32 to vector<16xi32>
      %add3A_349 = arith.addi %mul3A_346, %add3A_348 : vector<16xi32>
      %shift_right_arithmetic3A_350 = arith.constant 7 : i32
      %shift_right_arithmetic3A_351 = vector.broadcast %shift_right_arithmetic3A_350 : i32 to vector<16xi32>
      %shift_right_arithmetic3A_352 = arith.shrsi %add3A_349, %shift_right_arithmetic3A_351 : vector<16xi32>
      %and3A_353 = arith.constant 127 : i32
      %and3A_354 = vector.broadcast %and3A_353 : i32 to vector<16xi32>
      %and3A_355 = arith.andi %add3A_349, %and3A_354 : vector<16xi32>
      %scatter3A_356 = arith.constant 48 : i32
      %scatter3A_357 = arith.constant 0 : i32
      %scatter3A_358 = tpu.memref_slice %arg15[%scatter3A_356, %scatter3A_357] : memref<64x128xf32, #tpu.memory_space<vmem>> -> memref<16x128xf32, #tpu.memory_space<vmem>>
      tpu.vector_store_idx %scatter3A_358[%shift_right_arithmetic3A_352, %and3A_355], %gather3A_343 : memref<16x128xf32, #tpu.memory_space<vmem>>[vector<16xi32>, vector<16xi32>], vector<16xf32>,
      %add3A_359 = arith.constant 4 : i32
      %add3A_360 = vector.broadcast %add3A_359 : i32 to vector<16xi32>
      %add3A_361 = arith.addi %get3A_270, %add3A_360 : vector<16xi32>
      %gather3A_362 = arith.constant 0 : i32
      %gather3A_363 = arith.constant 0 : i32
      %gather3A_364 = tpu.memref_slice %arg14[%scan3A_132, %gather3A_362, %gather3A_363] : memref<2x128x128xf32, #tpu.memory_space<vmem>> -> memref<1x128x128xf32, #tpu.memory_space<vmem>>
      %gather3A_365 = tpu.memref_squeeze %gather3A_364 : memref<1x128x128xf32, #tpu.memory_space<vmem>> -> memref<128x128xf32, #tpu.memory_space<vmem>>
      %gather3A_366 = tpu.vector_load_idx %gather3A_365[%add3A_265, %add3A_361] : memref<128x128xf32, #tpu.memory_space<vmem>>[vector<16xi32>, vector<16xi32>], vector<16xf32>,
      %mul3A_367 = arith.constant 16 : i32
      %mul3A_368 = vector.broadcast %mul3A_367 : i32 to vector<16xi32>
      %mul3A_369 = arith.muli %add3A_265, %mul3A_368 : vector<16xi32>
      %add3A_370 = arith.constant 4 : i32
      %add3A_371 = vector.broadcast %add3A_370 : i32 to vector<16xi32>
      %add3A_372 = arith.addi %mul3A_369, %add3A_371 : vector<16xi32>
      %shift_right_arithmetic3A_373 = arith.constant 7 : i32
      %shift_right_arithmetic3A_374 = vector.broadcast %shift_right_arithmetic3A_373 : i32 to vector<16xi32>
      %shift_right_arithmetic3A_375 = arith.shrsi %add3A_372, %shift_right_arithmetic3A_374 : vector<16xi32>
      %and3A_376 = arith.constant 127 : i32
      %and3A_377 = vector.broadcast %and3A_376 : i32 to vector<16xi32>
      %and3A_378 = arith.andi %add3A_372, %and3A_377 : vector<16xi32>
      %scatter3A_379 = arith.constant 48 : i32
      %scatter3A_380 = arith.constant 0 : i32
      %scatter3A_381 = tpu.memref_slice %arg15[%scatter3A_379, %scatter3A_380] : memref<64x128xf32, #tpu.memory_space<vmem>> -> memref<16x128xf32, #tpu.memory_space<vmem>>
      tpu.vector_store_idx %scatter3A_381[%shift_right_arithmetic3A_375, %and3A_378], %gather3A_366 : memref<16x128xf32, #tpu.memory_space<vmem>>[vector<16xi32>, vector<16xi32>], vector<16xf32>,
      %add3A_382 = arith.constant 5 : i32
      %add3A_383 = vector.broadcast %add3A_382 : i32 to vector<16xi32>
      %add3A_384 = arith.addi %get3A_270, %add3A_383 : vector<16xi32>
      %gather3A_385 = arith.constant 0 : i32
      %gather3A_386 = arith.constant 0 : i32
      %gather3A_387 = tpu.memref_slice %arg14[%scan3A_132, %gather3A_385, %gather3A_386] : memref<2x128x128xf32, #tpu.memory_space<vmem>> -> memref<1x128x128xf32, #tpu.memory_space<vmem>>
      %gather3A_388 = tpu.memref_squeeze %gather3A_387 : memref<1x128x128xf32, #tpu.memory_space<vmem>> -> memref<128x128xf32, #tpu.memory_space<vmem>>
      %gather3A_389 = tpu.vector_load_idx %gather3A_388[%add3A_265, %add3A_384] : memref<128x128xf32, #tpu.memory_space<vmem>>[vector<16xi32>, vector<16xi32>], vector<16xf32>,
      %mul3A_390 = arith.constant 16 : i32
      %mul3A_391 = vector.broadcast %mul3A_390 : i32 to vector<16xi32>
      %mul3A_392 = arith.muli %add3A_265, %mul3A_391 : vector<16xi32>
      %add3A_393 = arith.constant 5 : i32
      %add3A_394 = vector.broadcast %add3A_393 : i32 to vector<16xi32>
      %add3A_395 = arith.addi %mul3A_392, %add3A_394 : vector<16xi32>
      %shift_right_arithmetic3A_396 = arith.constant 7 : i32
      %shift_right_arithmetic3A_397 = vector.broadcast %shift_right_arithmetic3A_396 : i32 to vector<16xi32>
      %shift_right_arithmetic3A_398 = arith.shrsi %add3A_395, %shift_right_arithmetic3A_397 : vector<16xi32>
      %and3A_399 = arith.constant 127 : i32
      %and3A_400 = vector.broadcast %and3A_399 : i32 to vector<16xi32>
      %and3A_401 = arith.andi %add3A_395, %and3A_400 : vector<16xi32>
      %scatter3A_402 = arith.constant 48 : i32
      %scatter3A_403 = arith.constant 0 : i32
      %scatter3A_404 = tpu.memref_slice %arg15[%scatter3A_402, %scatter3A_403] : memref<64x128xf32, #tpu.memory_space<vmem>> -> memref<16x128xf32, #tpu.memory_space<vmem>>
      tpu.vector_store_idx %scatter3A_404[%shift_right_arithmetic3A_398, %and3A_401], %gather3A_389 : memref<16x128xf32, #tpu.memory_space<vmem>>[vector<16xi32>, vector<16xi32>], vector<16xf32>,
      %add3A_405 = arith.constant 6 : i32
      %add3A_406 = vector.broadcast %add3A_405 : i32 to vector<16xi32>
      %add3A_407 = arith.addi %get3A_270, %add3A_406 : vector<16xi32>
      %gather3A_408 = arith.constant 0 : i32
      %gather3A_409 = arith.constant 0 : i32
      %gather3A_410 = tpu.memref_slice %arg14[%scan3A_132, %gather3A_408, %gather3A_409] : memref<2x128x128xf32, #tpu.memory_space<vmem>> -> memref<1x128x128xf32, #tpu.memory_space<vmem>>
      %gather3A_411 = tpu.memref_squeeze %gather3A_410 : memref<1x128x128xf32, #tpu.memory_space<vmem>> -> memref<128x128xf32, #tpu.memory_space<vmem>>
      %gather3A_412 = tpu.vector_load_idx %gather3A_411[%add3A_265, %add3A_407] : memref<128x128xf32, #tpu.memory_space<vmem>>[vector<16xi32>, vector<16xi32>], vector<16xf32>,
      %mul3A_413 = arith.constant 16 : i32
      %mul3A_414 = vector.broadcast %mul3A_413 : i32 to vector<16xi32>
      %mul3A_415 = arith.muli %add3A_265, %mul3A_414 : vector<16xi32>
      %add3A_416 = arith.constant 6 : i32
      %add3A_417 = vector.broadcast %add3A_416 : i32 to vector<16xi32>
      %add3A_418 = arith.addi %mul3A_415, %add3A_417 : vector<16xi32>
      %shift_right_arithmetic3A_419 = arith.constant 7 : i32
      %shift_right_arithmetic3A_420 = vector.broadcast %shift_right_arithmetic3A_419 : i32 to vector<16xi32>
      %shift_right_arithmetic3A_421 = arith.shrsi %add3A_418, %shift_right_arithmetic3A_420 : vector<16xi32>
      %and3A_422 = arith.constant 127 : i32
      %and3A_423 = vector.broadcast %and3A_422 : i32 to vector<16xi32>
      %and3A_424 = arith.andi %add3A_418, %and3A_423 : vector<16xi32>
      %scatter3A_425 = arith.constant 48 : i32
      %scatter3A_426 = arith.constant 0 : i32
      %scatter3A_427 = tpu.memref_slice %arg15[%scatter3A_425, %scatter3A_426] : memref<64x128xf32, #tpu.memory_space<vmem>> -> memref<16x128xf32, #tpu.memory_space<vmem>>
      tpu.vector_store_idx %scatter3A_427[%shift_right_arithmetic3A_421, %and3A_424], %gather3A_412 : memref<16x128xf32, #tpu.memory_space<vmem>>[vector<16xi32>, vector<16xi32>], vector<16xf32>,
      %add3A_428 = arith.constant 7 : i32
      %add3A_429 = vector.broadcast %add3A_428 : i32 to vector<16xi32>
      %add3A_430 = arith.addi %get3A_270, %add3A_429 : vector<16xi32>
      %gather3A_431 = arith.constant 0 : i32
      %gather3A_432 = arith.constant 0 : i32
      %gather3A_433 = tpu.memref_slice %arg14[%scan3A_132, %gather3A_431, %gather3A_432] : memref<2x128x128xf32, #tpu.memory_space<vmem>> -> memref<1x128x128xf32, #tpu.memory_space<vmem>>
      %gather3A_434 = tpu.memref_squeeze %gather3A_433 : memref<1x128x128xf32, #tpu.memory_space<vmem>> -> memref<128x128xf32, #tpu.memory_space<vmem>>
      %gather3A_435 = tpu.vector_load_idx %gather3A_434[%add3A_265, %add3A_430] : memref<128x128xf32, #tpu.memory_space<vmem>>[vector<16xi32>, vector<16xi32>], vector<16xf32>,
      %mul3A_436 = arith.constant 16 : i32
      %mul3A_437 = vector.broadcast %mul3A_436 : i32 to vector<16xi32>
      %mul3A_438 = arith.muli %add3A_265, %mul3A_437 : vector<16xi32>
      %add3A_439 = arith.constant 7 : i32
      %add3A_440 = vector.broadcast %add3A_439 : i32 to vector<16xi32>
      %add3A_441 = arith.addi %mul3A_438, %add3A_440 : vector<16xi32>
      %shift_right_arithmetic3A_442 = arith.constant 7 : i32
      %shift_right_arithmetic3A_443 = vector.broadcast %shift_right_arithmetic3A_442 : i32 to vector<16xi32>
      %shift_right_arithmetic3A_444 = arith.shrsi %add3A_441, %shift_right_arithmetic3A_443 : vector<16xi32>
      %and3A_445 = arith.constant 127 : i32
      %and3A_446 = vector.broadcast %and3A_445 : i32 to vector<16xi32>
      %and3A_447 = arith.andi %add3A_441, %and3A_446 : vector<16xi32>
      %scatter3A_448 = arith.constant 48 : i32
      %scatter3A_449 = arith.constant 0 : i32
      %scatter3A_450 = tpu.memref_slice %arg15[%scatter3A_448, %scatter3A_449] : memref<64x128xf32, #tpu.memory_space<vmem>> -> memref<16x128xf32, #tpu.memory_space<vmem>>
      tpu.vector_store_idx %scatter3A_450[%shift_right_arithmetic3A_444, %and3A_447], %gather3A_435 : memref<16x128xf32, #tpu.memory_space<vmem>>[vector<16xi32>, vector<16xi32>], vector<16xf32>,
      %add3A_451 = arith.constant 8 : i32
      %add3A_452 = vector.broadcast %add3A_451 : i32 to vector<16xi32>
      %add3A_453 = arith.addi %get3A_270, %add3A_452 : vector<16xi32>
      %gather3A_454 = arith.constant 0 : i32
      %gather3A_455 = arith.constant 0 : i32
      %gather3A_456 = tpu.memref_slice %arg14[%scan3A_132, %gather3A_454, %gather3A_455] : memref<2x128x128xf32, #tpu.memory_space<vmem>> -> memref<1x128x128xf32, #tpu.memory_space<vmem>>
      %gather3A_457 = tpu.memref_squeeze %gather3A_456 : memref<1x128x128xf32, #tpu.memory_space<vmem>> -> memref<128x128xf32, #tpu.memory_space<vmem>>
      %gather3A_458 = tpu.vector_load_idx %gather3A_457[%add3A_265, %add3A_453] : memref<128x128xf32, #tpu.memory_space<vmem>>[vector<16xi32>, vector<16xi32>], vector<16xf32>,
      %mul3A_459 = arith.constant 16 : i32
      %mul3A_460 = vector.broadcast %mul3A_459 : i32 to vector<16xi32>
      %mul3A_461 = arith.muli %add3A_265, %mul3A_460 : vector<16xi32>
      %add3A_462 = arith.constant 8 : i32
      %add3A_463 = vector.broadcast %add3A_462 : i32 to vector<16xi32>
      %add3A_464 = arith.addi %mul3A_461, %add3A_463 : vector<16xi32>
      %shift_right_arithmetic3A_465 = arith.constant 7 : i32
      %shift_right_arithmetic3A_466 = vector.broadcast %shift_right_arithmetic3A_465 : i32 to vector<16xi32>
      %shift_right_arithmetic3A_467 = arith.shrsi %add3A_464, %shift_right_arithmetic3A_466 : vector<16xi32>
      %and3A_468 = arith.constant 127 : i32
      %and3A_469 = vector.broadcast %and3A_468 : i32 to vector<16xi32>
      %and3A_470 = arith.andi %add3A_464, %and3A_469 : vector<16xi32>
      %scatter3A_471 = arith.constant 48 : i32
      %scatter3A_472 = arith.constant 0 : i32
      %scatter3A_473 = tpu.memref_slice %arg15[%scatter3A_471, %scatter3A_472] : memref<64x128xf32, #tpu.memory_space<vmem>> -> memref<16x128xf32, #tpu.memory_space<vmem>>
      tpu.vector_store_idx %scatter3A_473[%shift_right_arithmetic3A_467, %and3A_470], %gather3A_458 : memref<16x128xf32, #tpu.memory_space<vmem>>[vector<16xi32>, vector<16xi32>], vector<16xf32>,
      %add3A_474 = arith.constant 9 : i32
      %add3A_475 = vector.broadcast %add3A_474 : i32 to vector<16xi32>
      %add3A_476 = arith.addi %get3A_270, %add3A_475 : vector<16xi32>
      %gather3A_477 = arith.constant 0 : i32
      %gather3A_478 = arith.constant 0 : i32
      %gather3A_479 = tpu.memref_slice %arg14[%scan3A_132, %gather3A_477, %gather3A_478] : memref<2x128x128xf32, #tpu.memory_space<vmem>> -> memref<1x128x128xf32, #tpu.memory_space<vmem>>
      %gather3A_480 = tpu.memref_squeeze %gather3A_479 : memref<1x128x128xf32, #tpu.memory_space<vmem>> -> memref<128x128xf32, #tpu.memory_space<vmem>>
      %gather3A_481 = tpu.vector_load_idx %gather3A_480[%add3A_265, %add3A_476] : memref<128x128xf32, #tpu.memory_space<vmem>>[vector<16xi32>, vector<16xi32>], vector<16xf32>,
      %mul3A_482 = arith.constant 16 : i32
      %mul3A_483 = vector.broadcast %mul3A_482 : i32 to vector<16xi32>
      %mul3A_484 = arith.muli %add3A_265, %mul3A_483 : vector<16xi32>
      %add3A_485 = arith.constant 9 : i32
      %add3A_486 = vector.broadcast %add3A_485 : i32 to vector<16xi32>
      %add3A_487 = arith.addi %mul3A_484, %add3A_486 : vector<16xi32>
      %shift_right_arithmetic3A_488 = arith.constant 7 : i32
      %shift_right_arithmetic3A_489 = vector.broadcast %shift_right_arithmetic3A_488 : i32 to vector<16xi32>
      %shift_right_arithmetic3A_490 = arith.shrsi %add3A_487, %shift_right_arithmetic3A_489 : vector<16xi32>
      %and3A_491 = arith.constant 127 : i32
      %and3A_492 = vector.broadcast %and3A_491 : i32 to vector<16xi32>
      %and3A_493 = arith.andi %add3A_487, %and3A_492 : vector<16xi32>
      %scatter3A_494 = arith.constant 48 : i32
      %scatter3A_495 = arith.constant 0 : i32
      %scatter3A_496 = tpu.memref_slice %arg15[%scatter3A_494, %scatter3A_495] : memref<64x128xf32, #tpu.memory_space<vmem>> -> memref<16x128xf32, #tpu.memory_space<vmem>>
      tpu.vector_store_idx %scatter3A_496[%shift_right_arithmetic3A_490, %and3A_493], %gather3A_481 : memref<16x128xf32, #tpu.memory_space<vmem>>[vector<16xi32>, vector<16xi32>], vector<16xf32>,
      %add3A_497 = arith.constant 10 : i32
      %add3A_498 = vector.broadcast %add3A_497 : i32 to vector<16xi32>
      %add3A_499 = arith.addi %get3A_270, %add3A_498 : vector<16xi32>
      %gather3A_500 = arith.constant 0 : i32
      %gather3A_501 = arith.constant 0 : i32
      %gather3A_502 = tpu.memref_slice %arg14[%scan3A_132, %gather3A_500, %gather3A_501] : memref<2x128x128xf32, #tpu.memory_space<vmem>> -> memref<1x128x128xf32, #tpu.memory_space<vmem>>
      %gather3A_503 = tpu.memref_squeeze %gather3A_502 : memref<1x128x128xf32, #tpu.memory_space<vmem>> -> memref<128x128xf32, #tpu.memory_space<vmem>>
      %gather3A_504 = tpu.vector_load_idx %gather3A_503[%add3A_265, %add3A_499] : memref<128x128xf32, #tpu.memory_space<vmem>>[vector<16xi32>, vector<16xi32>], vector<16xf32>,
      %mul3A_505 = arith.constant 16 : i32
      %mul3A_506 = vector.broadcast %mul3A_505 : i32 to vector<16xi32>
      %mul3A_507 = arith.muli %add3A_265, %mul3A_506 : vector<16xi32>
      %add3A_508 = arith.constant 10 : i32
      %add3A_509 = vector.broadcast %add3A_508 : i32 to vector<16xi32>
      %add3A_510 = arith.addi %mul3A_507, %add3A_509 : vector<16xi32>
      %shift_right_arithmetic3A_511 = arith.constant 7 : i32
      %shift_right_arithmetic3A_512 = vector.broadcast %shift_right_arithmetic3A_511 : i32 to vector<16xi32>
      %shift_right_arithmetic3A_513 = arith.shrsi %add3A_510, %shift_right_arithmetic3A_512 : vector<16xi32>
      %and3A_514 = arith.constant 127 : i32
      %and3A_515 = vector.broadcast %and3A_514 : i32 to vector<16xi32>
      %and3A_516 = arith.andi %add3A_510, %and3A_515 : vector<16xi32>
      %scatter3A_517 = arith.constant 48 : i32
      %scatter3A_518 = arith.constant 0 : i32
      %scatter3A_519 = tpu.memref_slice %arg15[%scatter3A_517, %scatter3A_518] : memref<64x128xf32, #tpu.memory_space<vmem>> -> memref<16x128xf32, #tpu.memory_space<vmem>>
      tpu.vector_store_idx %scatter3A_519[%shift_right_arithmetic3A_513, %and3A_516], %gather3A_504 : memref<16x128xf32, #tpu.memory_space<vmem>>[vector<16xi32>, vector<16xi32>], vector<16xf32>,
      %add3A_520 = arith.constant 11 : i32
      %add3A_521 = vector.broadcast %add3A_520 : i32 to vector<16xi32>
      %add3A_522 = arith.addi %get3A_270, %add3A_521 : vector<16xi32>
      %gather3A_523 = arith.constant 0 : i32
      %gather3A_524 = arith.constant 0 : i32
      %gather3A_525 = tpu.memref_slice %arg14[%scan3A_132, %gather3A_523, %gather3A_524] : memref<2x128x128xf32, #tpu.memory_space<vmem>> -> memref<1x128x128xf32, #tpu.memory_space<vmem>>
      %gather3A_526 = tpu.memref_squeeze %gather3A_525 : memref<1x128x128xf32, #tpu.memory_space<vmem>> -> memref<128x128xf32, #tpu.memory_space<vmem>>
      %gather3A_527 = tpu.vector_load_idx %gather3A_526[%add3A_265, %add3A_522] : memref<128x128xf32, #tpu.memory_space<vmem>>[vector<16xi32>, vector<16xi32>], vector<16xf32>,
      %mul3A_528 = arith.constant 16 : i32
      %mul3A_529 = vector.broadcast %mul3A_528 : i32 to vector<16xi32>
      %mul3A_530 = arith.muli %add3A_265, %mul3A_529 : vector<16xi32>
      %add3A_531 = arith.constant 11 : i32
      %add3A_532 = vector.broadcast %add3A_531 : i32 to vector<16xi32>
      %add3A_533 = arith.addi %mul3A_530, %add3A_532 : vector<16xi32>
      %shift_right_arithmetic3A_534 = arith.constant 7 : i32
      %shift_right_arithmetic3A_535 = vector.broadcast %shift_right_arithmetic3A_534 : i32 to vector<16xi32>
      %shift_right_arithmetic3A_536 = arith.shrsi %add3A_533, %shift_right_arithmetic3A_535 : vector<16xi32>
      %and3A_537 = arith.constant 127 : i32
      %and3A_538 = vector.broadcast %and3A_537 : i32 to vector<16xi32>
      %and3A_539 = arith.andi %add3A_533, %and3A_538 : vector<16xi32>
      %scatter3A_540 = arith.constant 48 : i32
      %scatter3A_541 = arith.constant 0 : i32
      %scatter3A_542 = tpu.memref_slice %arg15[%scatter3A_540, %scatter3A_541] : memref<64x128xf32, #tpu.memory_space<vmem>> -> memref<16x128xf32, #tpu.memory_space<vmem>>
      tpu.vector_store_idx %scatter3A_542[%shift_right_arithmetic3A_536, %and3A_539], %gather3A_527 : memref<16x128xf32, #tpu.memory_space<vmem>>[vector<16xi32>, vector<16xi32>], vector<16xf32>,
      %add3A_543 = arith.constant 12 : i32
      %add3A_544 = vector.broadcast %add3A_543 : i32 to vector<16xi32>
      %add3A_545 = arith.addi %get3A_270, %add3A_544 : vector<16xi32>
      %gather3A_546 = arith.constant 0 : i32
      %gather3A_547 = arith.constant 0 : i32
      %gather3A_548 = tpu.memref_slice %arg14[%scan3A_132, %gather3A_546, %gather3A_547] : memref<2x128x128xf32, #tpu.memory_space<vmem>> -> memref<1x128x128xf32, #tpu.memory_space<vmem>>
      %gather3A_549 = tpu.memref_squeeze %gather3A_548 : memref<1x128x128xf32, #tpu.memory_space<vmem>> -> memref<128x128xf32, #tpu.memory_space<vmem>>
      %gather3A_550 = tpu.vector_load_idx %gather3A_549[%add3A_265, %add3A_545] : memref<128x128xf32, #tpu.memory_space<vmem>>[vector<16xi32>, vector<16xi32>], vector<16xf32>,
      %mul3A_551 = arith.constant 16 : i32
      %mul3A_552 = vector.broadcast %mul3A_551 : i32 to vector<16xi32>
      %mul3A_553 = arith.muli %add3A_265, %mul3A_552 : vector<16xi32>
      %add3A_554 = arith.constant 12 : i32
      %add3A_555 = vector.broadcast %add3A_554 : i32 to vector<16xi32>
      %add3A_556 = arith.addi %mul3A_553, %add3A_555 : vector<16xi32>
      %shift_right_arithmetic3A_557 = arith.constant 7 : i32
      %shift_right_arithmetic3A_558 = vector.broadcast %shift_right_arithmetic3A_557 : i32 to vector<16xi32>
      %shift_right_arithmetic3A_559 = arith.shrsi %add3A_556, %shift_right_arithmetic3A_558 : vector<16xi32>
      %and3A_560 = arith.constant 127 : i32
      %and3A_561 = vector.broadcast %and3A_560 : i32 to vector<16xi32>
      %and3A_562 = arith.andi %add3A_556, %and3A_561 : vector<16xi32>
      %scatter3A_563 = arith.constant 48 : i32
      %scatter3A_564 = arith.constant 0 : i32
      %scatter3A_565 = tpu.memref_slice %arg15[%scatter3A_563, %scatter3A_564] : memref<64x128xf32, #tpu.memory_space<vmem>> -> memref<16x128xf32, #tpu.memory_space<vmem>>
      tpu.vector_store_idx %scatter3A_565[%shift_right_arithmetic3A_559, %and3A_562], %gather3A_550 : memref<16x128xf32, #tpu.memory_space<vmem>>[vector<16xi32>, vector<16xi32>], vector<16xf32>,
      %add3A_566 = arith.constant 13 : i32
      %add3A_567 = vector.broadcast %add3A_566 : i32 to vector<16xi32>
      %add3A_568 = arith.addi %get3A_270, %add3A_567 : vector<16xi32>
      %gather3A_569 = arith.constant 0 : i32
      %gather3A_570 = arith.constant 0 : i32
      %gather3A_571 = tpu.memref_slice %arg14[%scan3A_132, %gather3A_569, %gather3A_570] : memref<2x128x128xf32, #tpu.memory_space<vmem>> -> memref<1x128x128xf32, #tpu.memory_space<vmem>>
      %gather3A_572 = tpu.memref_squeeze %gather3A_571 : memref<1x128x128xf32, #tpu.memory_space<vmem>> -> memref<128x128xf32, #tpu.memory_space<vmem>>
      %gather3A_573 = tpu.vector_load_idx %gather3A_572[%add3A_265, %add3A_568] : memref<128x128xf32, #tpu.memory_space<vmem>>[vector<16xi32>, vector<16xi32>], vector<16xf32>,
      %mul3A_574 = arith.constant 16 : i32
      %mul3A_575 = vector.broadcast %mul3A_574 : i32 to vector<16xi32>
      %mul3A_576 = arith.muli %add3A_265, %mul3A_575 : vector<16xi32>
      %add3A_577 = arith.constant 13 : i32
      %add3A_578 = vector.broadcast %add3A_577 : i32 to vector<16xi32>
      %add3A_579 = arith.addi %mul3A_576, %add3A_578 : vector<16xi32>
      %shift_right_arithmetic3A_580 = arith.constant 7 : i32
      %shift_right_arithmetic3A_581 = vector.broadcast %shift_right_arithmetic3A_580 : i32 to vector<16xi32>
      %shift_right_arithmetic3A_582 = arith.shrsi %add3A_579, %shift_right_arithmetic3A_581 : vector<16xi32>
      %and3A_583 = arith.constant 127 : i32
      %and3A_584 = vector.broadcast %and3A_583 : i32 to vector<16xi32>
      %and3A_585 = arith.andi %add3A_579, %and3A_584 : vector<16xi32>
      %scatter3A_586 = arith.constant 48 : i32
      %scatter3A_587 = arith.constant 0 : i32
      %scatter3A_588 = tpu.memref_slice %arg15[%scatter3A_586, %scatter3A_587] : memref<64x128xf32, #tpu.memory_space<vmem>> -> memref<16x128xf32, #tpu.memory_space<vmem>>
      tpu.vector_store_idx %scatter3A_588[%shift_right_arithmetic3A_582, %and3A_585], %gather3A_573 : memref<16x128xf32, #tpu.memory_space<vmem>>[vector<16xi32>, vector<16xi32>], vector<16xf32>,
      %add3A_589 = arith.constant 14 : i32
      %add3A_590 = vector.broadcast %add3A_589 : i32 to vector<16xi32>
      %add3A_591 = arith.addi %get3A_270, %add3A_590 : vector<16xi32>
      %gather3A_592 = arith.constant 0 : i32
      %gather3A_593 = arith.constant 0 : i32
      %gather3A_594 = tpu.memref_slice %arg14[%scan3A_132, %gather3A_592, %gather3A_593] : memref<2x128x128xf32, #tpu.memory_space<vmem>> -> memref<1x128x128xf32, #tpu.memory_space<vmem>>
      %gather3A_595 = tpu.memref_squeeze %gather3A_594 : memref<1x128x128xf32, #tpu.memory_space<vmem>> -> memref<128x128xf32, #tpu.memory_space<vmem>>
      %gather3A_596 = tpu.vector_load_idx %gather3A_595[%add3A_265, %add3A_591] : memref<128x128xf32, #tpu.memory_space<vmem>>[vector<16xi32>, vector<16xi32>], vector<16xf32>,
      %mul3A_597 = arith.constant 16 : i32
      %mul3A_598 = vector.broadcast %mul3A_597 : i32 to vector<16xi32>
      %mul3A_599 = arith.muli %add3A_265, %mul3A_598 : vector<16xi32>
      %add3A_600 = arith.constant 14 : i32
      %add3A_601 = vector.broadcast %add3A_600 : i32 to vector<16xi32>
      %add3A_602 = arith.addi %mul3A_599, %add3A_601 : vector<16xi32>
      %shift_right_arithmetic3A_603 = arith.constant 7 : i32
      %shift_right_arithmetic3A_604 = vector.broadcast %shift_right_arithmetic3A_603 : i32 to vector<16xi32>
      %shift_right_arithmetic3A_605 = arith.shrsi %add3A_602, %shift_right_arithmetic3A_604 : vector<16xi32>
      %and3A_606 = arith.constant 127 : i32
      %and3A_607 = vector.broadcast %and3A_606 : i32 to vector<16xi32>
      %and3A_608 = arith.andi %add3A_602, %and3A_607 : vector<16xi32>
      %scatter3A_609 = arith.constant 48 : i32
      %scatter3A_610 = arith.constant 0 : i32
      %scatter3A_611 = tpu.memref_slice %arg15[%scatter3A_609, %scatter3A_610] : memref<64x128xf32, #tpu.memory_space<vmem>> -> memref<16x128xf32, #tpu.memory_space<vmem>>
      tpu.vector_store_idx %scatter3A_611[%shift_right_arithmetic3A_605, %and3A_608], %gather3A_596 : memref<16x128xf32, #tpu.memory_space<vmem>>[vector<16xi32>, vector<16xi32>], vector<16xf32>,
      %add3A_612 = arith.constant 15 : i32
      %add3A_613 = vector.broadcast %add3A_612 : i32 to vector<16xi32>
      %add3A_614 = arith.addi %get3A_270, %add3A_613 : vector<16xi32>
      %gather3A_615 = arith.constant 0 : i32
      %gather3A_616 = arith.constant 0 : i32
      %gather3A_617 = tpu.memref_slice %arg14[%scan3A_132, %gather3A_615, %gather3A_616] : memref<2x128x128xf32, #tpu.memory_space<vmem>> -> memref<1x128x128xf32, #tpu.memory_space<vmem>>
      %gather3A_618 = tpu.memref_squeeze %gather3A_617 : memref<1x128x128xf32, #tpu.memory_space<vmem>> -> memref<128x128xf32, #tpu.memory_space<vmem>>
      %gather3A_619 = tpu.vector_load_idx %gather3A_618[%add3A_265, %add3A_614] : memref<128x128xf32, #tpu.memory_space<vmem>>[vector<16xi32>, vector<16xi32>], vector<16xf32>,
      %mul3A_620 = arith.constant 16 : i32
      %mul3A_621 = vector.broadcast %mul3A_620 : i32 to vector<16xi32>
      %mul3A_622 = arith.muli %add3A_265, %mul3A_621 : vector<16xi32>
      %add3A_623 = arith.constant 15 : i32
      %add3A_624 = vector.broadcast %add3A_623 : i32 to vector<16xi32>
      %add3A_625 = arith.addi %mul3A_622, %add3A_624 : vector<16xi32>
      %shift_right_arithmetic3A_626 = arith.constant 7 : i32
      %shift_right_arithmetic3A_627 = vector.broadcast %shift_right_arithmetic3A_626 : i32 to vector<16xi32>
      %shift_right_arithmetic3A_628 = arith.shrsi %add3A_625, %shift_right_arithmetic3A_627 : vector<16xi32>
      %and3A_629 = arith.constant 127 : i32
      %and3A_630 = vector.broadcast %and3A_629 : i32 to vector<16xi32>
      %and3A_631 = arith.andi %add3A_625, %and3A_630 : vector<16xi32>
      %scatter3A_632 = arith.constant 48 : i32
      %scatter3A_633 = arith.constant 0 : i32
      %scatter3A_634 = tpu.memref_slice %arg15[%scatter3A_632, %scatter3A_633] : memref<64x128xf32, #tpu.memory_space<vmem>> -> memref<16x128xf32, #tpu.memory_space<vmem>>
      tpu.vector_store_idx %scatter3A_634[%shift_right_arithmetic3A_628, %and3A_631], %gather3A_619 : memref<16x128xf32, #tpu.memory_space<vmem>>[vector<16xi32>, vector<16xi32>], vector<16xf32>,
      %scan3A_635 = arith.constant 0 : i32
      scf.yield %scan3A_635 : i32
    }
    %scan3A_139 = arith.constant 8 : i32
    %dma_start3A_140 = arith.constant 1 : i32
    %dma_start3A_141 = arith.constant 1 : i32
    %dma_start3A_142 = arith.constant 0 : i32
    %dma_start3A_143 = arith.constant 0 : i32
    %dma_start3A_144 = tpu.memref_slice %arg14[%dma_start3A_141, %dma_start3A_142, %dma_start3A_143] : memref<2x128x128xf32, #tpu.memory_space<vmem>> -> memref<1x128x128xf32, #tpu.memory_space<vmem>>
    %dma_start3A_145 = tpu.memref_squeeze %dma_start3A_144 : memref<1x128x128xf32, #tpu.memory_space<vmem>> -> memref<128x128xf32, #tpu.memory_space<vmem>>
    %dma_start3A_146 = arith.constant 0 : i32
    %dma_start3A_147 = tpu.memref_slice %arg11[%dma_start3A_140, %dma_start3A_146] : memref<4x128xi32, #tpu.memory_space<vmem>> -> memref<1x128xi32, #tpu.memory_space<vmem>>
    %dma_start3A_148 = tpu.memref_squeeze %dma_start3A_147 : memref<1x128xi32, #tpu.memory_space<vmem>> -> memref<128xi32, #tpu.memory_space<vmem>>
    %dma_start3A_149 = arith.constant 0 : i32
    %dma_start3A_150 = arith.constant 0 : i32
    %dma_start3A_151 = tpu.memref_slice %arg7[%dma_start3A_149, %dma_start3A_150] : memref<125000x128xf32, #tpu.memory_space<hbm>> -> memref<125000x128xf32, #tpu.memory_space<hbm>>
    tpu.enqueue_indirect_dma source(%dma_start3A_151 : memref<125000x128xf32, #tpu.memory_space<hbm>>) target(%dma_start3A_145 : memref<128x128xf32, #tpu.memory_space<vmem>>) offsets(%dma_start3A_148 : memref<128xi32, #tpu.memory_space<vmem>>) semaphore(%arg18 : memref<!tpu.dma_semaphore, #tpu.memory_space<semaphore_mem>>)
    %dma_wait3A_152 = arith.constant 0 : i32
    %dma_wait3A_153 = arith.constant 0 : i32
    %dma_wait3A_154 = arith.constant 0 : i32
    %dma_wait3A_155 = arith.constant 0 : i32
    %dma_wait3A_156 = tpu.memref_slice %arg14[%dma_wait3A_153, %dma_wait3A_154, %dma_wait3A_155] : memref<2x128x128xf32, #tpu.memory_space<vmem>> -> memref<1x128x128xf32, #tpu.memory_space<vmem>>
    %dma_wait3A_157 = tpu.memref_squeeze %dma_wait3A_156 : memref<1x128x128xf32, #tpu.memory_space<vmem>> -> memref<128x128xf32, #tpu.memory_space<vmem>>
    %dma_wait3A_158 = arith.constant 0 : i32
    %dma_wait3A_159 = tpu.memref_slice %arg11[%dma_wait3A_152, %dma_wait3A_158] : memref<4x128xi32, #tpu.memory_space<vmem>> -> memref<1x128xi32, #tpu.memory_space<vmem>>
    %dma_wait3A_160 = tpu.memref_squeeze %dma_wait3A_159 : memref<1x128xi32, #tpu.memory_space<vmem>> -> memref<128xi32, #tpu.memory_space<vmem>>
    %dma_wait3A_161 = arith.constant 0 : i32
    %dma_wait3A_162 = arith.constant 0 : i32
    %dma_wait3A_163 = tpu.memref_slice %arg7[%dma_wait3A_161, %dma_wait3A_162] : memref<125000x128xf32, #tpu.memory_space<hbm>> -> memref<125000x128xf32, #tpu.memory_space<hbm>>
    tpu.wait_indirect_dma semaphore(%arg17 : memref<!tpu.dma_semaphore, #tpu.memory_space<semaphore_mem>>) src(%dma_wait3A_163 : memref<125000x128xf32, #tpu.memory_space<hbm>>) dst(%dma_wait3A_157 : memref<128x128xf32, #tpu.memory_space<vmem>>)
    %scan3A_164 = arith.constant 0 : i32
    %scan3A_165 = arith.constant 0 : i32
    %scan3A_166 = arith.constant 0 : i32
    %scan3A_167 = arith.constant 8 : i32
    %scan3A_168 = arith.addi %scan3A_166, %scan3A_167 : i32
    %scan3A_169 = arith.constant 1 : i32
    %scan3A_170 = scf.for %scan3A_260 = %scan3A_166 to %scan3A_168 step %scan3A_169 iter_args(%scan3A_261 = %scan3A_165) -> (i32)  : i32 {
      %mul3A_262 = arith.constant 16 : i32
      %mul3A_263 = arith.muli %scan3A_260, %mul3A_262 : i32
      %iota3A = tpu.iota {dimensions = array<i32: 0>} : vector<16xi32>
      %add3A_264 = vector.broadcast %mul3A_263 : i32 to vector<16xi32>
      %add3A_265 = arith.addi %add3A_264, %iota3A : vector<16xi32>
      %mul3A_266 = arith.constant 16 : i32
      %mul3A_267 = arith.muli %scan3A_260, %mul3A_266 : i32
      %get3A = arith.constant 0 : i32
      %get3A_268 = arith.index_cast %get3A : i32 to index
      %get3A_269 = arith.index_cast %mul3A_267 : i32 to index
      %get3A_270 = tpu.vector_load %arg13[%get3A_268, %get3A_269] {strides = array<i32>} : memref<4x128xi32, #tpu.memory_space<vmem>>, vector<16xi32>,
      %add3A_271 = arith.constant 0 : i32
      %add3A_272 = vector.broadcast %add3A_271 : i32 to vector<16xi32>
      %add3A_273 = arith.addi %get3A_270, %add3A_272 : vector<16xi32>
      %gather3A = arith.constant 0 : i32
      %gather3A_274 = arith.constant 0 : i32
      %gather3A_275 = tpu.memref_slice %arg14[%scan3A_164, %gather3A, %gather3A_274] : memref<2x128x128xf32, #tpu.memory_space<vmem>> -> memref<1x128x128xf32, #tpu.memory_space<vmem>>
      %gather3A_276 = tpu.memref_squeeze %gather3A_275 : memref<1x128x128xf32, #tpu.memory_space<vmem>> -> memref<128x128xf32, #tpu.memory_space<vmem>>
      %gather3A_277 = tpu.vector_load_idx %gather3A_276[%add3A_265, %add3A_273] : memref<128x128xf32, #tpu.memory_space<vmem>>[vector<16xi32>, vector<16xi32>], vector<16xf32>,
      %mul3A_278 = arith.constant 16 : i32
      %mul3A_279 = vector.broadcast %mul3A_278 : i32 to vector<16xi32>
      %mul3A_280 = arith.muli %add3A_265, %mul3A_279 : vector<16xi32>
      %add3A_281 = arith.constant 0 : i32
      %add3A_282 = vector.broadcast %add3A_281 : i32 to vector<16xi32>
      %add3A_283 = arith.addi %mul3A_280, %add3A_282 : vector<16xi32>
      %shift_right_arithmetic3A = arith.constant 7 : i32
      %shift_right_arithmetic3A_284 = vector.broadcast %shift_right_arithmetic3A : i32 to vector<16xi32>
      %shift_right_arithmetic3A_285 = arith.shrsi %add3A_283, %shift_right_arithmetic3A_284 : vector<16xi32>
      %and3A = arith.constant 127 : i32
      %and3A_286 = vector.broadcast %and3A : i32 to vector<16xi32>
      %and3A_287 = arith.andi %add3A_283, %and3A_286 : vector<16xi32>
      %scatter3A = arith.constant 0 : i32
      %scatter3A_288 = arith.constant 0 : i32
      %scatter3A_289 = tpu.memref_slice %arg16[%scatter3A, %scatter3A_288] : memref<64x128xf32, #tpu.memory_space<vmem>> -> memref<16x128xf32, #tpu.memory_space<vmem>>
      tpu.vector_store_idx %scatter3A_289[%shift_right_arithmetic3A_285, %and3A_287], %gather3A_277 : memref<16x128xf32, #tpu.memory_space<vmem>>[vector<16xi32>, vector<16xi32>], vector<16xf32>,
      %add3A_290 = arith.constant 1 : i32
      %add3A_291 = vector.broadcast %add3A_290 : i32 to vector<16xi32>
      %add3A_292 = arith.addi %get3A_270, %add3A_291 : vector<16xi32>
      %gather3A_293 = arith.constant 0 : i32
      %gather3A_294 = arith.constant 0 : i32
      %gather3A_295 = tpu.memref_slice %arg14[%scan3A_164, %gather3A_293, %gather3A_294] : memref<2x128x128xf32, #tpu.memory_space<vmem>> -> memref<1x128x128xf32, #tpu.memory_space<vmem>>
      %gather3A_296 = tpu.memref_squeeze %gather3A_295 : memref<1x128x128xf32, #tpu.memory_space<vmem>> -> memref<128x128xf32, #tpu.memory_space<vmem>>
      %gather3A_297 = tpu.vector_load_idx %gather3A_296[%add3A_265, %add3A_292] : memref<128x128xf32, #tpu.memory_space<vmem>>[vector<16xi32>, vector<16xi32>], vector<16xf32>,
      %mul3A_298 = arith.constant 16 : i32
      %mul3A_299 = vector.broadcast %mul3A_298 : i32 to vector<16xi32>
      %mul3A_300 = arith.muli %add3A_265, %mul3A_299 : vector<16xi32>
      %add3A_301 = arith.constant 1 : i32
      %add3A_302 = vector.broadcast %add3A_301 : i32 to vector<16xi32>
      %add3A_303 = arith.addi %mul3A_300, %add3A_302 : vector<16xi32>
      %shift_right_arithmetic3A_304 = arith.constant 7 : i32
      %shift_right_arithmetic3A_305 = vector.broadcast %shift_right_arithmetic3A_304 : i32 to vector<16xi32>
      %shift_right_arithmetic3A_306 = arith.shrsi %add3A_303, %shift_right_arithmetic3A_305 : vector<16xi32>
      %and3A_307 = arith.constant 127 : i32
      %and3A_308 = vector.broadcast %and3A_307 : i32 to vector<16xi32>
      %and3A_309 = arith.andi %add3A_303, %and3A_308 : vector<16xi32>
      %scatter3A_310 = arith.constant 0 : i32
      %scatter3A_311 = arith.constant 0 : i32
      %scatter3A_312 = tpu.memref_slice %arg16[%scatter3A_310, %scatter3A_311] : memref<64x128xf32, #tpu.memory_space<vmem>> -> memref<16x128xf32, #tpu.memory_space<vmem>>
      tpu.vector_store_idx %scatter3A_312[%shift_right_arithmetic3A_306, %and3A_309], %gather3A_297 : memref<16x128xf32, #tpu.memory_space<vmem>>[vector<16xi32>, vector<16xi32>], vector<16xf32>,
      %add3A_313 = arith.constant 2 : i32
      %add3A_314 = vector.broadcast %add3A_313 : i32 to vector<16xi32>
      %add3A_315 = arith.addi %get3A_270, %add3A_314 : vector<16xi32>
      %gather3A_316 = arith.constant 0 : i32
      %gather3A_317 = arith.constant 0 : i32
      %gather3A_318 = tpu.memref_slice %arg14[%scan3A_164, %gather3A_316, %gather3A_317] : memref<2x128x128xf32, #tpu.memory_space<vmem>> -> memref<1x128x128xf32, #tpu.memory_space<vmem>>
      %gather3A_319 = tpu.memref_squeeze %gather3A_318 : memref<1x128x128xf32, #tpu.memory_space<vmem>> -> memref<128x128xf32, #tpu.memory_space<vmem>>
      %gather3A_320 = tpu.vector_load_idx %gather3A_319[%add3A_265, %add3A_315] : memref<128x128xf32, #tpu.memory_space<vmem>>[vector<16xi32>, vector<16xi32>], vector<16xf32>,
      %mul3A_321 = arith.constant 16 : i32
      %mul3A_322 = vector.broadcast %mul3A_321 : i32 to vector<16xi32>
      %mul3A_323 = arith.muli %add3A_265, %mul3A_322 : vector<16xi32>
      %add3A_324 = arith.constant 2 : i32
      %add3A_325 = vector.broadcast %add3A_324 : i32 to vector<16xi32>
      %add3A_326 = arith.addi %mul3A_323, %add3A_325 : vector<16xi32>
      %shift_right_arithmetic3A_327 = arith.constant 7 : i32
      %shift_right_arithmetic3A_328 = vector.broadcast %shift_right_arithmetic3A_327 : i32 to vector<16xi32>
      %shift_right_arithmetic3A_329 = arith.shrsi %add3A_326, %shift_right_arithmetic3A_328 : vector<16xi32>
      %and3A_330 = arith.constant 127 : i32
      %and3A_331 = vector.broadcast %and3A_330 : i32 to vector<16xi32>
      %and3A_332 = arith.andi %add3A_326, %and3A_331 : vector<16xi32>
      %scatter3A_333 = arith.constant 0 : i32
      %scatter3A_334 = arith.constant 0 : i32
      %scatter3A_335 = tpu.memref_slice %arg16[%scatter3A_333, %scatter3A_334] : memref<64x128xf32, #tpu.memory_space<vmem>> -> memref<16x128xf32, #tpu.memory_space<vmem>>
      tpu.vector_store_idx %scatter3A_335[%shift_right_arithmetic3A_329, %and3A_332], %gather3A_320 : memref<16x128xf32, #tpu.memory_space<vmem>>[vector<16xi32>, vector<16xi32>], vector<16xf32>,
      %add3A_336 = arith.constant 3 : i32
      %add3A_337 = vector.broadcast %add3A_336 : i32 to vector<16xi32>
      %add3A_338 = arith.addi %get3A_270, %add3A_337 : vector<16xi32>
      %gather3A_339 = arith.constant 0 : i32
      %gather3A_340 = arith.constant 0 : i32
      %gather3A_341 = tpu.memref_slice %arg14[%scan3A_164, %gather3A_339, %gather3A_340] : memref<2x128x128xf32, #tpu.memory_space<vmem>> -> memref<1x128x128xf32, #tpu.memory_space<vmem>>
      %gather3A_342 = tpu.memref_squeeze %gather3A_341 : memref<1x128x128xf32, #tpu.memory_space<vmem>> -> memref<128x128xf32, #tpu.memory_space<vmem>>
      %gather3A_343 = tpu.vector_load_idx %gather3A_342[%add3A_265, %add3A_338] : memref<128x128xf32, #tpu.memory_space<vmem>>[vector<16xi32>, vector<16xi32>], vector<16xf32>,
      %mul3A_344 = arith.constant 16 : i32
      %mul3A_345 = vector.broadcast %mul3A_344 : i32 to vector<16xi32>
      %mul3A_346 = arith.muli %add3A_265, %mul3A_345 : vector<16xi32>
      %add3A_347 = arith.constant 3 : i32
      %add3A_348 = vector.broadcast %add3A_347 : i32 to vector<16xi32>
      %add3A_349 = arith.addi %mul3A_346, %add3A_348 : vector<16xi32>
      %shift_right_arithmetic3A_350 = arith.constant 7 : i32
      %shift_right_arithmetic3A_351 = vector.broadcast %shift_right_arithmetic3A_350 : i32 to vector<16xi32>
      %shift_right_arithmetic3A_352 = arith.shrsi %add3A_349, %shift_right_arithmetic3A_351 : vector<16xi32>
      %and3A_353 = arith.constant 127 : i32
      %and3A_354 = vector.broadcast %and3A_353 : i32 to vector<16xi32>
      %and3A_355 = arith.andi %add3A_349, %and3A_354 : vector<16xi32>
      %scatter3A_356 = arith.constant 0 : i32
      %scatter3A_357 = arith.constant 0 : i32
      %scatter3A_358 = tpu.memref_slice %arg16[%scatter3A_356, %scatter3A_357] : memref<64x128xf32, #tpu.memory_space<vmem>> -> memref<16x128xf32, #tpu.memory_space<vmem>>
      tpu.vector_store_idx %scatter3A_358[%shift_right_arithmetic3A_352, %and3A_355], %gather3A_343 : memref<16x128xf32, #tpu.memory_space<vmem>>[vector<16xi32>, vector<16xi32>], vector<16xf32>,
      %add3A_359 = arith.constant 4 : i32
      %add3A_360 = vector.broadcast %add3A_359 : i32 to vector<16xi32>
      %add3A_361 = arith.addi %get3A_270, %add3A_360 : vector<16xi32>
      %gather3A_362 = arith.constant 0 : i32
      %gather3A_363 = arith.constant 0 : i32
      %gather3A_364 = tpu.memref_slice %arg14[%scan3A_164, %gather3A_362, %gather3A_363] : memref<2x128x128xf32, #tpu.memory_space<vmem>> -> memref<1x128x128xf32, #tpu.memory_space<vmem>>
      %gather3A_365 = tpu.memref_squeeze %gather3A_364 : memref<1x128x128xf32, #tpu.memory_space<vmem>> -> memref<128x128xf32, #tpu.memory_space<vmem>>
      %gather3A_366 = tpu.vector_load_idx %gather3A_365[%add3A_265, %add3A_361] : memref<128x128xf32, #tpu.memory_space<vmem>>[vector<16xi32>, vector<16xi32>], vector<16xf32>,
      %mul3A_367 = arith.constant 16 : i32
      %mul3A_368 = vector.broadcast %mul3A_367 : i32 to vector<16xi32>
      %mul3A_369 = arith.muli %add3A_265, %mul3A_368 : vector<16xi32>
      %add3A_370 = arith.constant 4 : i32
      %add3A_371 = vector.broadcast %add3A_370 : i32 to vector<16xi32>
      %add3A_372 = arith.addi %mul3A_369, %add3A_371 : vector<16xi32>
      %shift_right_arithmetic3A_373 = arith.constant 7 : i32
      %shift_right_arithmetic3A_374 = vector.broadcast %shift_right_arithmetic3A_373 : i32 to vector<16xi32>
      %shift_right_arithmetic3A_375 = arith.shrsi %add3A_372, %shift_right_arithmetic3A_374 : vector<16xi32>
      %and3A_376 = arith.constant 127 : i32
      %and3A_377 = vector.broadcast %and3A_376 : i32 to vector<16xi32>
      %and3A_378 = arith.andi %add3A_372, %and3A_377 : vector<16xi32>
      %scatter3A_379 = arith.constant 0 : i32
      %scatter3A_380 = arith.constant 0 : i32
      %scatter3A_381 = tpu.memref_slice %arg16[%scatter3A_379, %scatter3A_380] : memref<64x128xf32, #tpu.memory_space<vmem>> -> memref<16x128xf32, #tpu.memory_space<vmem>>
      tpu.vector_store_idx %scatter3A_381[%shift_right_arithmetic3A_375, %and3A_378], %gather3A_366 : memref<16x128xf32, #tpu.memory_space<vmem>>[vector<16xi32>, vector<16xi32>], vector<16xf32>,
      %add3A_382 = arith.constant 5 : i32
      %add3A_383 = vector.broadcast %add3A_382 : i32 to vector<16xi32>
      %add3A_384 = arith.addi %get3A_270, %add3A_383 : vector<16xi32>
      %gather3A_385 = arith.constant 0 : i32
      %gather3A_386 = arith.constant 0 : i32
      %gather3A_387 = tpu.memref_slice %arg14[%scan3A_164, %gather3A_385, %gather3A_386] : memref<2x128x128xf32, #tpu.memory_space<vmem>> -> memref<1x128x128xf32, #tpu.memory_space<vmem>>
      %gather3A_388 = tpu.memref_squeeze %gather3A_387 : memref<1x128x128xf32, #tpu.memory_space<vmem>> -> memref<128x128xf32, #tpu.memory_space<vmem>>
      %gather3A_389 = tpu.vector_load_idx %gather3A_388[%add3A_265, %add3A_384] : memref<128x128xf32, #tpu.memory_space<vmem>>[vector<16xi32>, vector<16xi32>], vector<16xf32>,
      %mul3A_390 = arith.constant 16 : i32
      %mul3A_391 = vector.broadcast %mul3A_390 : i32 to vector<16xi32>
      %mul3A_392 = arith.muli %add3A_265, %mul3A_391 : vector<16xi32>
      %add3A_393 = arith.constant 5 : i32
      %add3A_394 = vector.broadcast %add3A_393 : i32 to vector<16xi32>
      %add3A_395 = arith.addi %mul3A_392, %add3A_394 : vector<16xi32>
      %shift_right_arithmetic3A_396 = arith.constant 7 : i32
      %shift_right_arithmetic3A_397 = vector.broadcast %shift_right_arithmetic3A_396 : i32 to vector<16xi32>
      %shift_right_arithmetic3A_398 = arith.shrsi %add3A_395, %shift_right_arithmetic3A_397 : vector<16xi32>
      %and3A_399 = arith.constant 127 : i32
      %and3A_400 = vector.broadcast %and3A_399 : i32 to vector<16xi32>
      %and3A_401 = arith.andi %add3A_395, %and3A_400 : vector<16xi32>
      %scatter3A_402 = arith.constant 0 : i32
      %scatter3A_403 = arith.constant 0 : i32
      %scatter3A_404 = tpu.memref_slice %arg16[%scatter3A_402, %scatter3A_403] : memref<64x128xf32, #tpu.memory_space<vmem>> -> memref<16x128xf32, #tpu.memory_space<vmem>>
      tpu.vector_store_idx %scatter3A_404[%shift_right_arithmetic3A_398, %and3A_401], %gather3A_389 : memref<16x128xf32, #tpu.memory_space<vmem>>[vector<16xi32>, vector<16xi32>], vector<16xf32>,
      %add3A_405 = arith.constant 6 : i32
      %add3A_406 = vector.broadcast %add3A_405 : i32 to vector<16xi32>
      %add3A_407 = arith.addi %get3A_270, %add3A_406 : vector<16xi32>
      %gather3A_408 = arith.constant 0 : i32
      %gather3A_409 = arith.constant 0 : i32
      %gather3A_410 = tpu.memref_slice %arg14[%scan3A_164, %gather3A_408, %gather3A_409] : memref<2x128x128xf32, #tpu.memory_space<vmem>> -> memref<1x128x128xf32, #tpu.memory_space<vmem>>
      %gather3A_411 = tpu.memref_squeeze %gather3A_410 : memref<1x128x128xf32, #tpu.memory_space<vmem>> -> memref<128x128xf32, #tpu.memory_space<vmem>>
      %gather3A_412 = tpu.vector_load_idx %gather3A_411[%add3A_265, %add3A_407] : memref<128x128xf32, #tpu.memory_space<vmem>>[vector<16xi32>, vector<16xi32>], vector<16xf32>,
      %mul3A_413 = arith.constant 16 : i32
      %mul3A_414 = vector.broadcast %mul3A_413 : i32 to vector<16xi32>
      %mul3A_415 = arith.muli %add3A_265, %mul3A_414 : vector<16xi32>
      %add3A_416 = arith.constant 6 : i32
      %add3A_417 = vector.broadcast %add3A_416 : i32 to vector<16xi32>
      %add3A_418 = arith.addi %mul3A_415, %add3A_417 : vector<16xi32>
      %shift_right_arithmetic3A_419 = arith.constant 7 : i32
      %shift_right_arithmetic3A_420 = vector.broadcast %shift_right_arithmetic3A_419 : i32 to vector<16xi32>
      %shift_right_arithmetic3A_421 = arith.shrsi %add3A_418, %shift_right_arithmetic3A_420 : vector<16xi32>
      %and3A_422 = arith.constant 127 : i32
      %and3A_423 = vector.broadcast %and3A_422 : i32 to vector<16xi32>
      %and3A_424 = arith.andi %add3A_418, %and3A_423 : vector<16xi32>
      %scatter3A_425 = arith.constant 0 : i32
      %scatter3A_426 = arith.constant 0 : i32
      %scatter3A_427 = tpu.memref_slice %arg16[%scatter3A_425, %scatter3A_426] : memref<64x128xf32, #tpu.memory_space<vmem>> -> memref<16x128xf32, #tpu.memory_space<vmem>>
      tpu.vector_store_idx %scatter3A_427[%shift_right_arithmetic3A_421, %and3A_424], %gather3A_412 : memref<16x128xf32, #tpu.memory_space<vmem>>[vector<16xi32>, vector<16xi32>], vector<16xf32>,
      %add3A_428 = arith.constant 7 : i32
      %add3A_429 = vector.broadcast %add3A_428 : i32 to vector<16xi32>
      %add3A_430 = arith.addi %get3A_270, %add3A_429 : vector<16xi32>
      %gather3A_431 = arith.constant 0 : i32
      %gather3A_432 = arith.constant 0 : i32
      %gather3A_433 = tpu.memref_slice %arg14[%scan3A_164, %gather3A_431, %gather3A_432] : memref<2x128x128xf32, #tpu.memory_space<vmem>> -> memref<1x128x128xf32, #tpu.memory_space<vmem>>
      %gather3A_434 = tpu.memref_squeeze %gather3A_433 : memref<1x128x128xf32, #tpu.memory_space<vmem>> -> memref<128x128xf32, #tpu.memory_space<vmem>>
      %gather3A_435 = tpu.vector_load_idx %gather3A_434[%add3A_265, %add3A_430] : memref<128x128xf32, #tpu.memory_space<vmem>>[vector<16xi32>, vector<16xi32>], vector<16xf32>,
      %mul3A_436 = arith.constant 16 : i32
      %mul3A_437 = vector.broadcast %mul3A_436 : i32 to vector<16xi32>
      %mul3A_438 = arith.muli %add3A_265, %mul3A_437 : vector<16xi32>
      %add3A_439 = arith.constant 7 : i32
      %add3A_440 = vector.broadcast %add3A_439 : i32 to vector<16xi32>
      %add3A_441 = arith.addi %mul3A_438, %add3A_440 : vector<16xi32>
      %shift_right_arithmetic3A_442 = arith.constant 7 : i32
      %shift_right_arithmetic3A_443 = vector.broadcast %shift_right_arithmetic3A_442 : i32 to vector<16xi32>
      %shift_right_arithmetic3A_444 = arith.shrsi %add3A_441, %shift_right_arithmetic3A_443 : vector<16xi32>
      %and3A_445 = arith.constant 127 : i32
      %and3A_446 = vector.broadcast %and3A_445 : i32 to vector<16xi32>
      %and3A_447 = arith.andi %add3A_441, %and3A_446 : vector<16xi32>
      %scatter3A_448 = arith.constant 0 : i32
      %scatter3A_449 = arith.constant 0 : i32
      %scatter3A_450 = tpu.memref_slice %arg16[%scatter3A_448, %scatter3A_449] : memref<64x128xf32, #tpu.memory_space<vmem>> -> memref<16x128xf32, #tpu.memory_space<vmem>>
      tpu.vector_store_idx %scatter3A_450[%shift_right_arithmetic3A_444, %and3A_447], %gather3A_435 : memref<16x128xf32, #tpu.memory_space<vmem>>[vector<16xi32>, vector<16xi32>], vector<16xf32>,
      %add3A_451 = arith.constant 8 : i32
      %add3A_452 = vector.broadcast %add3A_451 : i32 to vector<16xi32>
      %add3A_453 = arith.addi %get3A_270, %add3A_452 : vector<16xi32>
      %gather3A_454 = arith.constant 0 : i32
      %gather3A_455 = arith.constant 0 : i32
      %gather3A_456 = tpu.memref_slice %arg14[%scan3A_164, %gather3A_454, %gather3A_455] : memref<2x128x128xf32, #tpu.memory_space<vmem>> -> memref<1x128x128xf32, #tpu.memory_space<vmem>>
      %gather3A_457 = tpu.memref_squeeze %gather3A_456 : memref<1x128x128xf32, #tpu.memory_space<vmem>> -> memref<128x128xf32, #tpu.memory_space<vmem>>
      %gather3A_458 = tpu.vector_load_idx %gather3A_457[%add3A_265, %add3A_453] : memref<128x128xf32, #tpu.memory_space<vmem>>[vector<16xi32>, vector<16xi32>], vector<16xf32>,
      %mul3A_459 = arith.constant 16 : i32
      %mul3A_460 = vector.broadcast %mul3A_459 : i32 to vector<16xi32>
      %mul3A_461 = arith.muli %add3A_265, %mul3A_460 : vector<16xi32>
      %add3A_462 = arith.constant 8 : i32
      %add3A_463 = vector.broadcast %add3A_462 : i32 to vector<16xi32>
      %add3A_464 = arith.addi %mul3A_461, %add3A_463 : vector<16xi32>
      %shift_right_arithmetic3A_465 = arith.constant 7 : i32
      %shift_right_arithmetic3A_466 = vector.broadcast %shift_right_arithmetic3A_465 : i32 to vector<16xi32>
      %shift_right_arithmetic3A_467 = arith.shrsi %add3A_464, %shift_right_arithmetic3A_466 : vector<16xi32>
      %and3A_468 = arith.constant 127 : i32
      %and3A_469 = vector.broadcast %and3A_468 : i32 to vector<16xi32>
      %and3A_470 = arith.andi %add3A_464, %and3A_469 : vector<16xi32>
      %scatter3A_471 = arith.constant 0 : i32
      %scatter3A_472 = arith.constant 0 : i32
      %scatter3A_473 = tpu.memref_slice %arg16[%scatter3A_471, %scatter3A_472] : memref<64x128xf32, #tpu.memory_space<vmem>> -> memref<16x128xf32, #tpu.memory_space<vmem>>
      tpu.vector_store_idx %scatter3A_473[%shift_right_arithmetic3A_467, %and3A_470], %gather3A_458 : memref<16x128xf32, #tpu.memory_space<vmem>>[vector<16xi32>, vector<16xi32>], vector<16xf32>,
      %add3A_474 = arith.constant 9 : i32
      %add3A_475 = vector.broadcast %add3A_474 : i32 to vector<16xi32>
      %add3A_476 = arith.addi %get3A_270, %add3A_475 : vector<16xi32>
      %gather3A_477 = arith.constant 0 : i32
      %gather3A_478 = arith.constant 0 : i32
      %gather3A_479 = tpu.memref_slice %arg14[%scan3A_164, %gather3A_477, %gather3A_478] : memref<2x128x128xf32, #tpu.memory_space<vmem>> -> memref<1x128x128xf32, #tpu.memory_space<vmem>>
      %gather3A_480 = tpu.memref_squeeze %gather3A_479 : memref<1x128x128xf32, #tpu.memory_space<vmem>> -> memref<128x128xf32, #tpu.memory_space<vmem>>
      %gather3A_481 = tpu.vector_load_idx %gather3A_480[%add3A_265, %add3A_476] : memref<128x128xf32, #tpu.memory_space<vmem>>[vector<16xi32>, vector<16xi32>], vector<16xf32>,
      %mul3A_482 = arith.constant 16 : i32
      %mul3A_483 = vector.broadcast %mul3A_482 : i32 to vector<16xi32>
      %mul3A_484 = arith.muli %add3A_265, %mul3A_483 : vector<16xi32>
      %add3A_485 = arith.constant 9 : i32
      %add3A_486 = vector.broadcast %add3A_485 : i32 to vector<16xi32>
      %add3A_487 = arith.addi %mul3A_484, %add3A_486 : vector<16xi32>
      %shift_right_arithmetic3A_488 = arith.constant 7 : i32
      %shift_right_arithmetic3A_489 = vector.broadcast %shift_right_arithmetic3A_488 : i32 to vector<16xi32>
      %shift_right_arithmetic3A_490 = arith.shrsi %add3A_487, %shift_right_arithmetic3A_489 : vector<16xi32>
      %and3A_491 = arith.constant 127 : i32
      %and3A_492 = vector.broadcast %and3A_491 : i32 to vector<16xi32>
      %and3A_493 = arith.andi %add3A_487, %and3A_492 : vector<16xi32>
      %scatter3A_494 = arith.constant 0 : i32
      %scatter3A_495 = arith.constant 0 : i32
      %scatter3A_496 = tpu.memref_slice %arg16[%scatter3A_494, %scatter3A_495] : memref<64x128xf32, #tpu.memory_space<vmem>> -> memref<16x128xf32, #tpu.memory_space<vmem>>
      tpu.vector_store_idx %scatter3A_496[%shift_right_arithmetic3A_490, %and3A_493], %gather3A_481 : memref<16x128xf32, #tpu.memory_space<vmem>>[vector<16xi32>, vector<16xi32>], vector<16xf32>,
      %add3A_497 = arith.constant 10 : i32
      %add3A_498 = vector.broadcast %add3A_497 : i32 to vector<16xi32>
      %add3A_499 = arith.addi %get3A_270, %add3A_498 : vector<16xi32>
      %gather3A_500 = arith.constant 0 : i32
      %gather3A_501 = arith.constant 0 : i32
      %gather3A_502 = tpu.memref_slice %arg14[%scan3A_164, %gather3A_500, %gather3A_501] : memref<2x128x128xf32, #tpu.memory_space<vmem>> -> memref<1x128x128xf32, #tpu.memory_space<vmem>>
      %gather3A_503 = tpu.memref_squeeze %gather3A_502 : memref<1x128x128xf32, #tpu.memory_space<vmem>> -> memref<128x128xf32, #tpu.memory_space<vmem>>
      %gather3A_504 = tpu.vector_load_idx %gather3A_503[%add3A_265, %add3A_499] : memref<128x128xf32, #tpu.memory_space<vmem>>[vector<16xi32>, vector<16xi32>], vector<16xf32>,
      %mul3A_505 = arith.constant 16 : i32
      %mul3A_506 = vector.broadcast %mul3A_505 : i32 to vector<16xi32>
      %mul3A_507 = arith.muli %add3A_265, %mul3A_506 : vector<16xi32>
      %add3A_508 = arith.constant 10 : i32
      %add3A_509 = vector.broadcast %add3A_508 : i32 to vector<16xi32>
      %add3A_510 = arith.addi %mul3A_507, %add3A_509 : vector<16xi32>
      %shift_right_arithmetic3A_511 = arith.constant 7 : i32
      %shift_right_arithmetic3A_512 = vector.broadcast %shift_right_arithmetic3A_511 : i32 to vector<16xi32>
      %shift_right_arithmetic3A_513 = arith.shrsi %add3A_510, %shift_right_arithmetic3A_512 : vector<16xi32>
      %and3A_514 = arith.constant 127 : i32
      %and3A_515 = vector.broadcast %and3A_514 : i32 to vector<16xi32>
      %and3A_516 = arith.andi %add3A_510, %and3A_515 : vector<16xi32>
      %scatter3A_517 = arith.constant 0 : i32
      %scatter3A_518 = arith.constant 0 : i32
      %scatter3A_519 = tpu.memref_slice %arg16[%scatter3A_517, %scatter3A_518] : memref<64x128xf32, #tpu.memory_space<vmem>> -> memref<16x128xf32, #tpu.memory_space<vmem>>
      tpu.vector_store_idx %scatter3A_519[%shift_right_arithmetic3A_513, %and3A_516], %gather3A_504 : memref<16x128xf32, #tpu.memory_space<vmem>>[vector<16xi32>, vector<16xi32>], vector<16xf32>,
      %add3A_520 = arith.constant 11 : i32
      %add3A_521 = vector.broadcast %add3A_520 : i32 to vector<16xi32>
      %add3A_522 = arith.addi %get3A_270, %add3A_521 : vector<16xi32>
      %gather3A_523 = arith.constant 0 : i32
      %gather3A_524 = arith.constant 0 : i32
      %gather3A_525 = tpu.memref_slice %arg14[%scan3A_164, %gather3A_523, %gather3A_524] : memref<2x128x128xf32, #tpu.memory_space<vmem>> -> memref<1x128x128xf32, #tpu.memory_space<vmem>>
      %gather3A_526 = tpu.memref_squeeze %gather3A_525 : memref<1x128x128xf32, #tpu.memory_space<vmem>> -> memref<128x128xf32, #tpu.memory_space<vmem>>
      %gather3A_527 = tpu.vector_load_idx %gather3A_526[%add3A_265, %add3A_522] : memref<128x128xf32, #tpu.memory_space<vmem>>[vector<16xi32>, vector<16xi32>], vector<16xf32>,
      %mul3A_528 = arith.constant 16 : i32
      %mul3A_529 = vector.broadcast %mul3A_528 : i32 to vector<16xi32>
      %mul3A_530 = arith.muli %add3A_265, %mul3A_529 : vector<16xi32>
      %add3A_531 = arith.constant 11 : i32
      %add3A_532 = vector.broadcast %add3A_531 : i32 to vector<16xi32>
      %add3A_533 = arith.addi %mul3A_530, %add3A_532 : vector<16xi32>
      %shift_right_arithmetic3A_534 = arith.constant 7 : i32
      %shift_right_arithmetic3A_535 = vector.broadcast %shift_right_arithmetic3A_534 : i32 to vector<16xi32>
      %shift_right_arithmetic3A_536 = arith.shrsi %add3A_533, %shift_right_arithmetic3A_535 : vector<16xi32>
      %and3A_537 = arith.constant 127 : i32
      %and3A_538 = vector.broadcast %and3A_537 : i32 to vector<16xi32>
      %and3A_539 = arith.andi %add3A_533, %and3A_538 : vector<16xi32>
      %scatter3A_540 = arith.constant 0 : i32
      %scatter3A_541 = arith.constant 0 : i32
      %scatter3A_542 = tpu.memref_slice %arg16[%scatter3A_540, %scatter3A_541] : memref<64x128xf32, #tpu.memory_space<vmem>> -> memref<16x128xf32, #tpu.memory_space<vmem>>
      tpu.vector_store_idx %scatter3A_542[%shift_right_arithmetic3A_536, %and3A_539], %gather3A_527 : memref<16x128xf32, #tpu.memory_space<vmem>>[vector<16xi32>, vector<16xi32>], vector<16xf32>,
      %add3A_543 = arith.constant 12 : i32
      %add3A_544 = vector.broadcast %add3A_543 : i32 to vector<16xi32>
      %add3A_545 = arith.addi %get3A_270, %add3A_544 : vector<16xi32>
      %gather3A_546 = arith.constant 0 : i32
      %gather3A_547 = arith.constant 0 : i32
      %gather3A_548 = tpu.memref_slice %arg14[%scan3A_164, %gather3A_546, %gather3A_547] : memref<2x128x128xf32, #tpu.memory_space<vmem>> -> memref<1x128x128xf32, #tpu.memory_space<vmem>>
      %gather3A_549 = tpu.memref_squeeze %gather3A_548 : memref<1x128x128xf32, #tpu.memory_space<vmem>> -> memref<128x128xf32, #tpu.memory_space<vmem>>
      %gather3A_550 = tpu.vector_load_idx %gather3A_549[%add3A_265, %add3A_545] : memref<128x128xf32, #tpu.memory_space<vmem>>[vector<16xi32>, vector<16xi32>], vector<16xf32>,
      %mul3A_551 = arith.constant 16 : i32
      %mul3A_552 = vector.broadcast %mul3A_551 : i32 to vector<16xi32>
      %mul3A_553 = arith.muli %add3A_265, %mul3A_552 : vector<16xi32>
      %add3A_554 = arith.constant 12 : i32
      %add3A_555 = vector.broadcast %add3A_554 : i32 to vector<16xi32>
      %add3A_556 = arith.addi %mul3A_553, %add3A_555 : vector<16xi32>
      %shift_right_arithmetic3A_557 = arith.constant 7 : i32
      %shift_right_arithmetic3A_558 = vector.broadcast %shift_right_arithmetic3A_557 : i32 to vector<16xi32>
      %shift_right_arithmetic3A_559 = arith.shrsi %add3A_556, %shift_right_arithmetic3A_558 : vector<16xi32>
      %and3A_560 = arith.constant 127 : i32
      %and3A_561 = vector.broadcast %and3A_560 : i32 to vector<16xi32>
      %and3A_562 = arith.andi %add3A_556, %and3A_561 : vector<16xi32>
      %scatter3A_563 = arith.constant 0 : i32
      %scatter3A_564 = arith.constant 0 : i32
      %scatter3A_565 = tpu.memref_slice %arg16[%scatter3A_563, %scatter3A_564] : memref<64x128xf32, #tpu.memory_space<vmem>> -> memref<16x128xf32, #tpu.memory_space<vmem>>
      tpu.vector_store_idx %scatter3A_565[%shift_right_arithmetic3A_559, %and3A_562], %gather3A_550 : memref<16x128xf32, #tpu.memory_space<vmem>>[vector<16xi32>, vector<16xi32>], vector<16xf32>,
      %add3A_566 = arith.constant 13 : i32
      %add3A_567 = vector.broadcast %add3A_566 : i32 to vector<16xi32>
      %add3A_568 = arith.addi %get3A_270, %add3A_567 : vector<16xi32>
      %gather3A_569 = arith.constant 0 : i32
      %gather3A_570 = arith.constant 0 : i32
      %gather3A_571 = tpu.memref_slice %arg14[%scan3A_164, %gather3A_569, %gather3A_570] : memref<2x128x128xf32, #tpu.memory_space<vmem>> -> memref<1x128x128xf32, #tpu.memory_space<vmem>>
      %gather3A_572 = tpu.memref_squeeze %gather3A_571 : memref<1x128x128xf32, #tpu.memory_space<vmem>> -> memref<128x128xf32, #tpu.memory_space<vmem>>
      %gather3A_573 = tpu.vector_load_idx %gather3A_572[%add3A_265, %add3A_568] : memref<128x128xf32, #tpu.memory_space<vmem>>[vector<16xi32>, vector<16xi32>], vector<16xf32>,
      %mul3A_574 = arith.constant 16 : i32
      %mul3A_575 = vector.broadcast %mul3A_574 : i32 to vector<16xi32>
      %mul3A_576 = arith.muli %add3A_265, %mul3A_575 : vector<16xi32>
      %add3A_577 = arith.constant 13 : i32
      %add3A_578 = vector.broadcast %add3A_577 : i32 to vector<16xi32>
      %add3A_579 = arith.addi %mul3A_576, %add3A_578 : vector<16xi32>
      %shift_right_arithmetic3A_580 = arith.constant 7 : i32
      %shift_right_arithmetic3A_581 = vector.broadcast %shift_right_arithmetic3A_580 : i32 to vector<16xi32>
      %shift_right_arithmetic3A_582 = arith.shrsi %add3A_579, %shift_right_arithmetic3A_581 : vector<16xi32>
      %and3A_583 = arith.constant 127 : i32
      %and3A_584 = vector.broadcast %and3A_583 : i32 to vector<16xi32>
      %and3A_585 = arith.andi %add3A_579, %and3A_584 : vector<16xi32>
      %scatter3A_586 = arith.constant 0 : i32
      %scatter3A_587 = arith.constant 0 : i32
      %scatter3A_588 = tpu.memref_slice %arg16[%scatter3A_586, %scatter3A_587] : memref<64x128xf32, #tpu.memory_space<vmem>> -> memref<16x128xf32, #tpu.memory_space<vmem>>
      tpu.vector_store_idx %scatter3A_588[%shift_right_arithmetic3A_582, %and3A_585], %gather3A_573 : memref<16x128xf32, #tpu.memory_space<vmem>>[vector<16xi32>, vector<16xi32>], vector<16xf32>,
      %add3A_589 = arith.constant 14 : i32
      %add3A_590 = vector.broadcast %add3A_589 : i32 to vector<16xi32>
      %add3A_591 = arith.addi %get3A_270, %add3A_590 : vector<16xi32>
      %gather3A_592 = arith.constant 0 : i32
      %gather3A_593 = arith.constant 0 : i32
      %gather3A_594 = tpu.memref_slice %arg14[%scan3A_164, %gather3A_592, %gather3A_593] : memref<2x128x128xf32, #tpu.memory_space<vmem>> -> memref<1x128x128xf32, #tpu.memory_space<vmem>>
      %gather3A_595 = tpu.memref_squeeze %gather3A_594 : memref<1x128x128xf32, #tpu.memory_space<vmem>> -> memref<128x128xf32, #tpu.memory_space<vmem>>
      %gather3A_596 = tpu.vector_load_idx %gather3A_595[%add3A_265, %add3A_591] : memref<128x128xf32, #tpu.memory_space<vmem>>[vector<16xi32>, vector<16xi32>], vector<16xf32>,
      %mul3A_597 = arith.constant 16 : i32
      %mul3A_598 = vector.broadcast %mul3A_597 : i32 to vector<16xi32>
      %mul3A_599 = arith.muli %add3A_265, %mul3A_598 : vector<16xi32>
      %add3A_600 = arith.constant 14 : i32
      %add3A_601 = vector.broadcast %add3A_600 : i32 to vector<16xi32>
      %add3A_602 = arith.addi %mul3A_599, %add3A_601 : vector<16xi32>
      %shift_right_arithmetic3A_603 = arith.constant 7 : i32
      %shift_right_arithmetic3A_604 = vector.broadcast %shift_right_arithmetic3A_603 : i32 to vector<16xi32>
      %shift_right_arithmetic3A_605 = arith.shrsi %add3A_602, %shift_right_arithmetic3A_604 : vector<16xi32>
      %and3A_606 = arith.constant 127 : i32
      %and3A_607 = vector.broadcast %and3A_606 : i32 to vector<16xi32>
      %and3A_608 = arith.andi %add3A_602, %and3A_607 : vector<16xi32>
      %scatter3A_609 = arith.constant 0 : i32
      %scatter3A_610 = arith.constant 0 : i32
      %scatter3A_611 = tpu.memref_slice %arg16[%scatter3A_609, %scatter3A_610] : memref<64x128xf32, #tpu.memory_space<vmem>> -> memref<16x128xf32, #tpu.memory_space<vmem>>
      tpu.vector_store_idx %scatter3A_611[%shift_right_arithmetic3A_605, %and3A_608], %gather3A_596 : memref<16x128xf32, #tpu.memory_space<vmem>>[vector<16xi32>, vector<16xi32>], vector<16xf32>,
      %add3A_612 = arith.constant 15 : i32
      %add3A_613 = vector.broadcast %add3A_612 : i32 to vector<16xi32>
      %add3A_614 = arith.addi %get3A_270, %add3A_613 : vector<16xi32>
      %gather3A_615 = arith.constant 0 : i32
      %gather3A_616 = arith.constant 0 : i32
      %gather3A_617 = tpu.memref_slice %arg14[%scan3A_164, %gather3A_615, %gather3A_616] : memref<2x128x128xf32, #tpu.memory_space<vmem>> -> memref<1x128x128xf32, #tpu.memory_space<vmem>>
      %gather3A_618 = tpu.memref_squeeze %gather3A_617 : memref<1x128x128xf32, #tpu.memory_space<vmem>> -> memref<128x128xf32, #tpu.memory_space<vmem>>
      %gather3A_619 = tpu.vector_load_idx %gather3A_618[%add3A_265, %add3A_614] : memref<128x128xf32, #tpu.memory_space<vmem>>[vector<16xi32>, vector<16xi32>], vector<16xf32>,
      %mul3A_620 = arith.constant 16 : i32
      %mul3A_621 = vector.broadcast %mul3A_620 : i32 to vector<16xi32>
      %mul3A_622 = arith.muli %add3A_265, %mul3A_621 : vector<16xi32>
      %add3A_623 = arith.constant 15 : i32
      %add3A_624 = vector.broadcast %add3A_623 : i32 to vector<16xi32>
      %add3A_625 = arith.addi %mul3A_622, %add3A_624 : vector<16xi32>
      %shift_right_arithmetic3A_626 = arith.constant 7 : i32
      %shift_right_arithmetic3A_627 = vector.broadcast %shift_right_arithmetic3A_626 : i32 to vector<16xi32>
      %shift_right_arithmetic3A_628 = arith.shrsi %add3A_625, %shift_right_arithmetic3A_627 : vector<16xi32>
      %and3A_629 = arith.constant 127 : i32
      %and3A_630 = vector.broadcast %and3A_629 : i32 to vector<16xi32>
      %and3A_631 = arith.andi %add3A_625, %and3A_630 : vector<16xi32>
      %scatter3A_632 = arith.constant 0 : i32
      %scatter3A_633 = arith.constant 0 : i32
      %scatter3A_634 = tpu.memref_slice %arg16[%scatter3A_632, %scatter3A_633] : memref<64x128xf32, #tpu.memory_space<vmem>> -> memref<16x128xf32, #tpu.memory_space<vmem>>
      tpu.vector_store_idx %scatter3A_634[%shift_right_arithmetic3A_628, %and3A_631], %gather3A_619 : memref<16x128xf32, #tpu.memory_space<vmem>>[vector<16xi32>, vector<16xi32>], vector<16xf32>,
      %scan3A_635 = arith.constant 0 : i32
      scf.yield %scan3A_635 : i32
    }
    %scan3A_171 = arith.constant 8 : i32
    %dma_start3A_172 = arith.constant 2 : i32
    %dma_start3A_173 = arith.constant 0 : i32
    %dma_start3A_174 = arith.constant 0 : i32
    %dma_start3A_175 = arith.constant 0 : i32
    %dma_start3A_176 = tpu.memref_slice %arg14[%dma_start3A_173, %dma_start3A_174, %dma_start3A_175] : memref<2x128x128xf32, #tpu.memory_space<vmem>> -> memref<1x128x128xf32, #tpu.memory_space<vmem>>
    %dma_start3A_177 = tpu.memref_squeeze %dma_start3A_176 : memref<1x128x128xf32, #tpu.memory_space<vmem>> -> memref<128x128xf32, #tpu.memory_space<vmem>>
    %dma_start3A_178 = arith.constant 0 : i32
    %dma_start3A_179 = tpu.memref_slice %arg11[%dma_start3A_172, %dma_start3A_178] : memref<4x128xi32, #tpu.memory_space<vmem>> -> memref<1x128xi32, #tpu.memory_space<vmem>>
    %dma_start3A_180 = tpu.memref_squeeze %dma_start3A_179 : memref<1x128xi32, #tpu.memory_space<vmem>> -> memref<128xi32, #tpu.memory_space<vmem>>
    %dma_start3A_181 = arith.constant 0 : i32
    %dma_start3A_182 = arith.constant 0 : i32
    %dma_start3A_183 = tpu.memref_slice %arg7[%dma_start3A_181, %dma_start3A_182] : memref<125000x128xf32, #tpu.memory_space<hbm>> -> memref<125000x128xf32, #tpu.memory_space<hbm>>
    tpu.enqueue_indirect_dma source(%dma_start3A_183 : memref<125000x128xf32, #tpu.memory_space<hbm>>) target(%dma_start3A_177 : memref<128x128xf32, #tpu.memory_space<vmem>>) offsets(%dma_start3A_180 : memref<128xi32, #tpu.memory_space<vmem>>) semaphore(%arg17 : memref<!tpu.dma_semaphore, #tpu.memory_space<semaphore_mem>>)
    %dma_wait3A_184 = arith.constant 1 : i32
    %dma_wait3A_185 = arith.constant 1 : i32
    %dma_wait3A_186 = arith.constant 0 : i32
    %dma_wait3A_187 = arith.constant 0 : i32
    %dma_wait3A_188 = tpu.memref_slice %arg14[%dma_wait3A_185, %dma_wait3A_186, %dma_wait3A_187] : memref<2x128x128xf32, #tpu.memory_space<vmem>> -> memref<1x128x128xf32, #tpu.memory_space<vmem>>
    %dma_wait3A_189 = tpu.memref_squeeze %dma_wait3A_188 : memref<1x128x128xf32, #tpu.memory_space<vmem>> -> memref<128x128xf32, #tpu.memory_space<vmem>>
    %dma_wait3A_190 = arith.constant 0 : i32
    %dma_wait3A_191 = tpu.memref_slice %arg11[%dma_wait3A_184, %dma_wait3A_190] : memref<4x128xi32, #tpu.memory_space<vmem>> -> memref<1x128xi32, #tpu.memory_space<vmem>>
    %dma_wait3A_192 = tpu.memref_squeeze %dma_wait3A_191 : memref<1x128xi32, #tpu.memory_space<vmem>> -> memref<128xi32, #tpu.memory_space<vmem>>
    %dma_wait3A_193 = arith.constant 0 : i32
    %dma_wait3A_194 = arith.constant 0 : i32
    %dma_wait3A_195 = tpu.memref_slice %arg7[%dma_wait3A_193, %dma_wait3A_194] : memref<125000x128xf32, #tpu.memory_space<hbm>> -> memref<125000x128xf32, #tpu.memory_space<hbm>>
    tpu.wait_indirect_dma semaphore(%arg18 : memref<!tpu.dma_semaphore, #tpu.memory_space<semaphore_mem>>) src(%dma_wait3A_195 : memref<125000x128xf32, #tpu.memory_space<hbm>>) dst(%dma_wait3A_189 : memref<128x128xf32, #tpu.memory_space<vmem>>)
    %scan3A_196 = arith.constant 1 : i32
    %scan3A_197 = arith.constant 0 : i32
    %scan3A_198 = arith.constant 0 : i32
    %scan3A_199 = arith.constant 8 : i32
    %scan3A_200 = arith.addi %scan3A_198, %scan3A_199 : i32
    %scan3A_201 = arith.constant 1 : i32
    %scan3A_202 = scf.for %scan3A_260 = %scan3A_198 to %scan3A_200 step %scan3A_201 iter_args(%scan3A_261 = %scan3A_197) -> (i32)  : i32 {
      %mul3A_262 = arith.constant 16 : i32
      %mul3A_263 = arith.muli %scan3A_260, %mul3A_262 : i32
      %iota3A = tpu.iota {dimensions = array<i32: 0>} : vector<16xi32>
      %add3A_264 = vector.broadcast %mul3A_263 : i32 to vector<16xi32>
      %add3A_265 = arith.addi %add3A_264, %iota3A : vector<16xi32>
      %mul3A_266 = arith.constant 16 : i32
      %mul3A_267 = arith.muli %scan3A_260, %mul3A_266 : i32
      %get3A = arith.constant 1 : i32
      %get3A_268 = arith.index_cast %get3A : i32 to index
      %get3A_269 = arith.index_cast %mul3A_267 : i32 to index
      %get3A_270 = tpu.vector_load %arg13[%get3A_268, %get3A_269] {strides = array<i32>} : memref<4x128xi32, #tpu.memory_space<vmem>>, vector<16xi32>,
      %add3A_271 = arith.constant 0 : i32
      %add3A_272 = vector.broadcast %add3A_271 : i32 to vector<16xi32>
      %add3A_273 = arith.addi %get3A_270, %add3A_272 : vector<16xi32>
      %gather3A = arith.constant 0 : i32
      %gather3A_274 = arith.constant 0 : i32
      %gather3A_275 = tpu.memref_slice %arg14[%scan3A_196, %gather3A, %gather3A_274] : memref<2x128x128xf32, #tpu.memory_space<vmem>> -> memref<1x128x128xf32, #tpu.memory_space<vmem>>
      %gather3A_276 = tpu.memref_squeeze %gather3A_275 : memref<1x128x128xf32, #tpu.memory_space<vmem>> -> memref<128x128xf32, #tpu.memory_space<vmem>>
      %gather3A_277 = tpu.vector_load_idx %gather3A_276[%add3A_265, %add3A_273] : memref<128x128xf32, #tpu.memory_space<vmem>>[vector<16xi32>, vector<16xi32>], vector<16xf32>,
      %mul3A_278 = arith.constant 16 : i32
      %mul3A_279 = vector.broadcast %mul3A_278 : i32 to vector<16xi32>
      %mul3A_280 = arith.muli %add3A_265, %mul3A_279 : vector<16xi32>
      %add3A_281 = arith.constant 0 : i32
      %add3A_282 = vector.broadcast %add3A_281 : i32 to vector<16xi32>
      %add3A_283 = arith.addi %mul3A_280, %add3A_282 : vector<16xi32>
      %shift_right_arithmetic3A = arith.constant 7 : i32
      %shift_right_arithmetic3A_284 = vector.broadcast %shift_right_arithmetic3A : i32 to vector<16xi32>
      %shift_right_arithmetic3A_285 = arith.shrsi %add3A_283, %shift_right_arithmetic3A_284 : vector<16xi32>
      %and3A = arith.constant 127 : i32
      %and3A_286 = vector.broadcast %and3A : i32 to vector<16xi32>
      %and3A_287 = arith.andi %add3A_283, %and3A_286 : vector<16xi32>
      %scatter3A = arith.constant 16 : i32
      %scatter3A_288 = arith.constant 0 : i32
      %scatter3A_289 = tpu.memref_slice %arg16[%scatter3A, %scatter3A_288] : memref<64x128xf32, #tpu.memory_space<vmem>> -> memref<16x128xf32, #tpu.memory_space<vmem>>
      tpu.vector_store_idx %scatter3A_289[%shift_right_arithmetic3A_285, %and3A_287], %gather3A_277 : memref<16x128xf32, #tpu.memory_space<vmem>>[vector<16xi32>, vector<16xi32>], vector<16xf32>,
      %add3A_290 = arith.constant 1 : i32
      %add3A_291 = vector.broadcast %add3A_290 : i32 to vector<16xi32>
      %add3A_292 = arith.addi %get3A_270, %add3A_291 : vector<16xi32>
      %gather3A_293 = arith.constant 0 : i32
      %gather3A_294 = arith.constant 0 : i32
      %gather3A_295 = tpu.memref_slice %arg14[%scan3A_196, %gather3A_293, %gather3A_294] : memref<2x128x128xf32, #tpu.memory_space<vmem>> -> memref<1x128x128xf32, #tpu.memory_space<vmem>>
      %gather3A_296 = tpu.memref_squeeze %gather3A_295 : memref<1x128x128xf32, #tpu.memory_space<vmem>> -> memref<128x128xf32, #tpu.memory_space<vmem>>
      %gather3A_297 = tpu.vector_load_idx %gather3A_296[%add3A_265, %add3A_292] : memref<128x128xf32, #tpu.memory_space<vmem>>[vector<16xi32>, vector<16xi32>], vector<16xf32>,
      %mul3A_298 = arith.constant 16 : i32
      %mul3A_299 = vector.broadcast %mul3A_298 : i32 to vector<16xi32>
      %mul3A_300 = arith.muli %add3A_265, %mul3A_299 : vector<16xi32>
      %add3A_301 = arith.constant 1 : i32
      %add3A_302 = vector.broadcast %add3A_301 : i32 to vector<16xi32>
      %add3A_303 = arith.addi %mul3A_300, %add3A_302 : vector<16xi32>
      %shift_right_arithmetic3A_304 = arith.constant 7 : i32
      %shift_right_arithmetic3A_305 = vector.broadcast %shift_right_arithmetic3A_304 : i32 to vector<16xi32>
      %shift_right_arithmetic3A_306 = arith.shrsi %add3A_303, %shift_right_arithmetic3A_305 : vector<16xi32>
      %and3A_307 = arith.constant 127 : i32
      %and3A_308 = vector.broadcast %and3A_307 : i32 to vector<16xi32>
      %and3A_309 = arith.andi %add3A_303, %and3A_308 : vector<16xi32>
      %scatter3A_310 = arith.constant 16 : i32
      %scatter3A_311 = arith.constant 0 : i32
      %scatter3A_312 = tpu.memref_slice %arg16[%scatter3A_310, %scatter3A_311] : memref<64x128xf32, #tpu.memory_space<vmem>> -> memref<16x128xf32, #tpu.memory_space<vmem>>
      tpu.vector_store_idx %scatter3A_312[%shift_right_arithmetic3A_306, %and3A_309], %gather3A_297 : memref<16x128xf32, #tpu.memory_space<vmem>>[vector<16xi32>, vector<16xi32>], vector<16xf32>,
      %add3A_313 = arith.constant 2 : i32
      %add3A_314 = vector.broadcast %add3A_313 : i32 to vector<16xi32>
      %add3A_315 = arith.addi %get3A_270, %add3A_314 : vector<16xi32>
      %gather3A_316 = arith.constant 0 : i32
      %gather3A_317 = arith.constant 0 : i32
      %gather3A_318 = tpu.memref_slice %arg14[%scan3A_196, %gather3A_316, %gather3A_317] : memref<2x128x128xf32, #tpu.memory_space<vmem>> -> memref<1x128x128xf32, #tpu.memory_space<vmem>>
      %gather3A_319 = tpu.memref_squeeze %gather3A_318 : memref<1x128x128xf32, #tpu.memory_space<vmem>> -> memref<128x128xf32, #tpu.memory_space<vmem>>
      %gather3A_320 = tpu.vector_load_idx %gather3A_319[%add3A_265, %add3A_315] : memref<128x128xf32, #tpu.memory_space<vmem>>[vector<16xi32>, vector<16xi32>], vector<16xf32>,
      %mul3A_321 = arith.constant 16 : i32
      %mul3A_322 = vector.broadcast %mul3A_321 : i32 to vector<16xi32>
      %mul3A_323 = arith.muli %add3A_265, %mul3A_322 : vector<16xi32>
      %add3A_324 = arith.constant 2 : i32
      %add3A_325 = vector.broadcast %add3A_324 : i32 to vector<16xi32>
      %add3A_326 = arith.addi %mul3A_323, %add3A_325 : vector<16xi32>
      %shift_right_arithmetic3A_327 = arith.constant 7 : i32
      %shift_right_arithmetic3A_328 = vector.broadcast %shift_right_arithmetic3A_327 : i32 to vector<16xi32>
      %shift_right_arithmetic3A_329 = arith.shrsi %add3A_326, %shift_right_arithmetic3A_328 : vector<16xi32>
      %and3A_330 = arith.constant 127 : i32
      %and3A_331 = vector.broadcast %and3A_330 : i32 to vector<16xi32>
      %and3A_332 = arith.andi %add3A_326, %and3A_331 : vector<16xi32>
      %scatter3A_333 = arith.constant 16 : i32
      %scatter3A_334 = arith.constant 0 : i32
      %scatter3A_335 = tpu.memref_slice %arg16[%scatter3A_333, %scatter3A_334] : memref<64x128xf32, #tpu.memory_space<vmem>> -> memref<16x128xf32, #tpu.memory_space<vmem>>
      tpu.vector_store_idx %scatter3A_335[%shift_right_arithmetic3A_329, %and3A_332], %gather3A_320 : memref<16x128xf32, #tpu.memory_space<vmem>>[vector<16xi32>, vector<16xi32>], vector<16xf32>,
      %add3A_336 = arith.constant 3 : i32
      %add3A_337 = vector.broadcast %add3A_336 : i32 to vector<16xi32>
      %add3A_338 = arith.addi %get3A_270, %add3A_337 : vector<16xi32>
      %gather3A_339 = arith.constant 0 : i32
      %gather3A_340 = arith.constant 0 : i32
      %gather3A_341 = tpu.memref_slice %arg14[%scan3A_196, %gather3A_339, %gather3A_340] : memref<2x128x128xf32, #tpu.memory_space<vmem>> -> memref<1x128x128xf32, #tpu.memory_space<vmem>>
      %gather3A_342 = tpu.memref_squeeze %gather3A_341 : memref<1x128x128xf32, #tpu.memory_space<vmem>> -> memref<128x128xf32, #tpu.memory_space<vmem>>
      %gather3A_343 = tpu.vector_load_idx %gather3A_342[%add3A_265, %add3A_338] : memref<128x128xf32, #tpu.memory_space<vmem>>[vector<16xi32>, vector<16xi32>], vector<16xf32>,
      %mul3A_344 = arith.constant 16 : i32
      %mul3A_345 = vector.broadcast %mul3A_344 : i32 to vector<16xi32>
      %mul3A_346 = arith.muli %add3A_265, %mul3A_345 : vector<16xi32>
      %add3A_347 = arith.constant 3 : i32
      %add3A_348 = vector.broadcast %add3A_347 : i32 to vector<16xi32>
      %add3A_349 = arith.addi %mul3A_346, %add3A_348 : vector<16xi32>
      %shift_right_arithmetic3A_350 = arith.constant 7 : i32
      %shift_right_arithmetic3A_351 = vector.broadcast %shift_right_arithmetic3A_350 : i32 to vector<16xi32>
      %shift_right_arithmetic3A_352 = arith.shrsi %add3A_349, %shift_right_arithmetic3A_351 : vector<16xi32>
      %and3A_353 = arith.constant 127 : i32
      %and3A_354 = vector.broadcast %and3A_353 : i32 to vector<16xi32>
      %and3A_355 = arith.andi %add3A_349, %and3A_354 : vector<16xi32>
      %scatter3A_356 = arith.constant 16 : i32
      %scatter3A_357 = arith.constant 0 : i32
      %scatter3A_358 = tpu.memref_slice %arg16[%scatter3A_356, %scatter3A_357] : memref<64x128xf32, #tpu.memory_space<vmem>> -> memref<16x128xf32, #tpu.memory_space<vmem>>
      tpu.vector_store_idx %scatter3A_358[%shift_right_arithmetic3A_352, %and3A_355], %gather3A_343 : memref<16x128xf32, #tpu.memory_space<vmem>>[vector<16xi32>, vector<16xi32>], vector<16xf32>,
      %add3A_359 = arith.constant 4 : i32
      %add3A_360 = vector.broadcast %add3A_359 : i32 to vector<16xi32>
      %add3A_361 = arith.addi %get3A_270, %add3A_360 : vector<16xi32>
      %gather3A_362 = arith.constant 0 : i32
      %gather3A_363 = arith.constant 0 : i32
      %gather3A_364 = tpu.memref_slice %arg14[%scan3A_196, %gather3A_362, %gather3A_363] : memref<2x128x128xf32, #tpu.memory_space<vmem>> -> memref<1x128x128xf32, #tpu.memory_space<vmem>>
      %gather3A_365 = tpu.memref_squeeze %gather3A_364 : memref<1x128x128xf32, #tpu.memory_space<vmem>> -> memref<128x128xf32, #tpu.memory_space<vmem>>
      %gather3A_366 = tpu.vector_load_idx %gather3A_365[%add3A_265, %add3A_361] : memref<128x128xf32, #tpu.memory_space<vmem>>[vector<16xi32>, vector<16xi32>], vector<16xf32>,
      %mul3A_367 = arith.constant 16 : i32
      %mul3A_368 = vector.broadcast %mul3A_367 : i32 to vector<16xi32>
      %mul3A_369 = arith.muli %add3A_265, %mul3A_368 : vector<16xi32>
      %add3A_370 = arith.constant 4 : i32
      %add3A_371 = vector.broadcast %add3A_370 : i32 to vector<16xi32>
      %add3A_372 = arith.addi %mul3A_369, %add3A_371 : vector<16xi32>
      %shift_right_arithmetic3A_373 = arith.constant 7 : i32
      %shift_right_arithmetic3A_374 = vector.broadcast %shift_right_arithmetic3A_373 : i32 to vector<16xi32>
      %shift_right_arithmetic3A_375 = arith.shrsi %add3A_372, %shift_right_arithmetic3A_374 : vector<16xi32>
      %and3A_376 = arith.constant 127 : i32
      %and3A_377 = vector.broadcast %and3A_376 : i32 to vector<16xi32>
      %and3A_378 = arith.andi %add3A_372, %and3A_377 : vector<16xi32>
      %scatter3A_379 = arith.constant 16 : i32
      %scatter3A_380 = arith.constant 0 : i32
      %scatter3A_381 = tpu.memref_slice %arg16[%scatter3A_379, %scatter3A_380] : memref<64x128xf32, #tpu.memory_space<vmem>> -> memref<16x128xf32, #tpu.memory_space<vmem>>
      tpu.vector_store_idx %scatter3A_381[%shift_right_arithmetic3A_375, %and3A_378], %gather3A_366 : memref<16x128xf32, #tpu.memory_space<vmem>>[vector<16xi32>, vector<16xi32>], vector<16xf32>,
      %add3A_382 = arith.constant 5 : i32
      %add3A_383 = vector.broadcast %add3A_382 : i32 to vector<16xi32>
      %add3A_384 = arith.addi %get3A_270, %add3A_383 : vector<16xi32>
      %gather3A_385 = arith.constant 0 : i32
      %gather3A_386 = arith.constant 0 : i32
      %gather3A_387 = tpu.memref_slice %arg14[%scan3A_196, %gather3A_385, %gather3A_386] : memref<2x128x128xf32, #tpu.memory_space<vmem>> -> memref<1x128x128xf32, #tpu.memory_space<vmem>>
      %gather3A_388 = tpu.memref_squeeze %gather3A_387 : memref<1x128x128xf32, #tpu.memory_space<vmem>> -> memref<128x128xf32, #tpu.memory_space<vmem>>
      %gather3A_389 = tpu.vector_load_idx %gather3A_388[%add3A_265, %add3A_384] : memref<128x128xf32, #tpu.memory_space<vmem>>[vector<16xi32>, vector<16xi32>], vector<16xf32>,
      %mul3A_390 = arith.constant 16 : i32
      %mul3A_391 = vector.broadcast %mul3A_390 : i32 to vector<16xi32>
      %mul3A_392 = arith.muli %add3A_265, %mul3A_391 : vector<16xi32>
      %add3A_393 = arith.constant 5 : i32
      %add3A_394 = vector.broadcast %add3A_393 : i32 to vector<16xi32>
      %add3A_395 = arith.addi %mul3A_392, %add3A_394 : vector<16xi32>
      %shift_right_arithmetic3A_396 = arith.constant 7 : i32
      %shift_right_arithmetic3A_397 = vector.broadcast %shift_right_arithmetic3A_396 : i32 to vector<16xi32>
      %shift_right_arithmetic3A_398 = arith.shrsi %add3A_395, %shift_right_arithmetic3A_397 : vector<16xi32>
      %and3A_399 = arith.constant 127 : i32
      %and3A_400 = vector.broadcast %and3A_399 : i32 to vector<16xi32>
      %and3A_401 = arith.andi %add3A_395, %and3A_400 : vector<16xi32>
      %scatter3A_402 = arith.constant 16 : i32
      %scatter3A_403 = arith.constant 0 : i32
      %scatter3A_404 = tpu.memref_slice %arg16[%scatter3A_402, %scatter3A_403] : memref<64x128xf32, #tpu.memory_space<vmem>> -> memref<16x128xf32, #tpu.memory_space<vmem>>
      tpu.vector_store_idx %scatter3A_404[%shift_right_arithmetic3A_398, %and3A_401], %gather3A_389 : memref<16x128xf32, #tpu.memory_space<vmem>>[vector<16xi32>, vector<16xi32>], vector<16xf32>,
      %add3A_405 = arith.constant 6 : i32
      %add3A_406 = vector.broadcast %add3A_405 : i32 to vector<16xi32>
      %add3A_407 = arith.addi %get3A_270, %add3A_406 : vector<16xi32>
      %gather3A_408 = arith.constant 0 : i32
      %gather3A_409 = arith.constant 0 : i32
      %gather3A_410 = tpu.memref_slice %arg14[%scan3A_196, %gather3A_408, %gather3A_409] : memref<2x128x128xf32, #tpu.memory_space<vmem>> -> memref<1x128x128xf32, #tpu.memory_space<vmem>>
      %gather3A_411 = tpu.memref_squeeze %gather3A_410 : memref<1x128x128xf32, #tpu.memory_space<vmem>> -> memref<128x128xf32, #tpu.memory_space<vmem>>
      %gather3A_412 = tpu.vector_load_idx %gather3A_411[%add3A_265, %add3A_407] : memref<128x128xf32, #tpu.memory_space<vmem>>[vector<16xi32>, vector<16xi32>], vector<16xf32>,
      %mul3A_413 = arith.constant 16 : i32
      %mul3A_414 = vector.broadcast %mul3A_413 : i32 to vector<16xi32>
      %mul3A_415 = arith.muli %add3A_265, %mul3A_414 : vector<16xi32>
      %add3A_416 = arith.constant 6 : i32
      %add3A_417 = vector.broadcast %add3A_416 : i32 to vector<16xi32>
      %add3A_418 = arith.addi %mul3A_415, %add3A_417 : vector<16xi32>
      %shift_right_arithmetic3A_419 = arith.constant 7 : i32
      %shift_right_arithmetic3A_420 = vector.broadcast %shift_right_arithmetic3A_419 : i32 to vector<16xi32>
      %shift_right_arithmetic3A_421 = arith.shrsi %add3A_418, %shift_right_arithmetic3A_420 : vector<16xi32>
      %and3A_422 = arith.constant 127 : i32
      %and3A_423 = vector.broadcast %and3A_422 : i32 to vector<16xi32>
      %and3A_424 = arith.andi %add3A_418, %and3A_423 : vector<16xi32>
      %scatter3A_425 = arith.constant 16 : i32
      %scatter3A_426 = arith.constant 0 : i32
      %scatter3A_427 = tpu.memref_slice %arg16[%scatter3A_425, %scatter3A_426] : memref<64x128xf32, #tpu.memory_space<vmem>> -> memref<16x128xf32, #tpu.memory_space<vmem>>
      tpu.vector_store_idx %scatter3A_427[%shift_right_arithmetic3A_421, %and3A_424], %gather3A_412 : memref<16x128xf32, #tpu.memory_space<vmem>>[vector<16xi32>, vector<16xi32>], vector<16xf32>,
      %add3A_428 = arith.constant 7 : i32
      %add3A_429 = vector.broadcast %add3A_428 : i32 to vector<16xi32>
      %add3A_430 = arith.addi %get3A_270, %add3A_429 : vector<16xi32>
      %gather3A_431 = arith.constant 0 : i32
      %gather3A_432 = arith.constant 0 : i32
      %gather3A_433 = tpu.memref_slice %arg14[%scan3A_196, %gather3A_431, %gather3A_432] : memref<2x128x128xf32, #tpu.memory_space<vmem>> -> memref<1x128x128xf32, #tpu.memory_space<vmem>>
      %gather3A_434 = tpu.memref_squeeze %gather3A_433 : memref<1x128x128xf32, #tpu.memory_space<vmem>> -> memref<128x128xf32, #tpu.memory_space<vmem>>
      %gather3A_435 = tpu.vector_load_idx %gather3A_434[%add3A_265, %add3A_430] : memref<128x128xf32, #tpu.memory_space<vmem>>[vector<16xi32>, vector<16xi32>], vector<16xf32>,
      %mul3A_436 = arith.constant 16 : i32
      %mul3A_437 = vector.broadcast %mul3A_436 : i32 to vector<16xi32>
      %mul3A_438 = arith.muli %add3A_265, %mul3A_437 : vector<16xi32>
      %add3A_439 = arith.constant 7 : i32
      %add3A_440 = vector.broadcast %add3A_439 : i32 to vector<16xi32>
      %add3A_441 = arith.addi %mul3A_438, %add3A_440 : vector<16xi32>
      %shift_right_arithmetic3A_442 = arith.constant 7 : i32
      %shift_right_arithmetic3A_443 = vector.broadcast %shift_right_arithmetic3A_442 : i32 to vector<16xi32>
      %shift_right_arithmetic3A_444 = arith.shrsi %add3A_441, %shift_right_arithmetic3A_443 : vector<16xi32>
      %and3A_445 = arith.constant 127 : i32
      %and3A_446 = vector.broadcast %and3A_445 : i32 to vector<16xi32>
      %and3A_447 = arith.andi %add3A_441, %and3A_446 : vector<16xi32>
      %scatter3A_448 = arith.constant 16 : i32
      %scatter3A_449 = arith.constant 0 : i32
      %scatter3A_450 = tpu.memref_slice %arg16[%scatter3A_448, %scatter3A_449] : memref<64x128xf32, #tpu.memory_space<vmem>> -> memref<16x128xf32, #tpu.memory_space<vmem>>
      tpu.vector_store_idx %scatter3A_450[%shift_right_arithmetic3A_444, %and3A_447], %gather3A_435 : memref<16x128xf32, #tpu.memory_space<vmem>>[vector<16xi32>, vector<16xi32>], vector<16xf32>,
      %add3A_451 = arith.constant 8 : i32
      %add3A_452 = vector.broadcast %add3A_451 : i32 to vector<16xi32>
      %add3A_453 = arith.addi %get3A_270, %add3A_452 : vector<16xi32>
      %gather3A_454 = arith.constant 0 : i32
      %gather3A_455 = arith.constant 0 : i32
      %gather3A_456 = tpu.memref_slice %arg14[%scan3A_196, %gather3A_454, %gather3A_455] : memref<2x128x128xf32, #tpu.memory_space<vmem>> -> memref<1x128x128xf32, #tpu.memory_space<vmem>>
      %gather3A_457 = tpu.memref_squeeze %gather3A_456 : memref<1x128x128xf32, #tpu.memory_space<vmem>> -> memref<128x128xf32, #tpu.memory_space<vmem>>
      %gather3A_458 = tpu.vector_load_idx %gather3A_457[%add3A_265, %add3A_453] : memref<128x128xf32, #tpu.memory_space<vmem>>[vector<16xi32>, vector<16xi32>], vector<16xf32>,
      %mul3A_459 = arith.constant 16 : i32
      %mul3A_460 = vector.broadcast %mul3A_459 : i32 to vector<16xi32>
      %mul3A_461 = arith.muli %add3A_265, %mul3A_460 : vector<16xi32>
      %add3A_462 = arith.constant 8 : i32
      %add3A_463 = vector.broadcast %add3A_462 : i32 to vector<16xi32>
      %add3A_464 = arith.addi %mul3A_461, %add3A_463 : vector<16xi32>
      %shift_right_arithmetic3A_465 = arith.constant 7 : i32
      %shift_right_arithmetic3A_466 = vector.broadcast %shift_right_arithmetic3A_465 : i32 to vector<16xi32>
      %shift_right_arithmetic3A_467 = arith.shrsi %add3A_464, %shift_right_arithmetic3A_466 : vector<16xi32>
      %and3A_468 = arith.constant 127 : i32
      %and3A_469 = vector.broadcast %and3A_468 : i32 to vector<16xi32>
      %and3A_470 = arith.andi %add3A_464, %and3A_469 : vector<16xi32>
      %scatter3A_471 = arith.constant 16 : i32
      %scatter3A_472 = arith.constant 0 : i32
      %scatter3A_473 = tpu.memref_slice %arg16[%scatter3A_471, %scatter3A_472] : memref<64x128xf32, #tpu.memory_space<vmem>> -> memref<16x128xf32, #tpu.memory_space<vmem>>
      tpu.vector_store_idx %scatter3A_473[%shift_right_arithmetic3A_467, %and3A_470], %gather3A_458 : memref<16x128xf32, #tpu.memory_space<vmem>>[vector<16xi32>, vector<16xi32>], vector<16xf32>,
      %add3A_474 = arith.constant 9 : i32
      %add3A_475 = vector.broadcast %add3A_474 : i32 to vector<16xi32>
      %add3A_476 = arith.addi %get3A_270, %add3A_475 : vector<16xi32>
      %gather3A_477 = arith.constant 0 : i32
      %gather3A_478 = arith.constant 0 : i32
      %gather3A_479 = tpu.memref_slice %arg14[%scan3A_196, %gather3A_477, %gather3A_478] : memref<2x128x128xf32, #tpu.memory_space<vmem>> -> memref<1x128x128xf32, #tpu.memory_space<vmem>>
      %gather3A_480 = tpu.memref_squeeze %gather3A_479 : memref<1x128x128xf32, #tpu.memory_space<vmem>> -> memref<128x128xf32, #tpu.memory_space<vmem>>
      %gather3A_481 = tpu.vector_load_idx %gather3A_480[%add3A_265, %add3A_476] : memref<128x128xf32, #tpu.memory_space<vmem>>[vector<16xi32>, vector<16xi32>], vector<16xf32>,
      %mul3A_482 = arith.constant 16 : i32
      %mul3A_483 = vector.broadcast %mul3A_482 : i32 to vector<16xi32>
      %mul3A_484 = arith.muli %add3A_265, %mul3A_483 : vector<16xi32>
      %add3A_485 = arith.constant 9 : i32
      %add3A_486 = vector.broadcast %add3A_485 : i32 to vector<16xi32>
      %add3A_487 = arith.addi %mul3A_484, %add3A_486 : vector<16xi32>
      %shift_right_arithmetic3A_488 = arith.constant 7 : i32
      %shift_right_arithmetic3A_489 = vector.broadcast %shift_right_arithmetic3A_488 : i32 to vector<16xi32>
      %shift_right_arithmetic3A_490 = arith.shrsi %add3A_487, %shift_right_arithmetic3A_489 : vector<16xi32>
      %and3A_491 = arith.constant 127 : i32
      %and3A_492 = vector.broadcast %and3A_491 : i32 to vector<16xi32>
      %and3A_493 = arith.andi %add3A_487, %and3A_492 : vector<16xi32>
      %scatter3A_494 = arith.constant 16 : i32
      %scatter3A_495 = arith.constant 0 : i32
      %scatter3A_496 = tpu.memref_slice %arg16[%scatter3A_494, %scatter3A_495] : memref<64x128xf32, #tpu.memory_space<vmem>> -> memref<16x128xf32, #tpu.memory_space<vmem>>
      tpu.vector_store_idx %scatter3A_496[%shift_right_arithmetic3A_490, %and3A_493], %gather3A_481 : memref<16x128xf32, #tpu.memory_space<vmem>>[vector<16xi32>, vector<16xi32>], vector<16xf32>,
      %add3A_497 = arith.constant 10 : i32
      %add3A_498 = vector.broadcast %add3A_497 : i32 to vector<16xi32>
      %add3A_499 = arith.addi %get3A_270, %add3A_498 : vector<16xi32>
      %gather3A_500 = arith.constant 0 : i32
      %gather3A_501 = arith.constant 0 : i32
      %gather3A_502 = tpu.memref_slice %arg14[%scan3A_196, %gather3A_500, %gather3A_501] : memref<2x128x128xf32, #tpu.memory_space<vmem>> -> memref<1x128x128xf32, #tpu.memory_space<vmem>>
      %gather3A_503 = tpu.memref_squeeze %gather3A_502 : memref<1x128x128xf32, #tpu.memory_space<vmem>> -> memref<128x128xf32, #tpu.memory_space<vmem>>
      %gather3A_504 = tpu.vector_load_idx %gather3A_503[%add3A_265, %add3A_499] : memref<128x128xf32, #tpu.memory_space<vmem>>[vector<16xi32>, vector<16xi32>], vector<16xf32>,
      %mul3A_505 = arith.constant 16 : i32
      %mul3A_506 = vector.broadcast %mul3A_505 : i32 to vector<16xi32>
      %mul3A_507 = arith.muli %add3A_265, %mul3A_506 : vector<16xi32>
      %add3A_508 = arith.constant 10 : i32
      %add3A_509 = vector.broadcast %add3A_508 : i32 to vector<16xi32>
      %add3A_510 = arith.addi %mul3A_507, %add3A_509 : vector<16xi32>
      %shift_right_arithmetic3A_511 = arith.constant 7 : i32
      %shift_right_arithmetic3A_512 = vector.broadcast %shift_right_arithmetic3A_511 : i32 to vector<16xi32>
      %shift_right_arithmetic3A_513 = arith.shrsi %add3A_510, %shift_right_arithmetic3A_512 : vector<16xi32>
      %and3A_514 = arith.constant 127 : i32
      %and3A_515 = vector.broadcast %and3A_514 : i32 to vector<16xi32>
      %and3A_516 = arith.andi %add3A_510, %and3A_515 : vector<16xi32>
      %scatter3A_517 = arith.constant 16 : i32
      %scatter3A_518 = arith.constant 0 : i32
      %scatter3A_519 = tpu.memref_slice %arg16[%scatter3A_517, %scatter3A_518] : memref<64x128xf32, #tpu.memory_space<vmem>> -> memref<16x128xf32, #tpu.memory_space<vmem>>
      tpu.vector_store_idx %scatter3A_519[%shift_right_arithmetic3A_513, %and3A_516], %gather3A_504 : memref<16x128xf32, #tpu.memory_space<vmem>>[vector<16xi32>, vector<16xi32>], vector<16xf32>,
      %add3A_520 = arith.constant 11 : i32
      %add3A_521 = vector.broadcast %add3A_520 : i32 to vector<16xi32>
      %add3A_522 = arith.addi %get3A_270, %add3A_521 : vector<16xi32>
      %gather3A_523 = arith.constant 0 : i32
      %gather3A_524 = arith.constant 0 : i32
      %gather3A_525 = tpu.memref_slice %arg14[%scan3A_196, %gather3A_523, %gather3A_524] : memref<2x128x128xf32, #tpu.memory_space<vmem>> -> memref<1x128x128xf32, #tpu.memory_space<vmem>>
      %gather3A_526 = tpu.memref_squeeze %gather3A_525 : memref<1x128x128xf32, #tpu.memory_space<vmem>> -> memref<128x128xf32, #tpu.memory_space<vmem>>
      %gather3A_527 = tpu.vector_load_idx %gather3A_526[%add3A_265, %add3A_522] : memref<128x128xf32, #tpu.memory_space<vmem>>[vector<16xi32>, vector<16xi32>], vector<16xf32>,
      %mul3A_528 = arith.constant 16 : i32
      %mul3A_529 = vector.broadcast %mul3A_528 : i32 to vector<16xi32>
      %mul3A_530 = arith.muli %add3A_265, %mul3A_529 : vector<16xi32>
      %add3A_531 = arith.constant 11 : i32
      %add3A_532 = vector.broadcast %add3A_531 : i32 to vector<16xi32>
      %add3A_533 = arith.addi %mul3A_530, %add3A_532 : vector<16xi32>
      %shift_right_arithmetic3A_534 = arith.constant 7 : i32
      %shift_right_arithmetic3A_535 = vector.broadcast %shift_right_arithmetic3A_534 : i32 to vector<16xi32>
      %shift_right_arithmetic3A_536 = arith.shrsi %add3A_533, %shift_right_arithmetic3A_535 : vector<16xi32>
      %and3A_537 = arith.constant 127 : i32
      %and3A_538 = vector.broadcast %and3A_537 : i32 to vector<16xi32>
      %and3A_539 = arith.andi %add3A_533, %and3A_538 : vector<16xi32>
      %scatter3A_540 = arith.constant 16 : i32
      %scatter3A_541 = arith.constant 0 : i32
      %scatter3A_542 = tpu.memref_slice %arg16[%scatter3A_540, %scatter3A_541] : memref<64x128xf32, #tpu.memory_space<vmem>> -> memref<16x128xf32, #tpu.memory_space<vmem>>
      tpu.vector_store_idx %scatter3A_542[%shift_right_arithmetic3A_536, %and3A_539], %gather3A_527 : memref<16x128xf32, #tpu.memory_space<vmem>>[vector<16xi32>, vector<16xi32>], vector<16xf32>,
      %add3A_543 = arith.constant 12 : i32
      %add3A_544 = vector.broadcast %add3A_543 : i32 to vector<16xi32>
      %add3A_545 = arith.addi %get3A_270, %add3A_544 : vector<16xi32>
      %gather3A_546 = arith.constant 0 : i32
      %gather3A_547 = arith.constant 0 : i32
      %gather3A_548 = tpu.memref_slice %arg14[%scan3A_196, %gather3A_546, %gather3A_547] : memref<2x128x128xf32, #tpu.memory_space<vmem>> -> memref<1x128x128xf32, #tpu.memory_space<vmem>>
      %gather3A_549 = tpu.memref_squeeze %gather3A_548 : memref<1x128x128xf32, #tpu.memory_space<vmem>> -> memref<128x128xf32, #tpu.memory_space<vmem>>
      %gather3A_550 = tpu.vector_load_idx %gather3A_549[%add3A_265, %add3A_545] : memref<128x128xf32, #tpu.memory_space<vmem>>[vector<16xi32>, vector<16xi32>], vector<16xf32>,
      %mul3A_551 = arith.constant 16 : i32
      %mul3A_552 = vector.broadcast %mul3A_551 : i32 to vector<16xi32>
      %mul3A_553 = arith.muli %add3A_265, %mul3A_552 : vector<16xi32>
      %add3A_554 = arith.constant 12 : i32
      %add3A_555 = vector.broadcast %add3A_554 : i32 to vector<16xi32>
      %add3A_556 = arith.addi %mul3A_553, %add3A_555 : vector<16xi32>
      %shift_right_arithmetic3A_557 = arith.constant 7 : i32
      %shift_right_arithmetic3A_558 = vector.broadcast %shift_right_arithmetic3A_557 : i32 to vector<16xi32>
      %shift_right_arithmetic3A_559 = arith.shrsi %add3A_556, %shift_right_arithmetic3A_558 : vector<16xi32>
      %and3A_560 = arith.constant 127 : i32
      %and3A_561 = vector.broadcast %and3A_560 : i32 to vector<16xi32>
      %and3A_562 = arith.andi %add3A_556, %and3A_561 : vector<16xi32>
      %scatter3A_563 = arith.constant 16 : i32
      %scatter3A_564 = arith.constant 0 : i32
      %scatter3A_565 = tpu.memref_slice %arg16[%scatter3A_563, %scatter3A_564] : memref<64x128xf32, #tpu.memory_space<vmem>> -> memref<16x128xf32, #tpu.memory_space<vmem>>
      tpu.vector_store_idx %scatter3A_565[%shift_right_arithmetic3A_559, %and3A_562], %gather3A_550 : memref<16x128xf32, #tpu.memory_space<vmem>>[vector<16xi32>, vector<16xi32>], vector<16xf32>,
      %add3A_566 = arith.constant 13 : i32
      %add3A_567 = vector.broadcast %add3A_566 : i32 to vector<16xi32>
      %add3A_568 = arith.addi %get3A_270, %add3A_567 : vector<16xi32>
      %gather3A_569 = arith.constant 0 : i32
      %gather3A_570 = arith.constant 0 : i32
      %gather3A_571 = tpu.memref_slice %arg14[%scan3A_196, %gather3A_569, %gather3A_570] : memref<2x128x128xf32, #tpu.memory_space<vmem>> -> memref<1x128x128xf32, #tpu.memory_space<vmem>>
      %gather3A_572 = tpu.memref_squeeze %gather3A_571 : memref<1x128x128xf32, #tpu.memory_space<vmem>> -> memref<128x128xf32, #tpu.memory_space<vmem>>
      %gather3A_573 = tpu.vector_load_idx %gather3A_572[%add3A_265, %add3A_568] : memref<128x128xf32, #tpu.memory_space<vmem>>[vector<16xi32>, vector<16xi32>], vector<16xf32>,
      %mul3A_574 = arith.constant 16 : i32
      %mul3A_575 = vector.broadcast %mul3A_574 : i32 to vector<16xi32>
      %mul3A_576 = arith.muli %add3A_265, %mul3A_575 : vector<16xi32>
      %add3A_577 = arith.constant 13 : i32
      %add3A_578 = vector.broadcast %add3A_577 : i32 to vector<16xi32>
      %add3A_579 = arith.addi %mul3A_576, %add3A_578 : vector<16xi32>
      %shift_right_arithmetic3A_580 = arith.constant 7 : i32
      %shift_right_arithmetic3A_581 = vector.broadcast %shift_right_arithmetic3A_580 : i32 to vector<16xi32>
      %shift_right_arithmetic3A_582 = arith.shrsi %add3A_579, %shift_right_arithmetic3A_581 : vector<16xi32>
      %and3A_583 = arith.constant 127 : i32
      %and3A_584 = vector.broadcast %and3A_583 : i32 to vector<16xi32>
      %and3A_585 = arith.andi %add3A_579, %and3A_584 : vector<16xi32>
      %scatter3A_586 = arith.constant 16 : i32
      %scatter3A_587 = arith.constant 0 : i32
      %scatter3A_588 = tpu.memref_slice %arg16[%scatter3A_586, %scatter3A_587] : memref<64x128xf32, #tpu.memory_space<vmem>> -> memref<16x128xf32, #tpu.memory_space<vmem>>
      tpu.vector_store_idx %scatter3A_588[%shift_right_arithmetic3A_582, %and3A_585], %gather3A_573 : memref<16x128xf32, #tpu.memory_space<vmem>>[vector<16xi32>, vector<16xi32>], vector<16xf32>,
      %add3A_589 = arith.constant 14 : i32
      %add3A_590 = vector.broadcast %add3A_589 : i32 to vector<16xi32>
      %add3A_591 = arith.addi %get3A_270, %add3A_590 : vector<16xi32>
      %gather3A_592 = arith.constant 0 : i32
      %gather3A_593 = arith.constant 0 : i32
      %gather3A_594 = tpu.memref_slice %arg14[%scan3A_196, %gather3A_592, %gather3A_593] : memref<2x128x128xf32, #tpu.memory_space<vmem>> -> memref<1x128x128xf32, #tpu.memory_space<vmem>>
      %gather3A_595 = tpu.memref_squeeze %gather3A_594 : memref<1x128x128xf32, #tpu.memory_space<vmem>> -> memref<128x128xf32, #tpu.memory_space<vmem>>
      %gather3A_596 = tpu.vector_load_idx %gather3A_595[%add3A_265, %add3A_591] : memref<128x128xf32, #tpu.memory_space<vmem>>[vector<16xi32>, vector<16xi32>], vector<16xf32>,
      %mul3A_597 = arith.constant 16 : i32
      %mul3A_598 = vector.broadcast %mul3A_597 : i32 to vector<16xi32>
      %mul3A_599 = arith.muli %add3A_265, %mul3A_598 : vector<16xi32>
      %add3A_600 = arith.constant 14 : i32
      %add3A_601 = vector.broadcast %add3A_600 : i32 to vector<16xi32>
      %add3A_602 = arith.addi %mul3A_599, %add3A_601 : vector<16xi32>
      %shift_right_arithmetic3A_603 = arith.constant 7 : i32
      %shift_right_arithmetic3A_604 = vector.broadcast %shift_right_arithmetic3A_603 : i32 to vector<16xi32>
      %shift_right_arithmetic3A_605 = arith.shrsi %add3A_602, %shift_right_arithmetic3A_604 : vector<16xi32>
      %and3A_606 = arith.constant 127 : i32
      %and3A_607 = vector.broadcast %and3A_606 : i32 to vector<16xi32>
      %and3A_608 = arith.andi %add3A_602, %and3A_607 : vector<16xi32>
      %scatter3A_609 = arith.constant 16 : i32
      %scatter3A_610 = arith.constant 0 : i32
      %scatter3A_611 = tpu.memref_slice %arg16[%scatter3A_609, %scatter3A_610] : memref<64x128xf32, #tpu.memory_space<vmem>> -> memref<16x128xf32, #tpu.memory_space<vmem>>
      tpu.vector_store_idx %scatter3A_611[%shift_right_arithmetic3A_605, %and3A_608], %gather3A_596 : memref<16x128xf32, #tpu.memory_space<vmem>>[vector<16xi32>, vector<16xi32>], vector<16xf32>,
      %add3A_612 = arith.constant 15 : i32
      %add3A_613 = vector.broadcast %add3A_612 : i32 to vector<16xi32>
      %add3A_614 = arith.addi %get3A_270, %add3A_613 : vector<16xi32>
      %gather3A_615 = arith.constant 0 : i32
      %gather3A_616 = arith.constant 0 : i32
      %gather3A_617 = tpu.memref_slice %arg14[%scan3A_196, %gather3A_615, %gather3A_616] : memref<2x128x128xf32, #tpu.memory_space<vmem>> -> memref<1x128x128xf32, #tpu.memory_space<vmem>>
      %gather3A_618 = tpu.memref_squeeze %gather3A_617 : memref<1x128x128xf32, #tpu.memory_space<vmem>> -> memref<128x128xf32, #tpu.memory_space<vmem>>
      %gather3A_619 = tpu.vector_load_idx %gather3A_618[%add3A_265, %add3A_614] : memref<128x128xf32, #tpu.memory_space<vmem>>[vector<16xi32>, vector<16xi32>], vector<16xf32>,
      %mul3A_620 = arith.constant 16 : i32
      %mul3A_621 = vector.broadcast %mul3A_620 : i32 to vector<16xi32>
      %mul3A_622 = arith.muli %add3A_265, %mul3A_621 : vector<16xi32>
      %add3A_623 = arith.constant 15 : i32
      %add3A_624 = vector.broadcast %add3A_623 : i32 to vector<16xi32>
      %add3A_625 = arith.addi %mul3A_622, %add3A_624 : vector<16xi32>
      %shift_right_arithmetic3A_626 = arith.constant 7 : i32
      %shift_right_arithmetic3A_627 = vector.broadcast %shift_right_arithmetic3A_626 : i32 to vector<16xi32>
      %shift_right_arithmetic3A_628 = arith.shrsi %add3A_625, %shift_right_arithmetic3A_627 : vector<16xi32>
      %and3A_629 = arith.constant 127 : i32
      %and3A_630 = vector.broadcast %and3A_629 : i32 to vector<16xi32>
      %and3A_631 = arith.andi %add3A_625, %and3A_630 : vector<16xi32>
      %scatter3A_632 = arith.constant 16 : i32
      %scatter3A_633 = arith.constant 0 : i32
      %scatter3A_634 = tpu.memref_slice %arg16[%scatter3A_632, %scatter3A_633] : memref<64x128xf32, #tpu.memory_space<vmem>> -> memref<16x128xf32, #tpu.memory_space<vmem>>
      tpu.vector_store_idx %scatter3A_634[%shift_right_arithmetic3A_628, %and3A_631], %gather3A_619 : memref<16x128xf32, #tpu.memory_space<vmem>>[vector<16xi32>, vector<16xi32>], vector<16xf32>,
      %scan3A_635 = arith.constant 0 : i32
      scf.yield %scan3A_635 : i32
    }
    %scan3A_203 = arith.constant 8 : i32
    %dma_start3A_204 = arith.constant 3 : i32
    %dma_start3A_205 = arith.constant 1 : i32
    %dma_start3A_206 = arith.constant 0 : i32
    %dma_start3A_207 = arith.constant 0 : i32
    %dma_start3A_208 = tpu.memref_slice %arg14[%dma_start3A_205, %dma_start3A_206, %dma_start3A_207] : memref<2x128x128xf32, #tpu.memory_space<vmem>> -> memref<1x128x128xf32, #tpu.memory_space<vmem>>
    %dma_start3A_209 = tpu.memref_squeeze %dma_start3A_208 : memref<1x128x128xf32, #tpu.memory_space<vmem>> -> memref<128x128xf32, #tpu.memory_space<vmem>>
    %dma_start3A_210 = arith.constant 0 : i32
    %dma_start3A_211 = tpu.memref_slice %arg11[%dma_start3A_204, %dma_start3A_210] : memref<4x128xi32, #tpu.memory_space<vmem>> -> memref<1x128xi32, #tpu.memory_space<vmem>>
    %dma_start3A_212 = tpu.memref_squeeze %dma_start3A_211 : memref<1x128xi32, #tpu.memory_space<vmem>> -> memref<128xi32, #tpu.memory_space<vmem>>
    %dma_start3A_213 = arith.constant 0 : i32
    %dma_start3A_214 = arith.constant 0 : i32
    %dma_start3A_215 = tpu.memref_slice %arg7[%dma_start3A_213, %dma_start3A_214] : memref<125000x128xf32, #tpu.memory_space<hbm>> -> memref<125000x128xf32, #tpu.memory_space<hbm>>
    tpu.enqueue_indirect_dma source(%dma_start3A_215 : memref<125000x128xf32, #tpu.memory_space<hbm>>) target(%dma_start3A_209 : memref<128x128xf32, #tpu.memory_space<vmem>>) offsets(%dma_start3A_212 : memref<128xi32, #tpu.memory_space<vmem>>) semaphore(%arg18 : memref<!tpu.dma_semaphore, #tpu.memory_space<semaphore_mem>>)
    %dma_wait3A_216 = arith.constant 2 : i32
    %dma_wait3A_217 = arith.constant 0 : i32
    %dma_wait3A_218 = arith.constant 0 : i32
    %dma_wait3A_219 = arith.constant 0 : i32
    %dma_wait3A_220 = tpu.memref_slice %arg14[%dma_wait3A_217, %dma_wait3A_218, %dma_wait3A_219] : memref<2x128x128xf32, #tpu.memory_space<vmem>> -> memref<1x128x128xf32, #tpu.memory_space<vmem>>
    %dma_wait3A_221 = tpu.memref_squeeze %dma_wait3A_220 : memref<1x128x128xf32, #tpu.memory_space<vmem>> -> memref<128x128xf32, #tpu.memory_space<vmem>>
    %dma_wait3A_222 = arith.constant 0 : i32
    %dma_wait3A_223 = tpu.memref_slice %arg11[%dma_wait3A_216, %dma_wait3A_222] : memref<4x128xi32, #tpu.memory_space<vmem>> -> memref<1x128xi32, #tpu.memory_space<vmem>>
    %dma_wait3A_224 = tpu.memref_squeeze %dma_wait3A_223 : memref<1x128xi32, #tpu.memory_space<vmem>> -> memref<128xi32, #tpu.memory_space<vmem>>
    %dma_wait3A_225 = arith.constant 0 : i32
    %dma_wait3A_226 = arith.constant 0 : i32
    %dma_wait3A_227 = tpu.memref_slice %arg7[%dma_wait3A_225, %dma_wait3A_226] : memref<125000x128xf32, #tpu.memory_space<hbm>> -> memref<125000x128xf32, #tpu.memory_space<hbm>>
    tpu.wait_indirect_dma semaphore(%arg17 : memref<!tpu.dma_semaphore, #tpu.memory_space<semaphore_mem>>) src(%dma_wait3A_227 : memref<125000x128xf32, #tpu.memory_space<hbm>>) dst(%dma_wait3A_221 : memref<128x128xf32, #tpu.memory_space<vmem>>)
    %scan3A_228 = arith.constant 0 : i32
    %scan3A_229 = arith.constant 0 : i32
    %scan3A_230 = arith.constant 0 : i32
    %scan3A_231 = arith.constant 8 : i32
    %scan3A_232 = arith.addi %scan3A_230, %scan3A_231 : i32
    %scan3A_233 = arith.constant 1 : i32
    %scan3A_234 = scf.for %scan3A_260 = %scan3A_230 to %scan3A_232 step %scan3A_233 iter_args(%scan3A_261 = %scan3A_229) -> (i32)  : i32 {
      %mul3A_262 = arith.constant 16 : i32
      %mul3A_263 = arith.muli %scan3A_260, %mul3A_262 : i32
      %iota3A = tpu.iota {dimensions = array<i32: 0>} : vector<16xi32>
      %add3A_264 = vector.broadcast %mul3A_263 : i32 to vector<16xi32>
      %add3A_265 = arith.addi %add3A_264, %iota3A : vector<16xi32>
      %mul3A_266 = arith.constant 16 : i32
      %mul3A_267 = arith.muli %scan3A_260, %mul3A_266 : i32
      %get3A = arith.constant 2 : i32
      %get3A_268 = arith.index_cast %get3A : i32 to index
      %get3A_269 = arith.index_cast %mul3A_267 : i32 to index
      %get3A_270 = tpu.vector_load %arg13[%get3A_268, %get3A_269] {strides = array<i32>} : memref<4x128xi32, #tpu.memory_space<vmem>>, vector<16xi32>,
      %add3A_271 = arith.constant 0 : i32
      %add3A_272 = vector.broadcast %add3A_271 : i32 to vector<16xi32>
      %add3A_273 = arith.addi %get3A_270, %add3A_272 : vector<16xi32>
      %gather3A = arith.constant 0 : i32
      %gather3A_274 = arith.constant 0 : i32
      %gather3A_275 = tpu.memref_slice %arg14[%scan3A_228, %gather3A, %gather3A_274] : memref<2x128x128xf32, #tpu.memory_space<vmem>> -> memref<1x128x128xf32, #tpu.memory_space<vmem>>
      %gather3A_276 = tpu.memref_squeeze %gather3A_275 : memref<1x128x128xf32, #tpu.memory_space<vmem>> -> memref<128x128xf32, #tpu.memory_space<vmem>>
      %gather3A_277 = tpu.vector_load_idx %gather3A_276[%add3A_265, %add3A_273] : memref<128x128xf32, #tpu.memory_space<vmem>>[vector<16xi32>, vector<16xi32>], vector<16xf32>,
      %mul3A_278 = arith.constant 16 : i32
      %mul3A_279 = vector.broadcast %mul3A_278 : i32 to vector<16xi32>
      %mul3A_280 = arith.muli %add3A_265, %mul3A_279 : vector<16xi32>
      %add3A_281 = arith.constant 0 : i32
      %add3A_282 = vector.broadcast %add3A_281 : i32 to vector<16xi32>
      %add3A_283 = arith.addi %mul3A_280, %add3A_282 : vector<16xi32>
      %shift_right_arithmetic3A = arith.constant 7 : i32
      %shift_right_arithmetic3A_284 = vector.broadcast %shift_right_arithmetic3A : i32 to vector<16xi32>
      %shift_right_arithmetic3A_285 = arith.shrsi %add3A_283, %shift_right_arithmetic3A_284 : vector<16xi32>
      %and3A = arith.constant 127 : i32
      %and3A_286 = vector.broadcast %and3A : i32 to vector<16xi32>
      %and3A_287 = arith.andi %add3A_283, %and3A_286 : vector<16xi32>
      %scatter3A = arith.constant 32 : i32
      %scatter3A_288 = arith.constant 0 : i32
      %scatter3A_289 = tpu.memref_slice %arg16[%scatter3A, %scatter3A_288] : memref<64x128xf32, #tpu.memory_space<vmem>> -> memref<16x128xf32, #tpu.memory_space<vmem>>
      tpu.vector_store_idx %scatter3A_289[%shift_right_arithmetic3A_285, %and3A_287], %gather3A_277 : memref<16x128xf32, #tpu.memory_space<vmem>>[vector<16xi32>, vector<16xi32>], vector<16xf32>,
      %add3A_290 = arith.constant 1 : i32
      %add3A_291 = vector.broadcast %add3A_290 : i32 to vector<16xi32>
      %add3A_292 = arith.addi %get3A_270, %add3A_291 : vector<16xi32>
      %gather3A_293 = arith.constant 0 : i32
      %gather3A_294 = arith.constant 0 : i32
      %gather3A_295 = tpu.memref_slice %arg14[%scan3A_228, %gather3A_293, %gather3A_294] : memref<2x128x128xf32, #tpu.memory_space<vmem>> -> memref<1x128x128xf32, #tpu.memory_space<vmem>>
      %gather3A_296 = tpu.memref_squeeze %gather3A_295 : memref<1x128x128xf32, #tpu.memory_space<vmem>> -> memref<128x128xf32, #tpu.memory_space<vmem>>
      %gather3A_297 = tpu.vector_load_idx %gather3A_296[%add3A_265, %add3A_292] : memref<128x128xf32, #tpu.memory_space<vmem>>[vector<16xi32>, vector<16xi32>], vector<16xf32>,
      %mul3A_298 = arith.constant 16 : i32
      %mul3A_299 = vector.broadcast %mul3A_298 : i32 to vector<16xi32>
      %mul3A_300 = arith.muli %add3A_265, %mul3A_299 : vector<16xi32>
      %add3A_301 = arith.constant 1 : i32
      %add3A_302 = vector.broadcast %add3A_301 : i32 to vector<16xi32>
      %add3A_303 = arith.addi %mul3A_300, %add3A_302 : vector<16xi32>
      %shift_right_arithmetic3A_304 = arith.constant 7 : i32
      %shift_right_arithmetic3A_305 = vector.broadcast %shift_right_arithmetic3A_304 : i32 to vector<16xi32>
      %shift_right_arithmetic3A_306 = arith.shrsi %add3A_303, %shift_right_arithmetic3A_305 : vector<16xi32>
      %and3A_307 = arith.constant 127 : i32
      %and3A_308 = vector.broadcast %and3A_307 : i32 to vector<16xi32>
      %and3A_309 = arith.andi %add3A_303, %and3A_308 : vector<16xi32>
      %scatter3A_310 = arith.constant 32 : i32
      %scatter3A_311 = arith.constant 0 : i32
      %scatter3A_312 = tpu.memref_slice %arg16[%scatter3A_310, %scatter3A_311] : memref<64x128xf32, #tpu.memory_space<vmem>> -> memref<16x128xf32, #tpu.memory_space<vmem>>
      tpu.vector_store_idx %scatter3A_312[%shift_right_arithmetic3A_306, %and3A_309], %gather3A_297 : memref<16x128xf32, #tpu.memory_space<vmem>>[vector<16xi32>, vector<16xi32>], vector<16xf32>,
      %add3A_313 = arith.constant 2 : i32
      %add3A_314 = vector.broadcast %add3A_313 : i32 to vector<16xi32>
      %add3A_315 = arith.addi %get3A_270, %add3A_314 : vector<16xi32>
      %gather3A_316 = arith.constant 0 : i32
      %gather3A_317 = arith.constant 0 : i32
      %gather3A_318 = tpu.memref_slice %arg14[%scan3A_228, %gather3A_316, %gather3A_317] : memref<2x128x128xf32, #tpu.memory_space<vmem>> -> memref<1x128x128xf32, #tpu.memory_space<vmem>>
      %gather3A_319 = tpu.memref_squeeze %gather3A_318 : memref<1x128x128xf32, #tpu.memory_space<vmem>> -> memref<128x128xf32, #tpu.memory_space<vmem>>
      %gather3A_320 = tpu.vector_load_idx %gather3A_319[%add3A_265, %add3A_315] : memref<128x128xf32, #tpu.memory_space<vmem>>[vector<16xi32>, vector<16xi32>], vector<16xf32>,
      %mul3A_321 = arith.constant 16 : i32
      %mul3A_322 = vector.broadcast %mul3A_321 : i32 to vector<16xi32>
      %mul3A_323 = arith.muli %add3A_265, %mul3A_322 : vector<16xi32>
      %add3A_324 = arith.constant 2 : i32
      %add3A_325 = vector.broadcast %add3A_324 : i32 to vector<16xi32>
      %add3A_326 = arith.addi %mul3A_323, %add3A_325 : vector<16xi32>
      %shift_right_arithmetic3A_327 = arith.constant 7 : i32
      %shift_right_arithmetic3A_328 = vector.broadcast %shift_right_arithmetic3A_327 : i32 to vector<16xi32>
      %shift_right_arithmetic3A_329 = arith.shrsi %add3A_326, %shift_right_arithmetic3A_328 : vector<16xi32>
      %and3A_330 = arith.constant 127 : i32
      %and3A_331 = vector.broadcast %and3A_330 : i32 to vector<16xi32>
      %and3A_332 = arith.andi %add3A_326, %and3A_331 : vector<16xi32>
      %scatter3A_333 = arith.constant 32 : i32
      %scatter3A_334 = arith.constant 0 : i32
      %scatter3A_335 = tpu.memref_slice %arg16[%scatter3A_333, %scatter3A_334] : memref<64x128xf32, #tpu.memory_space<vmem>> -> memref<16x128xf32, #tpu.memory_space<vmem>>
      tpu.vector_store_idx %scatter3A_335[%shift_right_arithmetic3A_329, %and3A_332], %gather3A_320 : memref<16x128xf32, #tpu.memory_space<vmem>>[vector<16xi32>, vector<16xi32>], vector<16xf32>,
      %add3A_336 = arith.constant 3 : i32
      %add3A_337 = vector.broadcast %add3A_336 : i32 to vector<16xi32>
      %add3A_338 = arith.addi %get3A_270, %add3A_337 : vector<16xi32>
      %gather3A_339 = arith.constant 0 : i32
      %gather3A_340 = arith.constant 0 : i32
      %gather3A_341 = tpu.memref_slice %arg14[%scan3A_228, %gather3A_339, %gather3A_340] : memref<2x128x128xf32, #tpu.memory_space<vmem>> -> memref<1x128x128xf32, #tpu.memory_space<vmem>>
      %gather3A_342 = tpu.memref_squeeze %gather3A_341 : memref<1x128x128xf32, #tpu.memory_space<vmem>> -> memref<128x128xf32, #tpu.memory_space<vmem>>
      %gather3A_343 = tpu.vector_load_idx %gather3A_342[%add3A_265, %add3A_338] : memref<128x128xf32, #tpu.memory_space<vmem>>[vector<16xi32>, vector<16xi32>], vector<16xf32>,
      %mul3A_344 = arith.constant 16 : i32
      %mul3A_345 = vector.broadcast %mul3A_344 : i32 to vector<16xi32>
      %mul3A_346 = arith.muli %add3A_265, %mul3A_345 : vector<16xi32>
      %add3A_347 = arith.constant 3 : i32
      %add3A_348 = vector.broadcast %add3A_347 : i32 to vector<16xi32>
      %add3A_349 = arith.addi %mul3A_346, %add3A_348 : vector<16xi32>
      %shift_right_arithmetic3A_350 = arith.constant 7 : i32
      %shift_right_arithmetic3A_351 = vector.broadcast %shift_right_arithmetic3A_350 : i32 to vector<16xi32>
      %shift_right_arithmetic3A_352 = arith.shrsi %add3A_349, %shift_right_arithmetic3A_351 : vector<16xi32>
      %and3A_353 = arith.constant 127 : i32
      %and3A_354 = vector.broadcast %and3A_353 : i32 to vector<16xi32>
      %and3A_355 = arith.andi %add3A_349, %and3A_354 : vector<16xi32>
      %scatter3A_356 = arith.constant 32 : i32
      %scatter3A_357 = arith.constant 0 : i32
      %scatter3A_358 = tpu.memref_slice %arg16[%scatter3A_356, %scatter3A_357] : memref<64x128xf32, #tpu.memory_space<vmem>> -> memref<16x128xf32, #tpu.memory_space<vmem>>
      tpu.vector_store_idx %scatter3A_358[%shift_right_arithmetic3A_352, %and3A_355], %gather3A_343 : memref<16x128xf32, #tpu.memory_space<vmem>>[vector<16xi32>, vector<16xi32>], vector<16xf32>,
      %add3A_359 = arith.constant 4 : i32
      %add3A_360 = vector.broadcast %add3A_359 : i32 to vector<16xi32>
      %add3A_361 = arith.addi %get3A_270, %add3A_360 : vector<16xi32>
      %gather3A_362 = arith.constant 0 : i32
      %gather3A_363 = arith.constant 0 : i32
      %gather3A_364 = tpu.memref_slice %arg14[%scan3A_228, %gather3A_362, %gather3A_363] : memref<2x128x128xf32, #tpu.memory_space<vmem>> -> memref<1x128x128xf32, #tpu.memory_space<vmem>>
      %gather3A_365 = tpu.memref_squeeze %gather3A_364 : memref<1x128x128xf32, #tpu.memory_space<vmem>> -> memref<128x128xf32, #tpu.memory_space<vmem>>
      %gather3A_366 = tpu.vector_load_idx %gather3A_365[%add3A_265, %add3A_361] : memref<128x128xf32, #tpu.memory_space<vmem>>[vector<16xi32>, vector<16xi32>], vector<16xf32>,
      %mul3A_367 = arith.constant 16 : i32
      %mul3A_368 = vector.broadcast %mul3A_367 : i32 to vector<16xi32>
      %mul3A_369 = arith.muli %add3A_265, %mul3A_368 : vector<16xi32>
      %add3A_370 = arith.constant 4 : i32
      %add3A_371 = vector.broadcast %add3A_370 : i32 to vector<16xi32>
      %add3A_372 = arith.addi %mul3A_369, %add3A_371 : vector<16xi32>
      %shift_right_arithmetic3A_373 = arith.constant 7 : i32
      %shift_right_arithmetic3A_374 = vector.broadcast %shift_right_arithmetic3A_373 : i32 to vector<16xi32>
      %shift_right_arithmetic3A_375 = arith.shrsi %add3A_372, %shift_right_arithmetic3A_374 : vector<16xi32>
      %and3A_376 = arith.constant 127 : i32
      %and3A_377 = vector.broadcast %and3A_376 : i32 to vector<16xi32>
      %and3A_378 = arith.andi %add3A_372, %and3A_377 : vector<16xi32>
      %scatter3A_379 = arith.constant 32 : i32
      %scatter3A_380 = arith.constant 0 : i32
      %scatter3A_381 = tpu.memref_slice %arg16[%scatter3A_379, %scatter3A_380] : memref<64x128xf32, #tpu.memory_space<vmem>> -> memref<16x128xf32, #tpu.memory_space<vmem>>
      tpu.vector_store_idx %scatter3A_381[%shift_right_arithmetic3A_375, %and3A_378], %gather3A_366 : memref<16x128xf32, #tpu.memory_space<vmem>>[vector<16xi32>, vector<16xi32>], vector<16xf32>,
      %add3A_382 = arith.constant 5 : i32
      %add3A_383 = vector.broadcast %add3A_382 : i32 to vector<16xi32>
      %add3A_384 = arith.addi %get3A_270, %add3A_383 : vector<16xi32>
      %gather3A_385 = arith.constant 0 : i32
      %gather3A_386 = arith.constant 0 : i32
      %gather3A_387 = tpu.memref_slice %arg14[%scan3A_228, %gather3A_385, %gather3A_386] : memref<2x128x128xf32, #tpu.memory_space<vmem>> -> memref<1x128x128xf32, #tpu.memory_space<vmem>>
      %gather3A_388 = tpu.memref_squeeze %gather3A_387 : memref<1x128x128xf32, #tpu.memory_space<vmem>> -> memref<128x128xf32, #tpu.memory_space<vmem>>
      %gather3A_389 = tpu.vector_load_idx %gather3A_388[%add3A_265, %add3A_384] : memref<128x128xf32, #tpu.memory_space<vmem>>[vector<16xi32>, vector<16xi32>], vector<16xf32>,
      %mul3A_390 = arith.constant 16 : i32
      %mul3A_391 = vector.broadcast %mul3A_390 : i32 to vector<16xi32>
      %mul3A_392 = arith.muli %add3A_265, %mul3A_391 : vector<16xi32>
      %add3A_393 = arith.constant 5 : i32
      %add3A_394 = vector.broadcast %add3A_393 : i32 to vector<16xi32>
      %add3A_395 = arith.addi %mul3A_392, %add3A_394 : vector<16xi32>
      %shift_right_arithmetic3A_396 = arith.constant 7 : i32
      %shift_right_arithmetic3A_397 = vector.broadcast %shift_right_arithmetic3A_396 : i32 to vector<16xi32>
      %shift_right_arithmetic3A_398 = arith.shrsi %add3A_395, %shift_right_arithmetic3A_397 : vector<16xi32>
      %and3A_399 = arith.constant 127 : i32
      %and3A_400 = vector.broadcast %and3A_399 : i32 to vector<16xi32>
      %and3A_401 = arith.andi %add3A_395, %and3A_400 : vector<16xi32>
      %scatter3A_402 = arith.constant 32 : i32
      %scatter3A_403 = arith.constant 0 : i32
      %scatter3A_404 = tpu.memref_slice %arg16[%scatter3A_402, %scatter3A_403] : memref<64x128xf32, #tpu.memory_space<vmem>> -> memref<16x128xf32, #tpu.memory_space<vmem>>
      tpu.vector_store_idx %scatter3A_404[%shift_right_arithmetic3A_398, %and3A_401], %gather3A_389 : memref<16x128xf32, #tpu.memory_space<vmem>>[vector<16xi32>, vector<16xi32>], vector<16xf32>,
      %add3A_405 = arith.constant 6 : i32
      %add3A_406 = vector.broadcast %add3A_405 : i32 to vector<16xi32>
      %add3A_407 = arith.addi %get3A_270, %add3A_406 : vector<16xi32>
      %gather3A_408 = arith.constant 0 : i32
      %gather3A_409 = arith.constant 0 : i32
      %gather3A_410 = tpu.memref_slice %arg14[%scan3A_228, %gather3A_408, %gather3A_409] : memref<2x128x128xf32, #tpu.memory_space<vmem>> -> memref<1x128x128xf32, #tpu.memory_space<vmem>>
      %gather3A_411 = tpu.memref_squeeze %gather3A_410 : memref<1x128x128xf32, #tpu.memory_space<vmem>> -> memref<128x128xf32, #tpu.memory_space<vmem>>
      %gather3A_412 = tpu.vector_load_idx %gather3A_411[%add3A_265, %add3A_407] : memref<128x128xf32, #tpu.memory_space<vmem>>[vector<16xi32>, vector<16xi32>], vector<16xf32>,
      %mul3A_413 = arith.constant 16 : i32
      %mul3A_414 = vector.broadcast %mul3A_413 : i32 to vector<16xi32>
      %mul3A_415 = arith.muli %add3A_265, %mul3A_414 : vector<16xi32>
      %add3A_416 = arith.constant 6 : i32
      %add3A_417 = vector.broadcast %add3A_416 : i32 to vector<16xi32>
      %add3A_418 = arith.addi %mul3A_415, %add3A_417 : vector<16xi32>
      %shift_right_arithmetic3A_419 = arith.constant 7 : i32
      %shift_right_arithmetic3A_420 = vector.broadcast %shift_right_arithmetic3A_419 : i32 to vector<16xi32>
      %shift_right_arithmetic3A_421 = arith.shrsi %add3A_418, %shift_right_arithmetic3A_420 : vector<16xi32>
      %and3A_422 = arith.constant 127 : i32
      %and3A_423 = vector.broadcast %and3A_422 : i32 to vector<16xi32>
      %and3A_424 = arith.andi %add3A_418, %and3A_423 : vector<16xi32>
      %scatter3A_425 = arith.constant 32 : i32
      %scatter3A_426 = arith.constant 0 : i32
      %scatter3A_427 = tpu.memref_slice %arg16[%scatter3A_425, %scatter3A_426] : memref<64x128xf32, #tpu.memory_space<vmem>> -> memref<16x128xf32, #tpu.memory_space<vmem>>
      tpu.vector_store_idx %scatter3A_427[%shift_right_arithmetic3A_421, %and3A_424], %gather3A_412 : memref<16x128xf32, #tpu.memory_space<vmem>>[vector<16xi32>, vector<16xi32>], vector<16xf32>,
      %add3A_428 = arith.constant 7 : i32
      %add3A_429 = vector.broadcast %add3A_428 : i32 to vector<16xi32>
      %add3A_430 = arith.addi %get3A_270, %add3A_429 : vector<16xi32>
      %gather3A_431 = arith.constant 0 : i32
      %gather3A_432 = arith.constant 0 : i32
      %gather3A_433 = tpu.memref_slice %arg14[%scan3A_228, %gather3A_431, %gather3A_432] : memref<2x128x128xf32, #tpu.memory_space<vmem>> -> memref<1x128x128xf32, #tpu.memory_space<vmem>>
      %gather3A_434 = tpu.memref_squeeze %gather3A_433 : memref<1x128x128xf32, #tpu.memory_space<vmem>> -> memref<128x128xf32, #tpu.memory_space<vmem>>
      %gather3A_435 = tpu.vector_load_idx %gather3A_434[%add3A_265, %add3A_430] : memref<128x128xf32, #tpu.memory_space<vmem>>[vector<16xi32>, vector<16xi32>], vector<16xf32>,
      %mul3A_436 = arith.constant 16 : i32
      %mul3A_437 = vector.broadcast %mul3A_436 : i32 to vector<16xi32>
      %mul3A_438 = arith.muli %add3A_265, %mul3A_437 : vector<16xi32>
      %add3A_439 = arith.constant 7 : i32
      %add3A_440 = vector.broadcast %add3A_439 : i32 to vector<16xi32>
      %add3A_441 = arith.addi %mul3A_438, %add3A_440 : vector<16xi32>
      %shift_right_arithmetic3A_442 = arith.constant 7 : i32
      %shift_right_arithmetic3A_443 = vector.broadcast %shift_right_arithmetic3A_442 : i32 to vector<16xi32>
      %shift_right_arithmetic3A_444 = arith.shrsi %add3A_441, %shift_right_arithmetic3A_443 : vector<16xi32>
      %and3A_445 = arith.constant 127 : i32
      %and3A_446 = vector.broadcast %and3A_445 : i32 to vector<16xi32>
      %and3A_447 = arith.andi %add3A_441, %and3A_446 : vector<16xi32>
      %scatter3A_448 = arith.constant 32 : i32
      %scatter3A_449 = arith.constant 0 : i32
      %scatter3A_450 = tpu.memref_slice %arg16[%scatter3A_448, %scatter3A_449] : memref<64x128xf32, #tpu.memory_space<vmem>> -> memref<16x128xf32, #tpu.memory_space<vmem>>
      tpu.vector_store_idx %scatter3A_450[%shift_right_arithmetic3A_444, %and3A_447], %gather3A_435 : memref<16x128xf32, #tpu.memory_space<vmem>>[vector<16xi32>, vector<16xi32>], vector<16xf32>,
      %add3A_451 = arith.constant 8 : i32
      %add3A_452 = vector.broadcast %add3A_451 : i32 to vector<16xi32>
      %add3A_453 = arith.addi %get3A_270, %add3A_452 : vector<16xi32>
      %gather3A_454 = arith.constant 0 : i32
      %gather3A_455 = arith.constant 0 : i32
      %gather3A_456 = tpu.memref_slice %arg14[%scan3A_228, %gather3A_454, %gather3A_455] : memref<2x128x128xf32, #tpu.memory_space<vmem>> -> memref<1x128x128xf32, #tpu.memory_space<vmem>>
      %gather3A_457 = tpu.memref_squeeze %gather3A_456 : memref<1x128x128xf32, #tpu.memory_space<vmem>> -> memref<128x128xf32, #tpu.memory_space<vmem>>
      %gather3A_458 = tpu.vector_load_idx %gather3A_457[%add3A_265, %add3A_453] : memref<128x128xf32, #tpu.memory_space<vmem>>[vector<16xi32>, vector<16xi32>], vector<16xf32>,
      %mul3A_459 = arith.constant 16 : i32
      %mul3A_460 = vector.broadcast %mul3A_459 : i32 to vector<16xi32>
      %mul3A_461 = arith.muli %add3A_265, %mul3A_460 : vector<16xi32>
      %add3A_462 = arith.constant 8 : i32
      %add3A_463 = vector.broadcast %add3A_462 : i32 to vector<16xi32>
      %add3A_464 = arith.addi %mul3A_461, %add3A_463 : vector<16xi32>
      %shift_right_arithmetic3A_465 = arith.constant 7 : i32
      %shift_right_arithmetic3A_466 = vector.broadcast %shift_right_arithmetic3A_465 : i32 to vector<16xi32>
      %shift_right_arithmetic3A_467 = arith.shrsi %add3A_464, %shift_right_arithmetic3A_466 : vector<16xi32>
      %and3A_468 = arith.constant 127 : i32
      %and3A_469 = vector.broadcast %and3A_468 : i32 to vector<16xi32>
      %and3A_470 = arith.andi %add3A_464, %and3A_469 : vector<16xi32>
      %scatter3A_471 = arith.constant 32 : i32
      %scatter3A_472 = arith.constant 0 : i32
      %scatter3A_473 = tpu.memref_slice %arg16[%scatter3A_471, %scatter3A_472] : memref<64x128xf32, #tpu.memory_space<vmem>> -> memref<16x128xf32, #tpu.memory_space<vmem>>
      tpu.vector_store_idx %scatter3A_473[%shift_right_arithmetic3A_467, %and3A_470], %gather3A_458 : memref<16x128xf32, #tpu.memory_space<vmem>>[vector<16xi32>, vector<16xi32>], vector<16xf32>,
      %add3A_474 = arith.constant 9 : i32
      %add3A_475 = vector.broadcast %add3A_474 : i32 to vector<16xi32>
      %add3A_476 = arith.addi %get3A_270, %add3A_475 : vector<16xi32>
      %gather3A_477 = arith.constant 0 : i32
      %gather3A_478 = arith.constant 0 : i32
      %gather3A_479 = tpu.memref_slice %arg14[%scan3A_228, %gather3A_477, %gather3A_478] : memref<2x128x128xf32, #tpu.memory_space<vmem>> -> memref<1x128x128xf32, #tpu.memory_space<vmem>>
      %gather3A_480 = tpu.memref_squeeze %gather3A_479 : memref<1x128x128xf32, #tpu.memory_space<vmem>> -> memref<128x128xf32, #tpu.memory_space<vmem>>
      %gather3A_481 = tpu.vector_load_idx %gather3A_480[%add3A_265, %add3A_476] : memref<128x128xf32, #tpu.memory_space<vmem>>[vector<16xi32>, vector<16xi32>], vector<16xf32>,
      %mul3A_482 = arith.constant 16 : i32
      %mul3A_483 = vector.broadcast %mul3A_482 : i32 to vector<16xi32>
      %mul3A_484 = arith.muli %add3A_265, %mul3A_483 : vector<16xi32>
      %add3A_485 = arith.constant 9 : i32
      %add3A_486 = vector.broadcast %add3A_485 : i32 to vector<16xi32>
      %add3A_487 = arith.addi %mul3A_484, %add3A_486 : vector<16xi32>
      %shift_right_arithmetic3A_488 = arith.constant 7 : i32
      %shift_right_arithmetic3A_489 = vector.broadcast %shift_right_arithmetic3A_488 : i32 to vector<16xi32>
      %shift_right_arithmetic3A_490 = arith.shrsi %add3A_487, %shift_right_arithmetic3A_489 : vector<16xi32>
      %and3A_491 = arith.constant 127 : i32
      %and3A_492 = vector.broadcast %and3A_491 : i32 to vector<16xi32>
      %and3A_493 = arith.andi %add3A_487, %and3A_492 : vector<16xi32>
      %scatter3A_494 = arith.constant 32 : i32
      %scatter3A_495 = arith.constant 0 : i32
      %scatter3A_496 = tpu.memref_slice %arg16[%scatter3A_494, %scatter3A_495] : memref<64x128xf32, #tpu.memory_space<vmem>> -> memref<16x128xf32, #tpu.memory_space<vmem>>
      tpu.vector_store_idx %scatter3A_496[%shift_right_arithmetic3A_490, %and3A_493], %gather3A_481 : memref<16x128xf32, #tpu.memory_space<vmem>>[vector<16xi32>, vector<16xi32>], vector<16xf32>,
      %add3A_497 = arith.constant 10 : i32
      %add3A_498 = vector.broadcast %add3A_497 : i32 to vector<16xi32>
      %add3A_499 = arith.addi %get3A_270, %add3A_498 : vector<16xi32>
      %gather3A_500 = arith.constant 0 : i32
      %gather3A_501 = arith.constant 0 : i32
      %gather3A_502 = tpu.memref_slice %arg14[%scan3A_228, %gather3A_500, %gather3A_501] : memref<2x128x128xf32, #tpu.memory_space<vmem>> -> memref<1x128x128xf32, #tpu.memory_space<vmem>>
      %gather3A_503 = tpu.memref_squeeze %gather3A_502 : memref<1x128x128xf32, #tpu.memory_space<vmem>> -> memref<128x128xf32, #tpu.memory_space<vmem>>
      %gather3A_504 = tpu.vector_load_idx %gather3A_503[%add3A_265, %add3A_499] : memref<128x128xf32, #tpu.memory_space<vmem>>[vector<16xi32>, vector<16xi32>], vector<16xf32>,
      %mul3A_505 = arith.constant 16 : i32
      %mul3A_506 = vector.broadcast %mul3A_505 : i32 to vector<16xi32>
      %mul3A_507 = arith.muli %add3A_265, %mul3A_506 : vector<16xi32>
      %add3A_508 = arith.constant 10 : i32
      %add3A_509 = vector.broadcast %add3A_508 : i32 to vector<16xi32>
      %add3A_510 = arith.addi %mul3A_507, %add3A_509 : vector<16xi32>
      %shift_right_arithmetic3A_511 = arith.constant 7 : i32
      %shift_right_arithmetic3A_512 = vector.broadcast %shift_right_arithmetic3A_511 : i32 to vector<16xi32>
      %shift_right_arithmetic3A_513 = arith.shrsi %add3A_510, %shift_right_arithmetic3A_512 : vector<16xi32>
      %and3A_514 = arith.constant 127 : i32
      %and3A_515 = vector.broadcast %and3A_514 : i32 to vector<16xi32>
      %and3A_516 = arith.andi %add3A_510, %and3A_515 : vector<16xi32>
      %scatter3A_517 = arith.constant 32 : i32
      %scatter3A_518 = arith.constant 0 : i32
      %scatter3A_519 = tpu.memref_slice %arg16[%scatter3A_517, %scatter3A_518] : memref<64x128xf32, #tpu.memory_space<vmem>> -> memref<16x128xf32, #tpu.memory_space<vmem>>
      tpu.vector_store_idx %scatter3A_519[%shift_right_arithmetic3A_513, %and3A_516], %gather3A_504 : memref<16x128xf32, #tpu.memory_space<vmem>>[vector<16xi32>, vector<16xi32>], vector<16xf32>,
      %add3A_520 = arith.constant 11 : i32
      %add3A_521 = vector.broadcast %add3A_520 : i32 to vector<16xi32>
      %add3A_522 = arith.addi %get3A_270, %add3A_521 : vector<16xi32>
      %gather3A_523 = arith.constant 0 : i32
      %gather3A_524 = arith.constant 0 : i32
      %gather3A_525 = tpu.memref_slice %arg14[%scan3A_228, %gather3A_523, %gather3A_524] : memref<2x128x128xf32, #tpu.memory_space<vmem>> -> memref<1x128x128xf32, #tpu.memory_space<vmem>>
      %gather3A_526 = tpu.memref_squeeze %gather3A_525 : memref<1x128x128xf32, #tpu.memory_space<vmem>> -> memref<128x128xf32, #tpu.memory_space<vmem>>
      %gather3A_527 = tpu.vector_load_idx %gather3A_526[%add3A_265, %add3A_522] : memref<128x128xf32, #tpu.memory_space<vmem>>[vector<16xi32>, vector<16xi32>], vector<16xf32>,
      %mul3A_528 = arith.constant 16 : i32
      %mul3A_529 = vector.broadcast %mul3A_528 : i32 to vector<16xi32>
      %mul3A_530 = arith.muli %add3A_265, %mul3A_529 : vector<16xi32>
      %add3A_531 = arith.constant 11 : i32
      %add3A_532 = vector.broadcast %add3A_531 : i32 to vector<16xi32>
      %add3A_533 = arith.addi %mul3A_530, %add3A_532 : vector<16xi32>
      %shift_right_arithmetic3A_534 = arith.constant 7 : i32
      %shift_right_arithmetic3A_535 = vector.broadcast %shift_right_arithmetic3A_534 : i32 to vector<16xi32>
      %shift_right_arithmetic3A_536 = arith.shrsi %add3A_533, %shift_right_arithmetic3A_535 : vector<16xi32>
      %and3A_537 = arith.constant 127 : i32
      %and3A_538 = vector.broadcast %and3A_537 : i32 to vector<16xi32>
      %and3A_539 = arith.andi %add3A_533, %and3A_538 : vector<16xi32>
      %scatter3A_540 = arith.constant 32 : i32
      %scatter3A_541 = arith.constant 0 : i32
      %scatter3A_542 = tpu.memref_slice %arg16[%scatter3A_540, %scatter3A_541] : memref<64x128xf32, #tpu.memory_space<vmem>> -> memref<16x128xf32, #tpu.memory_space<vmem>>
      tpu.vector_store_idx %scatter3A_542[%shift_right_arithmetic3A_536, %and3A_539], %gather3A_527 : memref<16x128xf32, #tpu.memory_space<vmem>>[vector<16xi32>, vector<16xi32>], vector<16xf32>,
      %add3A_543 = arith.constant 12 : i32
      %add3A_544 = vector.broadcast %add3A_543 : i32 to vector<16xi32>
      %add3A_545 = arith.addi %get3A_270, %add3A_544 : vector<16xi32>
      %gather3A_546 = arith.constant 0 : i32
      %gather3A_547 = arith.constant 0 : i32
      %gather3A_548 = tpu.memref_slice %arg14[%scan3A_228, %gather3A_546, %gather3A_547] : memref<2x128x128xf32, #tpu.memory_space<vmem>> -> memref<1x128x128xf32, #tpu.memory_space<vmem>>
      %gather3A_549 = tpu.memref_squeeze %gather3A_548 : memref<1x128x128xf32, #tpu.memory_space<vmem>> -> memref<128x128xf32, #tpu.memory_space<vmem>>
      %gather3A_550 = tpu.vector_load_idx %gather3A_549[%add3A_265, %add3A_545] : memref<128x128xf32, #tpu.memory_space<vmem>>[vector<16xi32>, vector<16xi32>], vector<16xf32>,
      %mul3A_551 = arith.constant 16 : i32
      %mul3A_552 = vector.broadcast %mul3A_551 : i32 to vector<16xi32>
      %mul3A_553 = arith.muli %add3A_265, %mul3A_552 : vector<16xi32>
      %add3A_554 = arith.constant 12 : i32
      %add3A_555 = vector.broadcast %add3A_554 : i32 to vector<16xi32>
      %add3A_556 = arith.addi %mul3A_553, %add3A_555 : vector<16xi32>
      %shift_right_arithmetic3A_557 = arith.constant 7 : i32
      %shift_right_arithmetic3A_558 = vector.broadcast %shift_right_arithmetic3A_557 : i32 to vector<16xi32>
      %shift_right_arithmetic3A_559 = arith.shrsi %add3A_556, %shift_right_arithmetic3A_558 : vector<16xi32>
      %and3A_560 = arith.constant 127 : i32
      %and3A_561 = vector.broadcast %and3A_560 : i32 to vector<16xi32>
      %and3A_562 = arith.andi %add3A_556, %and3A_561 : vector<16xi32>
      %scatter3A_563 = arith.constant 32 : i32
      %scatter3A_564 = arith.constant 0 : i32
      %scatter3A_565 = tpu.memref_slice %arg16[%scatter3A_563, %scatter3A_564] : memref<64x128xf32, #tpu.memory_space<vmem>> -> memref<16x128xf32, #tpu.memory_space<vmem>>
      tpu.vector_store_idx %scatter3A_565[%shift_right_arithmetic3A_559, %and3A_562], %gather3A_550 : memref<16x128xf32, #tpu.memory_space<vmem>>[vector<16xi32>, vector<16xi32>], vector<16xf32>,
      %add3A_566 = arith.constant 13 : i32
      %add3A_567 = vector.broadcast %add3A_566 : i32 to vector<16xi32>
      %add3A_568 = arith.addi %get3A_270, %add3A_567 : vector<16xi32>
      %gather3A_569 = arith.constant 0 : i32
      %gather3A_570 = arith.constant 0 : i32
      %gather3A_571 = tpu.memref_slice %arg14[%scan3A_228, %gather3A_569, %gather3A_570] : memref<2x128x128xf32, #tpu.memory_space<vmem>> -> memref<1x128x128xf32, #tpu.memory_space<vmem>>
      %gather3A_572 = tpu.memref_squeeze %gather3A_571 : memref<1x128x128xf32, #tpu.memory_space<vmem>> -> memref<128x128xf32, #tpu.memory_space<vmem>>
      %gather3A_573 = tpu.vector_load_idx %gather3A_572[%add3A_265, %add3A_568] : memref<128x128xf32, #tpu.memory_space<vmem>>[vector<16xi32>, vector<16xi32>], vector<16xf32>,
      %mul3A_574 = arith.constant 16 : i32
      %mul3A_575 = vector.broadcast %mul3A_574 : i32 to vector<16xi32>
      %mul3A_576 = arith.muli %add3A_265, %mul3A_575 : vector<16xi32>
      %add3A_577 = arith.constant 13 : i32
      %add3A_578 = vector.broadcast %add3A_577 : i32 to vector<16xi32>
      %add3A_579 = arith.addi %mul3A_576, %add3A_578 : vector<16xi32>
      %shift_right_arithmetic3A_580 = arith.constant 7 : i32
      %shift_right_arithmetic3A_581 = vector.broadcast %shift_right_arithmetic3A_580 : i32 to vector<16xi32>
      %shift_right_arithmetic3A_582 = arith.shrsi %add3A_579, %shift_right_arithmetic3A_581 : vector<16xi32>
      %and3A_583 = arith.constant 127 : i32
      %and3A_584 = vector.broadcast %and3A_583 : i32 to vector<16xi32>
      %and3A_585 = arith.andi %add3A_579, %and3A_584 : vector<16xi32>
      %scatter3A_586 = arith.constant 32 : i32
      %scatter3A_587 = arith.constant 0 : i32
      %scatter3A_588 = tpu.memref_slice %arg16[%scatter3A_586, %scatter3A_587] : memref<64x128xf32, #tpu.memory_space<vmem>> -> memref<16x128xf32, #tpu.memory_space<vmem>>
      tpu.vector_store_idx %scatter3A_588[%shift_right_arithmetic3A_582, %and3A_585], %gather3A_573 : memref<16x128xf32, #tpu.memory_space<vmem>>[vector<16xi32>, vector<16xi32>], vector<16xf32>,
      %add3A_589 = arith.constant 14 : i32
      %add3A_590 = vector.broadcast %add3A_589 : i32 to vector<16xi32>
      %add3A_591 = arith.addi %get3A_270, %add3A_590 : vector<16xi32>
      %gather3A_592 = arith.constant 0 : i32
      %gather3A_593 = arith.constant 0 : i32
      %gather3A_594 = tpu.memref_slice %arg14[%scan3A_228, %gather3A_592, %gather3A_593] : memref<2x128x128xf32, #tpu.memory_space<vmem>> -> memref<1x128x128xf32, #tpu.memory_space<vmem>>
      %gather3A_595 = tpu.memref_squeeze %gather3A_594 : memref<1x128x128xf32, #tpu.memory_space<vmem>> -> memref<128x128xf32, #tpu.memory_space<vmem>>
      %gather3A_596 = tpu.vector_load_idx %gather3A_595[%add3A_265, %add3A_591] : memref<128x128xf32, #tpu.memory_space<vmem>>[vector<16xi32>, vector<16xi32>], vector<16xf32>,
      %mul3A_597 = arith.constant 16 : i32
      %mul3A_598 = vector.broadcast %mul3A_597 : i32 to vector<16xi32>
      %mul3A_599 = arith.muli %add3A_265, %mul3A_598 : vector<16xi32>
      %add3A_600 = arith.constant 14 : i32
      %add3A_601 = vector.broadcast %add3A_600 : i32 to vector<16xi32>
      %add3A_602 = arith.addi %mul3A_599, %add3A_601 : vector<16xi32>
      %shift_right_arithmetic3A_603 = arith.constant 7 : i32
      %shift_right_arithmetic3A_604 = vector.broadcast %shift_right_arithmetic3A_603 : i32 to vector<16xi32>
      %shift_right_arithmetic3A_605 = arith.shrsi %add3A_602, %shift_right_arithmetic3A_604 : vector<16xi32>
      %and3A_606 = arith.constant 127 : i32
      %and3A_607 = vector.broadcast %and3A_606 : i32 to vector<16xi32>
      %and3A_608 = arith.andi %add3A_602, %and3A_607 : vector<16xi32>
      %scatter3A_609 = arith.constant 32 : i32
      %scatter3A_610 = arith.constant 0 : i32
      %scatter3A_611 = tpu.memref_slice %arg16[%scatter3A_609, %scatter3A_610] : memref<64x128xf32, #tpu.memory_space<vmem>> -> memref<16x128xf32, #tpu.memory_space<vmem>>
      tpu.vector_store_idx %scatter3A_611[%shift_right_arithmetic3A_605, %and3A_608], %gather3A_596 : memref<16x128xf32, #tpu.memory_space<vmem>>[vector<16xi32>, vector<16xi32>], vector<16xf32>,
      %add3A_612 = arith.constant 15 : i32
      %add3A_613 = vector.broadcast %add3A_612 : i32 to vector<16xi32>
      %add3A_614 = arith.addi %get3A_270, %add3A_613 : vector<16xi32>
      %gather3A_615 = arith.constant 0 : i32
      %gather3A_616 = arith.constant 0 : i32
      %gather3A_617 = tpu.memref_slice %arg14[%scan3A_228, %gather3A_615, %gather3A_616] : memref<2x128x128xf32, #tpu.memory_space<vmem>> -> memref<1x128x128xf32, #tpu.memory_space<vmem>>
      %gather3A_618 = tpu.memref_squeeze %gather3A_617 : memref<1x128x128xf32, #tpu.memory_space<vmem>> -> memref<128x128xf32, #tpu.memory_space<vmem>>
      %gather3A_619 = tpu.vector_load_idx %gather3A_618[%add3A_265, %add3A_614] : memref<128x128xf32, #tpu.memory_space<vmem>>[vector<16xi32>, vector<16xi32>], vector<16xf32>,
      %mul3A_620 = arith.constant 16 : i32
      %mul3A_621 = vector.broadcast %mul3A_620 : i32 to vector<16xi32>
      %mul3A_622 = arith.muli %add3A_265, %mul3A_621 : vector<16xi32>
      %add3A_623 = arith.constant 15 : i32
      %add3A_624 = vector.broadcast %add3A_623 : i32 to vector<16xi32>
      %add3A_625 = arith.addi %mul3A_622, %add3A_624 : vector<16xi32>
      %shift_right_arithmetic3A_626 = arith.constant 7 : i32
      %shift_right_arithmetic3A_627 = vector.broadcast %shift_right_arithmetic3A_626 : i32 to vector<16xi32>
      %shift_right_arithmetic3A_628 = arith.shrsi %add3A_625, %shift_right_arithmetic3A_627 : vector<16xi32>
      %and3A_629 = arith.constant 127 : i32
      %and3A_630 = vector.broadcast %and3A_629 : i32 to vector<16xi32>
      %and3A_631 = arith.andi %add3A_625, %and3A_630 : vector<16xi32>
      %scatter3A_632 = arith.constant 32 : i32
      %scatter3A_633 = arith.constant 0 : i32
      %scatter3A_634 = tpu.memref_slice %arg16[%scatter3A_632, %scatter3A_633] : memref<64x128xf32, #tpu.memory_space<vmem>> -> memref<16x128xf32, #tpu.memory_space<vmem>>
      tpu.vector_store_idx %scatter3A_634[%shift_right_arithmetic3A_628, %and3A_631], %gather3A_619 : memref<16x128xf32, #tpu.memory_space<vmem>>[vector<16xi32>, vector<16xi32>], vector<16xf32>,
      %scan3A_635 = arith.constant 0 : i32
      scf.yield %scan3A_635 : i32
    }
    %scan3A_235 = arith.constant 8 : i32
    %dma_wait3A_236 = arith.constant 3 : i32
    %dma_wait3A_237 = arith.constant 1 : i32
    %dma_wait3A_238 = arith.constant 0 : i32
    %dma_wait3A_239 = arith.constant 0 : i32
    %dma_wait3A_240 = tpu.memref_slice %arg14[%dma_wait3A_237, %dma_wait3A_238, %dma_wait3A_239] : memref<2x128x128xf32, #tpu.memory_space<vmem>> -> memref<1x128x128xf32, #tpu.memory_space<vmem>>
    %dma_wait3A_241 = tpu.memref_squeeze %dma_wait3A_240 : memref<1x128x128xf32, #tpu.memory_space<vmem>> -> memref<128x128xf32, #tpu.memory_space<vmem>>
    %dma_wait3A_242 = arith.constant 0 : i32
    %dma_wait3A_243 = tpu.memref_slice %arg11[%dma_wait3A_236, %dma_wait3A_242] : memref<4x128xi32, #tpu.memory_space<vmem>> -> memref<1x128xi32, #tpu.memory_space<vmem>>
    %dma_wait3A_244 = tpu.memref_squeeze %dma_wait3A_243 : memref<1x128xi32, #tpu.memory_space<vmem>> -> memref<128xi32, #tpu.memory_space<vmem>>
    %dma_wait3A_245 = arith.constant 0 : i32
    %dma_wait3A_246 = arith.constant 0 : i32
    %dma_wait3A_247 = tpu.memref_slice %arg7[%dma_wait3A_245, %dma_wait3A_246] : memref<125000x128xf32, #tpu.memory_space<hbm>> -> memref<125000x128xf32, #tpu.memory_space<hbm>>
    tpu.wait_indirect_dma semaphore(%arg18 : memref<!tpu.dma_semaphore, #tpu.memory_space<semaphore_mem>>) src(%dma_wait3A_247 : memref<125000x128xf32, #tpu.memory_space<hbm>>) dst(%dma_wait3A_241 : memref<128x128xf32, #tpu.memory_space<vmem>>)
    %scan3A_248 = arith.constant 1 : i32
    %scan3A_249 = arith.constant 0 : i32
    %scan3A_250 = arith.constant 0 : i32
    %scan3A_251 = arith.constant 8 : i32
    %scan3A_252 = arith.addi %scan3A_250, %scan3A_251 : i32
    %scan3A_253 = arith.constant 1 : i32
    %scan3A_254 = scf.for %scan3A_260 = %scan3A_250 to %scan3A_252 step %scan3A_253 iter_args(%scan3A_261 = %scan3A_249) -> (i32)  : i32 {
      %mul3A_262 = arith.constant 16 : i32
      %mul3A_263 = arith.muli %scan3A_260, %mul3A_262 : i32
      %iota3A = tpu.iota {dimensions = array<i32: 0>} : vector<16xi32>
      %add3A_264 = vector.broadcast %mul3A_263 : i32 to vector<16xi32>
      %add3A_265 = arith.addi %add3A_264, %iota3A : vector<16xi32>
      %mul3A_266 = arith.constant 16 : i32
      %mul3A_267 = arith.muli %scan3A_260, %mul3A_266 : i32
      %get3A = arith.constant 3 : i32
      %get3A_268 = arith.index_cast %get3A : i32 to index
      %get3A_269 = arith.index_cast %mul3A_267 : i32 to index
      %get3A_270 = tpu.vector_load %arg13[%get3A_268, %get3A_269] {strides = array<i32>} : memref<4x128xi32, #tpu.memory_space<vmem>>, vector<16xi32>,
      %add3A_271 = arith.constant 0 : i32
      %add3A_272 = vector.broadcast %add3A_271 : i32 to vector<16xi32>
      %add3A_273 = arith.addi %get3A_270, %add3A_272 : vector<16xi32>
      %gather3A = arith.constant 0 : i32
      %gather3A_274 = arith.constant 0 : i32
      %gather3A_275 = tpu.memref_slice %arg14[%scan3A_248, %gather3A, %gather3A_274] : memref<2x128x128xf32, #tpu.memory_space<vmem>> -> memref<1x128x128xf32, #tpu.memory_space<vmem>>
      %gather3A_276 = tpu.memref_squeeze %gather3A_275 : memref<1x128x128xf32, #tpu.memory_space<vmem>> -> memref<128x128xf32, #tpu.memory_space<vmem>>
      %gather3A_277 = tpu.vector_load_idx %gather3A_276[%add3A_265, %add3A_273] : memref<128x128xf32, #tpu.memory_space<vmem>>[vector<16xi32>, vector<16xi32>], vector<16xf32>,
      %mul3A_278 = arith.constant 16 : i32
      %mul3A_279 = vector.broadcast %mul3A_278 : i32 to vector<16xi32>
      %mul3A_280 = arith.muli %add3A_265, %mul3A_279 : vector<16xi32>
      %add3A_281 = arith.constant 0 : i32
      %add3A_282 = vector.broadcast %add3A_281 : i32 to vector<16xi32>
      %add3A_283 = arith.addi %mul3A_280, %add3A_282 : vector<16xi32>
      %shift_right_arithmetic3A = arith.constant 7 : i32
      %shift_right_arithmetic3A_284 = vector.broadcast %shift_right_arithmetic3A : i32 to vector<16xi32>
      %shift_right_arithmetic3A_285 = arith.shrsi %add3A_283, %shift_right_arithmetic3A_284 : vector<16xi32>
      %and3A = arith.constant 127 : i32
      %and3A_286 = vector.broadcast %and3A : i32 to vector<16xi32>
      %and3A_287 = arith.andi %add3A_283, %and3A_286 : vector<16xi32>
      %scatter3A = arith.constant 48 : i32
      %scatter3A_288 = arith.constant 0 : i32
      %scatter3A_289 = tpu.memref_slice %arg16[%scatter3A, %scatter3A_288] : memref<64x128xf32, #tpu.memory_space<vmem>> -> memref<16x128xf32, #tpu.memory_space<vmem>>
      tpu.vector_store_idx %scatter3A_289[%shift_right_arithmetic3A_285, %and3A_287], %gather3A_277 : memref<16x128xf32, #tpu.memory_space<vmem>>[vector<16xi32>, vector<16xi32>], vector<16xf32>,
      %add3A_290 = arith.constant 1 : i32
      %add3A_291 = vector.broadcast %add3A_290 : i32 to vector<16xi32>
      %add3A_292 = arith.addi %get3A_270, %add3A_291 : vector<16xi32>
      %gather3A_293 = arith.constant 0 : i32
      %gather3A_294 = arith.constant 0 : i32
      %gather3A_295 = tpu.memref_slice %arg14[%scan3A_248, %gather3A_293, %gather3A_294] : memref<2x128x128xf32, #tpu.memory_space<vmem>> -> memref<1x128x128xf32, #tpu.memory_space<vmem>>
      %gather3A_296 = tpu.memref_squeeze %gather3A_295 : memref<1x128x128xf32, #tpu.memory_space<vmem>> -> memref<128x128xf32, #tpu.memory_space<vmem>>
      %gather3A_297 = tpu.vector_load_idx %gather3A_296[%add3A_265, %add3A_292] : memref<128x128xf32, #tpu.memory_space<vmem>>[vector<16xi32>, vector<16xi32>], vector<16xf32>,
      %mul3A_298 = arith.constant 16 : i32
      %mul3A_299 = vector.broadcast %mul3A_298 : i32 to vector<16xi32>
      %mul3A_300 = arith.muli %add3A_265, %mul3A_299 : vector<16xi32>
      %add3A_301 = arith.constant 1 : i32
      %add3A_302 = vector.broadcast %add3A_301 : i32 to vector<16xi32>
      %add3A_303 = arith.addi %mul3A_300, %add3A_302 : vector<16xi32>
      %shift_right_arithmetic3A_304 = arith.constant 7 : i32
      %shift_right_arithmetic3A_305 = vector.broadcast %shift_right_arithmetic3A_304 : i32 to vector<16xi32>
      %shift_right_arithmetic3A_306 = arith.shrsi %add3A_303, %shift_right_arithmetic3A_305 : vector<16xi32>
      %and3A_307 = arith.constant 127 : i32
      %and3A_308 = vector.broadcast %and3A_307 : i32 to vector<16xi32>
      %and3A_309 = arith.andi %add3A_303, %and3A_308 : vector<16xi32>
      %scatter3A_310 = arith.constant 48 : i32
      %scatter3A_311 = arith.constant 0 : i32
      %scatter3A_312 = tpu.memref_slice %arg16[%scatter3A_310, %scatter3A_311] : memref<64x128xf32, #tpu.memory_space<vmem>> -> memref<16x128xf32, #tpu.memory_space<vmem>>
      tpu.vector_store_idx %scatter3A_312[%shift_right_arithmetic3A_306, %and3A_309], %gather3A_297 : memref<16x128xf32, #tpu.memory_space<vmem>>[vector<16xi32>, vector<16xi32>], vector<16xf32>,
      %add3A_313 = arith.constant 2 : i32
      %add3A_314 = vector.broadcast %add3A_313 : i32 to vector<16xi32>
      %add3A_315 = arith.addi %get3A_270, %add3A_314 : vector<16xi32>
      %gather3A_316 = arith.constant 0 : i32
      %gather3A_317 = arith.constant 0 : i32
      %gather3A_318 = tpu.memref_slice %arg14[%scan3A_248, %gather3A_316, %gather3A_317] : memref<2x128x128xf32, #tpu.memory_space<vmem>> -> memref<1x128x128xf32, #tpu.memory_space<vmem>>
      %gather3A_319 = tpu.memref_squeeze %gather3A_318 : memref<1x128x128xf32, #tpu.memory_space<vmem>> -> memref<128x128xf32, #tpu.memory_space<vmem>>
      %gather3A_320 = tpu.vector_load_idx %gather3A_319[%add3A_265, %add3A_315] : memref<128x128xf32, #tpu.memory_space<vmem>>[vector<16xi32>, vector<16xi32>], vector<16xf32>,
      %mul3A_321 = arith.constant 16 : i32
      %mul3A_322 = vector.broadcast %mul3A_321 : i32 to vector<16xi32>
      %mul3A_323 = arith.muli %add3A_265, %mul3A_322 : vector<16xi32>
      %add3A_324 = arith.constant 2 : i32
      %add3A_325 = vector.broadcast %add3A_324 : i32 to vector<16xi32>
      %add3A_326 = arith.addi %mul3A_323, %add3A_325 : vector<16xi32>
      %shift_right_arithmetic3A_327 = arith.constant 7 : i32
      %shift_right_arithmetic3A_328 = vector.broadcast %shift_right_arithmetic3A_327 : i32 to vector<16xi32>
      %shift_right_arithmetic3A_329 = arith.shrsi %add3A_326, %shift_right_arithmetic3A_328 : vector<16xi32>
      %and3A_330 = arith.constant 127 : i32
      %and3A_331 = vector.broadcast %and3A_330 : i32 to vector<16xi32>
      %and3A_332 = arith.andi %add3A_326, %and3A_331 : vector<16xi32>
      %scatter3A_333 = arith.constant 48 : i32
      %scatter3A_334 = arith.constant 0 : i32
      %scatter3A_335 = tpu.memref_slice %arg16[%scatter3A_333, %scatter3A_334] : memref<64x128xf32, #tpu.memory_space<vmem>> -> memref<16x128xf32, #tpu.memory_space<vmem>>
      tpu.vector_store_idx %scatter3A_335[%shift_right_arithmetic3A_329, %and3A_332], %gather3A_320 : memref<16x128xf32, #tpu.memory_space<vmem>>[vector<16xi32>, vector<16xi32>], vector<16xf32>,
      %add3A_336 = arith.constant 3 : i32
      %add3A_337 = vector.broadcast %add3A_336 : i32 to vector<16xi32>
      %add3A_338 = arith.addi %get3A_270, %add3A_337 : vector<16xi32>
      %gather3A_339 = arith.constant 0 : i32
      %gather3A_340 = arith.constant 0 : i32
      %gather3A_341 = tpu.memref_slice %arg14[%scan3A_248, %gather3A_339, %gather3A_340] : memref<2x128x128xf32, #tpu.memory_space<vmem>> -> memref<1x128x128xf32, #tpu.memory_space<vmem>>
      %gather3A_342 = tpu.memref_squeeze %gather3A_341 : memref<1x128x128xf32, #tpu.memory_space<vmem>> -> memref<128x128xf32, #tpu.memory_space<vmem>>
      %gather3A_343 = tpu.vector_load_idx %gather3A_342[%add3A_265, %add3A_338] : memref<128x128xf32, #tpu.memory_space<vmem>>[vector<16xi32>, vector<16xi32>], vector<16xf32>,
      %mul3A_344 = arith.constant 16 : i32
      %mul3A_345 = vector.broadcast %mul3A_344 : i32 to vector<16xi32>
      %mul3A_346 = arith.muli %add3A_265, %mul3A_345 : vector<16xi32>
      %add3A_347 = arith.constant 3 : i32
      %add3A_348 = vector.broadcast %add3A_347 : i32 to vector<16xi32>
      %add3A_349 = arith.addi %mul3A_346, %add3A_348 : vector<16xi32>
      %shift_right_arithmetic3A_350 = arith.constant 7 : i32
      %shift_right_arithmetic3A_351 = vector.broadcast %shift_right_arithmetic3A_350 : i32 to vector<16xi32>
      %shift_right_arithmetic3A_352 = arith.shrsi %add3A_349, %shift_right_arithmetic3A_351 : vector<16xi32>
      %and3A_353 = arith.constant 127 : i32
      %and3A_354 = vector.broadcast %and3A_353 : i32 to vector<16xi32>
      %and3A_355 = arith.andi %add3A_349, %and3A_354 : vector<16xi32>
      %scatter3A_356 = arith.constant 48 : i32
      %scatter3A_357 = arith.constant 0 : i32
      %scatter3A_358 = tpu.memref_slice %arg16[%scatter3A_356, %scatter3A_357] : memref<64x128xf32, #tpu.memory_space<vmem>> -> memref<16x128xf32, #tpu.memory_space<vmem>>
      tpu.vector_store_idx %scatter3A_358[%shift_right_arithmetic3A_352, %and3A_355], %gather3A_343 : memref<16x128xf32, #tpu.memory_space<vmem>>[vector<16xi32>, vector<16xi32>], vector<16xf32>,
      %add3A_359 = arith.constant 4 : i32
      %add3A_360 = vector.broadcast %add3A_359 : i32 to vector<16xi32>
      %add3A_361 = arith.addi %get3A_270, %add3A_360 : vector<16xi32>
      %gather3A_362 = arith.constant 0 : i32
      %gather3A_363 = arith.constant 0 : i32
      %gather3A_364 = tpu.memref_slice %arg14[%scan3A_248, %gather3A_362, %gather3A_363] : memref<2x128x128xf32, #tpu.memory_space<vmem>> -> memref<1x128x128xf32, #tpu.memory_space<vmem>>
      %gather3A_365 = tpu.memref_squeeze %gather3A_364 : memref<1x128x128xf32, #tpu.memory_space<vmem>> -> memref<128x128xf32, #tpu.memory_space<vmem>>
      %gather3A_366 = tpu.vector_load_idx %gather3A_365[%add3A_265, %add3A_361] : memref<128x128xf32, #tpu.memory_space<vmem>>[vector<16xi32>, vector<16xi32>], vector<16xf32>,
      %mul3A_367 = arith.constant 16 : i32
      %mul3A_368 = vector.broadcast %mul3A_367 : i32 to vector<16xi32>
      %mul3A_369 = arith.muli %add3A_265, %mul3A_368 : vector<16xi32>
      %add3A_370 = arith.constant 4 : i32
      %add3A_371 = vector.broadcast %add3A_370 : i32 to vector<16xi32>
      %add3A_372 = arith.addi %mul3A_369, %add3A_371 : vector<16xi32>
      %shift_right_arithmetic3A_373 = arith.constant 7 : i32
      %shift_right_arithmetic3A_374 = vector.broadcast %shift_right_arithmetic3A_373 : i32 to vector<16xi32>
      %shift_right_arithmetic3A_375 = arith.shrsi %add3A_372, %shift_right_arithmetic3A_374 : vector<16xi32>
      %and3A_376 = arith.constant 127 : i32
      %and3A_377 = vector.broadcast %and3A_376 : i32 to vector<16xi32>
      %and3A_378 = arith.andi %add3A_372, %and3A_377 : vector<16xi32>
      %scatter3A_379 = arith.constant 48 : i32
      %scatter3A_380 = arith.constant 0 : i32
      %scatter3A_381 = tpu.memref_slice %arg16[%scatter3A_379, %scatter3A_380] : memref<64x128xf32, #tpu.memory_space<vmem>> -> memref<16x128xf32, #tpu.memory_space<vmem>>
      tpu.vector_store_idx %scatter3A_381[%shift_right_arithmetic3A_375, %and3A_378], %gather3A_366 : memref<16x128xf32, #tpu.memory_space<vmem>>[vector<16xi32>, vector<16xi32>], vector<16xf32>,
      %add3A_382 = arith.constant 5 : i32
      %add3A_383 = vector.broadcast %add3A_382 : i32 to vector<16xi32>
      %add3A_384 = arith.addi %get3A_270, %add3A_383 : vector<16xi32>
      %gather3A_385 = arith.constant 0 : i32
      %gather3A_386 = arith.constant 0 : i32
      %gather3A_387 = tpu.memref_slice %arg14[%scan3A_248, %gather3A_385, %gather3A_386] : memref<2x128x128xf32, #tpu.memory_space<vmem>> -> memref<1x128x128xf32, #tpu.memory_space<vmem>>
      %gather3A_388 = tpu.memref_squeeze %gather3A_387 : memref<1x128x128xf32, #tpu.memory_space<vmem>> -> memref<128x128xf32, #tpu.memory_space<vmem>>
      %gather3A_389 = tpu.vector_load_idx %gather3A_388[%add3A_265, %add3A_384] : memref<128x128xf32, #tpu.memory_space<vmem>>[vector<16xi32>, vector<16xi32>], vector<16xf32>,
      %mul3A_390 = arith.constant 16 : i32
      %mul3A_391 = vector.broadcast %mul3A_390 : i32 to vector<16xi32>
      %mul3A_392 = arith.muli %add3A_265, %mul3A_391 : vector<16xi32>
      %add3A_393 = arith.constant 5 : i32
      %add3A_394 = vector.broadcast %add3A_393 : i32 to vector<16xi32>
      %add3A_395 = arith.addi %mul3A_392, %add3A_394 : vector<16xi32>
      %shift_right_arithmetic3A_396 = arith.constant 7 : i32
      %shift_right_arithmetic3A_397 = vector.broadcast %shift_right_arithmetic3A_396 : i32 to vector<16xi32>
      %shift_right_arithmetic3A_398 = arith.shrsi %add3A_395, %shift_right_arithmetic3A_397 : vector<16xi32>
      %and3A_399 = arith.constant 127 : i32
      %and3A_400 = vector.broadcast %and3A_399 : i32 to vector<16xi32>
      %and3A_401 = arith.andi %add3A_395, %and3A_400 : vector<16xi32>
      %scatter3A_402 = arith.constant 48 : i32
      %scatter3A_403 = arith.constant 0 : i32
      %scatter3A_404 = tpu.memref_slice %arg16[%scatter3A_402, %scatter3A_403] : memref<64x128xf32, #tpu.memory_space<vmem>> -> memref<16x128xf32, #tpu.memory_space<vmem>>
      tpu.vector_store_idx %scatter3A_404[%shift_right_arithmetic3A_398, %and3A_401], %gather3A_389 : memref<16x128xf32, #tpu.memory_space<vmem>>[vector<16xi32>, vector<16xi32>], vector<16xf32>,
      %add3A_405 = arith.constant 6 : i32
      %add3A_406 = vector.broadcast %add3A_405 : i32 to vector<16xi32>
      %add3A_407 = arith.addi %get3A_270, %add3A_406 : vector<16xi32>
      %gather3A_408 = arith.constant 0 : i32
      %gather3A_409 = arith.constant 0 : i32
      %gather3A_410 = tpu.memref_slice %arg14[%scan3A_248, %gather3A_408, %gather3A_409] : memref<2x128x128xf32, #tpu.memory_space<vmem>> -> memref<1x128x128xf32, #tpu.memory_space<vmem>>
      %gather3A_411 = tpu.memref_squeeze %gather3A_410 : memref<1x128x128xf32, #tpu.memory_space<vmem>> -> memref<128x128xf32, #tpu.memory_space<vmem>>
      %gather3A_412 = tpu.vector_load_idx %gather3A_411[%add3A_265, %add3A_407] : memref<128x128xf32, #tpu.memory_space<vmem>>[vector<16xi32>, vector<16xi32>], vector<16xf32>,
      %mul3A_413 = arith.constant 16 : i32
      %mul3A_414 = vector.broadcast %mul3A_413 : i32 to vector<16xi32>
      %mul3A_415 = arith.muli %add3A_265, %mul3A_414 : vector<16xi32>
      %add3A_416 = arith.constant 6 : i32
      %add3A_417 = vector.broadcast %add3A_416 : i32 to vector<16xi32>
      %add3A_418 = arith.addi %mul3A_415, %add3A_417 : vector<16xi32>
      %shift_right_arithmetic3A_419 = arith.constant 7 : i32
      %shift_right_arithmetic3A_420 = vector.broadcast %shift_right_arithmetic3A_419 : i32 to vector<16xi32>
      %shift_right_arithmetic3A_421 = arith.shrsi %add3A_418, %shift_right_arithmetic3A_420 : vector<16xi32>
      %and3A_422 = arith.constant 127 : i32
      %and3A_423 = vector.broadcast %and3A_422 : i32 to vector<16xi32>
      %and3A_424 = arith.andi %add3A_418, %and3A_423 : vector<16xi32>
      %scatter3A_425 = arith.constant 48 : i32
      %scatter3A_426 = arith.constant 0 : i32
      %scatter3A_427 = tpu.memref_slice %arg16[%scatter3A_425, %scatter3A_426] : memref<64x128xf32, #tpu.memory_space<vmem>> -> memref<16x128xf32, #tpu.memory_space<vmem>>
      tpu.vector_store_idx %scatter3A_427[%shift_right_arithmetic3A_421, %and3A_424], %gather3A_412 : memref<16x128xf32, #tpu.memory_space<vmem>>[vector<16xi32>, vector<16xi32>], vector<16xf32>,
      %add3A_428 = arith.constant 7 : i32
      %add3A_429 = vector.broadcast %add3A_428 : i32 to vector<16xi32>
      %add3A_430 = arith.addi %get3A_270, %add3A_429 : vector<16xi32>
      %gather3A_431 = arith.constant 0 : i32
      %gather3A_432 = arith.constant 0 : i32
      %gather3A_433 = tpu.memref_slice %arg14[%scan3A_248, %gather3A_431, %gather3A_432] : memref<2x128x128xf32, #tpu.memory_space<vmem>> -> memref<1x128x128xf32, #tpu.memory_space<vmem>>
      %gather3A_434 = tpu.memref_squeeze %gather3A_433 : memref<1x128x128xf32, #tpu.memory_space<vmem>> -> memref<128x128xf32, #tpu.memory_space<vmem>>
      %gather3A_435 = tpu.vector_load_idx %gather3A_434[%add3A_265, %add3A_430] : memref<128x128xf32, #tpu.memory_space<vmem>>[vector<16xi32>, vector<16xi32>], vector<16xf32>,
      %mul3A_436 = arith.constant 16 : i32
      %mul3A_437 = vector.broadcast %mul3A_436 : i32 to vector<16xi32>
      %mul3A_438 = arith.muli %add3A_265, %mul3A_437 : vector<16xi32>
      %add3A_439 = arith.constant 7 : i32
      %add3A_440 = vector.broadcast %add3A_439 : i32 to vector<16xi32>
      %add3A_441 = arith.addi %mul3A_438, %add3A_440 : vector<16xi32>
      %shift_right_arithmetic3A_442 = arith.constant 7 : i32
      %shift_right_arithmetic3A_443 = vector.broadcast %shift_right_arithmetic3A_442 : i32 to vector<16xi32>
      %shift_right_arithmetic3A_444 = arith.shrsi %add3A_441, %shift_right_arithmetic3A_443 : vector<16xi32>
      %and3A_445 = arith.constant 127 : i32
      %and3A_446 = vector.broadcast %and3A_445 : i32 to vector<16xi32>
      %and3A_447 = arith.andi %add3A_441, %and3A_446 : vector<16xi32>
      %scatter3A_448 = arith.constant 48 : i32
      %scatter3A_449 = arith.constant 0 : i32
      %scatter3A_450 = tpu.memref_slice %arg16[%scatter3A_448, %scatter3A_449] : memref<64x128xf32, #tpu.memory_space<vmem>> -> memref<16x128xf32, #tpu.memory_space<vmem>>
      tpu.vector_store_idx %scatter3A_450[%shift_right_arithmetic3A_444, %and3A_447], %gather3A_435 : memref<16x128xf32, #tpu.memory_space<vmem>>[vector<16xi32>, vector<16xi32>], vector<16xf32>,
      %add3A_451 = arith.constant 8 : i32
      %add3A_452 = vector.broadcast %add3A_451 : i32 to vector<16xi32>
      %add3A_453 = arith.addi %get3A_270, %add3A_452 : vector<16xi32>
      %gather3A_454 = arith.constant 0 : i32
      %gather3A_455 = arith.constant 0 : i32
      %gather3A_456 = tpu.memref_slice %arg14[%scan3A_248, %gather3A_454, %gather3A_455] : memref<2x128x128xf32, #tpu.memory_space<vmem>> -> memref<1x128x128xf32, #tpu.memory_space<vmem>>
      %gather3A_457 = tpu.memref_squeeze %gather3A_456 : memref<1x128x128xf32, #tpu.memory_space<vmem>> -> memref<128x128xf32, #tpu.memory_space<vmem>>
      %gather3A_458 = tpu.vector_load_idx %gather3A_457[%add3A_265, %add3A_453] : memref<128x128xf32, #tpu.memory_space<vmem>>[vector<16xi32>, vector<16xi32>], vector<16xf32>,
      %mul3A_459 = arith.constant 16 : i32
      %mul3A_460 = vector.broadcast %mul3A_459 : i32 to vector<16xi32>
      %mul3A_461 = arith.muli %add3A_265, %mul3A_460 : vector<16xi32>
      %add3A_462 = arith.constant 8 : i32
      %add3A_463 = vector.broadcast %add3A_462 : i32 to vector<16xi32>
      %add3A_464 = arith.addi %mul3A_461, %add3A_463 : vector<16xi32>
      %shift_right_arithmetic3A_465 = arith.constant 7 : i32
      %shift_right_arithmetic3A_466 = vector.broadcast %shift_right_arithmetic3A_465 : i32 to vector<16xi32>
      %shift_right_arithmetic3A_467 = arith.shrsi %add3A_464, %shift_right_arithmetic3A_466 : vector<16xi32>
      %and3A_468 = arith.constant 127 : i32
      %and3A_469 = vector.broadcast %and3A_468 : i32 to vector<16xi32>
      %and3A_470 = arith.andi %add3A_464, %and3A_469 : vector<16xi32>
      %scatter3A_471 = arith.constant 48 : i32
      %scatter3A_472 = arith.constant 0 : i32
      %scatter3A_473 = tpu.memref_slice %arg16[%scatter3A_471, %scatter3A_472] : memref<64x128xf32, #tpu.memory_space<vmem>> -> memref<16x128xf32, #tpu.memory_space<vmem>>
      tpu.vector_store_idx %scatter3A_473[%shift_right_arithmetic3A_467, %and3A_470], %gather3A_458 : memref<16x128xf32, #tpu.memory_space<vmem>>[vector<16xi32>, vector<16xi32>], vector<16xf32>,
      %add3A_474 = arith.constant 9 : i32
      %add3A_475 = vector.broadcast %add3A_474 : i32 to vector<16xi32>
      %add3A_476 = arith.addi %get3A_270, %add3A_475 : vector<16xi32>
      %gather3A_477 = arith.constant 0 : i32
      %gather3A_478 = arith.constant 0 : i32
      %gather3A_479 = tpu.memref_slice %arg14[%scan3A_248, %gather3A_477, %gather3A_478] : memref<2x128x128xf32, #tpu.memory_space<vmem>> -> memref<1x128x128xf32, #tpu.memory_space<vmem>>
      %gather3A_480 = tpu.memref_squeeze %gather3A_479 : memref<1x128x128xf32, #tpu.memory_space<vmem>> -> memref<128x128xf32, #tpu.memory_space<vmem>>
      %gather3A_481 = tpu.vector_load_idx %gather3A_480[%add3A_265, %add3A_476] : memref<128x128xf32, #tpu.memory_space<vmem>>[vector<16xi32>, vector<16xi32>], vector<16xf32>,
      %mul3A_482 = arith.constant 16 : i32
      %mul3A_483 = vector.broadcast %mul3A_482 : i32 to vector<16xi32>
      %mul3A_484 = arith.muli %add3A_265, %mul3A_483 : vector<16xi32>
      %add3A_485 = arith.constant 9 : i32
      %add3A_486 = vector.broadcast %add3A_485 : i32 to vector<16xi32>
      %add3A_487 = arith.addi %mul3A_484, %add3A_486 : vector<16xi32>
      %shift_right_arithmetic3A_488 = arith.constant 7 : i32
      %shift_right_arithmetic3A_489 = vector.broadcast %shift_right_arithmetic3A_488 : i32 to vector<16xi32>
      %shift_right_arithmetic3A_490 = arith.shrsi %add3A_487, %shift_right_arithmetic3A_489 : vector<16xi32>
      %and3A_491 = arith.constant 127 : i32
      %and3A_492 = vector.broadcast %and3A_491 : i32 to vector<16xi32>
      %and3A_493 = arith.andi %add3A_487, %and3A_492 : vector<16xi32>
      %scatter3A_494 = arith.constant 48 : i32
      %scatter3A_495 = arith.constant 0 : i32
      %scatter3A_496 = tpu.memref_slice %arg16[%scatter3A_494, %scatter3A_495] : memref<64x128xf32, #tpu.memory_space<vmem>> -> memref<16x128xf32, #tpu.memory_space<vmem>>
      tpu.vector_store_idx %scatter3A_496[%shift_right_arithmetic3A_490, %and3A_493], %gather3A_481 : memref<16x128xf32, #tpu.memory_space<vmem>>[vector<16xi32>, vector<16xi32>], vector<16xf32>,
      %add3A_497 = arith.constant 10 : i32
      %add3A_498 = vector.broadcast %add3A_497 : i32 to vector<16xi32>
      %add3A_499 = arith.addi %get3A_270, %add3A_498 : vector<16xi32>
      %gather3A_500 = arith.constant 0 : i32
      %gather3A_501 = arith.constant 0 : i32
      %gather3A_502 = tpu.memref_slice %arg14[%scan3A_248, %gather3A_500, %gather3A_501] : memref<2x128x128xf32, #tpu.memory_space<vmem>> -> memref<1x128x128xf32, #tpu.memory_space<vmem>>
      %gather3A_503 = tpu.memref_squeeze %gather3A_502 : memref<1x128x128xf32, #tpu.memory_space<vmem>> -> memref<128x128xf32, #tpu.memory_space<vmem>>
      %gather3A_504 = tpu.vector_load_idx %gather3A_503[%add3A_265, %add3A_499] : memref<128x128xf32, #tpu.memory_space<vmem>>[vector<16xi32>, vector<16xi32>], vector<16xf32>,
      %mul3A_505 = arith.constant 16 : i32
      %mul3A_506 = vector.broadcast %mul3A_505 : i32 to vector<16xi32>
      %mul3A_507 = arith.muli %add3A_265, %mul3A_506 : vector<16xi32>
      %add3A_508 = arith.constant 10 : i32
      %add3A_509 = vector.broadcast %add3A_508 : i32 to vector<16xi32>
      %add3A_510 = arith.addi %mul3A_507, %add3A_509 : vector<16xi32>
      %shift_right_arithmetic3A_511 = arith.constant 7 : i32
      %shift_right_arithmetic3A_512 = vector.broadcast %shift_right_arithmetic3A_511 : i32 to vector<16xi32>
      %shift_right_arithmetic3A_513 = arith.shrsi %add3A_510, %shift_right_arithmetic3A_512 : vector<16xi32>
      %and3A_514 = arith.constant 127 : i32
      %and3A_515 = vector.broadcast %and3A_514 : i32 to vector<16xi32>
      %and3A_516 = arith.andi %add3A_510, %and3A_515 : vector<16xi32>
      %scatter3A_517 = arith.constant 48 : i32
      %scatter3A_518 = arith.constant 0 : i32
      %scatter3A_519 = tpu.memref_slice %arg16[%scatter3A_517, %scatter3A_518] : memref<64x128xf32, #tpu.memory_space<vmem>> -> memref<16x128xf32, #tpu.memory_space<vmem>>
      tpu.vector_store_idx %scatter3A_519[%shift_right_arithmetic3A_513, %and3A_516], %gather3A_504 : memref<16x128xf32, #tpu.memory_space<vmem>>[vector<16xi32>, vector<16xi32>], vector<16xf32>,
      %add3A_520 = arith.constant 11 : i32
      %add3A_521 = vector.broadcast %add3A_520 : i32 to vector<16xi32>
      %add3A_522 = arith.addi %get3A_270, %add3A_521 : vector<16xi32>
      %gather3A_523 = arith.constant 0 : i32
      %gather3A_524 = arith.constant 0 : i32
      %gather3A_525 = tpu.memref_slice %arg14[%scan3A_248, %gather3A_523, %gather3A_524] : memref<2x128x128xf32, #tpu.memory_space<vmem>> -> memref<1x128x128xf32, #tpu.memory_space<vmem>>
      %gather3A_526 = tpu.memref_squeeze %gather3A_525 : memref<1x128x128xf32, #tpu.memory_space<vmem>> -> memref<128x128xf32, #tpu.memory_space<vmem>>
      %gather3A_527 = tpu.vector_load_idx %gather3A_526[%add3A_265, %add3A_522] : memref<128x128xf32, #tpu.memory_space<vmem>>[vector<16xi32>, vector<16xi32>], vector<16xf32>,
      %mul3A_528 = arith.constant 16 : i32
      %mul3A_529 = vector.broadcast %mul3A_528 : i32 to vector<16xi32>
      %mul3A_530 = arith.muli %add3A_265, %mul3A_529 : vector<16xi32>
      %add3A_531 = arith.constant 11 : i32
      %add3A_532 = vector.broadcast %add3A_531 : i32 to vector<16xi32>
      %add3A_533 = arith.addi %mul3A_530, %add3A_532 : vector<16xi32>
      %shift_right_arithmetic3A_534 = arith.constant 7 : i32
      %shift_right_arithmetic3A_535 = vector.broadcast %shift_right_arithmetic3A_534 : i32 to vector<16xi32>
      %shift_right_arithmetic3A_536 = arith.shrsi %add3A_533, %shift_right_arithmetic3A_535 : vector<16xi32>
      %and3A_537 = arith.constant 127 : i32
      %and3A_538 = vector.broadcast %and3A_537 : i32 to vector<16xi32>
      %and3A_539 = arith.andi %add3A_533, %and3A_538 : vector<16xi32>
      %scatter3A_540 = arith.constant 48 : i32
      %scatter3A_541 = arith.constant 0 : i32
      %scatter3A_542 = tpu.memref_slice %arg16[%scatter3A_540, %scatter3A_541] : memref<64x128xf32, #tpu.memory_space<vmem>> -> memref<16x128xf32, #tpu.memory_space<vmem>>
      tpu.vector_store_idx %scatter3A_542[%shift_right_arithmetic3A_536, %and3A_539], %gather3A_527 : memref<16x128xf32, #tpu.memory_space<vmem>>[vector<16xi32>, vector<16xi32>], vector<16xf32>,
      %add3A_543 = arith.constant 12 : i32
      %add3A_544 = vector.broadcast %add3A_543 : i32 to vector<16xi32>
      %add3A_545 = arith.addi %get3A_270, %add3A_544 : vector<16xi32>
      %gather3A_546 = arith.constant 0 : i32
      %gather3A_547 = arith.constant 0 : i32
      %gather3A_548 = tpu.memref_slice %arg14[%scan3A_248, %gather3A_546, %gather3A_547] : memref<2x128x128xf32, #tpu.memory_space<vmem>> -> memref<1x128x128xf32, #tpu.memory_space<vmem>>
      %gather3A_549 = tpu.memref_squeeze %gather3A_548 : memref<1x128x128xf32, #tpu.memory_space<vmem>> -> memref<128x128xf32, #tpu.memory_space<vmem>>
      %gather3A_550 = tpu.vector_load_idx %gather3A_549[%add3A_265, %add3A_545] : memref<128x128xf32, #tpu.memory_space<vmem>>[vector<16xi32>, vector<16xi32>], vector<16xf32>,
      %mul3A_551 = arith.constant 16 : i32
      %mul3A_552 = vector.broadcast %mul3A_551 : i32 to vector<16xi32>
      %mul3A_553 = arith.muli %add3A_265, %mul3A_552 : vector<16xi32>
      %add3A_554 = arith.constant 12 : i32
      %add3A_555 = vector.broadcast %add3A_554 : i32 to vector<16xi32>
      %add3A_556 = arith.addi %mul3A_553, %add3A_555 : vector<16xi32>
      %shift_right_arithmetic3A_557 = arith.constant 7 : i32
      %shift_right_arithmetic3A_558 = vector.broadcast %shift_right_arithmetic3A_557 : i32 to vector<16xi32>
      %shift_right_arithmetic3A_559 = arith.shrsi %add3A_556, %shift_right_arithmetic3A_558 : vector<16xi32>
      %and3A_560 = arith.constant 127 : i32
      %and3A_561 = vector.broadcast %and3A_560 : i32 to vector<16xi32>
      %and3A_562 = arith.andi %add3A_556, %and3A_561 : vector<16xi32>
      %scatter3A_563 = arith.constant 48 : i32
      %scatter3A_564 = arith.constant 0 : i32
      %scatter3A_565 = tpu.memref_slice %arg16[%scatter3A_563, %scatter3A_564] : memref<64x128xf32, #tpu.memory_space<vmem>> -> memref<16x128xf32, #tpu.memory_space<vmem>>
      tpu.vector_store_idx %scatter3A_565[%shift_right_arithmetic3A_559, %and3A_562], %gather3A_550 : memref<16x128xf32, #tpu.memory_space<vmem>>[vector<16xi32>, vector<16xi32>], vector<16xf32>,
      %add3A_566 = arith.constant 13 : i32
      %add3A_567 = vector.broadcast %add3A_566 : i32 to vector<16xi32>
      %add3A_568 = arith.addi %get3A_270, %add3A_567 : vector<16xi32>
      %gather3A_569 = arith.constant 0 : i32
      %gather3A_570 = arith.constant 0 : i32
      %gather3A_571 = tpu.memref_slice %arg14[%scan3A_248, %gather3A_569, %gather3A_570] : memref<2x128x128xf32, #tpu.memory_space<vmem>> -> memref<1x128x128xf32, #tpu.memory_space<vmem>>
      %gather3A_572 = tpu.memref_squeeze %gather3A_571 : memref<1x128x128xf32, #tpu.memory_space<vmem>> -> memref<128x128xf32, #tpu.memory_space<vmem>>
      %gather3A_573 = tpu.vector_load_idx %gather3A_572[%add3A_265, %add3A_568] : memref<128x128xf32, #tpu.memory_space<vmem>>[vector<16xi32>, vector<16xi32>], vector<16xf32>,
      %mul3A_574 = arith.constant 16 : i32
      %mul3A_575 = vector.broadcast %mul3A_574 : i32 to vector<16xi32>
      %mul3A_576 = arith.muli %add3A_265, %mul3A_575 : vector<16xi32>
      %add3A_577 = arith.constant 13 : i32
      %add3A_578 = vector.broadcast %add3A_577 : i32 to vector<16xi32>
      %add3A_579 = arith.addi %mul3A_576, %add3A_578 : vector<16xi32>
      %shift_right_arithmetic3A_580 = arith.constant 7 : i32
      %shift_right_arithmetic3A_581 = vector.broadcast %shift_right_arithmetic3A_580 : i32 to vector<16xi32>
      %shift_right_arithmetic3A_582 = arith.shrsi %add3A_579, %shift_right_arithmetic3A_581 : vector<16xi32>
      %and3A_583 = arith.constant 127 : i32
      %and3A_584 = vector.broadcast %and3A_583 : i32 to vector<16xi32>
      %and3A_585 = arith.andi %add3A_579, %and3A_584 : vector<16xi32>
      %scatter3A_586 = arith.constant 48 : i32
      %scatter3A_587 = arith.constant 0 : i32
      %scatter3A_588 = tpu.memref_slice %arg16[%scatter3A_586, %scatter3A_587] : memref<64x128xf32, #tpu.memory_space<vmem>> -> memref<16x128xf32, #tpu.memory_space<vmem>>
      tpu.vector_store_idx %scatter3A_588[%shift_right_arithmetic3A_582, %and3A_585], %gather3A_573 : memref<16x128xf32, #tpu.memory_space<vmem>>[vector<16xi32>, vector<16xi32>], vector<16xf32>,
      %add3A_589 = arith.constant 14 : i32
      %add3A_590 = vector.broadcast %add3A_589 : i32 to vector<16xi32>
      %add3A_591 = arith.addi %get3A_270, %add3A_590 : vector<16xi32>
      %gather3A_592 = arith.constant 0 : i32
      %gather3A_593 = arith.constant 0 : i32
      %gather3A_594 = tpu.memref_slice %arg14[%scan3A_248, %gather3A_592, %gather3A_593] : memref<2x128x128xf32, #tpu.memory_space<vmem>> -> memref<1x128x128xf32, #tpu.memory_space<vmem>>
      %gather3A_595 = tpu.memref_squeeze %gather3A_594 : memref<1x128x128xf32, #tpu.memory_space<vmem>> -> memref<128x128xf32, #tpu.memory_space<vmem>>
      %gather3A_596 = tpu.vector_load_idx %gather3A_595[%add3A_265, %add3A_591] : memref<128x128xf32, #tpu.memory_space<vmem>>[vector<16xi32>, vector<16xi32>], vector<16xf32>,
      %mul3A_597 = arith.constant 16 : i32
      %mul3A_598 = vector.broadcast %mul3A_597 : i32 to vector<16xi32>
      %mul3A_599 = arith.muli %add3A_265, %mul3A_598 : vector<16xi32>
      %add3A_600 = arith.constant 14 : i32
      %add3A_601 = vector.broadcast %add3A_600 : i32 to vector<16xi32>
      %add3A_602 = arith.addi %mul3A_599, %add3A_601 : vector<16xi32>
      %shift_right_arithmetic3A_603 = arith.constant 7 : i32
      %shift_right_arithmetic3A_604 = vector.broadcast %shift_right_arithmetic3A_603 : i32 to vector<16xi32>
      %shift_right_arithmetic3A_605 = arith.shrsi %add3A_602, %shift_right_arithmetic3A_604 : vector<16xi32>
      %and3A_606 = arith.constant 127 : i32
      %and3A_607 = vector.broadcast %and3A_606 : i32 to vector<16xi32>
      %and3A_608 = arith.andi %add3A_602, %and3A_607 : vector<16xi32>
      %scatter3A_609 = arith.constant 48 : i32
      %scatter3A_610 = arith.constant 0 : i32
      %scatter3A_611 = tpu.memref_slice %arg16[%scatter3A_609, %scatter3A_610] : memref<64x128xf32, #tpu.memory_space<vmem>> -> memref<16x128xf32, #tpu.memory_space<vmem>>
      tpu.vector_store_idx %scatter3A_611[%shift_right_arithmetic3A_605, %and3A_608], %gather3A_596 : memref<16x128xf32, #tpu.memory_space<vmem>>[vector<16xi32>, vector<16xi32>], vector<16xf32>,
      %add3A_612 = arith.constant 15 : i32
      %add3A_613 = vector.broadcast %add3A_612 : i32 to vector<16xi32>
      %add3A_614 = arith.addi %get3A_270, %add3A_613 : vector<16xi32>
      %gather3A_615 = arith.constant 0 : i32
      %gather3A_616 = arith.constant 0 : i32
      %gather3A_617 = tpu.memref_slice %arg14[%scan3A_248, %gather3A_615, %gather3A_616] : memref<2x128x128xf32, #tpu.memory_space<vmem>> -> memref<1x128x128xf32, #tpu.memory_space<vmem>>
      %gather3A_618 = tpu.memref_squeeze %gather3A_617 : memref<1x128x128xf32, #tpu.memory_space<vmem>> -> memref<128x128xf32, #tpu.memory_space<vmem>>
      %gather3A_619 = tpu.vector_load_idx %gather3A_618[%add3A_265, %add3A_614] : memref<128x128xf32, #tpu.memory_space<vmem>>[vector<16xi32>, vector<16xi32>], vector<16xf32>,
      %mul3A_620 = arith.constant 16 : i32
      %mul3A_621 = vector.broadcast %mul3A_620 : i32 to vector<16xi32>
      %mul3A_622 = arith.muli %add3A_265, %mul3A_621 : vector<16xi32>
      %add3A_623 = arith.constant 15 : i32
      %add3A_624 = vector.broadcast %add3A_623 : i32 to vector<16xi32>
      %add3A_625 = arith.addi %mul3A_622, %add3A_624 : vector<16xi32>
      %shift_right_arithmetic3A_626 = arith.constant 7 : i32
      %shift_right_arithmetic3A_627 = vector.broadcast %shift_right_arithmetic3A_626 : i32 to vector<16xi32>
      %shift_right_arithmetic3A_628 = arith.shrsi %add3A_625, %shift_right_arithmetic3A_627 : vector<16xi32>
      %and3A_629 = arith.constant 127 : i32
      %and3A_630 = vector.broadcast %and3A_629 : i32 to vector<16xi32>
      %and3A_631 = arith.andi %add3A_625, %and3A_630 : vector<16xi32>
      %scatter3A_632 = arith.constant 48 : i32
      %scatter3A_633 = arith.constant 0 : i32
      %scatter3A_634 = tpu.memref_slice %arg16[%scatter3A_632, %scatter3A_633] : memref<64x128xf32, #tpu.memory_space<vmem>> -> memref<16x128xf32, #tpu.memory_space<vmem>>
      tpu.vector_store_idx %scatter3A_634[%shift_right_arithmetic3A_628, %and3A_631], %gather3A_619 : memref<16x128xf32, #tpu.memory_space<vmem>>[vector<16xi32>, vector<16xi32>], vector<16xf32>,
      %scan3A_635 = arith.constant 0 : i32
      scf.yield %scan3A_635 : i32
    }
    %scan3A_255 = arith.constant 8 : i32
    %mul3A_256 = arith.constant 64 : i32
    %mul3A_257 = arith.muli %add3A, %mul3A_256 : i32
    "tpu.region"() ({
      %run_scoped3A = tpu.sem_alloc : memref<!tpu.dma_semaphore, #tpu.memory_space<semaphore_mem>>
      %dma_start3A_260 = arith.constant 0 : i32
      %dma_start3A_261 = tpu.memref_slice %arg8[%mul3A_257, %dma_start3A_260] : memref<2048x128xf32, #tpu.memory_space<hbm>> -> memref<64x128xf32, #tpu.memory_space<hbm>>
      %dma_start3A_262 = arith.constant 0 : i32
      %dma_start3A_263 = tpu.memref_slice %arg8[%mul3A_257, %dma_start3A_262] : memref<2048x128xf32, #tpu.memory_space<hbm>> -> memref<64x128xf32, #tpu.memory_space<hbm>>
      tpu.enqueue_dma source(%arg15 : memref<64x128xf32, #tpu.memory_space<vmem>>) target(%dma_start3A_263 : memref<64x128xf32, #tpu.memory_space<hbm>>) target_semaphore(%run_scoped3A : memref<!tpu.dma_semaphore, #tpu.memory_space<semaphore_mem>>)
      %dma_wait3A_264 = arith.constant 0 : i32
      %dma_wait3A_265 = tpu.memref_slice %arg8[%mul3A_257, %dma_wait3A_264] : memref<2048x128xf32, #tpu.memory_space<hbm>> -> memref<64x128xf32, #tpu.memory_space<hbm>>
      %dma_wait3A_266 = arith.constant 0 : i32
      %dma_wait3A_267 = tpu.memref_slice %arg8[%mul3A_257, %dma_wait3A_266] : memref<2048x128xf32, #tpu.memory_space<hbm>> -> memref<64x128xf32, #tpu.memory_space<hbm>>
      tpu.wait_dma2 semaphore(%run_scoped3A : memref<!tpu.dma_semaphore, #tpu.memory_space<semaphore_mem>>) src(%arg15 : memref<64x128xf32, #tpu.memory_space<vmem>>) dst(%dma_wait3A_267 : memref<64x128xf32, #tpu.memory_space<hbm>>)
      tpu.yield
    }) : () -> ()
    %mul3A_258 = arith.constant 64 : i32
    %mul3A_259 = arith.muli %add3A, %mul3A_258 : i32
    "tpu.region"() ({
      %run_scoped3A = tpu.sem_alloc : memref<!tpu.dma_semaphore, #tpu.memory_space<semaphore_mem>>
      %dma_start3A_260 = arith.constant 0 : i32
      %dma_start3A_261 = tpu.memref_slice %arg9[%mul3A_259, %dma_start3A_260] : memref<2048x128xf32, #tpu.memory_space<hbm>> -> memref<64x128xf32, #tpu.memory_space<hbm>>
      %dma_start3A_262 = arith.constant 0 : i32
      %dma_start3A_263 = tpu.memref_slice %arg9[%mul3A_259, %dma_start3A_262] : memref<2048x128xf32, #tpu.memory_space<hbm>> -> memref<64x128xf32, #tpu.memory_space<hbm>>
      tpu.enqueue_dma source(%arg16 : memref<64x128xf32, #tpu.memory_space<vmem>>) target(%dma_start3A_263 : memref<64x128xf32, #tpu.memory_space<hbm>>) target_semaphore(%run_scoped3A : memref<!tpu.dma_semaphore, #tpu.memory_space<semaphore_mem>>)
      %dma_wait3A_264 = arith.constant 0 : i32
      %dma_wait3A_265 = tpu.memref_slice %arg9[%mul3A_259, %dma_wait3A_264] : memref<2048x128xf32, #tpu.memory_space<hbm>> -> memref<64x128xf32, #tpu.memory_space<hbm>>
      %dma_wait3A_266 = arith.constant 0 : i32
      %dma_wait3A_267 = tpu.memref_slice %arg9[%mul3A_259, %dma_wait3A_266] : memref<2048x128xf32, #tpu.memory_space<hbm>> -> memref<64x128xf32, #tpu.memory_space<hbm>>
      tpu.wait_dma2 semaphore(%run_scoped3A : memref<!tpu.dma_semaphore, #tpu.memory_space<semaphore_mem>>) src(%arg16 : memref<64x128xf32, #tpu.memory_space<vmem>>) dst(%dma_wait3A_267 : memref<64x128xf32, #tpu.memory_space<hbm>>)
      tpu.yield
    }) : () -> ()
    return
  }
}

module attributes {stable_mosaic.version = 14 : i64} {
  func.func @_repack_body(%arg0: i32, %arg1: memref<16x8192xf32, #tpu.memory_space<vmem>>, %arg2: memref<16x8192xf32, #tpu.memory_space<vmem>>, %arg3: memref<1024x128xf32, #tpu.memory_space<vmem>>, %arg4: memref<1024x128xf32, #tpu.memory_space<vmem>>) attributes {dimension_semantics = [#tpu.dimension_semantics<arbitrary>], iteration_bounds = array<i64: 123>, scalar_prefetch = 0 : i64, scratch_operands = 0 : i64, tpu.core_type = #tpu.core_type<tc>, window_params = [{transform_indices = @transform_0, window_bounds = array<i64: 16, 8192>}, {transform_indices = @transform_1, window_bounds = array<i64: 16, 8192>}, {transform_indices = @transform_2, window_bounds = array<i64: 1024, 128>}, {transform_indices = @transform_3, window_bounds = array<i64: 1024, 128>}]} {
    %get3A = arith.constant 0 : index
    %get3A_0 = arith.constant 0 : index
    %get3A_1 = vector.load %arg1[%get3A, %get3A_0] : memref<16x8192xf32, #tpu.memory_space<vmem>>, vector<16x8192xf32>
    %transpose3A = tpu.transpose %get3A_1, [1, 0] : vector<16x8192xf32> -> vector<8192x16xf32>
    %reshape3A = vector.shape_cast %transpose3A : vector<8192x16xf32> to vector<1024x8x16xf32>
    %slice3A = vector.extract_strided_slice %reshape3A {offsets = [0, 0, 0], sizes = [1024, 1, 16], strides = [1, 1, 1]} : vector<1024x8x16xf32> to vector<1024x1x16xf32>
    %squeeze3A = vector.shape_cast %slice3A : vector<1024x1x16xf32> to vector<1024x16xf32>
    %swap3A = arith.constant 0 : index
    %swap3A_2 = arith.constant 0 : index
    %swap3A_3 = vector.load %arg3[%swap3A, %swap3A_2] : memref<1024x128xf32, #tpu.memory_space<vmem>>, vector<1024x16xf32>
    tpu.vector_store %arg3[%swap3A, %swap3A_2], %squeeze3A {strides = array<i32>} : memref<1024x128xf32, #tpu.memory_space<vmem>>, vector<1024x16xf32>,
    %slice3A_4 = vector.extract_strided_slice %reshape3A {offsets = [0, 1, 0], sizes = [1024, 1, 16], strides = [1, 1, 1]} : vector<1024x8x16xf32> to vector<1024x1x16xf32>
    %squeeze3A_5 = vector.shape_cast %slice3A_4 : vector<1024x1x16xf32> to vector<1024x16xf32>
    %swap3A_6 = arith.constant 0 : index
    %swap3A_7 = arith.constant 16 : index
    %swap3A_8 = vector.load %arg3[%swap3A_6, %swap3A_7] : memref<1024x128xf32, #tpu.memory_space<vmem>>, vector<1024x16xf32>
    tpu.vector_store %arg3[%swap3A_6, %swap3A_7], %squeeze3A_5 {strides = array<i32>} : memref<1024x128xf32, #tpu.memory_space<vmem>>, vector<1024x16xf32>,
    %slice3A_9 = vector.extract_strided_slice %reshape3A {offsets = [0, 2, 0], sizes = [1024, 1, 16], strides = [1, 1, 1]} : vector<1024x8x16xf32> to vector<1024x1x16xf32>
    %squeeze3A_10 = vector.shape_cast %slice3A_9 : vector<1024x1x16xf32> to vector<1024x16xf32>
    %swap3A_11 = arith.constant 0 : index
    %swap3A_12 = arith.constant 32 : index
    %swap3A_13 = vector.load %arg3[%swap3A_11, %swap3A_12] : memref<1024x128xf32, #tpu.memory_space<vmem>>, vector<1024x16xf32>
    tpu.vector_store %arg3[%swap3A_11, %swap3A_12], %squeeze3A_10 {strides = array<i32>} : memref<1024x128xf32, #tpu.memory_space<vmem>>, vector<1024x16xf32>,
    %slice3A_14 = vector.extract_strided_slice %reshape3A {offsets = [0, 3, 0], sizes = [1024, 1, 16], strides = [1, 1, 1]} : vector<1024x8x16xf32> to vector<1024x1x16xf32>
    %squeeze3A_15 = vector.shape_cast %slice3A_14 : vector<1024x1x16xf32> to vector<1024x16xf32>
    %swap3A_16 = arith.constant 0 : index
    %swap3A_17 = arith.constant 48 : index
    %swap3A_18 = vector.load %arg3[%swap3A_16, %swap3A_17] : memref<1024x128xf32, #tpu.memory_space<vmem>>, vector<1024x16xf32>
    tpu.vector_store %arg3[%swap3A_16, %swap3A_17], %squeeze3A_15 {strides = array<i32>} : memref<1024x128xf32, #tpu.memory_space<vmem>>, vector<1024x16xf32>,
    %slice3A_19 = vector.extract_strided_slice %reshape3A {offsets = [0, 4, 0], sizes = [1024, 1, 16], strides = [1, 1, 1]} : vector<1024x8x16xf32> to vector<1024x1x16xf32>
    %squeeze3A_20 = vector.shape_cast %slice3A_19 : vector<1024x1x16xf32> to vector<1024x16xf32>
    %swap3A_21 = arith.constant 0 : index
    %swap3A_22 = arith.constant 64 : index
    %swap3A_23 = vector.load %arg3[%swap3A_21, %swap3A_22] : memref<1024x128xf32, #tpu.memory_space<vmem>>, vector<1024x16xf32>
    tpu.vector_store %arg3[%swap3A_21, %swap3A_22], %squeeze3A_20 {strides = array<i32>} : memref<1024x128xf32, #tpu.memory_space<vmem>>, vector<1024x16xf32>,
    %slice3A_24 = vector.extract_strided_slice %reshape3A {offsets = [0, 5, 0], sizes = [1024, 1, 16], strides = [1, 1, 1]} : vector<1024x8x16xf32> to vector<1024x1x16xf32>
    %squeeze3A_25 = vector.shape_cast %slice3A_24 : vector<1024x1x16xf32> to vector<1024x16xf32>
    %swap3A_26 = arith.constant 0 : index
    %swap3A_27 = arith.constant 80 : index
    %swap3A_28 = vector.load %arg3[%swap3A_26, %swap3A_27] : memref<1024x128xf32, #tpu.memory_space<vmem>>, vector<1024x16xf32>
    tpu.vector_store %arg3[%swap3A_26, %swap3A_27], %squeeze3A_25 {strides = array<i32>} : memref<1024x128xf32, #tpu.memory_space<vmem>>, vector<1024x16xf32>,
    %slice3A_29 = vector.extract_strided_slice %reshape3A {offsets = [0, 6, 0], sizes = [1024, 1, 16], strides = [1, 1, 1]} : vector<1024x8x16xf32> to vector<1024x1x16xf32>
    %squeeze3A_30 = vector.shape_cast %slice3A_29 : vector<1024x1x16xf32> to vector<1024x16xf32>
    %swap3A_31 = arith.constant 0 : index
    %swap3A_32 = arith.constant 96 : index
    %swap3A_33 = vector.load %arg3[%swap3A_31, %swap3A_32] : memref<1024x128xf32, #tpu.memory_space<vmem>>, vector<1024x16xf32>
    tpu.vector_store %arg3[%swap3A_31, %swap3A_32], %squeeze3A_30 {strides = array<i32>} : memref<1024x128xf32, #tpu.memory_space<vmem>>, vector<1024x16xf32>,
    %slice3A_34 = vector.extract_strided_slice %reshape3A {offsets = [0, 7, 0], sizes = [1024, 1, 16], strides = [1, 1, 1]} : vector<1024x8x16xf32> to vector<1024x1x16xf32>
    %squeeze3A_35 = vector.shape_cast %slice3A_34 : vector<1024x1x16xf32> to vector<1024x16xf32>
    %swap3A_36 = arith.constant 0 : index
    %swap3A_37 = arith.constant 112 : index
    %swap3A_38 = vector.load %arg3[%swap3A_36, %swap3A_37] : memref<1024x128xf32, #tpu.memory_space<vmem>>, vector<1024x16xf32>
    tpu.vector_store %arg3[%swap3A_36, %swap3A_37], %squeeze3A_35 {strides = array<i32>} : memref<1024x128xf32, #tpu.memory_space<vmem>>, vector<1024x16xf32>,
    %get3A_39 = arith.constant 0 : index
    %get3A_40 = arith.constant 0 : index
    %get3A_41 = vector.load %arg2[%get3A_39, %get3A_40] : memref<16x8192xf32, #tpu.memory_space<vmem>>, vector<16x8192xf32>
    %transpose3A_42 = tpu.transpose %get3A_41, [1, 0] : vector<16x8192xf32> -> vector<8192x16xf32>
    %reshape3A_43 = vector.shape_cast %transpose3A_42 : vector<8192x16xf32> to vector<1024x8x16xf32>
    %slice3A_44 = vector.extract_strided_slice %reshape3A_43 {offsets = [0, 0, 0], sizes = [1024, 1, 16], strides = [1, 1, 1]} : vector<1024x8x16xf32> to vector<1024x1x16xf32>
    %squeeze3A_45 = vector.shape_cast %slice3A_44 : vector<1024x1x16xf32> to vector<1024x16xf32>
    %swap3A_46 = arith.constant 0 : index
    %swap3A_47 = arith.constant 0 : index
    %swap3A_48 = vector.load %arg4[%swap3A_46, %swap3A_47] : memref<1024x128xf32, #tpu.memory_space<vmem>>, vector<1024x16xf32>
    tpu.vector_store %arg4[%swap3A_46, %swap3A_47], %squeeze3A_45 {strides = array<i32>} : memref<1024x128xf32, #tpu.memory_space<vmem>>, vector<1024x16xf32>,
    %slice3A_49 = vector.extract_strided_slice %reshape3A_43 {offsets = [0, 1, 0], sizes = [1024, 1, 16], strides = [1, 1, 1]} : vector<1024x8x16xf32> to vector<1024x1x16xf32>
    %squeeze3A_50 = vector.shape_cast %slice3A_49 : vector<1024x1x16xf32> to vector<1024x16xf32>
    %swap3A_51 = arith.constant 0 : index
    %swap3A_52 = arith.constant 16 : index
    %swap3A_53 = vector.load %arg4[%swap3A_51, %swap3A_52] : memref<1024x128xf32, #tpu.memory_space<vmem>>, vector<1024x16xf32>
    tpu.vector_store %arg4[%swap3A_51, %swap3A_52], %squeeze3A_50 {strides = array<i32>} : memref<1024x128xf32, #tpu.memory_space<vmem>>, vector<1024x16xf32>,
    %slice3A_54 = vector.extract_strided_slice %reshape3A_43 {offsets = [0, 2, 0], sizes = [1024, 1, 16], strides = [1, 1, 1]} : vector<1024x8x16xf32> to vector<1024x1x16xf32>
    %squeeze3A_55 = vector.shape_cast %slice3A_54 : vector<1024x1x16xf32> to vector<1024x16xf32>
    %swap3A_56 = arith.constant 0 : index
    %swap3A_57 = arith.constant 32 : index
    %swap3A_58 = vector.load %arg4[%swap3A_56, %swap3A_57] : memref<1024x128xf32, #tpu.memory_space<vmem>>, vector<1024x16xf32>
    tpu.vector_store %arg4[%swap3A_56, %swap3A_57], %squeeze3A_55 {strides = array<i32>} : memref<1024x128xf32, #tpu.memory_space<vmem>>, vector<1024x16xf32>,
    %slice3A_59 = vector.extract_strided_slice %reshape3A_43 {offsets = [0, 3, 0], sizes = [1024, 1, 16], strides = [1, 1, 1]} : vector<1024x8x16xf32> to vector<1024x1x16xf32>
    %squeeze3A_60 = vector.shape_cast %slice3A_59 : vector<1024x1x16xf32> to vector<1024x16xf32>
    %swap3A_61 = arith.constant 0 : index
    %swap3A_62 = arith.constant 48 : index
    %swap3A_63 = vector.load %arg4[%swap3A_61, %swap3A_62] : memref<1024x128xf32, #tpu.memory_space<vmem>>, vector<1024x16xf32>
    tpu.vector_store %arg4[%swap3A_61, %swap3A_62], %squeeze3A_60 {strides = array<i32>} : memref<1024x128xf32, #tpu.memory_space<vmem>>, vector<1024x16xf32>,
    %slice3A_64 = vector.extract_strided_slice %reshape3A_43 {offsets = [0, 4, 0], sizes = [1024, 1, 16], strides = [1, 1, 1]} : vector<1024x8x16xf32> to vector<1024x1x16xf32>
    %squeeze3A_65 = vector.shape_cast %slice3A_64 : vector<1024x1x16xf32> to vector<1024x16xf32>
    %swap3A_66 = arith.constant 0 : index
    %swap3A_67 = arith.constant 64 : index
    %swap3A_68 = vector.load %arg4[%swap3A_66, %swap3A_67] : memref<1024x128xf32, #tpu.memory_space<vmem>>, vector<1024x16xf32>
    tpu.vector_store %arg4[%swap3A_66, %swap3A_67], %squeeze3A_65 {strides = array<i32>} : memref<1024x128xf32, #tpu.memory_space<vmem>>, vector<1024x16xf32>,
    %slice3A_69 = vector.extract_strided_slice %reshape3A_43 {offsets = [0, 5, 0], sizes = [1024, 1, 16], strides = [1, 1, 1]} : vector<1024x8x16xf32> to vector<1024x1x16xf32>
    %squeeze3A_70 = vector.shape_cast %slice3A_69 : vector<1024x1x16xf32> to vector<1024x16xf32>
    %swap3A_71 = arith.constant 0 : index
    %swap3A_72 = arith.constant 80 : index
    %swap3A_73 = vector.load %arg4[%swap3A_71, %swap3A_72] : memref<1024x128xf32, #tpu.memory_space<vmem>>, vector<1024x16xf32>
    tpu.vector_store %arg4[%swap3A_71, %swap3A_72], %squeeze3A_70 {strides = array<i32>} : memref<1024x128xf32, #tpu.memory_space<vmem>>, vector<1024x16xf32>,
    %slice3A_74 = vector.extract_strided_slice %reshape3A_43 {offsets = [0, 6, 0], sizes = [1024, 1, 16], strides = [1, 1, 1]} : vector<1024x8x16xf32> to vector<1024x1x16xf32>
    %squeeze3A_75 = vector.shape_cast %slice3A_74 : vector<1024x1x16xf32> to vector<1024x16xf32>
    %swap3A_76 = arith.constant 0 : index
    %swap3A_77 = arith.constant 96 : index
    %swap3A_78 = vector.load %arg4[%swap3A_76, %swap3A_77] : memref<1024x128xf32, #tpu.memory_space<vmem>>, vector<1024x16xf32>
    tpu.vector_store %arg4[%swap3A_76, %swap3A_77], %squeeze3A_75 {strides = array<i32>} : memref<1024x128xf32, #tpu.memory_space<vmem>>, vector<1024x16xf32>,
    %slice3A_79 = vector.extract_strided_slice %reshape3A_43 {offsets = [0, 7, 0], sizes = [1024, 1, 16], strides = [1, 1, 1]} : vector<1024x8x16xf32> to vector<1024x1x16xf32>
    %squeeze3A_80 = vector.shape_cast %slice3A_79 : vector<1024x1x16xf32> to vector<1024x16xf32>
    %swap3A_81 = arith.constant 0 : index
    %swap3A_82 = arith.constant 112 : index
    %swap3A_83 = vector.load %arg4[%swap3A_81, %swap3A_82] : memref<1024x128xf32, #tpu.memory_space<vmem>>, vector<1024x16xf32>
    tpu.vector_store %arg4[%swap3A_81, %swap3A_82], %squeeze3A_80 {strides = array<i32>} : memref<1024x128xf32, #tpu.memory_space<vmem>>, vector<1024x16xf32>,
    return
  }
  func.func @transform_0(%arg0: i32) -> (i32, i32) {
    %c0_i32 = arith.constant 0 : i32
    %c0_i32_0 = arith.constant 0 : i32
    return %c0_i32, %arg0 : i32, i32
  }
  func.func @transform_1(%arg0: i32) -> (i32, i32) {
    %c0_i32 = arith.constant 0 : i32
    %c0_i32_0 = arith.constant 0 : i32
    return %c0_i32, %arg0 : i32, i32
  }
  func.func @transform_2(%arg0: i32) -> (i32, i32) {
    %c0_i32 = arith.constant 0 : i32
    %c0_i32_0 = arith.constant 0 : i32
    return %arg0, %c0_i32 : i32, i32
  }
  func.func @transform_3(%arg0: i32) -> (i32, i32) {
    %c0_i32 = arith.constant 0 : i32
    %c0_i32_0 = arith.constant 0 : i32
    return %arg0, %c0_i32 : i32, i32
  }
}

module attributes {stable_mosaic.version = 14 : i64} {
  func.func @_mlp_body(%arg0: memref<2048x128xf32, #tpu.memory_space<vmem>>, %arg1: memref<2048x128xf32, #tpu.memory_space<vmem>>, %arg2: memref<128x256xf32, #tpu.memory_space<vmem>>, %arg3: memref<128x256xf32, #tpu.memory_space<vmem>>, %arg4: memref<1x256xf32, #tpu.memory_space<vmem>>, %arg5: memref<256x8xf32, #tpu.memory_space<vmem>>, %arg6: memref<1x1xf32, #tpu.memory_space<vmem>>, %arg7: memref<2048x8xf32, #tpu.memory_space<vmem>>) attributes {dimension_semantics = [], scalar_prefetch = 0 : i64, scratch_operands = 0 : i64, tpu.core_type = #tpu.core_type<tc>} {
    %get3A = arith.constant 0 : index
    %get3A_0 = arith.constant 0 : index
    %get3A_1 = vector.load %arg0[%get3A, %get3A_0] : memref<2048x128xf32, #tpu.memory_space<vmem>>, vector<2048x128xf32>
    %get3A_2 = arith.constant 0 : index
    %get3A_3 = arith.constant 0 : index
    %get3A_4 = vector.load %arg2[%get3A_2, %get3A_3] : memref<128x256xf32, #tpu.memory_space<vmem>>, vector<128x256xf32>
    %dot_general3A = arith.constant dense<0.000000e+00> : vector<2048x256xf32>
    %dot_general3A_5 = tpu.matmul %get3A_1, %get3A_4, %dot_general3A {dimension_numbers = #tpu.dot_dimension_numbers<[1], [0], [0], [1], [0, 0, 1, 1], [], []>, transpose_lhs_hint = false} : vector<2048x128xf32>, vector<128x256xf32>, vector<2048x256xf32> -> vector<2048x256xf32>
    %get3A_6 = arith.constant 0 : index
    %get3A_7 = arith.constant 0 : index
    %get3A_8 = vector.load %arg1[%get3A_6, %get3A_7] : memref<2048x128xf32, #tpu.memory_space<vmem>>, vector<2048x128xf32>
    %get3A_9 = arith.constant 0 : index
    %get3A_10 = arith.constant 0 : index
    %get3A_11 = vector.load %arg3[%get3A_9, %get3A_10] : memref<128x256xf32, #tpu.memory_space<vmem>>, vector<128x256xf32>
    %dot_general3A_12 = arith.constant dense<0.000000e+00> : vector<2048x256xf32>
    %dot_general3A_13 = tpu.matmul %get3A_8, %get3A_11, %dot_general3A_12 {dimension_numbers = #tpu.dot_dimension_numbers<[1], [0], [0], [1], [0, 0, 1, 1], [], []>, transpose_lhs_hint = false} : vector<2048x128xf32>, vector<128x256xf32>, vector<2048x256xf32> -> vector<2048x256xf32>
    %add3A = arith.addf %dot_general3A_5, %dot_general3A_13 : vector<2048x256xf32>
    %get3A_14 = arith.constant 0 : index
    %get3A_15 = arith.constant 0 : index
    %get3A_16 = vector.load %arg4[%get3A_14, %get3A_15] : memref<1x256xf32, #tpu.memory_space<vmem>>, vector<1x256xf32>
    %add3A_17 = vector.broadcast %get3A_16 : vector<1x256xf32> to vector<2048x256xf32>
    %add3A_18 = arith.addf %add3A, %add3A_17 : vector<2048x256xf32>
    %max3A = arith.constant 0.000000e+00 : f32
    %max3A_19 = vector.broadcast %max3A : f32 to vector<2048x256xf32>
    %max3A_20 = arith.maximumf %add3A_18, %max3A_19 : vector<2048x256xf32>
    %get3A_21 = arith.constant 0 : index
    %get3A_22 = arith.constant 0 : index
    %get3A_23 = vector.load %arg5[%get3A_21, %get3A_22] : memref<256x8xf32, #tpu.memory_space<vmem>>, vector<256x8xf32>
    %dot_general3A_24 = arith.constant dense<0.000000e+00> : vector<2048x8xf32>
    %dot_general3A_25 = tpu.matmul %max3A_20, %get3A_23, %dot_general3A_24 {dimension_numbers = #tpu.dot_dimension_numbers<[1], [0], [0], [1], [0, 0, 1, 1], [], []>, transpose_lhs_hint = false} : vector<2048x256xf32>, vector<256x8xf32>, vector<2048x8xf32> -> vector<2048x8xf32>
    %get3A_26 = arith.constant 0 : index
    %get3A_27 = arith.constant 0 : index
    %get3A_28 = vector.load %arg6[%get3A_26, %get3A_27] : memref<1x1xf32, #tpu.memory_space<vmem>>, vector<1x1xf32>
    %get3A_29 = vector.extract %get3A_28[0, 0] : f32 from vector<1x1xf32>
    %add3A_30 = vector.broadcast %get3A_29 : f32 to vector<2048x8xf32>
    %add3A_31 = arith.addf %dot_general3A_25, %add3A_30 : vector<2048x8xf32>
    %swap3A = arith.constant 0 : index
    %swap3A_32 = arith.constant 0 : index
    %swap3A_33 = vector.load %arg7[%swap3A, %swap3A_32] : memref<2048x8xf32, #tpu.memory_space<vmem>>, vector<2048x8xf32>
    tpu.vector_store %arg7[%swap3A, %swap3A_32], %add3A_31 {strides = array<i32>} : memref<2048x8xf32, #tpu.memory_space<vmem>>, vector<2048x8xf32>,
    return
  }
}

</mosaic_0001>

<sc_bundles>
// kernel: kernel.5.cloned.1.call-start
scs
__scs_entry_jumppad:
0x0: {  	(pc) =	sbr.rel $0x88, $3  }
0x1: {  	(tag) =	ssettag $0x0;
	lr =	simm.s32 $0x1  }
0x2: {  	[smem:$0x3F99] =	sst lr;
	_ =	strace $0xD0000000  }
0x3: {  	_ = 	snop  }
0x4: {  	_ = 	snop  }
0x5: {  	_ = 	snop  }
0x6: {  	_ = 	snop  }
0x7: {  	_ = 	snop  }
__scs_overlays_trampoline_lowered:
0x8: {  	[smem:$0x3FA8] =	sst s0  }
0x9: {  	[smem:$0x3FA9] =	sst s1  }
0xa: {  	[smem:$0x3FAA] =	sst s2  }
0xb: {  	[smem:$0x3FAB] =	sst s3  }
0xc: {  	[smem:$0x3FAC] =	sst s4  }
0xd: {  	[smem:$0x3FAD] =	sst s5  }
0xe: {  	[smem:$0x3FAE] =	sst s6  }
0xf: {  	[smem:$0x3FAF] =	sst s7  }
0x10: {  	[smem:$0x3FB0] =	sst s8  }
0x11: {  	[smem:$0x3FB1] =	sst s9;
	s0 =	simm.s32 @!p0 $0x0  }
0x12: {  	s1 =	sld [smem:$0x3F97];
	s0 =	simm.s32 @p0 $0x1  }
0x13: {  	[smem:$0x3FB2] =	sst s0;
	s0 =	simm.s32 @!p1 $0x0  }
0x14: {  	s2 =	sld [smem:$0x3F96];
	s0 =	simm.s32 @p1 $0x1  }
0x15: {  	[smem:$0x3FB3] =	sst s0;
	s0 =	simm.s32 @!p2 $0x0  }
0x16: {  	s3 =	sld [smem:$0x3FDB];
	s0 =	simm.s32 @p2 $0x1  }
0x17: {  	s4 =	simm.s32 $0x1BF5;
	[smem:$0x3FB5] =	sst s0  }
0x18: {  	s0 =	sld [smem:$0x3F98];
	_ =	swait.ge [sflag:s4], $0x0  }
0x19: {  	s7 =	sld [smem:$0x3F99]  }
0x1a: {  	s8 =	sadd.s32 $0xFFFFE003, lr  }
0x1b: {  	s9 =	sadd.s32 $0xFFFFFEF7, lr;
	s5 =	simm.s32 $0xFFFFFFFF;
	p2 =	slt.u32 s8, $0xFFFFF086  }
0x1c: {  	p1 =	slt.u32 s9, $0xF7A;
	s5 =	simm.s32 @!p2 $0x0  }
0x1d: {  	s5 =	simm.s32 @p1 $0x1;
	p0 =	seq.s32 s7, s2  }
0x1e: {  	s7 =	smul.u32 @!p0 $0xF7A, s2;
	p2 =	seq.s32 @!p0 s5, $0x0  }
0x1f: {  	s9 =	smul.u32 $0xF7A, s1;
	s8 =	simm.s32 @!p0 $0x1BF5;
	p2 =	por !p2, p0  }
0x20: {  	[sflag:s8] =	ssyncset.s32 @!p0 $0xFFFFF086;
	s6 =	sadd.s32 @!p0 s3, s7;
	s7 =	simm.s32 @!p0 $0x108  }
0x21: {  	s3 =	sadd.s32 s3, s9;
	s6 =	sadd.s32 @!p0 $0x88, s6;
	s7 =	simm.s32 @p2 $0x1082  }
0x22: {  	[simem:s7], [sflag:s8] =	dma.local @!p0 [hbm:s6], $0xF7A  }
0x23: {  	s9 =	sor.u32 $0xD0000000, s2;
	s6 =	simm.s32 $0x108;
	_ =	swait.ge @!p0 [sflag:s8], $0x0  }
0x24: {  	s3 =	sadd.s32 $0x88, s3;
	s6 =	simm.s32 @!p1 $0x1082;
	[sflag:s4] =	ssyncset.s32 $0xFFFFF086  }
0x25: {  	[simem:s6], [sflag:s4] =	dma.local [hbm:s3], $0xF7A  }
0x26: {  	[smem:$0x3F99] =	sst s1;
	(tag) =	ssettag s2;
	_ =	strace s9  }
0x27: {  	s1 =	sld [smem:$0x3FA9]  }
0x28: {  	s2 =	sld [smem:$0x3FAA]  }
0x29: {  	s4 =	sld [smem:$0x3FAC]  }
0x2a: {  	p0 =	seq.s32 s5, $0x0;
	s5 =	sld [smem:$0x3FAD]  }
0x2b: {  	s6 =	sld [smem:$0x3FAE]  }
0x2c: {  	s7 =	sld [smem:$0x3FAF]  }
0x2d: {  	s3 =	simm.s32 $0x108;
	s8 =	sld [smem:$0x3FB0]  }
0x2e: {  	s3 =	simm.s32 @!p0 $0x1082;
	s9 =	sld [smem:$0x3FB1]  }
0x2f: {  	lr =	sadd.s32 s0, s3;
	s0 =	sld [smem:$0x3FA8]  }
0x30: {  	s3 =	sld [smem:$0x3FAB]  }
0x31: {  	[smem:$0x3FB4] =	sst s10  }
0x32: {  	s10 =	sld [smem:$0x3FB2];
	_ =	sdelay $0x3  }
0x33: {  	p0 =	seq.s32 s10, $0x1;
	s10 =	sld [smem:$0x3FB4];
	_ =	sdelay $0x3  }
0x34: {  	[smem:$0x3FB4] =	sst s10  }
0x35: {  	s10 =	sld [smem:$0x3FB3];
	_ =	sdelay $0x3  }
0x36: {  	p1 =	seq.s32 s10, $0x1;
	s10 =	sld [smem:$0x3FB4];
	_ =	sdelay $0x3  }
0x37: {  	[smem:$0x3FB4] =	sst s10  }
0x38: {  	s10 =	sld [smem:$0x3FB5]  }
0x39: {  	_ = 	snop;
	(pc) =	sbr.ind lr, $3  }
0x3a: {  	_ = 	snop  }
0x3b: {  	_ = 	snop  }
0x3c: {  	p2 =	seq.s32 s10, $0x1;
	s10 =	sld [smem:$0x3FB4]  }
0x3d: {  	_ =	shalt  }
0x3e: {  	_ =	shalt  }
0x3f: {  	_ =	shalt  }
0x40: {  	_ =	shalt  }
0x41: {  	_ =	shalt  }
0x42: {  	_ =	shalt  }
0x43: {  	_ =	shalt  }
0x44: {  	_ =	shalt  }
0x45: {  	_ =	shalt  }
0x46: {  	_ =	shalt  }
0x47: {  	_ =	shalt  }
0x48: {  	_ =	shalt  }
0x49: {  	_ =	shalt  }
0x4a: {  	_ =	shalt  }
0x4b: {  	_ =	shalt  }
0x4c: {  	_ =	shalt  }
0x4d: {  	_ =	shalt  }
0x4e: {  	_ =	shalt  }
0x4f: {  	_ =	shalt  }
0x50: {  	_ =	shalt  }
0x51: {  	_ =	shalt  }
0x52: {  	_ =	shalt  }
0x53: {  	_ =	shalt  }
0x54: {  	_ =	shalt  }
0x55: {  	_ =	shalt  }
0x56: {  	_ =	shalt  }
0x57: {  	_ =	shalt  }
0x58: {  	_ =	shalt  }
0x59: {  	_ =	shalt  }
0x5a: {  	_ =	shalt  }
0x5b: {  	_ =	shalt  }
0x5c: {  	_ =	shalt  }
0x5d: {  	_ =	shalt  }
0x5e: {  	_ =	shalt  }
0x5f: {  	_ =	shalt  }
0x60: {  	_ =	shalt  }
0x61: {  	_ =	shalt  }
0x62: {  	_ =	shalt  }
0x63: {  	_ =	shalt  }
0x64: {  	_ =	shalt  }
0x65: {  	_ =	shalt  }
0x66: {  	_ =	shalt  }
0x67: {  	_ =	shalt  }
0x68: {  	_ =	shalt  }
0x69: {  	_ =	shalt  }
0x6a: {  	_ =	shalt  }
0x6b: {  	_ =	shalt  }
0x6c: {  	_ =	shalt  }
0x6d: {  	_ =	shalt  }
0x6e: {  	_ =	shalt  }
0x6f: {  	_ =	shalt  }
0x70: {  	_ =	shalt  }
0x71: {  	_ =	shalt  }
0x72: {  	_ =	shalt  }
0x73: {  	_ =	shalt  }
0x74: {  	_ =	shalt  }
0x75: {  	_ =	shalt  }
0x76: {  	_ =	shalt  }
0x77: {  	_ =	shalt  }
0x78: {  	_ =	shalt  }
0x79: {  	_ =	shalt  }
0x7a: {  	_ =	shalt  }
0x7b: {  	_ =	shalt  }
0x7c: {  	_ =	shalt  }
0x7d: {  	_ =	shalt  }
0x7e: {  	_ =	shalt  }
0x7f: {  	_ =	shalt  }
0x80: {  	_ =	shalt  }
0x81: {  	_ =	shalt  }
0x82: {  	_ =	shalt  }
0x83: {  	_ =	shalt  }
0x84: {  	_ =	shalt  }
0x85: {  	_ =	shalt  }
0x86: {  	_ =	shalt  }
0x87: {  	_ =	shalt  }
.Lfunc_end0:
.L_simem_size_0:
called_computation_lowered:
.L_overlay_start_0:
0x88: {  	s2 =	sld [smem:$0x3FD9]  }
0x89: {  	s3 =	sld [smem:$0x3FFE];
	_ =	sdelay $0x1  }
0x8a: {  	s1 =	srdreg.scid  }
0x8b: {  	s0 =	sand.u32 $0x1, s1  }
0x8c: {  	s17 =	sshll.u32 s0, $0xA;
	s2 =	sadd.s32 s3, s2  }
0x8d: {  	s2 =	sadd.s32 s2, s17  }
0x8e: {  	[smem:$0x3FC0] =	sst s2  }
0x8f: {  	_ = 	snop  }
0x90: {  	s2 =	sld [smem:$0x3FD0];
	(tm) =	ssettm $0x1  }
0x91: {  	s18 =	sld [smem:$0x3FFB];
	_ =	sdelay $0x3  }
0x92: {  	_ =	strace s18  }
0x93: {  	s3 =	sld [smem:$0x3FFC];
	_ =	sdelay $0x3  }
0x94: {  	_ =	strace s3  }
0x95: {  	s3 =	sld [smem:$0x3FFD];
	_ =	sdelay $0x3  }
0x96: {  	_ =	strace s3  }
0x97: {  	_ =	strace $0x8FFFFFFF  }
0x98: {  	s19 =	sld [smem:$0x3FDB];
	_ =	sdelay $0x1  }
0x99: {  	s4 =	simm.s32 $_scs_section_size  }
0x9a: {  	s5 =	simm.s32 $_size__tile_overlayer_lowered;
	s6 =	simm.s32 $_tile_overlayer_lowered  }
0x9b: {  	s22 =	simm.s32 $0x1BFF;
	s21 =	sshll.u32 s6, $0x1;
	s3 =	sadd.s32 s4, s19  }
0x9c: {  	s7 =	simm.s32 $0x0;
	s20 =	sshll.u32 s5, $0x1;
	s5 =	sadd.s32 s21, s3  }
0x9d: {  	[timem:s7], [sflag:s22] =	dma.local [hbm:s5], s20  }
0x9e: {  	_ =	swait.ge [sflag:s22], s20  }
0x9f: {  	s4 =	ssub.s32 $0x0, s20;
	[sflag:s22] =	ssyncset.done $0x0  }
0xa0: {  	[sflag:s22] =	ssyncadd.s32 s4;
	_ =	sdelay $0x1  }
0xa1: {  	s23 =	simm.s32 $0x1B8B  }
0xa2: {  	_ =	swait.ge [sflag:s23], $0x1  }
0xa3: {  	[sflag:s23] =	ssyncset.done $0x0  }
0xa4: {  	s25 =	simm.s32 $0x1B8E;
	s24 =	sld [smem:$0x3FFE];
	[sflag:s23] =	ssyncadd.s32 $0xFFFFFFFF  }
0xa5: {  	s26 =	simm.s32 $execute0_lowered;
	[smem:$0x3FD2] =	sst s25  }
0xa6: {  	s5 =	sshll.u32 s26, $0x1;
	_ =	strace $0x80000046;
	[dreg:$0x1] =	wrdreg $0xFFFFFFFF  }
0xa7: {  	s28 =	simm.s32 $_size_execute0_lowered;
	s3 =	sadd.s32 s3, s5;
	[dreg:$0x0] =	wrdreg $0x0  }
0xa8: {  	s5 =	sshll.u32 s28, $0x1;
	[dreg:$0x2] =	wrdreg s3  }
0xa9: {  	[dreg:$0x3] =	wrdreg s5  }
0xaa: {  	[dreg:$0x4] =	wrdreg $0xC0  }
0xab: {  	_ =	task [dreg:s7], $0x5FFFF  }
0xac: {  	[dreg:$0x1] =	wrdreg $0xFFFFFFFF  }
0xad: {  	[dreg:$0x0] =	wrdreg $0x60  }
0xae: {  	[dreg:$0x2] =	wrdreg s24  }
0xaf: {  	[dreg:$0x3] =	wrdreg s2  }
0xb0: {  	[dreg:$0x4] =	wrdreg $0x9  }
0xb1: {  	_ =	task.clear_ibuf [dreg:s7], $0x5FFFF;
	_ =	strace $0x90000046  }
0xb2: {  	s29 =	simm.s32 $0x9;
	_ =	strace $0x80000048  }
0xb3: {  	_ =	swait.ge [sflag:s29], $0x1  }
0xb4: {  	[sflag:s29] =	ssyncadd.s32 $0xFFFFFFFF  }
0xb5: {  	_ =	strace $0x90000048  }
0xb6: {  	_ =	sfence  }
0xb7: {  	s30 =	sld [smem:$0x0];
	_ =	sdelay $0x2  }
0xb8: {  	s31 =	sshll.u32 s1, $0xD;
	s1 =	sshrl.u32 s1, $0x2  }
0xb9: {  	s3 =	sand.u32 $0x4000, s31;
	s1 =	sadd.s32 s1, s30  }
0xba: {  	s0 =	sor.u32 s3, s0;
	s1 =	sshll.u32 s1, $0x11  }
0xbb: {  	s0 =	sor.u32 s1, s0  }
0xbc: {  	s0 =	sadd.s32 $0x8F2B, s0  }
0xbd: {  	[sflag:s0] =	ssyncadd.remote.s32 $0x1  }
0xbe: {  	_ =	sfence.sel $0xFFFF  }
0xbf: {  	[dreg:$0x0] =	wrdreg $0xFFFFFFFF;
	(pc) =	sbr.abs _section_cstart, $3  }
0xc0: {  	[dreg:$0x1] =	wrdreg $0xFFFFFFFF  }
0xc1: {  	_ =	task.clear_ibuf [dreg:s7], $0x2FFFF;
	_ =	strace $0x9FFFFFFF  }
0xc2: {  	(tm) =	ssettm $0x7FFFFFFF  }
0xc3: {  	_ =	shalt  }
tec
execute0_lowered:
.L_overlay_start_1:
0x0: {  	(tag) =	ssettag $0x1  }
0x1: {  	s0 =	rddreg [dreg:$0x0]  }
0x2: {  	s1 =	rddreg [dreg:$0x1];
	s3 =	srdreg.scid;
	s2 =	simm.s32 $0x0  }
0x3: {  	s6 =	stileid.u32;
	s12 =	simm.s32 $0x3;
	s13 =	simm.s32 $0x200  }
0x4: {  	s15 =	simm.s32 $0x80;
	s16 =	simm.s32 $0x800;
	s17 =	simm.s32 $0x4800  }
0x5: {  	s18 =	simm.s32 $0x1;
	s19 =	simm.s32 $0x8800;
	s21 =	simm.s32 $0x2  }
0x6: {  	s28 =	simm.s32 $0xA800;
	s29 =	simm.s32 $0x300;
	s30 =	simm.s32 $0xB000  }
0x7: {  	s31 =	simm.s32 $0x380;
	s14 =	simm.s32 $0x0;
	s4 =	sand.u32 $0x1, s3  }
0x8: {  	[smem:$0x7FF] =	sst s2;
	s22 =	sshll.u32 s6, $0x7;
	s23 =	sshll.u32 s6, $0xB  }
0x9: {  	s3 =	sadd.s32 $0x3200, s0;
	s5 =	sshll.u32 s4, $0x6;
	_ =	strace $0x80000047  }
0xa: {  	s24 =	sshll.u32 s4, $0xA;
	s25 =	ssub.s32 $0x2, s4;
	s4 =	sadd.s32 $0x1EB800, s0  }
0xb: {  	s8 =	sor.u32 s5, s22;
	s5 =	sor.u32 s24, s23;
	s26 =	sshrl.u32 s25, $0x1  }
0xc: {  	s22 =	simm.s32 $0x9000;
	s24 =	simm.s32 $0x9800;
	s7 =	sadd.s32 s8, s0  }
0xd: {  	s0 =	sadd.s32 s5, s0;
	s11 =	ssub.s32 s25, s26;
	s8 =	sadd.s32 s1, s8  }
0xe: {  	s25 =	simm.s32 $0xA000;
	s1 =	simm.s32 $0xC000;
	s5 =	sadd.s32 $0x2200, s7  }
0xf: {  	s6 =	sadd.s32 $0x1A00, s7;
	s7 =	sadd.s32 $0x2A00, s7;
	s9 =	sadd.s32 $0x3D3E00, s0  }
0x10: {  	v0 =	vlaneseq.u32;
	s10 =	sadd.s32 $0x3DBE00, s0;
	s11 =	smax.u32 s11, $0x1;
	s0 =	simm.s32 $0xB800  }
.LBB2_1:
0x11: {  	[tilespmem:s2], [sflag:$0x3] =	stream.linear.gather [hbm4b:s5+s2], $0x200, $0x38;
	[tilespmem:$0xC800] =	vst v63  }
0x12: {  	_ =	swait.ge [sflag:s12], $0x200  }
0x13: {  	[sflag:s12] =	ssyncset.done $0x0  }
0x14: {  	[sflag:s12] =	ssyncadd.s32 $0xFFFFFE00  }
0x15: {  	[tilespmem:s13], [sflag:$0x3] =	stream.linear.gather [hbm4b:s6+s2], $0x200, $0x38;
	[tilespmem:$0xC800] =	vst v63  }
0x16: {  	_ =	swait.ge [sflag:s12], $0x200  }
0x17: {  	[sflag:s12] =	ssyncset.done $0x0  }
0x18: {  	s20 =	simm.s32 $0x400;
	[sflag:s12] =	ssyncadd.s32 $0xFFFFFE00  }
0x19: {  	[tilespmem:s20], [sflag:$0x3] =	stream.linear.gather [hbm4b:s7+s2], $0x200, $0x38;
	[tilespmem:$0xC800] =	vst v63  }
0x1a: {  	_ =	swait.ge [sflag:s12], $0x200  }
0x1b: {  	[sflag:s12] =	ssyncset.done $0x0  }
0x1c: {  	s23 =	simm.s32 $0x600;
	[sflag:s12] =	ssyncadd.s32 $0xFFFFFE00  }
0x1d: {  	[tilespmem:s23], [sflag:$0x3] =	stream.linear.gather [hbm4b:s8+s2], $0x200, $0x38;
	[tilespmem:$0xC800] =	vst v63  }
0x1e: {  	_ =	swait.ge [sflag:s12], $0x200  }
0x1f: {  	[sflag:s12] =	ssyncset.done $0x0  }
0x20: {  	[sflag:s12] =	ssyncadd.s32 $0xFFFFFE00  }
0x21: {  	[tilespmem:s16], [sflag:$0x1] =	stream.indirect.gather [hbm4b:s3+s15], $0x80, s2, s15, $0xb8;
	[tilespmem:$0xC800] =	vst v63  }
0x22: {  	_ = 	snop  }
0x23: {  	[tilespmem:s17], [sflag:$0x2] =	stream.indirect.gather [hbm4b:s3+s15], $0x80, s15, s15, $0xb8;
	[tilespmem:$0xC800] =	vst v63  }
0x24: {  	_ =	swait.ge [sflag:s18], $0x4000  }
0x25: {  	[sflag:s18] =	ssyncset.done $0x0  }
0x26: {  	[sflag:s18] =	ssyncadd.s32 $0xFFFFC000  }
0x27: {  	v1 =	vld [tilespmem:s20+$0x0];
	_ =	sdelay $0x3  }
0x28: {  	v2 =	vor.u32 s2, v0  }
0x29: {  	v4 =	vshll.u32 v2, $0x7;
	v3 =	vand.u32 $0xFFFFFF80, v1  }
0x2a: {  	v5 =	vand.u32 $0x7F, v1;
	v3 =	vadd.s32 v4, v3  }
0x2b: {  	v3 =	vor.u32 v5, v3;
	_ =	sdelay $0x2  }
0x2c: {  	v23 =	vadd.s32 $0x1, v1  }
0x2d: {  	v6 =	vand.u32 $0xFFFFFF80, v23  }
0x2e: {  	v7 =	vshll.u32 v2, $0x4;
	v2 =	vand.u32 $0x7F, v23;
	v6 =	vadd.s32 v4, v6;
	v3 =	vld.idx.msk [tilespmem:v3+s16+$0x0], $0xffff  }
0x2f: {  	v2 =	vor.u32 v2, v6;
	_ =	sdelay $0x2  }
0x30: {  	v24 =	vadd.s32 $0x2, v1  }
0x31: {  	v25 =	vand.u32 $0xFFFFFF80, v24;
	[tilespmem:v7+s19+$0x0] =	vst.idx.msk $0xffff, v3  }
0x32: {  	v26 =	vor.u32 $0x1, v7;
	v5 =	vand.u32 $0x7F, v24;
	v3 =	vadd.s32 v4, v25;
	v2 =	vld.idx.msk [tilespmem:v2+s16+$0x0], $0xffff  }
0x33: {  	v3 =	vor.u32 v5, v3;
	_ =	sdelay $0x2  }
0x34: {  	v27 =	vadd.s32 $0x3, v1  }
0x35: {  	v8 =	vand.u32 $0xFFFFFF80, v27;
	[tilespmem:v26+s19+$0x0] =	vst.idx.msk $0xffff, v2  }
0x36: {  	v28 =	vor.u32 $0x2, v7;
	v5 =	vand.u32 $0x7F, v27;
	v2 =	vadd.s32 v4, v8;
	v3 =	vld.idx.msk [tilespmem:v3+s16+$0x0], $0xffff  }
0x37: {  	v2 =	vor.u32 v5, v2;
	_ =	sdelay $0x2  }
0x38: {  	v29 =	vadd.s32 $0x4, v1  }
0x39: {  	v30 =	vand.u32 $0xFFFFFF80, v29;
	[tilespmem:v28+s19+$0x0] =	vst.idx.msk $0xffff, v3  }
0x3a: {  	v31 =	vor.u32 $0x3, v7;
	v5 =	vand.u32 $0x7F, v29;
	v3 =	vadd.s32 v4, v30;
	v2 =	vld.idx.msk [tilespmem:v2+s16+$0x0], $0xffff  }
0x3b: {  	v3 =	vor.u32 v5, v3;
	_ =	sdelay $0x2  }
0x3c: {  	v32 =	vadd.s32 $0x5, v1  }
0x3d: {  	v33 =	vand.u32 $0xFFFFFF80, v32;
	[tilespmem:v31+s19+$0x0] =	vst.idx.msk $0xffff, v2  }
0x3e: {  	v34 =	vor.u32 $0x4, v7;
	v5 =	vand.u32 $0x7F, v32;
	v2 =	vadd.s32 v4, v33;
	v3 =	vld.idx.msk [tilespmem:v3+s16+$0x0], $0xffff  }
0x3f: {  	v2 =	vor.u32 v5, v2;
	_ =	sdelay $0x2  }
0x40: {  	v35 =	vadd.s32 $0x6, v1  }
0x41: {  	v36 =	vand.u32 $0xFFFFFF80, v35;
	[tilespmem:v34+s19+$0x0] =	vst.idx.msk $0xffff, v3  }
0x42: {  	v37 =	vor.u32 $0x5, v7;
	v5 =	vand.u32 $0x7F, v35;
	v3 =	vadd.s32 v4, v36;
	v2 =	vld.idx.msk [tilespmem:v2+s16+$0x0], $0xffff  }
0x43: {  	v3 =	vor.u32 v5, v3;
	_ =	sdelay $0x2  }
0x44: {  	v38 =	vadd.s32 $0x7, v1  }
0x45: {  	v39 =	vand.u32 $0xFFFFFF80, v38;
	[tilespmem:v37+s19+$0x0] =	vst.idx.msk $0xffff, v2  }
0x46: {  	v40 =	vor.u32 $0x6, v7;
	v5 =	vand.u32 $0x7F, v38;
	v2 =	vadd.s32 v4, v39;
	v3 =	vld.idx.msk [tilespmem:v3+s16+$0x0], $0xffff  }
0x47: {  	v2 =	vor.u32 v5, v2;
	_ =	sdelay $0x2  }
0x48: {  	v41 =	vadd.s32 $0x8, v1  }
0x49: {  	v42 =	vand.u32 $0xFFFFFF80, v41;
	[tilespmem:v40+s19+$0x0] =	vst.idx.msk $0xffff, v3  }
0x4a: {  	v43 =	vor.u32 $0x7, v7;
	v5 =	vand.u32 $0x7F, v41;
	v3 =	vadd.s32 v4, v42;
	v2 =	vld.idx.msk [tilespmem:v2+s16+$0x0], $0xffff  }
0x4b: {  	v3 =	vor.u32 v5, v3;
	_ =	sdelay $0x2  }
0x4c: {  	v44 =	vadd.s32 $0x9, v1  }
0x4d: {  	v45 =	vand.u32 $0xFFFFFF80, v44;
	[tilespmem:v43+s19+$0x0] =	vst.idx.msk $0xffff, v2  }
0x4e: {  	v46 =	vor.u32 $0x8, v7;
	v5 =	vand.u32 $0x7F, v44;
	v2 =	vadd.s32 v4, v45;
	v3 =	vld.idx.msk [tilespmem:v3+s16+$0x0], $0xffff  }
0x4f: {  	v2 =	vor.u32 v5, v2;
	_ =	sdelay $0x2  }
0x50: {  	v47 =	vadd.s32 $0xA, v1  }
0x51: {  	v48 =	vand.u32 $0xFFFFFF80, v47;
	[tilespmem:v46+s19+$0x0] =	vst.idx.msk $0xffff, v3  }
0x52: {  	v49 =	vor.u32 $0x9, v7;
	v5 =	vand.u32 $0x7F, v47;
	v3 =	vadd.s32 v4, v48;
	v2 =	vld.idx.msk [tilespmem:v2+s16+$0x0], $0xffff  }
0x53: {  	v3 =	vor.u32 v5, v3;
	_ =	sdelay $0x2  }
0x54: {  	v50 =	vadd.s32 $0xB, v1  }
0x55: {  	v51 =	vand.u32 $0xFFFFFF80, v50;
	[tilespmem:v49+s19+$0x0] =	vst.idx.msk $0xffff, v2  }
0x56: {  	v52 =	vor.u32 $0xA, v7;
	v5 =	vand.u32 $0x7F, v50;
	v2 =	vadd.s32 v4, v51;
	v3 =	vld.idx.msk [tilespmem:v3+s16+$0x0], $0xffff  }
0x57: {  	v2 =	vor.u32 v5, v2;
	_ =	sdelay $0x2  }
0x58: {  	v53 =	vadd.s32 $0xC, v1  }
0x59: {  	v54 =	vand.u32 $0xFFFFFF80, v53;
	[tilespmem:v52+s19+$0x0] =	vst.idx.msk $0xffff, v3  }
0x5a: {  	v55 =	vor.u32 $0xB, v7;
	v5 =	vand.u32 $0x7F, v53;
	v3 =	vadd.s32 v4, v54;
	v2 =	vld.idx.msk [tilespmem:v2+s16+$0x0], $0xffff  }
0x5b: {  	v3 =	vor.u32 v5, v3;
	_ =	sdelay $0x2  }
0x5c: {  	v56 =	vadd.s32 $0xD, v1  }
0x5d: {  	v57 =	vand.u32 $0xFFFFFF80, v56;
	[tilespmem:v55+s19+$0x0] =	vst.idx.msk $0xffff, v2  }
0x5e: {  	v58 =	vor.u32 $0xC, v7;
	v5 =	vand.u32 $0x7F, v56;
	v2 =	vadd.s32 v4, v57;
	v3 =	vld.idx.msk [tilespmem:v3+s16+$0x0], $0xffff  }
0x5f: {  	v2 =	vor.u32 v5, v2;
	_ =	sdelay $0x2  }
0x60: {  	v59 =	vadd.s32 $0xE, v1  }
0x61: {  	v60 =	vand.u32 $0xFFFFFF80, v59;
	[tilespmem:v58+s19+$0x0] =	vst.idx.msk $0xffff, v3  }
0x62: {  	v61 =	vor.u32 $0xD, v7;
	v5 =	vand.u32 $0x7F, v59;
	v3 =	vadd.s32 v4, v60;
	v2 =	vld.idx.msk [tilespmem:v2+s16+$0x0], $0xffff  }
0x63: {  	v3 =	vor.u32 v5, v3;
	_ =	sdelay $0x2  }
0x64: {  	v1 =	vadd.s32 $0xF, v1  }
0x65: {  	v62 =	vand.u32 $0xFFFFFF80, v1;
	[tilespmem:v61+s19+$0x0] =	vst.idx.msk $0xffff, v2  }
0x66: {  	v63 =	vor.u32 $0xE, v7;
	v1 =	vand.u32 $0x7F, v1;
	v2 =	vadd.s32 v4, v62;
	v3 =	vld.idx.msk [tilespmem:v3+s16+$0x0], $0xffff  }
0x67: {  	v1 =	vor.u32 v1, v2;
	_ =	sdelay $0x3  }
0x68: {  	[tilespmem:v63+s19+$0x0] =	vst.idx.msk $0xffff, v3  }
0x69: {  	s23 =	simm.s32 $0x10;
	v2 =	vld.idx.msk [tilespmem:v1+s16+$0x0], $0xffff;
	v1 =	vor.u32 $0xF, v7  }
.LBB2_2:
0x6a: {  	_ =	sdelay $0x2  }
0x6b: {  	p0 =	sne.s32 s23, $0x70  }
0x6c: {  	s20 =	sadd.s32 $0x10, s20;
	s26 =	smov.u32 s23;
	s23 =	sadd.s32 $0x10, s23;
	[tilespmem:v1+s19+$0x0] =	vst.idx.msk $0xffff, v2  }
0x6d: {  	v2 =	vld [tilespmem:s20+$0x0];
	_ =	sdelay $0x3  }
0x6e: {  	v1 =	vor.u32 s26, v0  }
0x6f: {  	v11 =	vshll.u32 v1, $0x7;
	v3 =	vand.u32 $0xFFFFFF80, v2;
	v4 =	vadd.s32 $0x1, v2  }
0x70: {  	v5 =	vand.u32 $0x7F, v2;
	v3 =	vadd.s32 v11, v3;
	v6 =	vand.u32 $0xFFFFFF80, v4  }
0x71: {  	v3 =	vor.u32 v5, v3;
	v5 =	vadd.s32 v11, v6;
	v6 =	vadd.s32 $0x2, v2  }
0x72: {  	v12 =	vadd.s32 $0x3, v2;
	v13 =	vadd.s32 $0x4, v2;
	v7 =	vand.u32 $0xFFFFFF80, v6  }
0x73: {  	v8 =	vand.u32 $0xFFFFFF80, v12;
	v9 =	vand.u32 $0xFFFFFF80, v13;
	v7 =	vadd.s32 v11, v7  }
0x74: {  	v16 =	vadd.s32 $0x5, v2;
	v14 =	vadd.s32 v11, v8;
	v15 =	vadd.s32 v11, v9  }
0x75: {  	v17 =	vadd.s32 $0x6, v2;
	v18 =	vadd.s32 $0x7, v2;
	v8 =	vand.u32 $0xFFFFFF80, v16  }
0x76: {  	v9 =	vand.u32 $0xFFFFFF80, v18;
	v19 =	vadd.s32 v11, v8;
	v8 =	vand.u32 $0xFFFFFF80, v17;
	v3 =	vld.idx.msk [tilespmem:v3+s16+$0x0], $0xffff  }
0x77: {  	v1 =	vshll.u32 v1, $0x4;
	v4 =	vand.u32 $0x7F, v4;
	v20 =	vadd.s32 v11, v8  }
0x78: {  	v22 =	vadd.s32 $0x8, v2;
	v5 =	vor.u32 v4, v5;
	v21 =	vadd.s32 v11, v9  }
0x79: {  	v23 =	vadd.s32 $0x9, v2;
	v24 =	vadd.s32 $0xA, v2;
	v4 =	vand.u32 $0xFFFFFF80, v22  }
0x7a: {  	v25 =	vadd.s32 v11, v4;
	v4 =	vand.u32 $0xFFFFFF80, v23;
	v8 =	vand.u32 $0xFFFFFF80, v24  }
0x7b: {  	v9 =	vadd.s32 $0xB, v2;
	v26 =	vadd.s32 v11, v4;
	v27 =	vadd.s32 v11, v8  }
0x7c: {  	v8 =	vadd.s32 $0xC, v2;
	v4 =	vadd.s32 $0xD, v2;
	[tilespmem:v1+s19+$0x0] =	vst.idx.msk $0xffff, v3;
	v3 =	vand.u32 $0xFFFFFF80, v9  }
0x7d: {  	v28 =	vld.idx.msk [tilespmem:v5+s16+$0x0], $0xffff;
	v29 =	vadd.s32 v11, v3;
	v3 =	vand.u32 $0xFFFFFF80, v8;
	v5 =	vand.u32 $0xFFFFFF80, v4  }
0x7e: {  	v30 =	vor.u32 $0x1, v1;
	v6 =	vand.u32 $0x7F, v6;
	v10 =	vadd.s32 v11, v3  }
0x7f: {  	v31 =	vor.u32 v6, v7;
	v7 =	vadd.s32 v11, v5;
	v5 =	vadd.s32 $0xE, v2  }
0x80: {  	v2 =	vadd.s32 $0xF, v2;
	v3 =	vand.u32 $0xFFFFFF80, v5  }
0x81: {  	v6 =	vadd.s32 v11, v3;
	v3 =	vand.u32 $0xFFFFFF80, v2  }
0x82: {  	v3 =	vadd.s32 v11, v3  }
0x83: {  	[tilespmem:v30+s19+$0x0] =	vst.idx.msk $0xffff, v28  }
0x84: {  	v11 =	vld.idx.msk [tilespmem:v31+s16+$0x0], $0xffff  }
0x85: {  	v12 =	vand.u32 $0x7F, v12;
	v28 =	vor.u32 $0x2, v1  }
0x86: {  	v12 =	vor.u32 v12, v14;
	_ =	sdelay $0x3  }
0x87: {  	[tilespmem:v28+s19+$0x0] =	vst.idx.msk $0xffff, v11  }
0x88: {  	v11 =	vld.idx.msk [tilespmem:v12+s16+$0x0], $0xffff  }
0x89: {  	v13 =	vand.u32 $0x7F, v13;
	v12 =	vor.u32 $0x3, v1  }
0x8a: {  	v13 =	vor.u32 v13, v15;
	_ =	sdelay $0x3  }
0x8b: {  	[tilespmem:v12+s19+$0x0] =	vst.idx.msk $0xffff, v11  }
0x8c: {  	v11 =	vld.idx.msk [tilespmem:v13+s16+$0x0], $0xffff  }
0x8d: {  	v12 =	vor.u32 $0x4, v1;
	v13 =	vand.u32 $0x7F, v16  }
0x8e: {  	v13 =	vor.u32 v13, v19;
	_ =	sdelay $0x3  }
0x8f: {  	[tilespmem:v12+s19+$0x0] =	vst.idx.msk $0xffff, v11  }
0x90: {  	v11 =	vld.idx.msk [tilespmem:v13+s16+$0x0], $0xffff  }
0x91: {  	v12 =	vor.u32 $0x5, v1;
	v13 =	vand.u32 $0x7F, v17  }
0x92: {  	v13 =	vor.u32 v13, v20;
	_ =	sdelay $0x3  }
0x93: {  	[tilespmem:v12+s19+$0x0] =	vst.idx.msk $0xffff, v11  }
0x94: {  	v11 =	vld.idx.msk [tilespmem:v13+s16+$0x0], $0xffff  }
0x95: {  	v12 =	vor.u32 $0x6, v1;
	v13 =	vand.u32 $0x7F, v18  }
0x96: {  	v13 =	vor.u32 v13, v21;
	_ =	sdelay $0x3  }
0x97: {  	[tilespmem:v12+s19+$0x0] =	vst.idx.msk $0xffff, v11  }
0x98: {  	v11 =	vld.idx.msk [tilespmem:v13+s16+$0x0], $0xffff  }
0x99: {  	v12 =	vor.u32 $0x7, v1;
	v13 =	vand.u32 $0x7F, v22  }
0x9a: {  	v13 =	vor.u32 v13, v25;
	_ =	sdelay $0x3  }
0x9b: {  	[tilespmem:v12+s19+$0x0] =	vst.idx.msk $0xffff, v11  }
0x9c: {  	v11 =	vld.idx.msk [tilespmem:v13+s16+$0x0], $0xffff  }
0x9d: {  	v12 =	vor.u32 $0x8, v1;
	v13 =	vand.u32 $0x7F, v23  }
0x9e: {  	v13 =	vor.u32 v13, v26;
	_ =	sdelay $0x3  }
0x9f: {  	[tilespmem:v12+s19+$0x0] =	vst.idx.msk $0xffff, v11  }
0xa0: {  	v11 =	vld.idx.msk [tilespmem:v13+s16+$0x0], $0xffff  }
0xa1: {  	v12 =	vor.u32 $0x9, v1;
	v13 =	vand.u32 $0x7F, v24  }
0xa2: {  	v13 =	vor.u32 v13, v27;
	_ =	sdelay $0x3  }
0xa3: {  	[tilespmem:v12+s19+$0x0] =	vst.idx.msk $0xffff, v11  }
0xa4: {  	v11 =	vld.idx.msk [tilespmem:v13+s16+$0x0], $0xffff  }
0xa5: {  	v9 =	vand.u32 $0x7F, v9;
	v12 =	vor.u32 $0xA, v1  }
0xa6: {  	v9 =	vor.u32 v9, v29;
	_ =	sdelay $0x3  }
0xa7: {  	[tilespmem:v12+s19+$0x0] =	vst.idx.msk $0xffff, v11  }
0xa8: {  	v9 =	vld.idx.msk [tilespmem:v9+s16+$0x0], $0xffff  }
0xa9: {  	v8 =	vand.u32 $0x7F, v8;
	v11 =	vor.u32 $0xB, v1  }
0xaa: {  	v8 =	vor.u32 v8, v10;
	_ =	sdelay $0x3  }
0xab: {  	[tilespmem:v11+s19+$0x0] =	vst.idx.msk $0xffff, v9  }
0xac: {  	v8 =	vld.idx.msk [tilespmem:v8+s16+$0x0], $0xffff  }
0xad: {  	v4 =	vand.u32 $0x7F, v4;
	v9 =	vor.u32 $0xC, v1  }
0xae: {  	v4 =	vor.u32 v4, v7;
	_ =	sdelay $0x3  }
0xaf: {  	[tilespmem:v9+s19+$0x0] =	vst.idx.msk $0xffff, v8  }
0xb0: {  	v4 =	vld.idx.msk [tilespmem:v4+s16+$0x0], $0xffff  }
0xb1: {  	v7 =	vor.u32 $0xD, v1;
	v5 =	vand.u32 $0x7F, v5  }
0xb2: {  	v5 =	vor.u32 v5, v6;
	_ =	sdelay $0x3  }
0xb3: {  	[tilespmem:v7+s19+$0x0] =	vst.idx.msk $0xffff, v4  }
0xb4: {  	v4 =	vld.idx.msk [tilespmem:v5+s16+$0x0], $0xffff  }
0xb5: {  	v2 =	vand.u32 $0x7F, v2;
	v5 =	vor.u32 $0xE, v1  }
0xb6: {  	v2 =	vor.u32 v2, v3;
	_ =	sdelay $0x1  }
.Ltmp0:
0xb7: {  	(pc) =	sbr.rel @p0 .LBB2_2-.Ltmp0, $4  }
0xb8: {  	_ = 	snop  }
0xb9: {  	[tilespmem:v5+s19+$0x0] =	vst.idx.msk $0xffff, v4  }
0xba: {  	v2 =	vld.idx.msk [tilespmem:v2+s16+$0x0], $0xffff  }
0xbb: {  	v1 =	vor.u32 $0xF, v1  }
0xbc: {  	_ =	sdelay $0x3  }
0xbd: {  	s20 =	simm.s32 $0x100;
	[tilespmem:v1+s19+$0x0] =	vst.idx.msk $0xffff, v2  }
0xbe: {  	[tilespmem:s16], [sflag:$0x1] =	stream.indirect.gather [hbm4b:s3+s15], $0x80, s20, s15, $0xb8;
	[tilespmem:$0xC800] =	vst v63  }
0xbf: {  	_ =	swait.ge [sflag:s21], $0x4000  }
0xc0: {  	[sflag:s21] =	ssyncset.done $0x0  }
0xc1: {  	s20 =	simm.s32 $0x480;
	[sflag:s21] =	ssyncadd.s32 $0xFFFFC000  }
0xc2: {  	v1 =	vld [tilespmem:s20+$0x0];
	_ =	sdelay $0x2  }
0xc3: {  	s23 =	simm.s32 $0x0  }
0xc4: {  	v2 =	vor.u32 s23, v0  }
0xc5: {  	v4 =	vshll.u32 v2, $0x7;
	v3 =	vand.u32 $0xFFFFFF80, v1  }
0xc6: {  	v5 =	vand.u32 $0x7F, v1;
	v3 =	vadd.s32 v4, v3  }
0xc7: {  	v3 =	vor.u32 v5, v3;
	_ =	sdelay $0x2  }
0xc8: {  	v23 =	vadd.s32 $0x1, v1  }
0xc9: {  	v6 =	vand.u32 $0xFFFFFF80, v23  }
0xca: {  	v7 =	vshll.u32 v2, $0x4;
	v2 =	vand.u32 $0x7F, v23;
	v6 =	vadd.s32 v4, v6;
	v3 =	vld.idx.msk [tilespmem:v3+s17+$0x0], $0xffff  }
0xcb: {  	v2 =	vor.u32 v2, v6;
	_ =	sdelay $0x2  }
0xcc: {  	v24 =	vadd.s32 $0x2, v1  }
0xcd: {  	v25 =	vand.u32 $0xFFFFFF80, v24;
	[tilespmem:v7+s22+$0x0] =	vst.idx.msk $0xffff, v3  }
0xce: {  	v26 =	vor.u32 $0x1, v7;
	v5 =	vand.u32 $0x7F, v24;
	v3 =	vadd.s32 v4, v25;
	v2 =	vld.idx.msk [tilespmem:v2+s17+$0x0], $0xffff  }
0xcf: {  	v3 =	vor.u32 v5, v3;
	_ =	sdelay $0x2  }
0xd0: {  	v27 =	vadd.s32 $0x3, v1  }
0xd1: {  	v8 =	vand.u32 $0xFFFFFF80, v27;
	[tilespmem:v26+s22+$0x0] =	vst.idx.msk $0xffff, v2  }
0xd2: {  	v28 =	vor.u32 $0x2, v7;
	v5 =	vand.u32 $0x7F, v27;
	v2 =	vadd.s32 v4, v8;
	v3 =	vld.idx.msk [tilespmem:v3+s17+$0x0], $0xffff  }
0xd3: {  	v2 =	vor.u32 v5, v2;
	_ =	sdelay $0x2  }
0xd4: {  	v29 =	vadd.s32 $0x4, v1  }
0xd5: {  	v30 =	vand.u32 $0xFFFFFF80, v29;
	[tilespmem:v28+s22+$0x0] =	vst.idx.msk $0xffff, v3  }
0xd6: {  	v31 =	vor.u32 $0x3, v7;
	v5 =	vand.u32 $0x7F, v29;
	v3 =	vadd.s32 v4, v30;
	v2 =	vld.idx.msk [tilespmem:v2+s17+$0x0], $0xffff  }
0xd7: {  	v3 =	vor.u32 v5, v3;
	_ =	sdelay $0x2  }
0xd8: {  	v32 =	vadd.s32 $0x5, v1  }
0xd9: {  	v33 =	vand.u32 $0xFFFFFF80, v32;
	[tilespmem:v31+s22+$0x0] =	vst.idx.msk $0xffff, v2  }
0xda: {  	v34 =	vor.u32 $0x4, v7;
	v5 =	vand.u32 $0x7F, v32;
	v2 =	vadd.s32 v4, v33;
	v3 =	vld.idx.msk [tilespmem:v3+s17+$0x0], $0xffff  }
0xdb: {  	v2 =	vor.u32 v5, v2;
	_ =	sdelay $0x2  }
0xdc: {  	v35 =	vadd.s32 $0x6, v1  }
0xdd: {  	v36 =	vand.u32 $0xFFFFFF80, v35;
	[tilespmem:v34+s22+$0x0] =	vst.idx.msk $0xffff, v3  }
0xde: {  	v37 =	vor.u32 $0x5, v7;
	v5 =	vand.u32 $0x7F, v35;
	v3 =	vadd.s32 v4, v36;
	v2 =	vld.idx.msk [tilespmem:v2+s17+$0x0], $0xffff  }
0xdf: {  	v3 =	vor.u32 v5, v3;
	_ =	sdelay $0x2  }
0xe0: {  	v38 =	vadd.s32 $0x7, v1  }
0xe1: {  	v39 =	vand.u32 $0xFFFFFF80, v38;
	[tilespmem:v37+s22+$0x0] =	vst.idx.msk $0xffff, v2  }
0xe2: {  	v40 =	vor.u32 $0x6, v7;
	v5 =	vand.u32 $0x7F, v38;
	v2 =	vadd.s32 v4, v39;
	v3 =	vld.idx.msk [tilespmem:v3+s17+$0x0], $0xffff  }
0xe3: {  	v2 =	vor.u32 v5, v2;
	_ =	sdelay $0x2  }
0xe4: {  	v41 =	vadd.s32 $0x8, v1  }
0xe5: {  	v42 =	vand.u32 $0xFFFFFF80, v41;
	[tilespmem:v40+s22+$0x0] =	vst.idx.msk $0xffff, v3  }
0xe6: {  	v43 =	vor.u32 $0x7, v7;
	v5 =	vand.u32 $0x7F, v41;
	v3 =	vadd.s32 v4, v42;
	v2 =	vld.idx.msk [tilespmem:v2+s17+$0x0], $0xffff  }
0xe7: {  	v3 =	vor.u32 v5, v3;
	_ =	sdelay $0x2  }
0xe8: {  	v44 =	vadd.s32 $0x9, v1  }
0xe9: {  	v45 =	vand.u32 $0xFFFFFF80, v44;
	[tilespmem:v43+s22+$0x0] =	vst.idx.msk $0xffff, v2  }
0xea: {  	v46 =	vor.u32 $0x8, v7;
	v5 =	vand.u32 $0x7F, v44;
	v2 =	vadd.s32 v4, v45;
	v3 =	vld.idx.msk [tilespmem:v3+s17+$0x0], $0xffff  }
0xeb: {  	v2 =	vor.u32 v5, v2;
	_ =	sdelay $0x2  }
0xec: {  	v47 =	vadd.s32 $0xA, v1  }
0xed: {  	v48 =	vand.u32 $0xFFFFFF80, v47;
	[tilespmem:v46+s22+$0x0] =	vst.idx.msk $0xffff, v3  }
0xee: {  	v49 =	vor.u32 $0x9, v7;
	v5 =	vand.u32 $0x7F, v47;
	v3 =	vadd.s32 v4, v48;
	v2 =	vld.idx.msk [tilespmem:v2+s17+$0x0], $0xffff  }
0xef: {  	v3 =	vor.u32 v5, v3;
	_ =	sdelay $0x2  }
0xf0: {  	v50 =	vadd.s32 $0xB, v1  }
0xf1: {  	v51 =	vand.u32 $0xFFFFFF80, v50;
	[tilespmem:v49+s22+$0x0] =	vst.idx.msk $0xffff, v2  }
0xf2: {  	v52 =	vor.u32 $0xA, v7;
	v5 =	vand.u32 $0x7F, v50;
	v2 =	vadd.s32 v4, v51;
	v3 =	vld.idx.msk [tilespmem:v3+s17+$0x0], $0xffff  }
0xf3: {  	v2 =	vor.u32 v5, v2;
	_ =	sdelay $0x2  }
0xf4: {  	v53 =	vadd.s32 $0xC, v1  }
0xf5: {  	v54 =	vand.u32 $0xFFFFFF80, v53;
	[tilespmem:v52+s22+$0x0] =	vst.idx.msk $0xffff, v3  }
0xf6: {  	v55 =	vor.u32 $0xB, v7;
	v5 =	vand.u32 $0x7F, v53;
	v3 =	vadd.s32 v4, v54;
	v2 =	vld.idx.msk [tilespmem:v2+s17+$0x0], $0xffff  }
0xf7: {  	v3 =	vor.u32 v5, v3;
	_ =	sdelay $0x2  }
0xf8: {  	v56 =	vadd.s32 $0xD, v1  }
0xf9: {  	v57 =	vand.u32 $0xFFFFFF80, v56;
	[tilespmem:v55+s22+$0x0] =	vst.idx.msk $0xffff, v2  }
0xfa: {  	v58 =	vor.u32 $0xC, v7;
	v5 =	vand.u32 $0x7F, v56;
	v2 =	vadd.s32 v4, v57;
	v3 =	vld.idx.msk [tilespmem:v3+s17+$0x0], $0xffff  }
0xfb: {  	v2 =	vor.u32 v5, v2;
	_ =	sdelay $0x2  }
0xfc: {  	v59 =	vadd.s32 $0xE, v1  }
0xfd: {  	v60 =	vand.u32 $0xFFFFFF80, v59;
	[tilespmem:v58+s22+$0x0] =	vst.idx.msk $0xffff, v3  }
0xfe: {  	v61 =	vor.u32 $0xD, v7;
	v5 =	vand.u32 $0x7F, v59;
	v3 =	vadd.s32 v4, v60;
	v2 =	vld.idx.msk [tilespmem:v2+s17+$0x0], $0xffff  }
0xff: {  	v3 =	vor.u32 v5, v3;
	_ =	sdelay $0x2  }
0x100: {  	v1 =	vadd.s32 $0xF, v1  }
0x101: {  	v62 =	vand.u32 $0xFFFFFF80, v1;
	[tilespmem:v61+s22+$0x0] =	vst.idx.msk $0xffff, v2  }
0x102: {  	v63 =	vor.u32 $0xE, v7;
	v1 =	vand.u32 $0x7F, v1;
	v2 =	vadd.s32 v4, v62;
	v3 =	vld.idx.msk [tilespmem:v3+s17+$0x0], $0xffff  }
0x103: {  	v1 =	vor.u32 v1, v2;
	_ =	sdelay $0x3  }
0x104: {  	[tilespmem:v63+s22+$0x0] =	vst.idx.msk $0xffff, v3  }
0x105: {  	s23 =	simm.s32 $0x10;
	v2 =	vld.idx.msk [tilespmem:v1+s17+$0x0], $0xffff;
	v1 =	vor.u32 $0xF, v7  }
.LBB2_4:
0x106: {  	_ =	sdelay $0x2  }
0x107: {  	p0 =	sne.s32 s23, $0x70  }
0x108: {  	s20 =	sadd.s32 $0x10, s20;
	s26 =	smov.u32 s23;
	s23 =	sadd.s32 $0x10, s23;
	[tilespmem:v1+s22+$0x0] =	vst.idx.msk $0xffff, v2  }
0x109: {  	v2 =	vld [tilespmem:s20+$0x0];
	_ =	sdelay $0x3  }
0x10a: {  	v1 =	vor.u32 s26, v0  }
0x10b: {  	v11 =	vshll.u32 v1, $0x7;
	v3 =	vand.u32 $0xFFFFFF80, v2;
	v4 =	vadd.s32 $0x1, v2  }
0x10c: {  	v5 =	vand.u32 $0x7F, v2;
	v3 =	vadd.s32 v11, v3;
	v6 =	vand.u32 $0xFFFFFF80, v4  }
0x10d: {  	v3 =	vor.u32 v5, v3;
	v5 =	vadd.s32 v11, v6;
	v6 =	vadd.s32 $0x2, v2  }
0x10e: {  	v12 =	vadd.s32 $0x3, v2;
	v13 =	vadd.s32 $0x4, v2;
	v7 =	vand.u32 $0xFFFFFF80, v6  }
0x10f: {  	v8 =	vand.u32 $0xFFFFFF80, v12;
	v9 =	vand.u32 $0xFFFFFF80, v13;
	v7 =	vadd.s32 v11, v7  }
0x110: {  	v16 =	vadd.s32 $0x5, v2;
	v14 =	vadd.s32 v11, v8;
	v15 =	vadd.s32 v11, v9  }
0x111: {  	v17 =	vadd.s32 $0x6, v2;
	v18 =	vadd.s32 $0x7, v2;
	v8 =	vand.u32 $0xFFFFFF80, v16  }
0x112: {  	v9 =	vand.u32 $0xFFFFFF80, v18;
	v19 =	vadd.s32 v11, v8;
	v8 =	vand.u32 $0xFFFFFF80, v17;
	v3 =	vld.idx.msk [tilespmem:v3+s17+$0x0], $0xffff  }
0x113: {  	v1 =	vshll.u32 v1, $0x4;
	v4 =	vand.u32 $0x7F, v4;
	v20 =	vadd.s32 v11, v8  }
0x114: {  	v22 =	vadd.s32 $0x8, v2;
	v5 =	vor.u32 v4, v5;
	v21 =	vadd.s32 v11, v9  }
0x115: {  	v23 =	vadd.s32 $0x9, v2;
	v24 =	vadd.s32 $0xA, v2;
	v4 =	vand.u32 $0xFFFFFF80, v22  }
0x116: {  	v25 =	vadd.s32 v11, v4;
	v4 =	vand.u32 $0xFFFFFF80, v23;
	v8 =	vand.u32 $0xFFFFFF80, v24  }
0x117: {  	v9 =	vadd.s32 $0xB, v2;
	v26 =	vadd.s32 v11, v4;
	v27 =	vadd.s32 v11, v8  }
0x118: {  	v8 =	vadd.s32 $0xC, v2;
	v4 =	vadd.s32 $0xD, v2;
	[tilespmem:v1+s22+$0x0] =	vst.idx.msk $0xffff, v3;
	v3 =	vand.u32 $0xFFFFFF80, v9  }
0x119: {  	v28 =	vld.idx.msk [tilespmem:v5+s17+$0x0], $0xffff;
	v29 =	vadd.s32 v11, v3;
	v3 =	vand.u32 $0xFFFFFF80, v8;
	v5 =	vand.u32 $0xFFFFFF80, v4  }
0x11a: {  	v30 =	vor.u32 $0x1, v1;
	v6 =	vand.u32 $0x7F, v6;
	v10 =	vadd.s32 v11, v3  }
0x11b: {  	v31 =	vor.u32 v6, v7;
	v7 =	vadd.s32 v11, v5;
	v5 =	vadd.s32 $0xE, v2  }
0x11c: {  	v2 =	vadd.s32 $0xF, v2;
	v3 =	vand.u32 $0xFFFFFF80, v5  }
0x11d: {  	v6 =	vadd.s32 v11, v3;
	v3 =	vand.u32 $0xFFFFFF80, v2  }
0x11e: {  	v3 =	vadd.s32 v11, v3  }
0x11f: {  	[tilespmem:v30+s22+$0x0] =	vst.idx.msk $0xffff, v28  }
0x120: {  	v11 =	vld.idx.msk [tilespmem:v31+s17+$0x0], $0xffff  }
0x121: {  	v12 =	vand.u32 $0x7F, v12;
	v28 =	vor.u32 $0x2, v1  }
0x122: {  	v12 =	vor.u32 v12, v14;
	_ =	sdelay $0x3  }
0x123: {  	[tilespmem:v28+s22+$0x0] =	vst.idx.msk $0xffff, v11  }
0x124: {  	v11 =	vld.idx.msk [tilespmem:v12+s17+$0x0], $0xffff  }
0x125: {  	v13 =	vand.u32 $0x7F, v13;
	v12 =	vor.u32 $0x3, v1  }
0x126: {  	v13 =	vor.u32 v13, v15;
	_ =	sdelay $0x3  }
0x127: {  	[tilespmem:v12+s22+$0x0] =	vst.idx.msk $0xffff, v11  }
0x128: {  	v11 =	vld.idx.msk [tilespmem:v13+s17+$0x0], $0xffff  }
0x129: {  	v12 =	vor.u32 $0x4, v1;
	v13 =	vand.u32 $0x7F, v16  }
0x12a: {  	v13 =	vor.u32 v13, v19;
	_ =	sdelay $0x3  }
0x12b: {  	[tilespmem:v12+s22+$0x0] =	vst.idx.msk $0xffff, v11  }
0x12c: {  	v11 =	vld.idx.msk [tilespmem:v13+s17+$0x0], $0xffff  }
0x12d: {  	v12 =	vor.u32 $0x5, v1;
	v13 =	vand.u32 $0x7F, v17  }
0x12e: {  	v13 =	vor.u32 v13, v20;
	_ =	sdelay $0x3  }
0x12f: {  	[tilespmem:v12+s22+$0x0] =	vst.idx.msk $0xffff, v11  }
0x130: {  	v11 =	vld.idx.msk [tilespmem:v13+s17+$0x0], $0xffff  }
0x131: {  	v12 =	vor.u32 $0x6, v1;
	v13 =	vand.u32 $0x7F, v18  }
0x132: {  	v13 =	vor.u32 v13, v21;
	_ =	sdelay $0x3  }
0x133: {  	[tilespmem:v12+s22+$0x0] =	vst.idx.msk $0xffff, v11  }
0x134: {  	v11 =	vld.idx.msk [tilespmem:v13+s17+$0x0], $0xffff  }
0x135: {  	v12 =	vor.u32 $0x7, v1;
	v13 =	vand.u32 $0x7F, v22  }
0x136: {  	v13 =	vor.u32 v13, v25;
	_ =	sdelay $0x3  }
0x137: {  	[tilespmem:v12+s22+$0x0] =	vst.idx.msk $0xffff, v11  }
0x138: {  	v11 =	vld.idx.msk [tilespmem:v13+s17+$0x0], $0xffff  }
0x139: {  	v12 =	vor.u32 $0x8, v1;
	v13 =	vand.u32 $0x7F, v23  }
0x13a: {  	v13 =	vor.u32 v13, v26;
	_ =	sdelay $0x3  }
0x13b: {  	[tilespmem:v12+s22+$0x0] =	vst.idx.msk $0xffff, v11  }
0x13c: {  	v11 =	vld.idx.msk [tilespmem:v13+s17+$0x0], $0xffff  }
0x13d: {  	v12 =	vor.u32 $0x9, v1;
	v13 =	vand.u32 $0x7F, v24  }
0x13e: {  	v13 =	vor.u32 v13, v27;
	_ =	sdelay $0x3  }
0x13f: {  	[tilespmem:v12+s22+$0x0] =	vst.idx.msk $0xffff, v11  }
0x140: {  	v11 =	vld.idx.msk [tilespmem:v13+s17+$0x0], $0xffff  }
0x141: {  	v9 =	vand.u32 $0x7F, v9;
	v12 =	vor.u32 $0xA, v1  }
0x142: {  	v9 =	vor.u32 v9, v29;
	_ =	sdelay $0x3  }
0x143: {  	[tilespmem:v12+s22+$0x0] =	vst.idx.msk $0xffff, v11  }
0x144: {  	v9 =	vld.idx.msk [tilespmem:v9+s17+$0x0], $0xffff  }
0x145: {  	v8 =	vand.u32 $0x7F, v8;
	v11 =	vor.u32 $0xB, v1  }
0x146: {  	v8 =	vor.u32 v8, v10;
	_ =	sdelay $0x3  }
0x147: {  	[tilespmem:v11+s22+$0x0] =	vst.idx.msk $0xffff, v9  }
0x148: {  	v8 =	vld.idx.msk [tilespmem:v8+s17+$0x0], $0xffff  }
0x149: {  	v4 =	vand.u32 $0x7F, v4;
	v9 =	vor.u32 $0xC, v1  }
0x14a: {  	v4 =	vor.u32 v4, v7;
	_ =	sdelay $0x3  }
0x14b: {  	[tilespmem:v9+s22+$0x0] =	vst.idx.msk $0xffff, v8  }
0x14c: {  	v4 =	vld.idx.msk [tilespmem:v4+s17+$0x0], $0xffff  }
0x14d: {  	v7 =	vor.u32 $0xD, v1;
	v5 =	vand.u32 $0x7F, v5  }
0x14e: {  	v5 =	vor.u32 v5, v6;
	_ =	sdelay $0x3  }
0x14f: {  	[tilespmem:v7+s22+$0x0] =	vst.idx.msk $0xffff, v4  }
0x150: {  	v4 =	vld.idx.msk [tilespmem:v5+s17+$0x0], $0xffff  }
0x151: {  	v2 =	vand.u32 $0x7F, v2;
	v5 =	vor.u32 $0xE, v1  }
0x152: {  	v2 =	vor.u32 v2, v3;
	_ =	sdelay $0x1  }
.Ltmp1:
0x153: {  	(pc) =	sbr.rel @p0 .LBB2_4-.Ltmp1, $4  }
0x154: {  	_ = 	snop  }
0x155: {  	[tilespmem:v5+s22+$0x0] =	vst.idx.msk $0xffff, v4  }
0x156: {  	v2 =	vld.idx.msk [tilespmem:v2+s17+$0x0], $0xffff  }
0x157: {  	v1 =	vor.u32 $0xF, v1  }
0x158: {  	_ =	sdelay $0x3  }
0x159: {  	s20 =	simm.s32 $0x180;
	[tilespmem:v1+s22+$0x0] =	vst.idx.msk $0xffff, v2  }
0x15a: {  	[tilespmem:s17], [sflag:$0x2] =	stream.indirect.gather [hbm4b:s3+s15], $0x80, s20, s15, $0xb8;
	[tilespmem:$0xC800] =	vst v63  }
0x15b: {  	_ =	swait.ge [sflag:s18], $0x4000  }
0x15c: {  	[sflag:s18] =	ssyncset.done $0x0  }
0x15d: {  	s20 =	simm.s32 $0x500;
	[sflag:s18] =	ssyncadd.s32 $0xFFFFC000  }
0x15e: {  	v1 =	vld [tilespmem:s20+$0x0];
	_ =	sdelay $0x2  }
0x15f: {  	s23 =	simm.s32 $0x0  }
0x160: {  	v2 =	vor.u32 s23, v0  }
0x161: {  	v4 =	vshll.u32 v2, $0x7;
	v3 =	vand.u32 $0xFFFFFF80, v1  }
0x162: {  	v5 =	vand.u32 $0x7F, v1;
	v3 =	vadd.s32 v4, v3  }
0x163: {  	v3 =	vor.u32 v5, v3;
	_ =	sdelay $0x2  }
0x164: {  	v23 =	vadd.s32 $0x1, v1  }
0x165: {  	v6 =	vand.u32 $0xFFFFFF80, v23  }
0x166: {  	v7 =	vshll.u32 v2, $0x4;
	v2 =	vand.u32 $0x7F, v23;
	v6 =	vadd.s32 v4, v6;
	v3 =	vld.idx.msk [tilespmem:v3+s16+$0x0], $0xffff  }
0x167: {  	v2 =	vor.u32 v2, v6;
	_ =	sdelay $0x2  }
0x168: {  	v24 =	vadd.s32 $0x2, v1  }
0x169: {  	v25 =	vand.u32 $0xFFFFFF80, v24;
	[tilespmem:v7+s24+$0x0] =	vst.idx.msk $0xffff, v3  }
0x16a: {  	v26 =	vor.u32 $0x1, v7;
	v5 =	vand.u32 $0x7F, v24;
	v3 =	vadd.s32 v4, v25;
	v2 =	vld.idx.msk [tilespmem:v2+s16+$0x0], $0xffff  }
0x16b: {  	v3 =	vor.u32 v5, v3;
	_ =	sdelay $0x2  }
0x16c: {  	v27 =	vadd.s32 $0x3, v1  }
0x16d: {  	v8 =	vand.u32 $0xFFFFFF80, v27;
	[tilespmem:v26+s24+$0x0] =	vst.idx.msk $0xffff, v2  }
0x16e: {  	v28 =	vor.u32 $0x2, v7;
	v5 =	vand.u32 $0x7F, v27;
	v2 =	vadd.s32 v4, v8;
	v3 =	vld.idx.msk [tilespmem:v3+s16+$0x0], $0xffff  }
0x16f: {  	v2 =	vor.u32 v5, v2;
	_ =	sdelay $0x2  }
0x170: {  	v29 =	vadd.s32 $0x4, v1  }
0x171: {  	v30 =	vand.u32 $0xFFFFFF80, v29;
	[tilespmem:v28+s24+$0x0] =	vst.idx.msk $0xffff, v3  }
0x172: {  	v31 =	vor.u32 $0x3, v7;
	v5 =	vand.u32 $0x7F, v29;
	v3 =	vadd.s32 v4, v30;
	v2 =	vld.idx.msk [tilespmem:v2+s16+$0x0], $0xffff  }
0x173: {  	v3 =	vor.u32 v5, v3;
	_ =	sdelay $0x2  }
0x174: {  	v32 =	vadd.s32 $0x5, v1  }
0x175: {  	v33 =	vand.u32 $0xFFFFFF80, v32;
	[tilespmem:v31+s24+$0x0] =	vst.idx.msk $0xffff, v2  }
0x176: {  	v34 =	vor.u32 $0x4, v7;
	v5 =	vand.u32 $0x7F, v32;
	v2 =	vadd.s32 v4, v33;
	v3 =	vld.idx.msk [tilespmem:v3+s16+$0x0], $0xffff  }
0x177: {  	v2 =	vor.u32 v5, v2;
	_ =	sdelay $0x2  }
0x178: {  	v35 =	vadd.s32 $0x6, v1  }
0x179: {  	v36 =	vand.u32 $0xFFFFFF80, v35;
	[tilespmem:v34+s24+$0x0] =	vst.idx.msk $0xffff, v3  }
0x17a: {  	v37 =	vor.u32 $0x5, v7;
	v5 =	vand.u32 $0x7F, v35;
	v3 =	vadd.s32 v4, v36;
	v2 =	vld.idx.msk [tilespmem:v2+s16+$0x0], $0xffff  }
0x17b: {  	v3 =	vor.u32 v5, v3;
	_ =	sdelay $0x2  }
0x17c: {  	v38 =	vadd.s32 $0x7, v1  }
0x17d: {  	v39 =	vand.u32 $0xFFFFFF80, v38;
	[tilespmem:v37+s24+$0x0] =	vst.idx.msk $0xffff, v2  }
0x17e: {  	v40 =	vor.u32 $0x6, v7;
	v5 =	vand.u32 $0x7F, v38;
	v2 =	vadd.s32 v4, v39;
	v3 =	vld.idx.msk [tilespmem:v3+s16+$0x0], $0xffff  }
0x17f: {  	v2 =	vor.u32 v5, v2;
	_ =	sdelay $0x2  }
0x180: {  	v41 =	vadd.s32 $0x8, v1  }
0x181: {  	v42 =	vand.u32 $0xFFFFFF80, v41;
	[tilespmem:v40+s24+$0x0] =	vst.idx.msk $0xffff, v3  }
0x182: {  	v43 =	vor.u32 $0x7, v7;
	v5 =	vand.u32 $0x7F, v41;
	v3 =	vadd.s32 v4, v42;
	v2 =	vld.idx.msk [tilespmem:v2+s16+$0x0], $0xffff  }
0x183: {  	v3 =	vor.u32 v5, v3;
	_ =	sdelay $0x2  }
0x184: {  	v44 =	vadd.s32 $0x9, v1  }
0x185: {  	v45 =	vand.u32 $0xFFFFFF80, v44;
	[tilespmem:v43+s24+$0x0] =	vst.idx.msk $0xffff, v2  }
0x186: {  	v46 =	vor.u32 $0x8, v7;
	v5 =	vand.u32 $0x7F, v44;
	v2 =	vadd.s32 v4, v45;
	v3 =	vld.idx.msk [tilespmem:v3+s16+$0x0], $0xffff  }
0x187: {  	v2 =	vor.u32 v5, v2;
	_ =	sdelay $0x2  }
0x188: {  	v47 =	vadd.s32 $0xA, v1  }
0x189: {  	v48 =	vand.u32 $0xFFFFFF80, v47;
	[tilespmem:v46+s24+$0x0] =	vst.idx.msk $0xffff, v3  }
0x18a: {  	v49 =	vor.u32 $0x9, v7;
	v5 =	vand.u32 $0x7F, v47;
	v3 =	vadd.s32 v4, v48;
	v2 =	vld.idx.msk [tilespmem:v2+s16+$0x0], $0xffff  }
0x18b: {  	v3 =	vor.u32 v5, v3;
	_ =	sdelay $0x2  }
0x18c: {  	v50 =	vadd.s32 $0xB, v1  }
0x18d: {  	v51 =	vand.u32 $0xFFFFFF80, v50;
	[tilespmem:v49+s24+$0x0] =	vst.idx.msk $0xffff, v2  }
0x18e: {  	v52 =	vor.u32 $0xA, v7;
	v5 =	vand.u32 $0x7F, v50;
	v2 =	vadd.s32 v4, v51;
	v3 =	vld.idx.msk [tilespmem:v3+s16+$0x0], $0xffff  }
0x18f: {  	v2 =	vor.u32 v5, v2;
	_ =	sdelay $0x2  }
0x190: {  	v53 =	vadd.s32 $0xC, v1  }
0x191: {  	v54 =	vand.u32 $0xFFFFFF80, v53;
	[tilespmem:v52+s24+$0x0] =	vst.idx.msk $0xffff, v3  }
0x192: {  	v55 =	vor.u32 $0xB, v7;
	v5 =	vand.u32 $0x7F, v53;
	v3 =	vadd.s32 v4, v54;
	v2 =	vld.idx.msk [tilespmem:v2+s16+$0x0], $0xffff  }
0x193: {  	v3 =	vor.u32 v5, v3;
	_ =	sdelay $0x2  }
0x194: {  	v56 =	vadd.s32 $0xD, v1  }
0x195: {  	v57 =	vand.u32 $0xFFFFFF80, v56;
	[tilespmem:v55+s24+$0x0] =	vst.idx.msk $0xffff, v2  }
0x196: {  	v58 =	vor.u32 $0xC, v7;
	v5 =	vand.u32 $0x7F, v56;
	v2 =	vadd.s32 v4, v57;
	v3 =	vld.idx.msk [tilespmem:v3+s16+$0x0], $0xffff  }
0x197: {  	v2 =	vor.u32 v5, v2;
	_ =	sdelay $0x2  }
0x198: {  	v59 =	vadd.s32 $0xE, v1  }
0x199: {  	v60 =	vand.u32 $0xFFFFFF80, v59;
	[tilespmem:v58+s24+$0x0] =	vst.idx.msk $0xffff, v3  }
0x19a: {  	v61 =	vor.u32 $0xD, v7;
	v5 =	vand.u32 $0x7F, v59;
	v3 =	vadd.s32 v4, v60;
	v2 =	vld.idx.msk [tilespmem:v2+s16+$0x0], $0xffff  }
0x19b: {  	v3 =	vor.u32 v5, v3;
	_ =	sdelay $0x2  }
0x19c: {  	v1 =	vadd.s32 $0xF, v1  }
0x19d: {  	v62 =	vand.u32 $0xFFFFFF80, v1;
	[tilespmem:v61+s24+$0x0] =	vst.idx.msk $0xffff, v2  }
0x19e: {  	v63 =	vor.u32 $0xE, v7;
	v1 =	vand.u32 $0x7F, v1;
	v2 =	vadd.s32 v4, v62;
	v3 =	vld.idx.msk [tilespmem:v3+s16+$0x0], $0xffff  }
0x19f: {  	v1 =	vor.u32 v1, v2;
	_ =	sdelay $0x3  }
0x1a0: {  	[tilespmem:v63+s24+$0x0] =	vst.idx.msk $0xffff, v3  }
0x1a1: {  	s23 =	simm.s32 $0x10;
	v2 =	vld.idx.msk [tilespmem:v1+s16+$0x0], $0xffff;
	v1 =	vor.u32 $0xF, v7  }
.LBB2_6:
0x1a2: {  	_ =	sdelay $0x2  }
0x1a3: {  	p0 =	sne.s32 s23, $0x70  }
0x1a4: {  	s20 =	sadd.s32 $0x10, s20;
	s26 =	smov.u32 s23;
	s23 =	sadd.s32 $0x10, s23;
	[tilespmem:v1+s24+$0x0] =	vst.idx.msk $0xffff, v2  }
0x1a5: {  	v2 =	vld [tilespmem:s20+$0x0];
	_ =	sdelay $0x3  }
0x1a6: {  	v1 =	vor.u32 s26, v0  }
0x1a7: {  	v11 =	vshll.u32 v1, $0x7;
	v3 =	vand.u32 $0xFFFFFF80, v2;
	v4 =	vadd.s32 $0x1, v2  }
0x1a8: {  	v5 =	vand.u32 $0x7F, v2;
	v3 =	vadd.s32 v11, v3;
	v6 =	vand.u32 $0xFFFFFF80, v4  }
0x1a9: {  	v3 =	vor.u32 v5, v3;
	v5 =	vadd.s32 v11, v6;
	v6 =	vadd.s32 $0x2, v2  }
0x1aa: {  	v12 =	vadd.s32 $0x3, v2;
	v13 =	vadd.s32 $0x4, v2;
	v7 =	vand.u32 $0xFFFFFF80, v6  }
0x1ab: {  	v8 =	vand.u32 $0xFFFFFF80, v12;
	v9 =	vand.u32 $0xFFFFFF80, v13;
	v7 =	vadd.s32 v11, v7  }
0x1ac: {  	v16 =	vadd.s32 $0x5, v2;
	v14 =	vadd.s32 v11, v8;
	v15 =	vadd.s32 v11, v9  }
0x1ad: {  	v17 =	vadd.s32 $0x6, v2;
	v18 =	vadd.s32 $0x7, v2;
	v8 =	vand.u32 $0xFFFFFF80, v16  }
0x1ae: {  	v9 =	vand.u32 $0xFFFFFF80, v18;
	v19 =	vadd.s32 v11, v8;
	v8 =	vand.u32 $0xFFFFFF80, v17;
	v3 =	vld.idx.msk [tilespmem:v3+s16+$0x0], $0xffff  }
0x1af: {  	v1 =	vshll.u32 v1, $0x4;
	v4 =	vand.u32 $0x7F, v4;
	v20 =	vadd.s32 v11, v8  }
0x1b0: {  	v22 =	vadd.s32 $0x8, v2;
	v5 =	vor.u32 v4, v5;
	v21 =	vadd.s32 v11, v9  }
0x1b1: {  	v23 =	vadd.s32 $0x9, v2;
	v24 =	vadd.s32 $0xA, v2;
	v4 =	vand.u32 $0xFFFFFF80, v22  }
0x1b2: {  	v25 =	vadd.s32 v11, v4;
	v4 =	vand.u32 $0xFFFFFF80, v23;
	v8 =	vand.u32 $0xFFFFFF80, v24  }
0x1b3: {  	v9 =	vadd.s32 $0xB, v2;
	v26 =	vadd.s32 v11, v4;
	v27 =	vadd.s32 v11, v8  }
0x1b4: {  	v8 =	vadd.s32 $0xC, v2;
	v4 =	vadd.s32 $0xD, v2;
	[tilespmem:v1+s24+$0x0] =	vst.idx.msk $0xffff, v3;
	v3 =	vand.u32 $0xFFFFFF80, v9  }
0x1b5: {  	v28 =	vld.idx.msk [tilespmem:v5+s16+$0x0], $0xffff;
	v29 =	vadd.s32 v11, v3;
	v3 =	vand.u32 $0xFFFFFF80, v8;
	v5 =	vand.u32 $0xFFFFFF80, v4  }
0x1b6: {  	v30 =	vor.u32 $0x1, v1;
	v6 =	vand.u32 $0x7F, v6;
	v10 =	vadd.s32 v11, v3  }
0x1b7: {  	v31 =	vor.u32 v6, v7;
	v7 =	vadd.s32 v11, v5;
	v5 =	vadd.s32 $0xE, v2  }
0x1b8: {  	v2 =	vadd.s32 $0xF, v2;
	v3 =	vand.u32 $0xFFFFFF80, v5  }
0x1b9: {  	v6 =	vadd.s32 v11, v3;
	v3 =	vand.u32 $0xFFFFFF80, v2  }
0x1ba: {  	v3 =	vadd.s32 v11, v3  }
0x1bb: {  	[tilespmem:v30+s24+$0x0] =	vst.idx.msk $0xffff, v28  }
0x1bc: {  	v11 =	vld.idx.msk [tilespmem:v31+s16+$0x0], $0xffff  }
0x1bd: {  	v12 =	vand.u32 $0x7F, v12;
	v28 =	vor.u32 $0x2, v1  }
0x1be: {  	v12 =	vor.u32 v12, v14;
	_ =	sdelay $0x3  }
0x1bf: {  	[tilespmem:v28+s24+$0x0] =	vst.idx.msk $0xffff, v11  }
0x1c0: {  	v11 =	vld.idx.msk [tilespmem:v12+s16+$0x0], $0xffff  }
0x1c1: {  	v13 =	vand.u32 $0x7F, v13;
	v12 =	vor.u32 $0x3, v1  }
0x1c2: {  	v13 =	vor.u32 v13, v15;
	_ =	sdelay $0x3  }
0x1c3: {  	[tilespmem:v12+s24+$0x0] =	vst.idx.msk $0xffff, v11  }
0x1c4: {  	v11 =	vld.idx.msk [tilespmem:v13+s16+$0x0], $0xffff  }
0x1c5: {  	v12 =	vor.u32 $0x4, v1;
	v13 =	vand.u32 $0x7F, v16  }
0x1c6: {  	v13 =	vor.u32 v13, v19;
	_ =	sdelay $0x3  }
0x1c7: {  	[tilespmem:v12+s24+$0x0] =	vst.idx.msk $0xffff, v11  }
0x1c8: {  	v11 =	vld.idx.msk [tilespmem:v13+s16+$0x0], $0xffff  }
0x1c9: {  	v12 =	vor.u32 $0x5, v1;
	v13 =	vand.u32 $0x7F, v17  }
0x1ca: {  	v13 =	vor.u32 v13, v20;
	_ =	sdelay $0x3  }
0x1cb: {  	[tilespmem:v12+s24+$0x0] =	vst.idx.msk $0xffff, v11  }
0x1cc: {  	v11 =	vld.idx.msk [tilespmem:v13+s16+$0x0], $0xffff  }
0x1cd: {  	v12 =	vor.u32 $0x6, v1;
	v13 =	vand.u32 $0x7F, v18  }
0x1ce: {  	v13 =	vor.u32 v13, v21;
	_ =	sdelay $0x3  }
0x1cf: {  	[tilespmem:v12+s24+$0x0] =	vst.idx.msk $0xffff, v11  }
0x1d0: {  	v11 =	vld.idx.msk [tilespmem:v13+s16+$0x0], $0xffff  }
0x1d1: {  	v12 =	vor.u32 $0x7, v1;
	v13 =	vand.u32 $0x7F, v22  }
0x1d2: {  	v13 =	vor.u32 v13, v25;
	_ =	sdelay $0x3  }
0x1d3: {  	[tilespmem:v12+s24+$0x0] =	vst.idx.msk $0xffff, v11  }
0x1d4: {  	v11 =	vld.idx.msk [tilespmem:v13+s16+$0x0], $0xffff  }
0x1d5: {  	v12 =	vor.u32 $0x8, v1;
	v13 =	vand.u32 $0x7F, v23  }
0x1d6: {  	v13 =	vor.u32 v13, v26;
	_ =	sdelay $0x3  }
0x1d7: {  	[tilespmem:v12+s24+$0x0] =	vst.idx.msk $0xffff, v11  }
0x1d8: {  	v11 =	vld.idx.msk [tilespmem:v13+s16+$0x0], $0xffff  }
0x1d9: {  	v12 =	vor.u32 $0x9, v1;
	v13 =	vand.u32 $0x7F, v24  }
0x1da: {  	v13 =	vor.u32 v13, v27;
	_ =	sdelay $0x3  }
0x1db: {  	[tilespmem:v12+s24+$0x0] =	vst.idx.msk $0xffff, v11  }
0x1dc: {  	v11 =	vld.idx.msk [tilespmem:v13+s16+$0x0], $0xffff  }
0x1dd: {  	v9 =	vand.u32 $0x7F, v9;
	v12 =	vor.u32 $0xA, v1  }
0x1de: {  	v9 =	vor.u32 v9, v29;
	_ =	sdelay $0x3  }
0x1df: {  	[tilespmem:v12+s24+$0x0] =	vst.idx.msk $0xffff, v11  }
0x1e0: {  	v9 =	vld.idx.msk [tilespmem:v9+s16+$0x0], $0xffff  }
0x1e1: {  	v8 =	vand.u32 $0x7F, v8;
	v11 =	vor.u32 $0xB, v1  }
0x1e2: {  	v8 =	vor.u32 v8, v10;
	_ =	sdelay $0x3  }
0x1e3: {  	[tilespmem:v11+s24+$0x0] =	vst.idx.msk $0xffff, v9  }
0x1e4: {  	v8 =	vld.idx.msk [tilespmem:v8+s16+$0x0], $0xffff  }
0x1e5: {  	v4 =	vand.u32 $0x7F, v4;
	v9 =	vor.u32 $0xC, v1  }
0x1e6: {  	v4 =	vor.u32 v4, v7;
	_ =	sdelay $0x3  }
0x1e7: {  	[tilespmem:v9+s24+$0x0] =	vst.idx.msk $0xffff, v8  }
0x1e8: {  	v4 =	vld.idx.msk [tilespmem:v4+s16+$0x0], $0xffff  }
0x1e9: {  	v7 =	vor.u32 $0xD, v1;
	v5 =	vand.u32 $0x7F, v5  }
0x1ea: {  	v5 =	vor.u32 v5, v6;
	_ =	sdelay $0x3  }
0x1eb: {  	[tilespmem:v7+s24+$0x0] =	vst.idx.msk $0xffff, v4  }
0x1ec: {  	v4 =	vld.idx.msk [tilespmem:v5+s16+$0x0], $0xffff  }
0x1ed: {  	v2 =	vand.u32 $0x7F, v2;
	v5 =	vor.u32 $0xE, v1  }
0x1ee: {  	v2 =	vor.u32 v2, v3;
	_ =	sdelay $0x1  }
.Ltmp2:
0x1ef: {  	(pc) =	sbr.rel @p0 .LBB2_6-.Ltmp2, $4  }
0x1f0: {  	_ = 	snop  }
0x1f1: {  	[tilespmem:v5+s24+$0x0] =	vst.idx.msk $0xffff, v4  }
0x1f2: {  	v2 =	vld.idx.msk [tilespmem:v2+s16+$0x0], $0xffff  }
0x1f3: {  	v1 =	vor.u32 $0xF, v1  }
0x1f4: {  	_ =	sdelay $0x3  }
0x1f5: {  	[tilespmem:v1+s24+$0x0] =	vst.idx.msk $0xffff, v2  }
0x1f6: {  	[tilespmem:s16], [sflag:$0x1] =	stream.indirect.gather [hbm4b:s4+s15], $0x80, s13, s15, $0xb8;
	[tilespmem:$0xC800] =	vst v63  }
0x1f7: {  	_ =	swait.ge [sflag:s21], $0x4000  }
0x1f8: {  	[sflag:s21] =	ssyncset.done $0x0  }
0x1f9: {  	s20 =	simm.s32 $0x580;
	[sflag:s21] =	ssyncadd.s32 $0xFFFFC000  }
0x1fa: {  	v1 =	vld [tilespmem:s20+$0x0];
	_ =	sdelay $0x2  }
0x1fb: {  	s23 =	simm.s32 $0x0  }
0x1fc: {  	v2 =	vor.u32 s23, v0  }
0x1fd: {  	v4 =	vshll.u32 v2, $0x7;
	v3 =	vand.u32 $0xFFFFFF80, v1  }
0x1fe: {  	v5 =	vand.u32 $0x7F, v1;
	v3 =	vadd.s32 v4, v3  }
0x1ff: {  	v3 =	vor.u32 v5, v3;
	_ =	sdelay $0x2  }
0x200: {  	v23 =	vadd.s32 $0x1, v1  }
0x201: {  	v6 =	vand.u32 $0xFFFFFF80, v23  }
0x202: {  	v7 =	vshll.u32 v2, $0x4;
	v2 =	vand.u32 $0x7F, v23;
	v6 =	vadd.s32 v4, v6;
	v3 =	vld.idx.msk [tilespmem:v3+s17+$0x0], $0xffff  }
0x203: {  	v2 =	vor.u32 v2, v6;
	_ =	sdelay $0x2  }
0x204: {  	v24 =	vadd.s32 $0x2, v1  }
0x205: {  	v25 =	vand.u32 $0xFFFFFF80, v24;
	[tilespmem:v7+s25+$0x0] =	vst.idx.msk $0xffff, v3  }
0x206: {  	v26 =	vor.u32 $0x1, v7;
	v5 =	vand.u32 $0x7F, v24;
	v3 =	vadd.s32 v4, v25;
	v2 =	vld.idx.msk [tilespmem:v2+s17+$0x0], $0xffff  }
0x207: {  	v3 =	vor.u32 v5, v3;
	_ =	sdelay $0x2  }
0x208: {  	v27 =	vadd.s32 $0x3, v1  }
0x209: {  	v8 =	vand.u32 $0xFFFFFF80, v27;
	[tilespmem:v26+s25+$0x0] =	vst.idx.msk $0xffff, v2  }
0x20a: {  	v28 =	vor.u32 $0x2, v7;
	v5 =	vand.u32 $0x7F, v27;
	v2 =	vadd.s32 v4, v8;
	v3 =	vld.idx.msk [tilespmem:v3+s17+$0x0], $0xffff  }
0x20b: {  	v2 =	vor.u32 v5, v2;
	_ =	sdelay $0x2  }
0x20c: {  	v29 =	vadd.s32 $0x4, v1  }
0x20d: {  	v30 =	vand.u32 $0xFFFFFF80, v29;
	[tilespmem:v28+s25+$0x0] =	vst.idx.msk $0xffff, v3  }
0x20e: {  	v31 =	vor.u32 $0x3, v7;
	v5 =	vand.u32 $0x7F, v29;
	v3 =	vadd.s32 v4, v30;
	v2 =	vld.idx.msk [tilespmem:v2+s17+$0x0], $0xffff  }
0x20f: {  	v3 =	vor.u32 v5, v3;
	_ =	sdelay $0x2  }
0x210: {  	v32 =	vadd.s32 $0x5, v1  }
0x211: {  	v33 =	vand.u32 $0xFFFFFF80, v32;
	[tilespmem:v31+s25+$0x0] =	vst.idx.msk $0xffff, v2  }
0x212: {  	v34 =	vor.u32 $0x4, v7;
	v5 =	vand.u32 $0x7F, v32;
	v2 =	vadd.s32 v4, v33;
	v3 =	vld.idx.msk [tilespmem:v3+s17+$0x0], $0xffff  }
0x213: {  	v2 =	vor.u32 v5, v2;
	_ =	sdelay $0x2  }
0x214: {  	v35 =	vadd.s32 $0x6, v1  }
0x215: {  	v36 =	vand.u32 $0xFFFFFF80, v35;
	[tilespmem:v34+s25+$0x0] =	vst.idx.msk $0xffff, v3  }
0x216: {  	v37 =	vor.u32 $0x5, v7;
	v5 =	vand.u32 $0x7F, v35;
	v3 =	vadd.s32 v4, v36;
	v2 =	vld.idx.msk [tilespmem:v2+s17+$0x0], $0xffff  }
0x217: {  	v3 =	vor.u32 v5, v3;
	_ =	sdelay $0x2  }
0x218: {  	v38 =	vadd.s32 $0x7, v1  }
0x219: {  	v39 =	vand.u32 $0xFFFFFF80, v38;
	[tilespmem:v37+s25+$0x0] =	vst.idx.msk $0xffff, v2  }
0x21a: {  	v40 =	vor.u32 $0x6, v7;
	v5 =	vand.u32 $0x7F, v38;
	v2 =	vadd.s32 v4, v39;
	v3 =	vld.idx.msk [tilespmem:v3+s17+$0x0], $0xffff  }
0x21b: {  	v2 =	vor.u32 v5, v2;
	_ =	sdelay $0x2  }
0x21c: {  	v41 =	vadd.s32 $0x8, v1  }
0x21d: {  	v42 =	vand.u32 $0xFFFFFF80, v41;
	[tilespmem:v40+s25+$0x0] =	vst.idx.msk $0xffff, v3  }
0x21e: {  	v43 =	vor.u32 $0x7, v7;
	v5 =	vand.u32 $0x7F, v41;
	v3 =	vadd.s32 v4, v42;
	v2 =	vld.idx.msk [tilespmem:v2+s17+$0x0], $0xffff  }
0x21f: {  	v3 =	vor.u32 v5, v3;
	_ =	sdelay $0x2  }
0x220: {  	v44 =	vadd.s32 $0x9, v1  }
0x221: {  	v45 =	vand.u32 $0xFFFFFF80, v44;
	[tilespmem:v43+s25+$0x0] =	vst.idx.msk $0xffff, v2  }
0x222: {  	v46 =	vor.u32 $0x8, v7;
	v5 =	vand.u32 $0x7F, v44;
	v2 =	vadd.s32 v4, v45;
	v3 =	vld.idx.msk [tilespmem:v3+s17+$0x0], $0xffff  }
0x223: {  	v2 =	vor.u32 v5, v2;
	_ =	sdelay $0x2  }
0x224: {  	v47 =	vadd.s32 $0xA, v1  }
0x225: {  	v48 =	vand.u32 $0xFFFFFF80, v47;
	[tilespmem:v46+s25+$0x0] =	vst.idx.msk $0xffff, v3  }
0x226: {  	v49 =	vor.u32 $0x9, v7;
	v5 =	vand.u32 $0x7F, v47;
	v3 =	vadd.s32 v4, v48;
	v2 =	vld.idx.msk [tilespmem:v2+s17+$0x0], $0xffff  }
0x227: {  	v3 =	vor.u32 v5, v3;
	_ =	sdelay $0x2  }
0x228: {  	v50 =	vadd.s32 $0xB, v1  }
0x229: {  	v51 =	vand.u32 $0xFFFFFF80, v50;
	[tilespmem:v49+s25+$0x0] =	vst.idx.msk $0xffff, v2  }
0x22a: {  	v52 =	vor.u32 $0xA, v7;
	v5 =	vand.u32 $0x7F, v50;
	v2 =	vadd.s32 v4, v51;
	v3 =	vld.idx.msk [tilespmem:v3+s17+$0x0], $0xffff  }
0x22b: {  	v2 =	vor.u32 v5, v2;
	_ =	sdelay $0x2  }
0x22c: {  	v53 =	vadd.s32 $0xC, v1  }
0x22d: {  	v54 =	vand.u32 $0xFFFFFF80, v53;
	[tilespmem:v52+s25+$0x0] =	vst.idx.msk $0xffff, v3  }
0x22e: {  	v55 =	vor.u32 $0xB, v7;
	v5 =	vand.u32 $0x7F, v53;
	v3 =	vadd.s32 v4, v54;
	v2 =	vld.idx.msk [tilespmem:v2+s17+$0x0], $0xffff  }
0x22f: {  	v3 =	vor.u32 v5, v3;
	_ =	sdelay $0x2  }
0x230: {  	v56 =	vadd.s32 $0xD, v1  }
0x231: {  	v57 =	vand.u32 $0xFFFFFF80, v56;
	[tilespmem:v55+s25+$0x0] =	vst.idx.msk $0xffff, v2  }
0x232: {  	v58 =	vor.u32 $0xC, v7;
	v5 =	vand.u32 $0x7F, v56;
	v2 =	vadd.s32 v4, v57;
	v3 =	vld.idx.msk [tilespmem:v3+s17+$0x0], $0xffff  }
0x233: {  	v2 =	vor.u32 v5, v2;
	_ =	sdelay $0x2  }
0x234: {  	v59 =	vadd.s32 $0xE, v1  }
0x235: {  	v60 =	vand.u32 $0xFFFFFF80, v59;
	[tilespmem:v58+s25+$0x0] =	vst.idx.msk $0xffff, v3  }
0x236: {  	v61 =	vor.u32 $0xD, v7;
	v5 =	vand.u32 $0x7F, v59;
	v3 =	vadd.s32 v4, v60;
	v2 =	vld.idx.msk [tilespmem:v2+s17+$0x0], $0xffff  }
0x237: {  	v3 =	vor.u32 v5, v3;
	_ =	sdelay $0x2  }
0x238: {  	v1 =	vadd.s32 $0xF, v1  }
0x239: {  	v62 =	vand.u32 $0xFFFFFF80, v1;
	[tilespmem:v61+s25+$0x0] =	vst.idx.msk $0xffff, v2  }
0x23a: {  	v63 =	vor.u32 $0xE, v7;
	v1 =	vand.u32 $0x7F, v1;
	v2 =	vadd.s32 v4, v62;
	v3 =	vld.idx.msk [tilespmem:v3+s17+$0x0], $0xffff  }
0x23b: {  	v1 =	vor.u32 v1, v2;
	_ =	sdelay $0x3  }
0x23c: {  	[tilespmem:v63+s25+$0x0] =	vst.idx.msk $0xffff, v3  }
0x23d: {  	s23 =	simm.s32 $0x10;
	v2 =	vld.idx.msk [tilespmem:v1+s17+$0x0], $0xffff;
	v1 =	vor.u32 $0xF, v7  }
.LBB2_8:
0x23e: {  	_ =	sdelay $0x2  }
0x23f: {  	p0 =	sne.s32 s23, $0x70  }
0x240: {  	s20 =	sadd.s32 $0x10, s20;
	s26 =	smov.u32 s23;
	s23 =	sadd.s32 $0x10, s23;
	[tilespmem:v1+s25+$0x0] =	vst.idx.msk $0xffff, v2  }
0x241: {  	v2 =	vld [tilespmem:s20+$0x0];
	_ =	sdelay $0x3  }
0x242: {  	v1 =	vor.u32 s26, v0  }
0x243: {  	v11 =	vshll.u32 v1, $0x7;
	v3 =	vand.u32 $0xFFFFFF80, v2;
	v4 =	vadd.s32 $0x1, v2  }
0x244: {  	v5 =	vand.u32 $0x7F, v2;
	v3 =	vadd.s32 v11, v3;
	v6 =	vand.u32 $0xFFFFFF80, v4  }
0x245: {  	v3 =	vor.u32 v5, v3;
	v5 =	vadd.s32 v11, v6;
	v6 =	vadd.s32 $0x2, v2  }
0x246: {  	v12 =	vadd.s32 $0x3, v2;
	v13 =	vadd.s32 $0x4, v2;
	v7 =	vand.u32 $0xFFFFFF80, v6  }
0x247: {  	v8 =	vand.u32 $0xFFFFFF80, v12;
	v9 =	vand.u32 $0xFFFFFF80, v13;
	v7 =	vadd.s32 v11, v7  }
0x248: {  	v16 =	vadd.s32 $0x5, v2;
	v14 =	vadd.s32 v11, v8;
	v15 =	vadd.s32 v11, v9  }
0x249: {  	v17 =	vadd.s32 $0x6, v2;
	v18 =	vadd.s32 $0x7, v2;
	v8 =	vand.u32 $0xFFFFFF80, v16  }
0x24a: {  	v9 =	vand.u32 $0xFFFFFF80, v18;
	v19 =	vadd.s32 v11, v8;
	v8 =	vand.u32 $0xFFFFFF80, v17;
	v3 =	vld.idx.msk [tilespmem:v3+s17+$0x0], $0xffff  }
0x24b: {  	v1 =	vshll.u32 v1, $0x4;
	v4 =	vand.u32 $0x7F, v4;
	v20 =	vadd.s32 v11, v8  }
0x24c: {  	v22 =	vadd.s32 $0x8, v2;
	v5 =	vor.u32 v4, v5;
	v21 =	vadd.s32 v11, v9  }
0x24d: {  	v23 =	vadd.s32 $0x9, v2;
	v24 =	vadd.s32 $0xA, v2;
	v4 =	vand.u32 $0xFFFFFF80, v22  }
0x24e: {  	v25 =	vadd.s32 v11, v4;
	v4 =	vand.u32 $0xFFFFFF80, v23;
	v8 =	vand.u32 $0xFFFFFF80, v24  }
0x24f: {  	v9 =	vadd.s32 $0xB, v2;
	v26 =	vadd.s32 v11, v4;
	v27 =	vadd.s32 v11, v8  }
0x250: {  	v8 =	vadd.s32 $0xC, v2;
	v4 =	vadd.s32 $0xD, v2;
	[tilespmem:v1+s25+$0x0] =	vst.idx.msk $0xffff, v3;
	v3 =	vand.u32 $0xFFFFFF80, v9  }
0x251: {  	v28 =	vld.idx.msk [tilespmem:v5+s17+$0x0], $0xffff;
	v29 =	vadd.s32 v11, v3;
	v3 =	vand.u32 $0xFFFFFF80, v8;
	v5 =	vand.u32 $0xFFFFFF80, v4  }
0x252: {  	v30 =	vor.u32 $0x1, v1;
	v6 =	vand.u32 $0x7F, v6;
	v10 =	vadd.s32 v11, v3  }
0x253: {  	v31 =	vor.u32 v6, v7;
	v7 =	vadd.s32 v11, v5;
	v5 =	vadd.s32 $0xE, v2  }
0x254: {  	v2 =	vadd.s32 $0xF, v2;
	v3 =	vand.u32 $0xFFFFFF80, v5  }
0x255: {  	v6 =	vadd.s32 v11, v3;
	v3 =	vand.u32 $0xFFFFFF80, v2  }
0x256: {  	v3 =	vadd.s32 v11, v3  }
0x257: {  	[tilespmem:v30+s25+$0x0] =	vst.idx.msk $0xffff, v28  }
0x258: {  	v11 =	vld.idx.msk [tilespmem:v31+s17+$0x0], $0xffff  }
0x259: {  	v12 =	vand.u32 $0x7F, v12;
	v28 =	vor.u32 $0x2, v1  }
0x25a: {  	v12 =	vor.u32 v12, v14;
	_ =	sdelay $0x3  }
0x25b: {  	[tilespmem:v28+s25+$0x0] =	vst.idx.msk $0xffff, v11  }
0x25c: {  	v11 =	vld.idx.msk [tilespmem:v12+s17+$0x0], $0xffff  }
0x25d: {  	v13 =	vand.u32 $0x7F, v13;
	v12 =	vor.u32 $0x3, v1  }
0x25e: {  	v13 =	vor.u32 v13, v15;
	_ =	sdelay $0x3  }
0x25f: {  	[tilespmem:v12+s25+$0x0] =	vst.idx.msk $0xffff, v11  }
0x260: {  	v11 =	vld.idx.msk [tilespmem:v13+s17+$0x0], $0xffff  }
0x261: {  	v12 =	vor.u32 $0x4, v1;
	v13 =	vand.u32 $0x7F, v16  }
0x262: {  	v13 =	vor.u32 v13, v19;
	_ =	sdelay $0x3  }
0x263: {  	[tilespmem:v12+s25+$0x0] =	vst.idx.msk $0xffff, v11  }
0x264: {  	v11 =	vld.idx.msk [tilespmem:v13+s17+$0x0], $0xffff  }
0x265: {  	v12 =	vor.u32 $0x5, v1;
	v13 =	vand.u32 $0x7F, v17  }
0x266: {  	v13 =	vor.u32 v13, v20;
	_ =	sdelay $0x3  }
0x267: {  	[tilespmem:v12+s25+$0x0] =	vst.idx.msk $0xffff, v11  }
0x268: {  	v11 =	vld.idx.msk [tilespmem:v13+s17+$0x0], $0xffff  }
0x269: {  	v12 =	vor.u32 $0x6, v1;
	v13 =	vand.u32 $0x7F, v18  }
0x26a: {  	v13 =	vor.u32 v13, v21;
	_ =	sdelay $0x3  }
0x26b: {  	[tilespmem:v12+s25+$0x0] =	vst.idx.msk $0xffff, v11  }
0x26c: {  	v11 =	vld.idx.msk [tilespmem:v13+s17+$0x0], $0xffff  }
0x26d: {  	v12 =	vor.u32 $0x7, v1;
	v13 =	vand.u32 $0x7F, v22  }
0x26e: {  	v13 =	vor.u32 v13, v25;
	_ =	sdelay $0x3  }
0x26f: {  	[tilespmem:v12+s25+$0x0] =	vst.idx.msk $0xffff, v11  }
0x270: {  	v11 =	vld.idx.msk [tilespmem:v13+s17+$0x0], $0xffff  }
0x271: {  	v12 =	vor.u32 $0x8, v1;
	v13 =	vand.u32 $0x7F, v23  }
0x272: {  	v13 =	vor.u32 v13, v26;
	_ =	sdelay $0x3  }
0x273: {  	[tilespmem:v12+s25+$0x0] =	vst.idx.msk $0xffff, v11  }
0x274: {  	v11 =	vld.idx.msk [tilespmem:v13+s17+$0x0], $0xffff  }
0x275: {  	v12 =	vor.u32 $0x9, v1;
	v13 =	vand.u32 $0x7F, v24  }
0x276: {  	v13 =	vor.u32 v13, v27;
	_ =	sdelay $0x3  }
0x277: {  	[tilespmem:v12+s25+$0x0] =	vst.idx.msk $0xffff, v11  }
0x278: {  	v11 =	vld.idx.msk [tilespmem:v13+s17+$0x0], $0xffff  }
0x279: {  	v9 =	vand.u32 $0x7F, v9;
	v12 =	vor.u32 $0xA, v1  }
0x27a: {  	v9 =	vor.u32 v9, v29;
	_ =	sdelay $0x3  }
0x27b: {  	[tilespmem:v12+s25+$0x0] =	vst.idx.msk $0xffff, v11  }
0x27c: {  	v9 =	vld.idx.msk [tilespmem:v9+s17+$0x0], $0xffff  }
0x27d: {  	v8 =	vand.u32 $0x7F, v8;
	v11 =	vor.u32 $0xB, v1  }
0x27e: {  	v8 =	vor.u32 v8, v10;
	_ =	sdelay $0x3  }
0x27f: {  	[tilespmem:v11+s25+$0x0] =	vst.idx.msk $0xffff, v9  }
0x280: {  	v8 =	vld.idx.msk [tilespmem:v8+s17+$0x0], $0xffff  }
0x281: {  	v4 =	vand.u32 $0x7F, v4;
	v9 =	vor.u32 $0xC, v1  }
0x282: {  	v4 =	vor.u32 v4, v7;
	_ =	sdelay $0x3  }
0x283: {  	[tilespmem:v9+s25+$0x0] =	vst.idx.msk $0xffff, v8  }
0x284: {  	v4 =	vld.idx.msk [tilespmem:v4+s17+$0x0], $0xffff  }
0x285: {  	v7 =	vor.u32 $0xD, v1;
	v5 =	vand.u32 $0x7F, v5  }
0x286: {  	v5 =	vor.u32 v5, v6;
	_ =	sdelay $0x3  }
0x287: {  	[tilespmem:v7+s25+$0x0] =	vst.idx.msk $0xffff, v4  }
0x288: {  	v4 =	vld.idx.msk [tilespmem:v5+s17+$0x0], $0xffff  }
0x289: {  	v2 =	vand.u32 $0x7F, v2;
	v5 =	vor.u32 $0xE, v1  }
0x28a: {  	v2 =	vor.u32 v2, v3;
	_ =	sdelay $0x1  }
.Ltmp3:
0x28b: {  	(pc) =	sbr.rel @p0 .LBB2_8-.Ltmp3, $4  }
0x28c: {  	_ = 	snop  }
0x28d: {  	[tilespmem:v5+s25+$0x0] =	vst.idx.msk $0xffff, v4  }
0x28e: {  	v2 =	vld.idx.msk [tilespmem:v2+s17+$0x0], $0xffff  }
0x28f: {  	v1 =	vor.u32 $0xF, v1  }
0x290: {  	_ =	sdelay $0x3  }
0x291: {  	s20 =	simm.s32 $0x280;
	[tilespmem:v1+s25+$0x0] =	vst.idx.msk $0xffff, v2  }
0x292: {  	[tilespmem:s17], [sflag:$0x2] =	stream.indirect.gather [hbm4b:s4+s15], $0x80, s20, s15, $0xb8;
	[tilespmem:$0xC800] =	vst v63  }
0x293: {  	_ =	swait.ge [sflag:s18], $0x4000  }
0x294: {  	[sflag:s18] =	ssyncset.done $0x0  }
0x295: {  	s20 =	simm.s32 $0x600;
	[sflag:s18] =	ssyncadd.s32 $0xFFFFC000  }
0x296: {  	v1 =	vld [tilespmem:s20+$0x0];
	_ =	sdelay $0x2  }
0x297: {  	s23 =	simm.s32 $0x0  }
0x298: {  	v2 =	vor.u32 s23, v0  }
0x299: {  	v4 =	vshll.u32 v2, $0x7;
	v3 =	vand.u32 $0xFFFFFF80, v1  }
0x29a: {  	v5 =	vand.u32 $0x7F, v1;
	v3 =	vadd.s32 v4, v3  }
0x29b: {  	v3 =	vor.u32 v5, v3;
	_ =	sdelay $0x2  }
0x29c: {  	v23 =	vadd.s32 $0x1, v1  }
0x29d: {  	v6 =	vand.u32 $0xFFFFFF80, v23  }
0x29e: {  	v7 =	vshll.u32 v2, $0x4;
	v2 =	vand.u32 $0x7F, v23;
	v6 =	vadd.s32 v4, v6;
	v3 =	vld.idx.msk [tilespmem:v3+s16+$0x0], $0xffff  }
0x29f: {  	v2 =	vor.u32 v2, v6;
	_ =	sdelay $0x2  }
0x2a0: {  	v24 =	vadd.s32 $0x2, v1  }
0x2a1: {  	v25 =	vand.u32 $0xFFFFFF80, v24;
	[tilespmem:v7+s28+$0x0] =	vst.idx.msk $0xffff, v3  }
0x2a2: {  	v26 =	vor.u32 $0x1, v7;
	v5 =	vand.u32 $0x7F, v24;
	v3 =	vadd.s32 v4, v25;
	v2 =	vld.idx.msk [tilespmem:v2+s16+$0x0], $0xffff  }
0x2a3: {  	v3 =	vor.u32 v5, v3;
	_ =	sdelay $0x2  }
0x2a4: {  	v27 =	vadd.s32 $0x3, v1  }
0x2a5: {  	v8 =	vand.u32 $0xFFFFFF80, v27;
	[tilespmem:v26+s28+$0x0] =	vst.idx.msk $0xffff, v2  }
0x2a6: {  	v28 =	vor.u32 $0x2, v7;
	v5 =	vand.u32 $0x7F, v27;
	v2 =	vadd.s32 v4, v8;
	v3 =	vld.idx.msk [tilespmem:v3+s16+$0x0], $0xffff  }
0x2a7: {  	v2 =	vor.u32 v5, v2;
	_ =	sdelay $0x2  }
0x2a8: {  	v29 =	vadd.s32 $0x4, v1  }
0x2a9: {  	v30 =	vand.u32 $0xFFFFFF80, v29;
	[tilespmem:v28+s28+$0x0] =	vst.idx.msk $0xffff, v3  }
0x2aa: {  	v31 =	vor.u32 $0x3, v7;
	v5 =	vand.u32 $0x7F, v29;
	v3 =	vadd.s32 v4, v30;
	v2 =	vld.idx.msk [tilespmem:v2+s16+$0x0], $0xffff  }
0x2ab: {  	v3 =	vor.u32 v5, v3;
	_ =	sdelay $0x2  }
0x2ac: {  	v32 =	vadd.s32 $0x5, v1  }
0x2ad: {  	v33 =	vand.u32 $0xFFFFFF80, v32;
	[tilespmem:v31+s28+$0x0] =	vst.idx.msk $0xffff, v2  }
0x2ae: {  	v34 =	vor.u32 $0x4, v7;
	v5 =	vand.u32 $0x7F, v32;
	v2 =	vadd.s32 v4, v33;
	v3 =	vld.idx.msk [tilespmem:v3+s16+$0x0], $0xffff  }
0x2af: {  	v2 =	vor.u32 v5, v2;
	_ =	sdelay $0x2  }
0x2b0: {  	v35 =	vadd.s32 $0x6, v1  }
0x2b1: {  	v36 =	vand.u32 $0xFFFFFF80, v35;
	[tilespmem:v34+s28+$0x0] =	vst.idx.msk $0xffff, v3  }
0x2b2: {  	v37 =	vor.u32 $0x5, v7;
	v5 =	vand.u32 $0x7F, v35;
	v3 =	vadd.s32 v4, v36;
	v2 =	vld.idx.msk [tilespmem:v2+s16+$0x0], $0xffff  }
0x2b3: {  	v3 =	vor.u32 v5, v3;
	_ =	sdelay $0x2  }
0x2b4: {  	v38 =	vadd.s32 $0x7, v1  }
0x2b5: {  	v39 =	vand.u32 $0xFFFFFF80, v38;
	[tilespmem:v37+s28+$0x0] =	vst.idx.msk $0xffff, v2  }
0x2b6: {  	v40 =	vor.u32 $0x6, v7;
	v5 =	vand.u32 $0x7F, v38;
	v2 =	vadd.s32 v4, v39;
	v3 =	vld.idx.msk [tilespmem:v3+s16+$0x0], $0xffff  }
0x2b7: {  	v2 =	vor.u32 v5, v2;
	_ =	sdelay $0x2  }
0x2b8: {  	v41 =	vadd.s32 $0x8, v1  }
0x2b9: {  	v42 =	vand.u32 $0xFFFFFF80, v41;
	[tilespmem:v40+s28+$0x0] =	vst.idx.msk $0xffff, v3  }
0x2ba: {  	v43 =	vor.u32 $0x7, v7;
	v5 =	vand.u32 $0x7F, v41;
	v3 =	vadd.s32 v4, v42;
	v2 =	vld.idx.msk [tilespmem:v2+s16+$0x0], $0xffff  }
0x2bb: {  	v3 =	vor.u32 v5, v3;
	_ =	sdelay $0x2  }
0x2bc: {  	v44 =	vadd.s32 $0x9, v1  }
0x2bd: {  	v45 =	vand.u32 $0xFFFFFF80, v44;
	[tilespmem:v43+s28+$0x0] =	vst.idx.msk $0xffff, v2  }
0x2be: {  	v46 =	vor.u32 $0x8, v7;
	v5 =	vand.u32 $0x7F, v44;
	v2 =	vadd.s32 v4, v45;
	v3 =	vld.idx.msk [tilespmem:v3+s16+$0x0], $0xffff  }
0x2bf: {  	v2 =	vor.u32 v5, v2;
	_ =	sdelay $0x2  }
0x2c0: {  	v47 =	vadd.s32 $0xA, v1  }
0x2c1: {  	v48 =	vand.u32 $0xFFFFFF80, v47;
	[tilespmem:v46+s28+$0x0] =	vst.idx.msk $0xffff, v3  }
0x2c2: {  	v49 =	vor.u32 $0x9, v7;
	v5 =	vand.u32 $0x7F, v47;
	v3 =	vadd.s32 v4, v48;
	v2 =	vld.idx.msk [tilespmem:v2+s16+$0x0], $0xffff  }
0x2c3: {  	v3 =	vor.u32 v5, v3;
	_ =	sdelay $0x2  }
0x2c4: {  	v50 =	vadd.s32 $0xB, v1  }
0x2c5: {  	v51 =	vand.u32 $0xFFFFFF80, v50;
	[tilespmem:v49+s28+$0x0] =	vst.idx.msk $0xffff, v2  }
0x2c6: {  	v52 =	vor.u32 $0xA, v7;
	v5 =	vand.u32 $0x7F, v50;
	v2 =	vadd.s32 v4, v51;
	v3 =	vld.idx.msk [tilespmem:v3+s16+$0x0], $0xffff  }
0x2c7: {  	v2 =	vor.u32 v5, v2;
	_ =	sdelay $0x2  }
0x2c8: {  	v53 =	vadd.s32 $0xC, v1  }
0x2c9: {  	v54 =	vand.u32 $0xFFFFFF80, v53;
	[tilespmem:v52+s28+$0x0] =	vst.idx.msk $0xffff, v3  }
0x2ca: {  	v55 =	vor.u32 $0xB, v7;
	v5 =	vand.u32 $0x7F, v53;
	v3 =	vadd.s32 v4, v54;
	v2 =	vld.idx.msk [tilespmem:v2+s16+$0x0], $0xffff  }
0x2cb: {  	v3 =	vor.u32 v5, v3;
	_ =	sdelay $0x2  }
0x2cc: {  	v56 =	vadd.s32 $0xD, v1  }
0x2cd: {  	v57 =	vand.u32 $0xFFFFFF80, v56;
	[tilespmem:v55+s28+$0x0] =	vst.idx.msk $0xffff, v2  }
0x2ce: {  	v58 =	vor.u32 $0xC, v7;
	v5 =	vand.u32 $0x7F, v56;
	v2 =	vadd.s32 v4, v57;
	v3 =	vld.idx.msk [tilespmem:v3+s16+$0x0], $0xffff  }
0x2cf: {  	v2 =	vor.u32 v5, v2;
	_ =	sdelay $0x2  }
0x2d0: {  	v59 =	vadd.s32 $0xE, v1  }
0x2d1: {  	v60 =	vand.u32 $0xFFFFFF80, v59;
	[tilespmem:v58+s28+$0x0] =	vst.idx.msk $0xffff, v3  }
0x2d2: {  	v61 =	vor.u32 $0xD, v7;
	v5 =	vand.u32 $0x7F, v59;
	v3 =	vadd.s32 v4, v60;
	v2 =	vld.idx.msk [tilespmem:v2+s16+$0x0], $0xffff  }
0x2d3: {  	v3 =	vor.u32 v5, v3;
	_ =	sdelay $0x2  }
0x2d4: {  	v1 =	vadd.s32 $0xF, v1  }
0x2d5: {  	v62 =	vand.u32 $0xFFFFFF80, v1;
	[tilespmem:v61+s28+$0x0] =	vst.idx.msk $0xffff, v2  }
0x2d6: {  	v63 =	vor.u32 $0xE, v7;
	v1 =	vand.u32 $0x7F, v1;
	v2 =	vadd.s32 v4, v62;
	v3 =	vld.idx.msk [tilespmem:v3+s16+$0x0], $0xffff  }
0x2d7: {  	v1 =	vor.u32 v1, v2;
	_ =	sdelay $0x3  }
0x2d8: {  	[tilespmem:v63+s28+$0x0] =	vst.idx.msk $0xffff, v3  }
0x2d9: {  	s23 =	simm.s32 $0x10;
	v2 =	vld.idx.msk [tilespmem:v1+s16+$0x0], $0xffff;
	v1 =	vor.u32 $0xF, v7  }
.LBB2_10:
0x2da: {  	_ =	sdelay $0x2  }
0x2db: {  	p0 =	sne.s32 s23, $0x70  }
0x2dc: {  	s20 =	sadd.s32 $0x10, s20;
	s26 =	smov.u32 s23;
	s23 =	sadd.s32 $0x10, s23;
	[tilespmem:v1+s28+$0x0] =	vst.idx.msk $0xffff, v2  }
0x2dd: {  	v2 =	vld [tilespmem:s20+$0x0];
	_ =	sdelay $0x3  }
0x2de: {  	v1 =	vor.u32 s26, v0  }
0x2df: {  	v11 =	vshll.u32 v1, $0x7;
	v3 =	vand.u32 $0xFFFFFF80, v2;
	v4 =	vadd.s32 $0x1, v2  }
0x2e0: {  	v5 =	vand.u32 $0x7F, v2;
	v3 =	vadd.s32 v11, v3;
	v6 =	vand.u32 $0xFFFFFF80, v4  }
0x2e1: {  	v3 =	vor.u32 v5, v3;
	v5 =	vadd.s32 v11, v6;
	v6 =	vadd.s32 $0x2, v2  }
0x2e2: {  	v12 =	vadd.s32 $0x3, v2;
	v13 =	vadd.s32 $0x4, v2;
	v7 =	vand.u32 $0xFFFFFF80, v6  }
0x2e3: {  	v8 =	vand.u32 $0xFFFFFF80, v12;
	v9 =	vand.u32 $0xFFFFFF80, v13;
	v7 =	vadd.s32 v11, v7  }
0x2e4: {  	v16 =	vadd.s32 $0x5, v2;
	v14 =	vadd.s32 v11, v8;
	v15 =	vadd.s32 v11, v9  }
0x2e5: {  	v17 =	vadd.s32 $0x6, v2;
	v18 =	vadd.s32 $0x7, v2;
	v8 =	vand.u32 $0xFFFFFF80, v16  }
0x2e6: {  	v9 =	vand.u32 $0xFFFFFF80, v18;
	v19 =	vadd.s32 v11, v8;
	v8 =	vand.u32 $0xFFFFFF80, v17;
	v3 =	vld.idx.msk [tilespmem:v3+s16+$0x0], $0xffff  }
0x2e7: {  	v1 =	vshll.u32 v1, $0x4;
	v4 =	vand.u32 $0x7F, v4;
	v20 =	vadd.s32 v11, v8  }
0x2e8: {  	v22 =	vadd.s32 $0x8, v2;
	v5 =	vor.u32 v4, v5;
	v21 =	vadd.s32 v11, v9  }
0x2e9: {  	v23 =	vadd.s32 $0x9, v2;
	v24 =	vadd.s32 $0xA, v2;
	v4 =	vand.u32 $0xFFFFFF80, v22  }
0x2ea: {  	v25 =	vadd.s32 v11, v4;
	v4 =	vand.u32 $0xFFFFFF80, v23;
	v8 =	vand.u32 $0xFFFFFF80, v24  }
0x2eb: {  	v9 =	vadd.s32 $0xB, v2;
	v26 =	vadd.s32 v11, v4;
	v27 =	vadd.s32 v11, v8  }
0x2ec: {  	v8 =	vadd.s32 $0xC, v2;
	v4 =	vadd.s32 $0xD, v2;
	[tilespmem:v1+s28+$0x0] =	vst.idx.msk $0xffff, v3;
	v3 =	vand.u32 $0xFFFFFF80, v9  }
0x2ed: {  	v28 =	vld.idx.msk [tilespmem:v5+s16+$0x0], $0xffff;
	v29 =	vadd.s32 v11, v3;
	v3 =	vand.u32 $0xFFFFFF80, v8;
	v5 =	vand.u32 $0xFFFFFF80, v4  }
0x2ee: {  	v30 =	vor.u32 $0x1, v1;
	v6 =	vand.u32 $0x7F, v6;
	v10 =	vadd.s32 v11, v3  }
0x2ef: {  	v31 =	vor.u32 v6, v7;
	v7 =	vadd.s32 v11, v5;
	v5 =	vadd.s32 $0xE, v2  }
0x2f0: {  	v2 =	vadd.s32 $0xF, v2;
	v3 =	vand.u32 $0xFFFFFF80, v5  }
0x2f1: {  	v6 =	vadd.s32 v11, v3;
	v3 =	vand.u32 $0xFFFFFF80, v2  }
0x2f2: {  	v3 =	vadd.s32 v11, v3  }
0x2f3: {  	[tilespmem:v30+s28+$0x0] =	vst.idx.msk $0xffff, v28  }
0x2f4: {  	v11 =	vld.idx.msk [tilespmem:v31+s16+$0x0], $0xffff  }
0x2f5: {  	v12 =	vand.u32 $0x7F, v12;
	v28 =	vor.u32 $0x2, v1  }
0x2f6: {  	v12 =	vor.u32 v12, v14;
	_ =	sdelay $0x3  }
0x2f7: {  	[tilespmem:v28+s28+$0x0] =	vst.idx.msk $0xffff, v11  }
0x2f8: {  	v11 =	vld.idx.msk [tilespmem:v12+s16+$0x0], $0xffff  }
0x2f9: {  	v13 =	vand.u32 $0x7F, v13;
	v12 =	vor.u32 $0x3, v1  }
0x2fa: {  	v13 =	vor.u32 v13, v15;
	_ =	sdelay $0x3  }
0x2fb: {  	[tilespmem:v12+s28+$0x0] =	vst.idx.msk $0xffff, v11  }
0x2fc: {  	v11 =	vld.idx.msk [tilespmem:v13+s16+$0x0], $0xffff  }
0x2fd: {  	v12 =	vor.u32 $0x4, v1;
	v13 =	vand.u32 $0x7F, v16  }
0x2fe: {  	v13 =	vor.u32 v13, v19;
	_ =	sdelay $0x3  }
0x2ff: {  	[tilespmem:v12+s28+$0x0] =	vst.idx.msk $0xffff, v11  }
0x300: {  	v11 =	vld.idx.msk [tilespmem:v13+s16+$0x0], $0xffff  }
0x301: {  	v12 =	vor.u32 $0x5, v1;
	v13 =	vand.u32 $0x7F, v17  }
0x302: {  	v13 =	vor.u32 v13, v20;
	_ =	sdelay $0x3  }
0x303: {  	[tilespmem:v12+s28+$0x0] =	vst.idx.msk $0xffff, v11  }
0x304: {  	v11 =	vld.idx.msk [tilespmem:v13+s16+$0x0], $0xffff  }
0x305: {  	v12 =	vor.u32 $0x6, v1;
	v13 =	vand.u32 $0x7F, v18  }
0x306: {  	v13 =	vor.u32 v13, v21;
	_ =	sdelay $0x3  }
0x307: {  	[tilespmem:v12+s28+$0x0] =	vst.idx.msk $0xffff, v11  }
0x308: {  	v11 =	vld.idx.msk [tilespmem:v13+s16+$0x0], $0xffff  }
0x309: {  	v12 =	vor.u32 $0x7, v1;
	v13 =	vand.u32 $0x7F, v22  }
0x30a: {  	v13 =	vor.u32 v13, v25;
	_ =	sdelay $0x3  }
0x30b: {  	[tilespmem:v12+s28+$0x0] =	vst.idx.msk $0xffff, v11  }
0x30c: {  	v11 =	vld.idx.msk [tilespmem:v13+s16+$0x0], $0xffff  }
0x30d: {  	v12 =	vor.u32 $0x8, v1;
	v13 =	vand.u32 $0x7F, v23  }
0x30e: {  	v13 =	vor.u32 v13, v26;
	_ =	sdelay $0x3  }
0x30f: {  	[tilespmem:v12+s28+$0x0] =	vst.idx.msk $0xffff, v11  }
0x310: {  	v11 =	vld.idx.msk [tilespmem:v13+s16+$0x0], $0xffff  }
0x311: {  	v12 =	vor.u32 $0x9, v1;
	v13 =	vand.u32 $0x7F, v24  }
0x312: {  	v13 =	vor.u32 v13, v27;
	_ =	sdelay $0x3  }
0x313: {  	[tilespmem:v12+s28+$0x0] =	vst.idx.msk $0xffff, v11  }
0x314: {  	v11 =	vld.idx.msk [tilespmem:v13+s16+$0x0], $0xffff  }
0x315: {  	v9 =	vand.u32 $0x7F, v9;
	v12 =	vor.u32 $0xA, v1  }
0x316: {  	v9 =	vor.u32 v9, v29;
	_ =	sdelay $0x3  }
0x317: {  	[tilespmem:v12+s28+$0x0] =	vst.idx.msk $0xffff, v11  }
0x318: {  	v9 =	vld.idx.msk [tilespmem:v9+s16+$0x0], $0xffff  }
0x319: {  	v8 =	vand.u32 $0x7F, v8;
	v11 =	vor.u32 $0xB, v1  }
0x31a: {  	v8 =	vor.u32 v8, v10;
	_ =	sdelay $0x3  }
0x31b: {  	[tilespmem:v11+s28+$0x0] =	vst.idx.msk $0xffff, v9  }
0x31c: {  	v8 =	vld.idx.msk [tilespmem:v8+s16+$0x0], $0xffff  }
0x31d: {  	v4 =	vand.u32 $0x7F, v4;
	v9 =	vor.u32 $0xC, v1  }
0x31e: {  	v4 =	vor.u32 v4, v7;
	_ =	sdelay $0x3  }
0x31f: {  	[tilespmem:v9+s28+$0x0] =	vst.idx.msk $0xffff, v8  }
0x320: {  	v4 =	vld.idx.msk [tilespmem:v4+s16+$0x0], $0xffff  }
0x321: {  	v7 =	vor.u32 $0xD, v1;
	v5 =	vand.u32 $0x7F, v5  }
0x322: {  	v5 =	vor.u32 v5, v6;
	_ =	sdelay $0x3  }
0x323: {  	[tilespmem:v7+s28+$0x0] =	vst.idx.msk $0xffff, v4  }
0x324: {  	v4 =	vld.idx.msk [tilespmem:v5+s16+$0x0], $0xffff  }
0x325: {  	v2 =	vand.u32 $0x7F, v2;
	v5 =	vor.u32 $0xE, v1  }
0x326: {  	v2 =	vor.u32 v2, v3;
	_ =	sdelay $0x1  }
.Ltmp4:
0x327: {  	(pc) =	sbr.rel @p0 .LBB2_10-.Ltmp4, $4  }
0x328: {  	_ = 	snop  }
0x329: {  	[tilespmem:v5+s28+$0x0] =	vst.idx.msk $0xffff, v4  }
0x32a: {  	v2 =	vld.idx.msk [tilespmem:v2+s16+$0x0], $0xffff  }
0x32b: {  	v1 =	vor.u32 $0xF, v1  }
0x32c: {  	_ =	sdelay $0x3  }
0x32d: {  	[tilespmem:v1+s28+$0x0] =	vst.idx.msk $0xffff, v2  }
0x32e: {  	[tilespmem:s16], [sflag:$0x1] =	stream.indirect.gather [hbm4b:s4+s15], $0x80, s29, s15, $0xb8;
	[tilespmem:$0xC800] =	vst v63  }
0x32f: {  	_ =	swait.ge [sflag:s21], $0x4000  }
0x330: {  	[sflag:s21] =	ssyncset.done $0x0  }
0x331: {  	s20 =	simm.s32 $0x680;
	[sflag:s21] =	ssyncadd.s32 $0xFFFFC000  }
0x332: {  	v1 =	vld [tilespmem:s20+$0x0];
	_ =	sdelay $0x2  }
0x333: {  	s23 =	simm.s32 $0x0  }
0x334: {  	v2 =	vor.u32 s23, v0  }
0x335: {  	v4 =	vshll.u32 v2, $0x7;
	v3 =	vand.u32 $0xFFFFFF80, v1  }
0x336: {  	v5 =	vand.u32 $0x7F, v1;
	v3 =	vadd.s32 v4, v3  }
0x337: {  	v3 =	vor.u32 v5, v3;
	_ =	sdelay $0x2  }
0x338: {  	v23 =	vadd.s32 $0x1, v1  }
0x339: {  	v6 =	vand.u32 $0xFFFFFF80, v23  }
0x33a: {  	v7 =	vshll.u32 v2, $0x4;
	v2 =	vand.u32 $0x7F, v23;
	v6 =	vadd.s32 v4, v6;
	v3 =	vld.idx.msk [tilespmem:v3+s17+$0x0], $0xffff  }
0x33b: {  	v2 =	vor.u32 v2, v6;
	_ =	sdelay $0x2  }
0x33c: {  	v24 =	vadd.s32 $0x2, v1  }
0x33d: {  	v25 =	vand.u32 $0xFFFFFF80, v24;
	[tilespmem:v7+s30+$0x0] =	vst.idx.msk $0xffff, v3  }
0x33e: {  	v26 =	vor.u32 $0x1, v7;
	v5 =	vand.u32 $0x7F, v24;
	v3 =	vadd.s32 v4, v25;
	v2 =	vld.idx.msk [tilespmem:v2+s17+$0x0], $0xffff  }
0x33f: {  	v3 =	vor.u32 v5, v3;
	_ =	sdelay $0x2  }
0x340: {  	v27 =	vadd.s32 $0x3, v1  }
0x341: {  	v8 =	vand.u32 $0xFFFFFF80, v27;
	[tilespmem:v26+s30+$0x0] =	vst.idx.msk $0xffff, v2  }
0x342: {  	v28 =	vor.u32 $0x2, v7;
	v5 =	vand.u32 $0x7F, v27;
	v2 =	vadd.s32 v4, v8;
	v3 =	vld.idx.msk [tilespmem:v3+s17+$0x0], $0xffff  }
0x343: {  	v2 =	vor.u32 v5, v2;
	_ =	sdelay $0x2  }
0x344: {  	v29 =	vadd.s32 $0x4, v1  }
0x345: {  	v30 =	vand.u32 $0xFFFFFF80, v29;
	[tilespmem:v28+s30+$0x0] =	vst.idx.msk $0xffff, v3  }
0x346: {  	v31 =	vor.u32 $0x3, v7;
	v5 =	vand.u32 $0x7F, v29;
	v3 =	vadd.s32 v4, v30;
	v2 =	vld.idx.msk [tilespmem:v2+s17+$0x0], $0xffff  }
0x347: {  	v3 =	vor.u32 v5, v3;
	_ =	sdelay $0x2  }
0x348: {  	v32 =	vadd.s32 $0x5, v1  }
0x349: {  	v33 =	vand.u32 $0xFFFFFF80, v32;
	[tilespmem:v31+s30+$0x0] =	vst.idx.msk $0xffff, v2  }
0x34a: {  	v34 =	vor.u32 $0x4, v7;
	v5 =	vand.u32 $0x7F, v32;
	v2 =	vadd.s32 v4, v33;
	v3 =	vld.idx.msk [tilespmem:v3+s17+$0x0], $0xffff  }
0x34b: {  	v2 =	vor.u32 v5, v2;
	_ =	sdelay $0x2  }
0x34c: {  	v35 =	vadd.s32 $0x6, v1  }
0x34d: {  	v36 =	vand.u32 $0xFFFFFF80, v35;
	[tilespmem:v34+s30+$0x0] =	vst.idx.msk $0xffff, v3  }
0x34e: {  	v37 =	vor.u32 $0x5, v7;
	v5 =	vand.u32 $0x7F, v35;
	v3 =	vadd.s32 v4, v36;
	v2 =	vld.idx.msk [tilespmem:v2+s17+$0x0], $0xffff  }
0x34f: {  	v3 =	vor.u32 v5, v3;
	_ =	sdelay $0x2  }
0x350: {  	v38 =	vadd.s32 $0x7, v1  }
0x351: {  	v39 =	vand.u32 $0xFFFFFF80, v38;
	[tilespmem:v37+s30+$0x0] =	vst.idx.msk $0xffff, v2  }
0x352: {  	v40 =	vor.u32 $0x6, v7;
	v5 =	vand.u32 $0x7F, v38;
	v2 =	vadd.s32 v4, v39;
	v3 =	vld.idx.msk [tilespmem:v3+s17+$0x0], $0xffff  }
0x353: {  	v2 =	vor.u32 v5, v2;
	_ =	sdelay $0x2  }
0x354: {  	v41 =	vadd.s32 $0x8, v1  }
0x355: {  	v42 =	vand.u32 $0xFFFFFF80, v41;
	[tilespmem:v40+s30+$0x0] =	vst.idx.msk $0xffff, v3  }
0x356: {  	v43 =	vor.u32 $0x7, v7;
	v5 =	vand.u32 $0x7F, v41;
	v3 =	vadd.s32 v4, v42;
	v2 =	vld.idx.msk [tilespmem:v2+s17+$0x0], $0xffff  }
0x357: {  	v3 =	vor.u32 v5, v3;
	_ =	sdelay $0x2  }
0x358: {  	v44 =	vadd.s32 $0x9, v1  }
0x359: {  	v45 =	vand.u32 $0xFFFFFF80, v44;
	[tilespmem:v43+s30+$0x0] =	vst.idx.msk $0xffff, v2  }
0x35a: {  	v46 =	vor.u32 $0x8, v7;
	v5 =	vand.u32 $0x7F, v44;
	v2 =	vadd.s32 v4, v45;
	v3 =	vld.idx.msk [tilespmem:v3+s17+$0x0], $0xffff  }
0x35b: {  	v2 =	vor.u32 v5, v2;
	_ =	sdelay $0x2  }
0x35c: {  	v47 =	vadd.s32 $0xA, v1  }
0x35d: {  	v48 =	vand.u32 $0xFFFFFF80, v47;
	[tilespmem:v46+s30+$0x0] =	vst.idx.msk $0xffff, v3  }
0x35e: {  	v49 =	vor.u32 $0x9, v7;
	v5 =	vand.u32 $0x7F, v47;
	v3 =	vadd.s32 v4, v48;
	v2 =	vld.idx.msk [tilespmem:v2+s17+$0x0], $0xffff  }
0x35f: {  	v3 =	vor.u32 v5, v3;
	_ =	sdelay $0x2  }
0x360: {  	v50 =	vadd.s32 $0xB, v1  }
0x361: {  	v51 =	vand.u32 $0xFFFFFF80, v50;
	[tilespmem:v49+s30+$0x0] =	vst.idx.msk $0xffff, v2  }
0x362: {  	v52 =	vor.u32 $0xA, v7;
	v5 =	vand.u32 $0x7F, v50;
	v2 =	vadd.s32 v4, v51;
	v3 =	vld.idx.msk [tilespmem:v3+s17+$0x0], $0xffff  }
0x363: {  	v2 =	vor.u32 v5, v2;
	_ =	sdelay $0x2  }
0x364: {  	v53 =	vadd.s32 $0xC, v1  }
0x365: {  	v54 =	vand.u32 $0xFFFFFF80, v53;
	[tilespmem:v52+s30+$0x0] =	vst.idx.msk $0xffff, v3  }
0x366: {  	v55 =	vor.u32 $0xB, v7;
	v5 =	vand.u32 $0x7F, v53;
	v3 =	vadd.s32 v4, v54;
	v2 =	vld.idx.msk [tilespmem:v2+s17+$0x0], $0xffff  }
0x367: {  	v3 =	vor.u32 v5, v3;
	_ =	sdelay $0x2  }
0x368: {  	v56 =	vadd.s32 $0xD, v1  }
0x369: {  	v57 =	vand.u32 $0xFFFFFF80, v56;
	[tilespmem:v55+s30+$0x0] =	vst.idx.msk $0xffff, v2  }
0x36a: {  	v58 =	vor.u32 $0xC, v7;
	v5 =	vand.u32 $0x7F, v56;
	v2 =	vadd.s32 v4, v57;
	v3 =	vld.idx.msk [tilespmem:v3+s17+$0x0], $0xffff  }
0x36b: {  	v2 =	vor.u32 v5, v2;
	_ =	sdelay $0x2  }
0x36c: {  	v59 =	vadd.s32 $0xE, v1  }
0x36d: {  	v60 =	vand.u32 $0xFFFFFF80, v59;
	[tilespmem:v58+s30+$0x0] =	vst.idx.msk $0xffff, v3  }
0x36e: {  	v61 =	vor.u32 $0xD, v7;
	v5 =	vand.u32 $0x7F, v59;
	v3 =	vadd.s32 v4, v60;
	v2 =	vld.idx.msk [tilespmem:v2+s17+$0x0], $0xffff  }
0x36f: {  	v3 =	vor.u32 v5, v3;
	_ =	sdelay $0x2  }
0x370: {  	v1 =	vadd.s32 $0xF, v1  }
0x371: {  	v62 =	vand.u32 $0xFFFFFF80, v1;
	[tilespmem:v61+s30+$0x0] =	vst.idx.msk $0xffff, v2  }
0x372: {  	v63 =	vor.u32 $0xE, v7;
	v1 =	vand.u32 $0x7F, v1;
	v2 =	vadd.s32 v4, v62;
	v3 =	vld.idx.msk [tilespmem:v3+s17+$0x0], $0xffff  }
0x373: {  	v1 =	vor.u32 v1, v2;
	_ =	sdelay $0x3  }
0x374: {  	[tilespmem:v63+s30+$0x0] =	vst.idx.msk $0xffff, v3  }
0x375: {  	s23 =	simm.s32 $0x10;
	v2 =	vld.idx.msk [tilespmem:v1+s17+$0x0], $0xffff;
	v1 =	vor.u32 $0xF, v7  }
.LBB2_12:
0x376: {  	_ =	sdelay $0x2  }
0x377: {  	p0 =	sne.s32 s23, $0x70  }
0x378: {  	s20 =	sadd.s32 $0x10, s20;
	s26 =	smov.u32 s23;
	s23 =	sadd.s32 $0x10, s23;
	[tilespmem:v1+s30+$0x0] =	vst.idx.msk $0xffff, v2  }
0x379: {  	v2 =	vld [tilespmem:s20+$0x0];
	_ =	sdelay $0x3  }
0x37a: {  	v1 =	vor.u32 s26, v0  }
0x37b: {  	v11 =	vshll.u32 v1, $0x7;
	v3 =	vand.u32 $0xFFFFFF80, v2;
	v4 =	vadd.s32 $0x1, v2  }
0x37c: {  	v5 =	vand.u32 $0x7F, v2;
	v3 =	vadd.s32 v11, v3;
	v6 =	vand.u32 $0xFFFFFF80, v4  }
0x37d: {  	v3 =	vor.u32 v5, v3;
	v5 =	vadd.s32 v11, v6;
	v6 =	vadd.s32 $0x2, v2  }
0x37e: {  	v12 =	vadd.s32 $0x3, v2;
	v13 =	vadd.s32 $0x4, v2;
	v7 =	vand.u32 $0xFFFFFF80, v6  }
0x37f: {  	v8 =	vand.u32 $0xFFFFFF80, v12;
	v9 =	vand.u32 $0xFFFFFF80, v13;
	v7 =	vadd.s32 v11, v7  }
0x380: {  	v16 =	vadd.s32 $0x5, v2;
	v14 =	vadd.s32 v11, v8;
	v15 =	vadd.s32 v11, v9  }
0x381: {  	v17 =	vadd.s32 $0x6, v2;
	v18 =	vadd.s32 $0x7, v2;
	v8 =	vand.u32 $0xFFFFFF80, v16  }
0x382: {  	v9 =	vand.u32 $0xFFFFFF80, v18;
	v19 =	vadd.s32 v11, v8;
	v8 =	vand.u32 $0xFFFFFF80, v17;
	v3 =	vld.idx.msk [tilespmem:v3+s17+$0x0], $0xffff  }
0x383: {  	v1 =	vshll.u32 v1, $0x4;
	v4 =	vand.u32 $0x7F, v4;
	v20 =	vadd.s32 v11, v8  }
0x384: {  	v22 =	vadd.s32 $0x8, v2;
	v5 =	vor.u32 v4, v5;
	v21 =	vadd.s32 v11, v9  }
0x385: {  	v23 =	vadd.s32 $0x9, v2;
	v24 =	vadd.s32 $0xA, v2;
	v4 =	vand.u32 $0xFFFFFF80, v22  }
0x386: {  	v25 =	vadd.s32 v11, v4;
	v4 =	vand.u32 $0xFFFFFF80, v23;
	v8 =	vand.u32 $0xFFFFFF80, v24  }
0x387: {  	v9 =	vadd.s32 $0xB, v2;
	v26 =	vadd.s32 v11, v4;
	v27 =	vadd.s32 v11, v8  }
0x388: {  	v8 =	vadd.s32 $0xC, v2;
	v4 =	vadd.s32 $0xD, v2;
	[tilespmem:v1+s30+$0x0] =	vst.idx.msk $0xffff, v3;
	v3 =	vand.u32 $0xFFFFFF80, v9  }
0x389: {  	v28 =	vld.idx.msk [tilespmem:v5+s17+$0x0], $0xffff;
	v29 =	vadd.s32 v11, v3;
	v3 =	vand.u32 $0xFFFFFF80, v8;
	v5 =	vand.u32 $0xFFFFFF80, v4  }
0x38a: {  	v30 =	vor.u32 $0x1, v1;
	v6 =	vand.u32 $0x7F, v6;
	v10 =	vadd.s32 v11, v3  }
0x38b: {  	v31 =	vor.u32 v6, v7;
	v7 =	vadd.s32 v11, v5;
	v5 =	vadd.s32 $0xE, v2  }
0x38c: {  	v2 =	vadd.s32 $0xF, v2;
	v3 =	vand.u32 $0xFFFFFF80, v5  }
0x38d: {  	v6 =	vadd.s32 v11, v3;
	v3 =	vand.u32 $0xFFFFFF80, v2  }
0x38e: {  	v3 =	vadd.s32 v11, v3  }
0x38f: {  	[tilespmem:v30+s30+$0x0] =	vst.idx.msk $0xffff, v28  }
0x390: {  	v11 =	vld.idx.msk [tilespmem:v31+s17+$0x0], $0xffff  }
0x391: {  	v12 =	vand.u32 $0x7F, v12;
	v28 =	vor.u32 $0x2, v1  }
0x392: {  	v12 =	vor.u32 v12, v14;
	_ =	sdelay $0x3  }
0x393: {  	[tilespmem:v28+s30+$0x0] =	vst.idx.msk $0xffff, v11  }
0x394: {  	v11 =	vld.idx.msk [tilespmem:v12+s17+$0x0], $0xffff  }
0x395: {  	v13 =	vand.u32 $0x7F, v13;
	v12 =	vor.u32 $0x3, v1  }
0x396: {  	v13 =	vor.u32 v13, v15;
	_ =	sdelay $0x3  }
0x397: {  	[tilespmem:v12+s30+$0x0] =	vst.idx.msk $0xffff, v11  }
0x398: {  	v11 =	vld.idx.msk [tilespmem:v13+s17+$0x0], $0xffff  }
0x399: {  	v12 =	vor.u32 $0x4, v1;
	v13 =	vand.u32 $0x7F, v16  }
0x39a: {  	v13 =	vor.u32 v13, v19;
	_ =	sdelay $0x3  }
0x39b: {  	[tilespmem:v12+s30+$0x0] =	vst.idx.msk $0xffff, v11  }
0x39c: {  	v11 =	vld.idx.msk [tilespmem:v13+s17+$0x0], $0xffff  }
0x39d: {  	v12 =	vor.u32 $0x5, v1;
	v13 =	vand.u32 $0x7F, v17  }
0x39e: {  	v13 =	vor.u32 v13, v20;
	_ =	sdelay $0x3  }
0x39f: {  	[tilespmem:v12+s30+$0x0] =	vst.idx.msk $0xffff, v11  }
0x3a0: {  	v11 =	vld.idx.msk [tilespmem:v13+s17+$0x0], $0xffff  }
0x3a1: {  	v12 =	vor.u32 $0x6, v1;
	v13 =	vand.u32 $0x7F, v18  }
0x3a2: {  	v13 =	vor.u32 v13, v21;
	_ =	sdelay $0x3  }
0x3a3: {  	[tilespmem:v12+s30+$0x0] =	vst.idx.msk $0xffff, v11  }
0x3a4: {  	v11 =	vld.idx.msk [tilespmem:v13+s17+$0x0], $0xffff  }
0x3a5: {  	v12 =	vor.u32 $0x7, v1;
	v13 =	vand.u32 $0x7F, v22  }
0x3a6: {  	v13 =	vor.u32 v13, v25;
	_ =	sdelay $0x3  }
0x3a7: {  	[tilespmem:v12+s30+$0x0] =	vst.idx.msk $0xffff, v11  }
0x3a8: {  	v11 =	vld.idx.msk [tilespmem:v13+s17+$0x0], $0xffff  }
0x3a9: {  	v12 =	vor.u32 $0x8, v1;
	v13 =	vand.u32 $0x7F, v23  }
0x3aa: {  	v13 =	vor.u32 v13, v26;
	_ =	sdelay $0x3  }
0x3ab: {  	[tilespmem:v12+s30+$0x0] =	vst.idx.msk $0xffff, v11  }
0x3ac: {  	v11 =	vld.idx.msk [tilespmem:v13+s17+$0x0], $0xffff  }
0x3ad: {  	v12 =	vor.u32 $0x9, v1;
	v13 =	vand.u32 $0x7F, v24  }
0x3ae: {  	v13 =	vor.u32 v13, v27;
	_ =	sdelay $0x3  }
0x3af: {  	[tilespmem:v12+s30+$0x0] =	vst.idx.msk $0xffff, v11  }
0x3b0: {  	v11 =	vld.idx.msk [tilespmem:v13+s17+$0x0], $0xffff  }
0x3b1: {  	v9 =	vand.u32 $0x7F, v9;
	v12 =	vor.u32 $0xA, v1  }
0x3b2: {  	v9 =	vor.u32 v9, v29;
	_ =	sdelay $0x3  }
0x3b3: {  	[tilespmem:v12+s30+$0x0] =	vst.idx.msk $0xffff, v11  }
0x3b4: {  	v9 =	vld.idx.msk [tilespmem:v9+s17+$0x0], $0xffff  }
0x3b5: {  	v8 =	vand.u32 $0x7F, v8;
	v11 =	vor.u32 $0xB, v1  }
0x3b6: {  	v8 =	vor.u32 v8, v10;
	_ =	sdelay $0x3  }
0x3b7: {  	[tilespmem:v11+s30+$0x0] =	vst.idx.msk $0xffff, v9  }
0x3b8: {  	v8 =	vld.idx.msk [tilespmem:v8+s17+$0x0], $0xffff  }
0x3b9: {  	v4 =	vand.u32 $0x7F, v4;
	v9 =	vor.u32 $0xC, v1  }
0x3ba: {  	v4 =	vor.u32 v4, v7;
	_ =	sdelay $0x3  }
0x3bb: {  	[tilespmem:v9+s30+$0x0] =	vst.idx.msk $0xffff, v8  }
0x3bc: {  	v4 =	vld.idx.msk [tilespmem:v4+s17+$0x0], $0xffff  }
0x3bd: {  	v7 =	vor.u32 $0xD, v1;
	v5 =	vand.u32 $0x7F, v5  }
0x3be: {  	v5 =	vor.u32 v5, v6;
	_ =	sdelay $0x3  }
0x3bf: {  	[tilespmem:v7+s30+$0x0] =	vst.idx.msk $0xffff, v4  }
0x3c0: {  	v4 =	vld.idx.msk [tilespmem:v5+s17+$0x0], $0xffff  }
0x3c1: {  	v2 =	vand.u32 $0x7F, v2;
	v5 =	vor.u32 $0xE, v1  }
0x3c2: {  	v2 =	vor.u32 v2, v3;
	_ =	sdelay $0x1  }
.Ltmp5:
0x3c3: {  	(pc) =	sbr.rel @p0 .LBB2_12-.Ltmp5, $4  }
0x3c4: {  	_ = 	snop  }
0x3c5: {  	[tilespmem:v5+s30+$0x0] =	vst.idx.msk $0xffff, v4  }
0x3c6: {  	v2 =	vld.idx.msk [tilespmem:v2+s17+$0x0], $0xffff  }
0x3c7: {  	v1 =	vor.u32 $0xF, v1  }
0x3c8: {  	_ =	sdelay $0x3  }
0x3c9: {  	[tilespmem:v1+s30+$0x0] =	vst.idx.msk $0xffff, v2  }
0x3ca: {  	[tilespmem:s17], [sflag:$0x2] =	stream.indirect.gather [hbm4b:s4+s15], $0x80, s31, s15, $0xb8;
	[tilespmem:$0xC800] =	vst v63  }
0x3cb: {  	_ =	swait.ge [sflag:s18], $0x4000  }
0x3cc: {  	[sflag:s18] =	ssyncset.done $0x0  }
0x3cd: {  	s20 =	simm.s32 $0x700;
	[sflag:s18] =	ssyncadd.s32 $0xFFFFC000  }
0x3ce: {  	v1 =	vld [tilespmem:s20+$0x0];
	_ =	sdelay $0x2  }
0x3cf: {  	s23 =	simm.s32 $0x0  }
0x3d0: {  	v2 =	vor.u32 s23, v0  }
0x3d1: {  	v4 =	vshll.u32 v2, $0x7;
	v3 =	vand.u32 $0xFFFFFF80, v1  }
0x3d2: {  	v5 =	vand.u32 $0x7F, v1;
	v3 =	vadd.s32 v4, v3  }
0x3d3: {  	v3 =	vor.u32 v5, v3;
	_ =	sdelay $0x2  }
0x3d4: {  	v23 =	vadd.s32 $0x1, v1  }
0x3d5: {  	v6 =	vand.u32 $0xFFFFFF80, v23  }
0x3d6: {  	v7 =	vshll.u32 v2, $0x4;
	v2 =	vand.u32 $0x7F, v23;
	v6 =	vadd.s32 v4, v6;
	v3 =	vld.idx.msk [tilespmem:v3+s16+$0x0], $0xffff  }
0x3d7: {  	v2 =	vor.u32 v2, v6;
	_ =	sdelay $0x2  }
0x3d8: {  	v24 =	vadd.s32 $0x2, v1  }
0x3d9: {  	v25 =	vand.u32 $0xFFFFFF80, v24;
	[tilespmem:v7+s0+$0x0] =	vst.idx.msk $0xffff, v3  }
0x3da: {  	v26 =	vor.u32 $0x1, v7;
	v5 =	vand.u32 $0x7F, v24;
	v3 =	vadd.s32 v4, v25;
	v2 =	vld.idx.msk [tilespmem:v2+s16+$0x0], $0xffff  }
0x3db: {  	v3 =	vor.u32 v5, v3;
	_ =	sdelay $0x2  }
0x3dc: {  	v27 =	vadd.s32 $0x3, v1  }
0x3dd: {  	v8 =	vand.u32 $0xFFFFFF80, v27;
	[tilespmem:v26+s0+$0x0] =	vst.idx.msk $0xffff, v2  }
0x3de: {  	v28 =	vor.u32 $0x2, v7;
	v5 =	vand.u32 $0x7F, v27;
	v2 =	vadd.s32 v4, v8;
	v3 =	vld.idx.msk [tilespmem:v3+s16+$0x0], $0xffff  }
0x3df: {  	v2 =	vor.u32 v5, v2;
	_ =	sdelay $0x2  }
0x3e0: {  	v29 =	vadd.s32 $0x4, v1  }
0x3e1: {  	v30 =	vand.u32 $0xFFFFFF80, v29;
	[tilespmem:v28+s0+$0x0] =	vst.idx.msk $0xffff, v3  }
0x3e2: {  	v31 =	vor.u32 $0x3, v7;
	v5 =	vand.u32 $0x7F, v29;
	v3 =	vadd.s32 v4, v30;
	v2 =	vld.idx.msk [tilespmem:v2+s16+$0x0], $0xffff  }
0x3e3: {  	v3 =	vor.u32 v5, v3;
	_ =	sdelay $0x2  }
0x3e4: {  	v32 =	vadd.s32 $0x5, v1  }
0x3e5: {  	v33 =	vand.u32 $0xFFFFFF80, v32;
	[tilespmem:v31+s0+$0x0] =	vst.idx.msk $0xffff, v2  }
0x3e6: {  	v34 =	vor.u32 $0x4, v7;
	v5 =	vand.u32 $0x7F, v32;
	v2 =	vadd.s32 v4, v33;
	v3 =	vld.idx.msk [tilespmem:v3+s16+$0x0], $0xffff  }
0x3e7: {  	v2 =	vor.u32 v5, v2;
	_ =	sdelay $0x2  }
0x3e8: {  	v35 =	vadd.s32 $0x6, v1  }
0x3e9: {  	v36 =	vand.u32 $0xFFFFFF80, v35;
	[tilespmem:v34+s0+$0x0] =	vst.idx.msk $0xffff, v3  }
0x3ea: {  	v37 =	vor.u32 $0x5, v7;
	v5 =	vand.u32 $0x7F, v35;
	v3 =	vadd.s32 v4, v36;
	v2 =	vld.idx.msk [tilespmem:v2+s16+$0x0], $0xffff  }
0x3eb: {  	v3 =	vor.u32 v5, v3;
	_ =	sdelay $0x2  }
0x3ec: {  	v38 =	vadd.s32 $0x7, v1  }
0x3ed: {  	v39 =	vand.u32 $0xFFFFFF80, v38;
	[tilespmem:v37+s0+$0x0] =	vst.idx.msk $0xffff, v2  }
0x3ee: {  	v40 =	vor.u32 $0x6, v7;
	v5 =	vand.u32 $0x7F, v38;
	v2 =	vadd.s32 v4, v39;
	v3 =	vld.idx.msk [tilespmem:v3+s16+$0x0], $0xffff  }
0x3ef: {  	v2 =	vor.u32 v5, v2;
	_ =	sdelay $0x2  }
0x3f0: {  	v41 =	vadd.s32 $0x8, v1  }
0x3f1: {  	v42 =	vand.u32 $0xFFFFFF80, v41;
	[tilespmem:v40+s0+$0x0] =	vst.idx.msk $0xffff, v3  }
0x3f2: {  	v43 =	vor.u32 $0x7, v7;
	v5 =	vand.u32 $0x7F, v41;
	v3 =	vadd.s32 v4, v42;
	v2 =	vld.idx.msk [tilespmem:v2+s16+$0x0], $0xffff  }
0x3f3: {  	v3 =	vor.u32 v5, v3;
	_ =	sdelay $0x2  }
0x3f4: {  	v44 =	vadd.s32 $0x9, v1  }
0x3f5: {  	v45 =	vand.u32 $0xFFFFFF80, v44;
	[tilespmem:v43+s0+$0x0] =	vst.idx.msk $0xffff, v2  }
0x3f6: {  	v46 =	vor.u32 $0x8, v7;
	v5 =	vand.u32 $0x7F, v44;
	v2 =	vadd.s32 v4, v45;
	v3 =	vld.idx.msk [tilespmem:v3+s16+$0x0], $0xffff  }
0x3f7: {  	v2 =	vor.u32 v5, v2;
	_ =	sdelay $0x2  }
0x3f8: {  	v47 =	vadd.s32 $0xA, v1  }
0x3f9: {  	v48 =	vand.u32 $0xFFFFFF80, v47;
	[tilespmem:v46+s0+$0x0] =	vst.idx.msk $0xffff, v3  }
0x3fa: {  	v49 =	vor.u32 $0x9, v7;
	v5 =	vand.u32 $0x7F, v47;
	v3 =	vadd.s32 v4, v48;
	v2 =	vld.idx.msk [tilespmem:v2+s16+$0x0], $0xffff  }
0x3fb: {  	v3 =	vor.u32 v5, v3;
	_ =	sdelay $0x2  }
0x3fc: {  	v50 =	vadd.s32 $0xB, v1  }
0x3fd: {  	v51 =	vand.u32 $0xFFFFFF80, v50;
	[tilespmem:v49+s0+$0x0] =	vst.idx.msk $0xffff, v2  }
0x3fe: {  	v52 =	vor.u32 $0xA, v7;
	v5 =	vand.u32 $0x7F, v50;
	v2 =	vadd.s32 v4, v51;
	v3 =	vld.idx.msk [tilespmem:v3+s16+$0x0], $0xffff  }
0x3ff: {  	v2 =	vor.u32 v5, v2;
	_ =	sdelay $0x2  }
0x400: {  	v53 =	vadd.s32 $0xC, v1  }
0x401: {  	v54 =	vand.u32 $0xFFFFFF80, v53;
	[tilespmem:v52+s0+$0x0] =	vst.idx.msk $0xffff, v3  }
0x402: {  	v55 =	vor.u32 $0xB, v7;
	v5 =	vand.u32 $0x7F, v53;
	v3 =	vadd.s32 v4, v54;
	v2 =	vld.idx.msk [tilespmem:v2+s16+$0x0], $0xffff  }
0x403: {  	v3 =	vor.u32 v5, v3;
	_ =	sdelay $0x2  }
0x404: {  	v56 =	vadd.s32 $0xD, v1  }
0x405: {  	v57 =	vand.u32 $0xFFFFFF80, v56;
	[tilespmem:v55+s0+$0x0] =	vst.idx.msk $0xffff, v2  }
0x406: {  	v58 =	vor.u32 $0xC, v7;
	v5 =	vand.u32 $0x7F, v56;
	v2 =	vadd.s32 v4, v57;
	v3 =	vld.idx.msk [tilespmem:v3+s16+$0x0], $0xffff  }
0x407: {  	v2 =	vor.u32 v5, v2;
	_ =	sdelay $0x2  }
0x408: {  	v59 =	vadd.s32 $0xE, v1  }
0x409: {  	v60 =	vand.u32 $0xFFFFFF80, v59;
	[tilespmem:v58+s0+$0x0] =	vst.idx.msk $0xffff, v3  }
0x40a: {  	v61 =	vor.u32 $0xD, v7;
	v5 =	vand.u32 $0x7F, v59;
	v3 =	vadd.s32 v4, v60;
	v2 =	vld.idx.msk [tilespmem:v2+s16+$0x0], $0xffff  }
0x40b: {  	v3 =	vor.u32 v5, v3;
	_ =	sdelay $0x2  }
0x40c: {  	v1 =	vadd.s32 $0xF, v1  }
0x40d: {  	v62 =	vand.u32 $0xFFFFFF80, v1;
	[tilespmem:v61+s0+$0x0] =	vst.idx.msk $0xffff, v2  }
0x40e: {  	v63 =	vor.u32 $0xE, v7;
	v1 =	vand.u32 $0x7F, v1;
	v2 =	vadd.s32 v4, v62;
	v3 =	vld.idx.msk [tilespmem:v3+s16+$0x0], $0xffff  }
0x40f: {  	v1 =	vor.u32 v1, v2;
	_ =	sdelay $0x3  }
0x410: {  	[tilespmem:v63+s0+$0x0] =	vst.idx.msk $0xffff, v3  }
0x411: {  	s23 =	simm.s32 $0x10;
	v2 =	vld.idx.msk [tilespmem:v1+s16+$0x0], $0xffff;
	v1 =	vor.u32 $0xF, v7  }
.LBB2_14:
0x412: {  	_ =	sdelay $0x2  }
0x413: {  	p0 =	sne.s32 s23, $0x70  }
0x414: {  	s20 =	sadd.s32 $0x10, s20;
	s26 =	smov.u32 s23;
	s23 =	sadd.s32 $0x10, s23;
	[tilespmem:v1+s0+$0x0] =	vst.idx.msk $0xffff, v2  }
0x415: {  	v2 =	vld [tilespmem:s20+$0x0];
	_ =	sdelay $0x3  }
0x416: {  	v1 =	vor.u32 s26, v0  }
0x417: {  	v11 =	vshll.u32 v1, $0x7;
	v3 =	vand.u32 $0xFFFFFF80, v2;
	v4 =	vadd.s32 $0x1, v2  }
0x418: {  	v5 =	vand.u32 $0x7F, v2;
	v3 =	vadd.s32 v11, v3;
	v6 =	vand.u32 $0xFFFFFF80, v4  }
0x419: {  	v3 =	vor.u32 v5, v3;
	v5 =	vadd.s32 v11, v6;
	v6 =	vadd.s32 $0x2, v2  }
0x41a: {  	v12 =	vadd.s32 $0x3, v2;
	v13 =	vadd.s32 $0x4, v2;
	v7 =	vand.u32 $0xFFFFFF80, v6  }
0x41b: {  	v8 =	vand.u32 $0xFFFFFF80, v12;
	v9 =	vand.u32 $0xFFFFFF80, v13;
	v7 =	vadd.s32 v11, v7  }
0x41c: {  	v16 =	vadd.s32 $0x5, v2;
	v14 =	vadd.s32 v11, v8;
	v15 =	vadd.s32 v11, v9  }
0x41d: {  	v17 =	vadd.s32 $0x6, v2;
	v18 =	vadd.s32 $0x7, v2;
	v8 =	vand.u32 $0xFFFFFF80, v16  }
0x41e: {  	v9 =	vand.u32 $0xFFFFFF80, v18;
	v19 =	vadd.s32 v11, v8;
	v8 =	vand.u32 $0xFFFFFF80, v17;
	v3 =	vld.idx.msk [tilespmem:v3+s16+$0x0], $0xffff  }
0x41f: {  	v1 =	vshll.u32 v1, $0x4;
	v4 =	vand.u32 $0x7F, v4;
	v20 =	vadd.s32 v11, v8  }
0x420: {  	v22 =	vadd.s32 $0x8, v2;
	v5 =	vor.u32 v4, v5;
	v21 =	vadd.s32 v11, v9  }
0x421: {  	v23 =	vadd.s32 $0x9, v2;
	v24 =	vadd.s32 $0xA, v2;
	v4 =	vand.u32 $0xFFFFFF80, v22  }
0x422: {  	v25 =	vadd.s32 v11, v4;
	v4 =	vand.u32 $0xFFFFFF80, v23;
	v8 =	vand.u32 $0xFFFFFF80, v24  }
0x423: {  	v9 =	vadd.s32 $0xB, v2;
	v26 =	vadd.s32 v11, v4;
	v27 =	vadd.s32 v11, v8  }
0x424: {  	v8 =	vadd.s32 $0xC, v2;
	v4 =	vadd.s32 $0xD, v2;
	[tilespmem:v1+s0+$0x0] =	vst.idx.msk $0xffff, v3;
	v3 =	vand.u32 $0xFFFFFF80, v9  }
0x425: {  	v28 =	vld.idx.msk [tilespmem:v5+s16+$0x0], $0xffff;
	v29 =	vadd.s32 v11, v3;
	v3 =	vand.u32 $0xFFFFFF80, v8;
	v5 =	vand.u32 $0xFFFFFF80, v4  }
0x426: {  	v30 =	vor.u32 $0x1, v1;
	v6 =	vand.u32 $0x7F, v6;
	v10 =	vadd.s32 v11, v3  }
0x427: {  	v31 =	vor.u32 v6, v7;
	v7 =	vadd.s32 v11, v5;
	v5 =	vadd.s32 $0xE, v2  }
0x428: {  	v2 =	vadd.s32 $0xF, v2;
	v3 =	vand.u32 $0xFFFFFF80, v5  }
0x429: {  	v6 =	vadd.s32 v11, v3;
	v3 =	vand.u32 $0xFFFFFF80, v2  }
0x42a: {  	v3 =	vadd.s32 v11, v3  }
0x42b: {  	[tilespmem:v30+s0+$0x0] =	vst.idx.msk $0xffff, v28  }
0x42c: {  	v11 =	vld.idx.msk [tilespmem:v31+s16+$0x0], $0xffff  }
0x42d: {  	v12 =	vand.u32 $0x7F, v12;
	v28 =	vor.u32 $0x2, v1  }
0x42e: {  	v12 =	vor.u32 v12, v14;
	_ =	sdelay $0x3  }
0x42f: {  	[tilespmem:v28+s0+$0x0] =	vst.idx.msk $0xffff, v11  }
0x430: {  	v11 =	vld.idx.msk [tilespmem:v12+s16+$0x0], $0xffff  }
0x431: {  	v13 =	vand.u32 $0x7F, v13;
	v12 =	vor.u32 $0x3, v1  }
0x432: {  	v13 =	vor.u32 v13, v15;
	_ =	sdelay $0x3  }
0x433: {  	[tilespmem:v12+s0+$0x0] =	vst.idx.msk $0xffff, v11  }
0x434: {  	v11 =	vld.idx.msk [tilespmem:v13+s16+$0x0], $0xffff  }
0x435: {  	v12 =	vor.u32 $0x4, v1;
	v13 =	vand.u32 $0x7F, v16  }
0x436: {  	v13 =	vor.u32 v13, v19;
	_ =	sdelay $0x3  }
0x437: {  	[tilespmem:v12+s0+$0x0] =	vst.idx.msk $0xffff, v11  }
0x438: {  	v11 =	vld.idx.msk [tilespmem:v13+s16+$0x0], $0xffff  }
0x439: {  	v12 =	vor.u32 $0x5, v1;
	v13 =	vand.u32 $0x7F, v17  }
0x43a: {  	v13 =	vor.u32 v13, v20;
	_ =	sdelay $0x3  }
0x43b: {  	[tilespmem:v12+s0+$0x0] =	vst.idx.msk $0xffff, v11  }
0x43c: {  	v11 =	vld.idx.msk [tilespmem:v13+s16+$0x0], $0xffff  }
0x43d: {  	v12 =	vor.u32 $0x6, v1;
	v13 =	vand.u32 $0x7F, v18  }
0x43e: {  	v13 =	vor.u32 v13, v21;
	_ =	sdelay $0x3  }
0x43f: {  	[tilespmem:v12+s0+$0x0] =	vst.idx.msk $0xffff, v11  }
0x440: {  	v11 =	vld.idx.msk [tilespmem:v13+s16+$0x0], $0xffff  }
0x441: {  	v12 =	vor.u32 $0x7, v1;
	v13 =	vand.u32 $0x7F, v22  }
0x442: {  	v13 =	vor.u32 v13, v25;
	_ =	sdelay $0x3  }
0x443: {  	[tilespmem:v12+s0+$0x0] =	vst.idx.msk $0xffff, v11  }
0x444: {  	v11 =	vld.idx.msk [tilespmem:v13+s16+$0x0], $0xffff  }
0x445: {  	v12 =	vor.u32 $0x8, v1;
	v13 =	vand.u32 $0x7F, v23  }
0x446: {  	v13 =	vor.u32 v13, v26;
	_ =	sdelay $0x3  }
0x447: {  	[tilespmem:v12+s0+$0x0] =	vst.idx.msk $0xffff, v11  }
0x448: {  	v11 =	vld.idx.msk [tilespmem:v13+s16+$0x0], $0xffff  }
0x449: {  	v12 =	vor.u32 $0x9, v1;
	v13 =	vand.u32 $0x7F, v24  }
0x44a: {  	v13 =	vor.u32 v13, v27;
	_ =	sdelay $0x3  }
0x44b: {  	[tilespmem:v12+s0+$0x0] =	vst.idx.msk $0xffff, v11  }
0x44c: {  	v11 =	vld.idx.msk [tilespmem:v13+s16+$0x0], $0xffff  }
0x44d: {  	v9 =	vand.u32 $0x7F, v9;
	v12 =	vor.u32 $0xA, v1  }
0x44e: {  	v9 =	vor.u32 v9, v29;
	_ =	sdelay $0x3  }
0x44f: {  	[tilespmem:v12+s0+$0x0] =	vst.idx.msk $0xffff, v11  }
0x450: {  	v9 =	vld.idx.msk [tilespmem:v9+s16+$0x0], $0xffff  }
0x451: {  	v8 =	vand.u32 $0x7F, v8;
	v11 =	vor.u32 $0xB, v1  }
0x452: {  	v8 =	vor.u32 v8, v10;
	_ =	sdelay $0x3  }
0x453: {  	[tilespmem:v11+s0+$0x0] =	vst.idx.msk $0xffff, v9  }
0x454: {  	v8 =	vld.idx.msk [tilespmem:v8+s16+$0x0], $0xffff  }
0x455: {  	v4 =	vand.u32 $0x7F, v4;
	v9 =	vor.u32 $0xC, v1  }
0x456: {  	v4 =	vor.u32 v4, v7;
	_ =	sdelay $0x3  }
0x457: {  	[tilespmem:v9+s0+$0x0] =	vst.idx.msk $0xffff, v8  }
0x458: {  	v4 =	vld.idx.msk [tilespmem:v4+s16+$0x0], $0xffff  }
0x459: {  	v7 =	vor.u32 $0xD, v1;
	v5 =	vand.u32 $0x7F, v5  }
0x45a: {  	v5 =	vor.u32 v5, v6;
	_ =	sdelay $0x3  }
0x45b: {  	[tilespmem:v7+s0+$0x0] =	vst.idx.msk $0xffff, v4  }
0x45c: {  	v4 =	vld.idx.msk [tilespmem:v5+s16+$0x0], $0xffff  }
0x45d: {  	v2 =	vand.u32 $0x7F, v2;
	v5 =	vor.u32 $0xE, v1  }
0x45e: {  	v2 =	vor.u32 v2, v3;
	_ =	sdelay $0x1  }
.Ltmp6:
0x45f: {  	(pc) =	sbr.rel @p0 .LBB2_14-.Ltmp6, $4  }
0x460: {  	_ = 	snop  }
0x461: {  	[tilespmem:v5+s0+$0x0] =	vst.idx.msk $0xffff, v4  }
0x462: {  	v2 =	vld.idx.msk [tilespmem:v2+s16+$0x0], $0xffff  }
0x463: {  	v1 =	vor.u32 $0xF, v1  }
0x464: {  	_ =	sdelay $0x3  }
0x465: {  	[tilespmem:v1+s0+$0x0] =	vst.idx.msk $0xffff, v2  }
0x466: {  	_ =	swait.ge [sflag:s21], $0x4000  }
0x467: {  	[sflag:s21] =	ssyncset.done $0x0  }
0x468: {  	s20 =	simm.s32 $0x780;
	[sflag:s21] =	ssyncadd.s32 $0xFFFFC000  }
0x469: {  	v1 =	vld [tilespmem:s20+$0x0];
	_ =	sdelay $0x2  }
0x46a: {  	s23 =	simm.s32 $0x0  }
0x46b: {  	v2 =	vor.u32 s23, v0  }
0x46c: {  	v4 =	vshll.u32 v2, $0x7;
	v3 =	vand.u32 $0xFFFFFF80, v1  }
0x46d: {  	v5 =	vand.u32 $0x7F, v1;
	v3 =	vadd.s32 v4, v3  }
0x46e: {  	v3 =	vor.u32 v5, v3;
	_ =	sdelay $0x2  }
0x46f: {  	v23 =	vadd.s32 $0x1, v1  }
0x470: {  	v6 =	vand.u32 $0xFFFFFF80, v23  }
0x471: {  	v7 =	vshll.u32 v2, $0x4;
	v2 =	vand.u32 $0x7F, v23;
	v6 =	vadd.s32 v4, v6;
	v3 =	vld.idx.msk [tilespmem:v3+s17+$0x0], $0xffff  }
0x472: {  	v2 =	vor.u32 v2, v6;
	_ =	sdelay $0x2  }
0x473: {  	v24 =	vadd.s32 $0x2, v1  }
0x474: {  	v25 =	vand.u32 $0xFFFFFF80, v24;
	[tilespmem:v7+s1+$0x0] =	vst.idx.msk $0xffff, v3  }
0x475: {  	v26 =	vor.u32 $0x1, v7;
	v5 =	vand.u32 $0x7F, v24;
	v3 =	vadd.s32 v4, v25;
	v2 =	vld.idx.msk [tilespmem:v2+s17+$0x0], $0xffff  }
0x476: {  	v3 =	vor.u32 v5, v3;
	_ =	sdelay $0x2  }
0x477: {  	v27 =	vadd.s32 $0x3, v1  }
0x478: {  	v8 =	vand.u32 $0xFFFFFF80, v27;
	[tilespmem:v26+s1+$0x0] =	vst.idx.msk $0xffff, v2  }
0x479: {  	v28 =	vor.u32 $0x2, v7;
	v5 =	vand.u32 $0x7F, v27;
	v2 =	vadd.s32 v4, v8;
	v3 =	vld.idx.msk [tilespmem:v3+s17+$0x0], $0xffff  }
0x47a: {  	v2 =	vor.u32 v5, v2;
	_ =	sdelay $0x2  }
0x47b: {  	v29 =	vadd.s32 $0x4, v1  }
0x47c: {  	v30 =	vand.u32 $0xFFFFFF80, v29;
	[tilespmem:v28+s1+$0x0] =	vst.idx.msk $0xffff, v3  }
0x47d: {  	v31 =	vor.u32 $0x3, v7;
	v5 =	vand.u32 $0x7F, v29;
	v3 =	vadd.s32 v4, v30;
	v2 =	vld.idx.msk [tilespmem:v2+s17+$0x0], $0xffff  }
0x47e: {  	v3 =	vor.u32 v5, v3;
	_ =	sdelay $0x2  }
0x47f: {  	v32 =	vadd.s32 $0x5, v1  }
0x480: {  	v33 =	vand.u32 $0xFFFFFF80, v32;
	[tilespmem:v31+s1+$0x0] =	vst.idx.msk $0xffff, v2  }
0x481: {  	v34 =	vor.u32 $0x4, v7;
	v5 =	vand.u32 $0x7F, v32;
	v2 =	vadd.s32 v4, v33;
	v3 =	vld.idx.msk [tilespmem:v3+s17+$0x0], $0xffff  }
0x482: {  	v2 =	vor.u32 v5, v2;
	_ =	sdelay $0x2  }
0x483: {  	v35 =	vadd.s32 $0x6, v1  }
0x484: {  	v36 =	vand.u32 $0xFFFFFF80, v35;
	[tilespmem:v34+s1+$0x0] =	vst.idx.msk $0xffff, v3  }
0x485: {  	v37 =	vor.u32 $0x5, v7;
	v5 =	vand.u32 $0x7F, v35;
	v3 =	vadd.s32 v4, v36;
	v2 =	vld.idx.msk [tilespmem:v2+s17+$0x0], $0xffff  }
0x486: {  	v3 =	vor.u32 v5, v3;
	_ =	sdelay $0x2  }
0x487: {  	v38 =	vadd.s32 $0x7, v1  }
0x488: {  	v39 =	vand.u32 $0xFFFFFF80, v38;
	[tilespmem:v37+s1+$0x0] =	vst.idx.msk $0xffff, v2  }
0x489: {  	v40 =	vor.u32 $0x6, v7;
	v5 =	vand.u32 $0x7F, v38;
	v2 =	vadd.s32 v4, v39;
	v3 =	vld.idx.msk [tilespmem:v3+s17+$0x0], $0xffff  }
0x48a: {  	v2 =	vor.u32 v5, v2;
	_ =	sdelay $0x2  }
0x48b: {  	v41 =	vadd.s32 $0x8, v1  }
0x48c: {  	v42 =	vand.u32 $0xFFFFFF80, v41;
	[tilespmem:v40+s1+$0x0] =	vst.idx.msk $0xffff, v3  }
0x48d: {  	v43 =	vor.u32 $0x7, v7;
	v5 =	vand.u32 $0x7F, v41;
	v3 =	vadd.s32 v4, v42;
	v2 =	vld.idx.msk [tilespmem:v2+s17+$0x0], $0xffff  }
0x48e: {  	v3 =	vor.u32 v5, v3;
	_ =	sdelay $0x2  }
0x48f: {  	v44 =	vadd.s32 $0x9, v1  }
0x490: {  	v45 =	vand.u32 $0xFFFFFF80, v44;
	[tilespmem:v43+s1+$0x0] =	vst.idx.msk $0xffff, v2  }
0x491: {  	v46 =	vor.u32 $0x8, v7;
	v5 =	vand.u32 $0x7F, v44;
	v2 =	vadd.s32 v4, v45;
	v3 =	vld.idx.msk [tilespmem:v3+s17+$0x0], $0xffff  }
0x492: {  	v2 =	vor.u32 v5, v2;
	_ =	sdelay $0x2  }
0x493: {  	v47 =	vadd.s32 $0xA, v1  }
0x494: {  	v48 =	vand.u32 $0xFFFFFF80, v47;
	[tilespmem:v46+s1+$0x0] =	vst.idx.msk $0xffff, v3  }
0x495: {  	v49 =	vor.u32 $0x9, v7;
	v5 =	vand.u32 $0x7F, v47;
	v3 =	vadd.s32 v4, v48;
	v2 =	vld.idx.msk [tilespmem:v2+s17+$0x0], $0xffff  }
0x496: {  	v3 =	vor.u32 v5, v3;
	_ =	sdelay $0x2  }
0x497: {  	v50 =	vadd.s32 $0xB, v1  }
0x498: {  	v51 =	vand.u32 $0xFFFFFF80, v50;
	[tilespmem:v49+s1+$0x0] =	vst.idx.msk $0xffff, v2  }
0x499: {  	v52 =	vor.u32 $0xA, v7;
	v5 =	vand.u32 $0x7F, v50;
	v2 =	vadd.s32 v4, v51;
	v3 =	vld.idx.msk [tilespmem:v3+s17+$0x0], $0xffff  }
0x49a: {  	v2 =	vor.u32 v5, v2;
	_ =	sdelay $0x2  }
0x49b: {  	v53 =	vadd.s32 $0xC, v1  }
0x49c: {  	v54 =	vand.u32 $0xFFFFFF80, v53;
	[tilespmem:v52+s1+$0x0] =	vst.idx.msk $0xffff, v3  }
0x49d: {  	v55 =	vor.u32 $0xB, v7;
	v5 =	vand.u32 $0x7F, v53;
	v3 =	vadd.s32 v4, v54;
	v2 =	vld.idx.msk [tilespmem:v2+s17+$0x0], $0xffff  }
0x49e: {  	v3 =	vor.u32 v5, v3;
	_ =	sdelay $0x2  }
0x49f: {  	v56 =	vadd.s32 $0xD, v1  }
0x4a0: {  	v57 =	vand.u32 $0xFFFFFF80, v56;
	[tilespmem:v55+s1+$0x0] =	vst.idx.msk $0xffff, v2  }
0x4a1: {  	v58 =	vor.u32 $0xC, v7;
	v5 =	vand.u32 $0x7F, v56;
	v2 =	vadd.s32 v4, v57;
	v3 =	vld.idx.msk [tilespmem:v3+s17+$0x0], $0xffff  }
0x4a2: {  	v2 =	vor.u32 v5, v2;
	_ =	sdelay $0x2  }
0x4a3: {  	v59 =	vadd.s32 $0xE, v1  }
0x4a4: {  	v60 =	vand.u32 $0xFFFFFF80, v59;
	[tilespmem:v58+s1+$0x0] =	vst.idx.msk $0xffff, v3  }
0x4a5: {  	v61 =	vor.u32 $0xD, v7;
	v5 =	vand.u32 $0x7F, v59;
	v3 =	vadd.s32 v4, v60;
	v2 =	vld.idx.msk [tilespmem:v2+s17+$0x0], $0xffff  }
0x4a6: {  	v3 =	vor.u32 v5, v3;
	_ =	sdelay $0x2  }
0x4a7: {  	v1 =	vadd.s32 $0xF, v1  }
0x4a8: {  	v62 =	vand.u32 $0xFFFFFF80, v1;
	[tilespmem:v61+s1+$0x0] =	vst.idx.msk $0xffff, v2  }
0x4a9: {  	v63 =	vor.u32 $0xE, v7;
	v1 =	vand.u32 $0x7F, v1;
	v2 =	vadd.s32 v4, v62;
	v3 =	vld.idx.msk [tilespmem:v3+s17+$0x0], $0xffff  }
0x4aa: {  	v1 =	vor.u32 v1, v2;
	_ =	sdelay $0x3  }
0x4ab: {  	[tilespmem:v63+s1+$0x0] =	vst.idx.msk $0xffff, v3  }
0x4ac: {  	s23 =	simm.s32 $0x10;
	v2 =	vld.idx.msk [tilespmem:v1+s17+$0x0], $0xffff;
	v1 =	vor.u32 $0xF, v7  }
.LBB2_16:
0x4ad: {  	_ =	sdelay $0x2  }
0x4ae: {  	p0 =	sne.s32 s23, $0x70  }
0x4af: {  	s20 =	sadd.s32 $0x10, s20;
	s26 =	smov.u32 s23;
	s23 =	sadd.s32 $0x10, s23;
	[tilespmem:v1+s1+$0x0] =	vst.idx.msk $0xffff, v2  }
0x4b0: {  	v2 =	vld [tilespmem:s20+$0x0];
	_ =	sdelay $0x3  }
0x4b1: {  	v1 =	vor.u32 s26, v0  }
0x4b2: {  	v11 =	vshll.u32 v1, $0x7;
	v3 =	vand.u32 $0xFFFFFF80, v2;
	v4 =	vadd.s32 $0x1, v2  }
0x4b3: {  	v5 =	vand.u32 $0x7F, v2;
	v3 =	vadd.s32 v11, v3;
	v6 =	vand.u32 $0xFFFFFF80, v4  }
0x4b4: {  	v3 =	vor.u32 v5, v3;
	v5 =	vadd.s32 v11, v6;
	v6 =	vadd.s32 $0x2, v2  }
0x4b5: {  	v12 =	vadd.s32 $0x3, v2;
	v13 =	vadd.s32 $0x4, v2;
	v7 =	vand.u32 $0xFFFFFF80, v6  }
0x4b6: {  	v8 =	vand.u32 $0xFFFFFF80, v12;
	v9 =	vand.u32 $0xFFFFFF80, v13;
	v7 =	vadd.s32 v11, v7  }
0x4b7: {  	v16 =	vadd.s32 $0x5, v2;
	v14 =	vadd.s32 v11, v8;
	v15 =	vadd.s32 v11, v9  }
0x4b8: {  	v17 =	vadd.s32 $0x6, v2;
	v18 =	vadd.s32 $0x7, v2;
	v8 =	vand.u32 $0xFFFFFF80, v16  }
0x4b9: {  	v9 =	vand.u32 $0xFFFFFF80, v18;
	v19 =	vadd.s32 v11, v8;
	v8 =	vand.u32 $0xFFFFFF80, v17;
	v3 =	vld.idx.msk [tilespmem:v3+s17+$0x0], $0xffff  }
0x4ba: {  	v1 =	vshll.u32 v1, $0x4;
	v4 =	vand.u32 $0x7F, v4;
	v20 =	vadd.s32 v11, v8  }
0x4bb: {  	v22 =	vadd.s32 $0x8, v2;
	v5 =	vor.u32 v4, v5;
	v21 =	vadd.s32 v11, v9  }
0x4bc: {  	v23 =	vadd.s32 $0x9, v2;
	v24 =	vadd.s32 $0xA, v2;
	v4 =	vand.u32 $0xFFFFFF80, v22  }
0x4bd: {  	v25 =	vadd.s32 v11, v4;
	v4 =	vand.u32 $0xFFFFFF80, v23;
	v8 =	vand.u32 $0xFFFFFF80, v24  }
0x4be: {  	v9 =	vadd.s32 $0xB, v2;
	v26 =	vadd.s32 v11, v4;
	v27 =	vadd.s32 v11, v8  }
0x4bf: {  	v8 =	vadd.s32 $0xC, v2;
	v4 =	vadd.s32 $0xD, v2;
	[tilespmem:v1+s1+$0x0] =	vst.idx.msk $0xffff, v3;
	v3 =	vand.u32 $0xFFFFFF80, v9  }
0x4c0: {  	v28 =	vld.idx.msk [tilespmem:v5+s17+$0x0], $0xffff;
	v29 =	vadd.s32 v11, v3;
	v3 =	vand.u32 $0xFFFFFF80, v8;
	v5 =	vand.u32 $0xFFFFFF80, v4  }
0x4c1: {  	v30 =	vor.u32 $0x1, v1;
	v6 =	vand.u32 $0x7F, v6;
	v10 =	vadd.s32 v11, v3  }
0x4c2: {  	v31 =	vor.u32 v6, v7;
	v7 =	vadd.s32 v11, v5;
	v5 =	vadd.s32 $0xE, v2  }
0x4c3: {  	v2 =	vadd.s32 $0xF, v2;
	v3 =	vand.u32 $0xFFFFFF80, v5  }
0x4c4: {  	v6 =	vadd.s32 v11, v3;
	v3 =	vand.u32 $0xFFFFFF80, v2  }
0x4c5: {  	v3 =	vadd.s32 v11, v3  }
0x4c6: {  	[tilespmem:v30+s1+$0x0] =	vst.idx.msk $0xffff, v28  }
0x4c7: {  	v11 =	vld.idx.msk [tilespmem:v31+s17+$0x0], $0xffff  }
0x4c8: {  	v12 =	vand.u32 $0x7F, v12;
	v28 =	vor.u32 $0x2, v1  }
0x4c9: {  	v12 =	vor.u32 v12, v14;
	_ =	sdelay $0x3  }
0x4ca: {  	[tilespmem:v28+s1+$0x0] =	vst.idx.msk $0xffff, v11  }
0x4cb: {  	v11 =	vld.idx.msk [tilespmem:v12+s17+$0x0], $0xffff  }
0x4cc: {  	v13 =	vand.u32 $0x7F, v13;
	v12 =	vor.u32 $0x3, v1  }
0x4cd: {  	v13 =	vor.u32 v13, v15;
	_ =	sdelay $0x3  }
0x4ce: {  	[tilespmem:v12+s1+$0x0] =	vst.idx.msk $0xffff, v11  }
0x4cf: {  	v11 =	vld.idx.msk [tilespmem:v13+s17+$0x0], $0xffff  }
0x4d0: {  	v12 =	vor.u32 $0x4, v1;
	v13 =	vand.u32 $0x7F, v16  }
0x4d1: {  	v13 =	vor.u32 v13, v19;
	_ =	sdelay $0x3  }
0x4d2: {  	[tilespmem:v12+s1+$0x0] =	vst.idx.msk $0xffff, v11  }
0x4d3: {  	v11 =	vld.idx.msk [tilespmem:v13+s17+$0x0], $0xffff  }
0x4d4: {  	v12 =	vor.u32 $0x5, v1;
	v13 =	vand.u32 $0x7F, v17  }
0x4d5: {  	v13 =	vor.u32 v13, v20;
	_ =	sdelay $0x3  }
0x4d6: {  	[tilespmem:v12+s1+$0x0] =	vst.idx.msk $0xffff, v11  }
0x4d7: {  	v11 =	vld.idx.msk [tilespmem:v13+s17+$0x0], $0xffff  }
0x4d8: {  	v12 =	vor.u32 $0x6, v1;
	v13 =	vand.u32 $0x7F, v18  }
0x4d9: {  	v13 =	vor.u32 v13, v21;
	_ =	sdelay $0x3  }
0x4da: {  	[tilespmem:v12+s1+$0x0] =	vst.idx.msk $0xffff, v11  }
0x4db: {  	v11 =	vld.idx.msk [tilespmem:v13+s17+$0x0], $0xffff  }
0x4dc: {  	v12 =	vor.u32 $0x7, v1;
	v13 =	vand.u32 $0x7F, v22  }
0x4dd: {  	v13 =	vor.u32 v13, v25;
	_ =	sdelay $0x3  }
0x4de: {  	[tilespmem:v12+s1+$0x0] =	vst.idx.msk $0xffff, v11  }
0x4df: {  	v11 =	vld.idx.msk [tilespmem:v13+s17+$0x0], $0xffff  }
0x4e0: {  	v12 =	vor.u32 $0x8, v1;
	v13 =	vand.u32 $0x7F, v23  }
0x4e1: {  	v13 =	vor.u32 v13, v26;
	_ =	sdelay $0x3  }
0x4e2: {  	[tilespmem:v12+s1+$0x0] =	vst.idx.msk $0xffff, v11  }
0x4e3: {  	v11 =	vld.idx.msk [tilespmem:v13+s17+$0x0], $0xffff  }
0x4e4: {  	v12 =	vor.u32 $0x9, v1;
	v13 =	vand.u32 $0x7F, v24  }
0x4e5: {  	v13 =	vor.u32 v13, v27;
	_ =	sdelay $0x3  }
0x4e6: {  	[tilespmem:v12+s1+$0x0] =	vst.idx.msk $0xffff, v11  }
0x4e7: {  	v11 =	vld.idx.msk [tilespmem:v13+s17+$0x0], $0xffff  }
0x4e8: {  	v9 =	vand.u32 $0x7F, v9;
	v12 =	vor.u32 $0xA, v1  }
0x4e9: {  	v9 =	vor.u32 v9, v29;
	_ =	sdelay $0x3  }
0x4ea: {  	[tilespmem:v12+s1+$0x0] =	vst.idx.msk $0xffff, v11  }
0x4eb: {  	v9 =	vld.idx.msk [tilespmem:v9+s17+$0x0], $0xffff  }
0x4ec: {  	v8 =	vand.u32 $0x7F, v8;
	v11 =	vor.u32 $0xB, v1  }
0x4ed: {  	v8 =	vor.u32 v8, v10;
	_ =	sdelay $0x3  }
0x4ee: {  	[tilespmem:v11+s1+$0x0] =	vst.idx.msk $0xffff, v9  }
0x4ef: {  	v8 =	vld.idx.msk [tilespmem:v8+s17+$0x0], $0xffff  }
0x4f0: {  	v4 =	vand.u32 $0x7F, v4;
	v9 =	vor.u32 $0xC, v1  }
0x4f1: {  	v4 =	vor.u32 v4, v7;
	_ =	sdelay $0x3  }
0x4f2: {  	[tilespmem:v9+s1+$0x0] =	vst.idx.msk $0xffff, v8  }
0x4f3: {  	v4 =	vld.idx.msk [tilespmem:v4+s17+$0x0], $0xffff  }
0x4f4: {  	v7 =	vor.u32 $0xD, v1;
	v5 =	vand.u32 $0x7F, v5  }
0x4f5: {  	v5 =	vor.u32 v5, v6;
	_ =	sdelay $0x3  }
0x4f6: {  	[tilespmem:v7+s1+$0x0] =	vst.idx.msk $0xffff, v4  }
0x4f7: {  	v4 =	vld.idx.msk [tilespmem:v5+s17+$0x0], $0xffff  }
0x4f8: {  	v2 =	vand.u32 $0x7F, v2;
	v5 =	vor.u32 $0xE, v1  }
0x4f9: {  	v2 =	vor.u32 v2, v3;
	_ =	sdelay $0x1  }
.Ltmp7:
0x4fa: {  	(pc) =	sbr.rel @p0 .LBB2_16-.Ltmp7, $4  }
0x4fb: {  	_ = 	snop  }
0x4fc: {  	[tilespmem:v5+s1+$0x0] =	vst.idx.msk $0xffff, v4  }
0x4fd: {  	v2 =	vld.idx.msk [tilespmem:v2+s17+$0x0], $0xffff  }
0x4fe: {  	v1 =	vor.u32 $0xF, v1  }
0x4ff: {  	_ =	sdelay $0x3  }
0x500: {  	[tilespmem:v1+s1+$0x0] =	vst.idx.msk $0xffff, v2  }
0x501: {  	[hbm4b:s9+s2] =	stream.linear.scatter [tilespmem:s19], [sflag:$0x3], $0x2000, $0x38;
	[tilespmem:$0xC800] =	vst v63  }
0x502: {  	s14 =	sadd.s32 $0x1, s14;
	_ =	swait.ge [sflag:s12], $0x2000  }
0x503: {  	p0 =	sne.s32 s14, s11;
	[sflag:s12] =	ssyncset.done $0x0  }
.Ltmp8:
0x504: {  	[sflag:s12] =	ssyncadd.s32 $0xFFFFE000;
	(pc) =	sbr.rel @p0 .LBB2_1-.Ltmp8, $4  }
0x505: {  	[hbm4b:s10+s2] =	stream.linear.scatter [tilespmem:s28], [sflag:$0x3], $0x2000, $0x38;
	[tilespmem:$0xC800] =	vst v63  }
0x506: {  	_ =	swait.ge [sflag:s12], $0x2000  }
0x507: {  	[sflag:s12] =	ssyncset.done $0x0  }
0x508: {  	[sflag:s12] =	ssyncadd.s32 $0xFFFFE000  }
0x509: {  	_ =	sfence.sel $0x180000  }
0x50a: {  	[bflag:$0x0] =	sbarrier.arrive $0xFFFF  }
0x50b: {  	_ =	strace $0x90000047  }
0x50c: {  	s0 =	stileid.u32;
	[bflag:$0x2] =	sbarrier.arrive $0xFFFF  }
0x50d: {  	p0 =	sne.s32 s0, $0x0;
	s0 =	rddreg [dreg:$0x2]  }
0x50e: {  	s0 =	sadd.s32 @!p0 $0x100000, s0  }
0x50f: {  	[sflag:s0] =	ssyncadd.tile.s32 @!p0 $0x1;
	_ =	shalt  }
.Lfunc_end2:
_tile_overlayer_lowered:
.L_overlay_start_2:
0x510: {  	(tag) =	ssettag $0x2  }
0x511: {  	s0 =	rddreg [dreg:$0x0];
	s2 =	stileid.u32  }
0x512: {  	s1 =	rddreg [dreg:$0x1];
	p0 =	sne.s32 s2, $0x0  }
0x513: {  	s3 =	rddreg [dreg:$0x2];
	[bflag:$0x3] =	sbarrier.arrive $0xFFFF;
	s2 =	simm.s32 @!p0 $0x1C03  }
0x514: {  	[timem:s3], [sflag:s2] =	dma.local @!p0 [hbm:s0], s1  }
0x515: {  	s0 =	simm.s32 @!p0 $0x3  }
0x516: {  	_ =	swait.ge @!p0 [sflag:s0], s1  }
0x517: {  	s1 =	ssub.s32 @!p0 $0x0, s1;
	[sflag:s0] =	ssyncset.done @!p0 $0x0  }
0x518: {  	[sflag:s0] =	ssyncadd.s32 @!p0 s1  }
0x519: {  	[bflag:$0x3] =	sbarrier.arrive $0xFFFF  }
0x51a: {  	_ =	shalt  }

</sc_bundles>
